<compile_context>
chip_gen: v7x
topology: tpu7x:2x2x1
jax: 0.10.2.dev20260603
libtpu: 0.0.44.dev20260713+nightly
codegen_flags: <defaults>
</compile_context>

<pallas_src>
import functools

import jax
import jax.numpy as jnp
from jax import lax
from jax.experimental import pallas as pl
from jax.experimental.pallas import tpu as pltpu
from jax.experimental.pallas import tpu_sc as plsc

N = 10000
E = 320000
DIM = 128

NC = 2
NS = 16
NW = NC * NS
LANES = 16

CHUNK = 128
CH0 = 108
CH1 = 50
CHMAX = max(CH0, CH1)
VSLOTS = 4
E_PAD = NS * CHUNK * (CH0 + CH1)

N_PAD = 10112
ROWS_PER_SUB = N_PAD // NS
ZERO_BLOCKS = ROWS_PER_SUB // CHUNK
ZERO_TAIL = ROWS_PER_SUB - ZERO_BLOCKS * CHUNK

ROW_BLK = 1000


def _mm_body(x_ref, w_ref, o_ref):
    o_ref[...] = jnp.dot(x_ref[...], w_ref[...],
                         preferred_element_type=jnp.float32)


def _support_matmul(x, w):
    return pl.pallas_call(
        _mm_body,
        grid=(N // ROW_BLK,),
        in_specs=[
            pl.BlockSpec((ROW_BLK, DIM), lambda i: (i, 0)),
            pl.BlockSpec((DIM, DIM), lambda i: (0, 0)),
        ],
        out_specs=pl.BlockSpec((ROW_BLK, DIM), lambda i: (i, 0)),
        out_shape=jax.ShapeDtypeStruct((N, DIM), jnp.float32),
    )(x, w)


NSTREAM = 4
QROWS = CHUNK // NSTREAM


def _sc_body(support_hbm, src_hbm, dst_hbm, val_hbm, out_hbm,
             src_v, dst_v, val_r, rows_v, acc_sh,
             sem, sem1, sem2, sem3, vsem):
    c = lax.axis_index("c")
    s = lax.axis_index("s")
    wid = c * NS + s
    nchunks = jnp.where(c == 0, CH0, CH1)

    def copy_val(j, q):
        pltpu.async_copy(val_hbm.at[wid, j], val_r.at[q], vsem.at[q])

    def wait_val(q):
        pltpu.make_async_copy(val_hbm.at[wid, 0], val_r.at[q],
                              vsem.at[q]).wait()

    pltpu.sync_copy(src_hbm.at[wid], src_v)
    pltpu.sync_copy(dst_hbm.at[wid], dst_v)
    for q in range(VSLOTS - 1):
        copy_val(q, q)

    zeros = jnp.zeros((LANES,), jnp.float32)

    def zero_row(r, carry):
        for k in range(DIM // LANES):
            rows_v[r, pl.ds(k * LANES, LANES)] = zeros
        return carry

    lax.fori_loop(0, CHUNK, zero_row, 0)
    for b in range(ZERO_BLOCKS):
        pltpu.sync_copy(
            rows_v, acc_sh.at[pl.ds(s * ROWS_PER_SUB + b * CHUNK, CHUNK)])
    pltpu.sync_copy(
        rows_v.at[pl.ds(0, ZERO_TAIL)],
        acc_sh.at[pl.ds(s * ROWS_PER_SUB + ZERO_BLOCKS * CHUNK, ZERO_TAIL)])
    plsc.subcore_barrier()

    def chunk_step(j, carry):
        sems = (sem, sem1, sem2, sem3)
        descs = []
        for q in range(NSTREAM):
            descs.append(pltpu.async_copy(
                support_hbm.at[src_v.at[j, pl.ds(q * QROWS, QROWS)]],
                rows_v.at[pl.ds(q * QROWS, QROWS)], sems[q]))
        for d in descs:
            d.wait()

        vq = lax.rem(j, VSLOTS)
        wait_val(vq)

        def scale_group(g, c2):
            vv = val_r[vq, pl.ds(g * LANES, LANES)]
            base = g * LANES
            for e16 in range(LANES):
                v = vv[e16]
                for k in range(DIM // LANES):
                    sl = pl.ds(k * LANES, LANES)
                    rows_v[base + e16, sl] = rows_v[base + e16, sl] * v
            return c2

        lax.fori_loop(0, CHUNK // LANES, scale_group, 0)

        @pl.when(j + VSLOTS - 1 < nchunks)
        def _():
            copy_val(j + VSLOTS - 1, lax.rem(j + VSLOTS - 1, VSLOTS))

        pltpu.sync_copy(rows_v, acc_sh.at[dst_v.at[j]], add=True)
        return carry

    lax.fori_loop(0, nchunks, chunk_step, 0)
    plsc.subcore_barrier()

    pltpu.sync_copy(acc_sh.at[pl.ds(s * ROWS_PER_SUB, ROWS_PER_SUB)],
                    out_hbm.at[c, pl.ds(s * ROWS_PER_SUB, ROWS_PER_SUB)])


_sc_scatter = functools.partial(
    pl.kernel,
    out_type=jax.ShapeDtypeStruct((NC, N_PAD, DIM), jnp.float32),
    mesh=plsc.VectorSubcoreMesh(core_axis_name="c", subcore_axis_name="s",
                                num_cores=NC, num_subcores=NS),
    scratch_types=[
        pltpu.VMEM((CHMAX, CHUNK), jnp.int32),
        pltpu.VMEM((CHMAX, CHUNK), jnp.int32),
        pltpu.VMEM((VSLOTS, CHUNK), jnp.float32),
        pltpu.VMEM((CHUNK, DIM), jnp.float32),
        pltpu.VMEM_SHARED((N_PAD, DIM), jnp.float32),
        pltpu.SemaphoreType.DMA,
        pltpu.SemaphoreType.DMA,
        pltpu.SemaphoreType.DMA,
        pltpu.SemaphoreType.DMA,
        pltpu.SemaphoreType.DMA((VSLOTS,)),
    ],
)(_sc_body)


def _epilogue_body(a0_ref, a1_ref, bg_ref, w2_ref, b2_ref, o_ref):
    x1 = jnp.maximum(a0_ref[...] + a1_ref[...] + bg_ref[...], 0.0)
    x2 = jnp.dot(x1, w2_ref[...], preferred_element_type=jnp.float32)
    x2 = x2 + b2_ref[...]
    nrm = jnp.sqrt(jnp.sum(x2 * x2, axis=1, keepdims=True))
    o_ref[...] = x2 / nrm


def _epilogue(a0, a1, b_gc, w2, b2):
    return pl.pallas_call(
        _epilogue_body,
        grid=(N // ROW_BLK,),
        in_specs=[
            pl.BlockSpec((ROW_BLK, DIM), lambda i: (i, 0)),
            pl.BlockSpec((ROW_BLK, DIM), lambda i: (i, 0)),
            pl.BlockSpec((1, DIM), lambda i: (0, 0)),
            pl.BlockSpec((DIM, DIM), lambda i: (0, 0)),
            pl.BlockSpec((1, DIM), lambda i: (0, 0)),
        ],
        out_specs=pl.BlockSpec((ROW_BLK, DIM), lambda i: (i, 0)),
        out_shape=jax.ShapeDtypeStruct((N, DIM), jnp.float32),
    )(a0, a1, b_gc, w2, b2)


def _shard_edges(arr):
    flat = jnp.pad(arr, (0, E_PAD - E))
    n0 = NS * CH0 * CHUNK
    p0 = flat[:n0].reshape(NS, CH0, CHUNK)
    p0 = jnp.pad(p0, ((0, 0), (0, CHMAX - CH0), (0, 0)))
    p1 = flat[n0:].reshape(NS, CH1, CHUNK)
    p1 = jnp.pad(p1, ((0, 0), (0, CHMAX - CH1), (0, 0)))
    return jnp.concatenate([p0, p1], axis=0)


def kernel(x, edge_index, edge_vals, W_gc, b_gc, W2, b2):
    support = _support_matmul(x, W_gc)

    src = _shard_edges(edge_index[0])
    dst = _shard_edges(edge_index[1])
    val = _shard_edges(edge_vals)

    partials = _sc_scatter(support, src, dst, val)

    out = _epilogue(partials[0, :N], partials[1, :N],
                    b_gc.reshape(1, DIM), W2.reshape(DIM, DIM),
                    b2.reshape(1, DIM))
    return out

# --- scband reference (transcript-rebuilt; emitter-appended) ---
"""Pipeline reference for scband-preprocessor-52132313038907 (READ-ONLY COPY).

The authoritative reference and input builder live on the scoring server;
editing this copy changes nothing except your own understanding.
"""

import jax, jax.numpy as jnp
import numpy as np

N = 10000
E = 320000
DIM = 128


def setup_inputs(seed: int = 0) -> dict:
    key = jax.random.key(seed)
    ks = jax.random.split(key, 8)
    x = jax.random.normal(ks[0], (N, DIM), dtype=jnp.float32)
    edge_index = jax.random.randint(ks[1], (2, E), 0, N, dtype=jnp.int32)
    # normalized adjacency values (sparse adj nonzeros)
    edge_vals = jax.random.uniform(ks[2], (E,), dtype=jnp.float32)
    # GraphConvolution(dim, dim) weight + bias
    W_gc = jax.random.normal(ks[3], (DIM, DIM), dtype=jnp.float32) * (1.0 / np.sqrt(DIM))
    b_gc = jnp.zeros((DIM,), dtype=jnp.float32)
    # linear2: nn.Linear(dim, dim)
    W2 = jax.random.normal(ks[4], (DIM, DIM), dtype=jnp.float32) * (1.0 / np.sqrt(DIM))
    b2 = jnp.zeros((DIM,), dtype=jnp.float32)
    return {"x": x, "edge_index": edge_index, "edge_vals": edge_vals,
            "W_gc": W_gc, "b_gc": b_gc, "W2": W2, "b2": b2}


def reference(x, edge_index, edge_vals, W_gc, b_gc, W2, b2):
    # GraphConvolution: support = x @ W; out = spmm(adj, support) + b; relu
    support = x @ W_gc
    src = edge_index[0]
    dst = edge_index[1]
    msgs = jnp.take(support, src, axis=0) * edge_vals[:, None]
    agg = jax.ops.segment_sum(msgs, dst, num_segments=N)
    x1 = jax.nn.relu(agg + b_gc)
    # linear2
    x2 = x1 @ W2 + b2
    # dropout in eval mode -> identity
    x3 = x2
    # row-wise L2 norm, detached, then normalize
    nrm = jnp.linalg.norm(x3, ord=2, axis=1, keepdims=True)
    out = x3 / jax.lax.stop_gradient(nrm)
    return out

if __name__ == "__main__":
    import jax
    _d = setup_inputs()
    print(jax.jit(kernel)(*tuple(_d.values())))

</pallas_src>

<mosaic_0001>
#map = affine_map<(d0, d1) -> (0, 0)>
#map1 = affine_map<(d0, d1) -> (0, 0, 0)>
module attributes {stable_mosaic.version = 14 : i64} {
  func.func @_sc_body(%arg0: i32, %arg1: i32, %arg2: memref<10000x128xf32, #tpu.memory_space<hbm>>, %arg3: memref<32x108x128xi32, #tpu.memory_space<hbm>>, %arg4: memref<32x108x128xi32, #tpu.memory_space<hbm>>, %arg5: memref<32x108x128xf32, #tpu.memory_space<hbm>>, %arg6: memref<2x10112x128xf32, #tpu.memory_space<hbm>>, %arg7: memref<108x128xi32, #tpu.memory_space<vmem>>, %arg8: memref<108x128xi32, #tpu.memory_space<vmem>>, %arg9: memref<4x128xf32, #tpu.memory_space<vmem>>, %arg10: memref<128x128xf32, #tpu.memory_space<vmem>>, %arg11: memref<10112x128xf32, #tpu.memory_space<vmem_shared>>, %arg12: memref<!tpu.dma_semaphore, #tpu.memory_space<semaphore_mem>>, %arg13: memref<!tpu.dma_semaphore, #tpu.memory_space<semaphore_mem>>, %arg14: memref<!tpu.dma_semaphore, #tpu.memory_space<semaphore_mem>>, %arg15: memref<!tpu.dma_semaphore, #tpu.memory_space<semaphore_mem>>, %arg16: memref<4x!tpu.dma_semaphore, #tpu.memory_space<semaphore_mem>>) attributes {dimension_semantics = [#tpu.dimension_semantics<core_parallel>, #tpu.dimension_semantics<subcore_parallel>], iteration_bounds = array<i64: 2, 16>, scalar_prefetch = 0 : i64, scratch_operands = 10 : i64, tpu.core_type = #tpu.core_type<sc_vector_subcore>, window_params = [{transform_indices = #map}, {transform_indices = #map1}, {transform_indices = #map1}, {transform_indices = #map1}, {transform_indices = #map1}]} {
    %mul3A = arith.constant 16 : i32
    %mul3A_0 = arith.muli %arg0, %mul3A : i32
    %add3A = arith.addi %mul3A_0, %arg1 : i32
    %eq3A = arith.constant 0 : i32
    %eq3A_1 = arith.cmpi eq, %arg0, %eq3A : i32
    %jit3A = arith.constant 108 : i32
    %jit3A_2 = arith.constant 50 : i32
    %select_n3A = arith.select %eq3A_1, %jit3A, %jit3A_2 : i32
    "tpu.region"() ({
      %run_scoped3A = tpu.sem_alloc : memref<!tpu.dma_semaphore, #tpu.memory_space<semaphore_mem>>
      %dma_start3A_93 = arith.constant 0 : i32
      %dma_start3A_94 = arith.constant 0 : i32
      %dma_start3A_95 = tpu.memref_slice %arg3[%add3A, %dma_start3A_93, %dma_start3A_94] : memref<32x108x128xi32, #tpu.memory_space<hbm>> -> memref<1x108x128xi32, #tpu.memory_space<hbm>>
      %dma_start3A_96 = tpu.memref_squeeze %dma_start3A_95 : memref<1x108x128xi32, #tpu.memory_space<hbm>> -> memref<108x128xi32, #tpu.memory_space<hbm>>
      %dma_start3A_97 = arith.constant 0 : i32
      %dma_start3A_98 = arith.constant 0 : i32
      %dma_start3A_99 = tpu.memref_slice %arg3[%add3A, %dma_start3A_97, %dma_start3A_98] : memref<32x108x128xi32, #tpu.memory_space<hbm>> -> memref<1x108x128xi32, #tpu.memory_space<hbm>>
      %dma_start3A_100 = tpu.memref_squeeze %dma_start3A_99 : memref<1x108x128xi32, #tpu.memory_space<hbm>> -> memref<108x128xi32, #tpu.memory_space<hbm>>
      tpu.enqueue_dma source(%dma_start3A_100 : memref<108x128xi32, #tpu.memory_space<hbm>>) target(%arg7 : memref<108x128xi32, #tpu.memory_space<vmem>>) target_semaphore(%run_scoped3A : memref<!tpu.dma_semaphore, #tpu.memory_space<semaphore_mem>>)
      %dma_wait3A = arith.constant 0 : i32
      %dma_wait3A_101 = arith.constant 0 : i32
      %dma_wait3A_102 = tpu.memref_slice %arg3[%add3A, %dma_wait3A, %dma_wait3A_101] : memref<32x108x128xi32, #tpu.memory_space<hbm>> -> memref<1x108x128xi32, #tpu.memory_space<hbm>>
      %dma_wait3A_103 = tpu.memref_squeeze %dma_wait3A_102 : memref<1x108x128xi32, #tpu.memory_space<hbm>> -> memref<108x128xi32, #tpu.memory_space<hbm>>
      %dma_wait3A_104 = arith.constant 0 : i32
      %dma_wait3A_105 = arith.constant 0 : i32
      %dma_wait3A_106 = tpu.memref_slice %arg3[%add3A, %dma_wait3A_104, %dma_wait3A_105] : memref<32x108x128xi32, #tpu.memory_space<hbm>> -> memref<1x108x128xi32, #tpu.memory_space<hbm>>
      %dma_wait3A_107 = tpu.memref_squeeze %dma_wait3A_106 : memref<1x108x128xi32, #tpu.memory_space<hbm>> -> memref<108x128xi32, #tpu.memory_space<hbm>>
      tpu.wait_dma2 semaphore(%run_scoped3A : memref<!tpu.dma_semaphore, #tpu.memory_space<semaphore_mem>>) src(%dma_wait3A_107 : memref<108x128xi32, #tpu.memory_space<hbm>>) dst(%arg7 : memref<108x128xi32, #tpu.memory_space<vmem>>)
      tpu.yield
    }) : () -> ()
    "tpu.region"() ({
      %run_scoped3A = tpu.sem_alloc : memref<!tpu.dma_semaphore, #tpu.memory_space<semaphore_mem>>
      %dma_start3A_93 = arith.constant 0 : i32
      %dma_start3A_94 = arith.constant 0 : i32
      %dma_start3A_95 = tpu.memref_slice %arg4[%add3A, %dma_start3A_93, %dma_start3A_94] : memref<32x108x128xi32, #tpu.memory_space<hbm>> -> memref<1x108x128xi32, #tpu.memory_space<hbm>>
      %dma_start3A_96 = tpu.memref_squeeze %dma_start3A_95 : memref<1x108x128xi32, #tpu.memory_space<hbm>> -> memref<108x128xi32, #tpu.memory_space<hbm>>
      %dma_start3A_97 = arith.constant 0 : i32
      %dma_start3A_98 = arith.constant 0 : i32
      %dma_start3A_99 = tpu.memref_slice %arg4[%add3A, %dma_start3A_97, %dma_start3A_98] : memref<32x108x128xi32, #tpu.memory_space<hbm>> -> memref<1x108x128xi32, #tpu.memory_space<hbm>>
      %dma_start3A_100 = tpu.memref_squeeze %dma_start3A_99 : memref<1x108x128xi32, #tpu.memory_space<hbm>> -> memref<108x128xi32, #tpu.memory_space<hbm>>
      tpu.enqueue_dma source(%dma_start3A_100 : memref<108x128xi32, #tpu.memory_space<hbm>>) target(%arg8 : memref<108x128xi32, #tpu.memory_space<vmem>>) target_semaphore(%run_scoped3A : memref<!tpu.dma_semaphore, #tpu.memory_space<semaphore_mem>>)
      %dma_wait3A = arith.constant 0 : i32
      %dma_wait3A_101 = arith.constant 0 : i32
      %dma_wait3A_102 = tpu.memref_slice %arg4[%add3A, %dma_wait3A, %dma_wait3A_101] : memref<32x108x128xi32, #tpu.memory_space<hbm>> -> memref<1x108x128xi32, #tpu.memory_space<hbm>>
      %dma_wait3A_103 = tpu.memref_squeeze %dma_wait3A_102 : memref<1x108x128xi32, #tpu.memory_space<hbm>> -> memref<108x128xi32, #tpu.memory_space<hbm>>
      %dma_wait3A_104 = arith.constant 0 : i32
      %dma_wait3A_105 = arith.constant 0 : i32
      %dma_wait3A_106 = tpu.memref_slice %arg4[%add3A, %dma_wait3A_104, %dma_wait3A_105] : memref<32x108x128xi32, #tpu.memory_space<hbm>> -> memref<1x108x128xi32, #tpu.memory_space<hbm>>
      %dma_wait3A_107 = tpu.memref_squeeze %dma_wait3A_106 : memref<1x108x128xi32, #tpu.memory_space<hbm>> -> memref<108x128xi32, #tpu.memory_space<hbm>>
      tpu.wait_dma2 semaphore(%run_scoped3A : memref<!tpu.dma_semaphore, #tpu.memory_space<semaphore_mem>>) src(%dma_wait3A_107 : memref<108x128xi32, #tpu.memory_space<hbm>>) dst(%arg8 : memref<108x128xi32, #tpu.memory_space<vmem>>)
      tpu.yield
    }) : () -> ()
    %dma_start3A = arith.constant 0 : i32
    %dma_start3A_3 = arith.constant 0 : i32
    %dma_start3A_4 = arith.constant 0 : i32
    %dma_start3A_5 = arith.constant 0 : i32
    %dma_start3A_6 = tpu.memref_slice %arg9[%dma_start3A_3, %dma_start3A_5] : memref<4x128xf32, #tpu.memory_space<vmem>> -> memref<1x128xf32, #tpu.memory_space<vmem>>
    %dma_start3A_7 = tpu.memref_squeeze %dma_start3A_6 : memref<1x128xf32, #tpu.memory_space<vmem>> -> memref<128xf32, #tpu.memory_space<vmem>>
    %dma_start3A_8 = arith.constant 0 : i32
    %dma_start3A_9 = tpu.memref_slice %arg5[%add3A, %dma_start3A, %dma_start3A_8] : memref<32x108x128xf32, #tpu.memory_space<hbm>> -> memref<1x1x128xf32, #tpu.memory_space<hbm>>
    %dma_start3A_10 = tpu.memref_squeeze %dma_start3A_9 : memref<1x1x128xf32, #tpu.memory_space<hbm>> -> memref<128xf32, #tpu.memory_space<hbm>>
    %dma_start3A_11 = tpu.memref_slice %arg16[%dma_start3A_4] : memref<4x!tpu.dma_semaphore, #tpu.memory_space<semaphore_mem>> -> memref<1x!tpu.dma_semaphore, #tpu.memory_space<semaphore_mem>>
    %dma_start3A_12 = tpu.memref_squeeze %dma_start3A_11 : memref<1x!tpu.dma_semaphore, #tpu.memory_space<semaphore_mem>> -> memref<!tpu.dma_semaphore, #tpu.memory_space<semaphore_mem>>
    %dma_start3A_13 = arith.constant 0 : i32
    %dma_start3A_14 = tpu.memref_slice %arg9[%dma_start3A_3, %dma_start3A_13] : memref<4x128xf32, #tpu.memory_space<vmem>> -> memref<1x128xf32, #tpu.memory_space<vmem>>
    %dma_start3A_15 = tpu.memref_squeeze %dma_start3A_14 : memref<1x128xf32, #tpu.memory_space<vmem>> -> memref<128xf32, #tpu.memory_space<vmem>>
    %dma_start3A_16 = arith.constant 0 : i32
    %dma_start3A_17 = tpu.memref_slice %arg5[%add3A, %dma_start3A, %dma_start3A_16] : memref<32x108x128xf32, #tpu.memory_space<hbm>> -> memref<1x1x128xf32, #tpu.memory_space<hbm>>
    %dma_start3A_18 = tpu.memref_squeeze %dma_start3A_17 : memref<1x1x128xf32, #tpu.memory_space<hbm>> -> memref<128xf32, #tpu.memory_space<hbm>>
    tpu.enqueue_dma source(%dma_start3A_18 : memref<128xf32, #tpu.memory_space<hbm>>) target(%dma_start3A_15 : memref<128xf32, #tpu.memory_space<vmem>>) target_semaphore(%dma_start3A_12 : memref<!tpu.dma_semaphore, #tpu.memory_space<semaphore_mem>>)
    %dma_start3A_19 = arith.constant 1 : i32
    %dma_start3A_20 = arith.constant 1 : i32
    %dma_start3A_21 = arith.constant 1 : i32
    %dma_start3A_22 = arith.constant 0 : i32
    %dma_start3A_23 = tpu.memref_slice %arg9[%dma_start3A_20, %dma_start3A_22] : memref<4x128xf32, #tpu.memory_space<vmem>> -> memref<1x128xf32, #tpu.memory_space<vmem>>
    %dma_start3A_24 = tpu.memref_squeeze %dma_start3A_23 : memref<1x128xf32, #tpu.memory_space<vmem>> -> memref<128xf32, #tpu.memory_space<vmem>>
    %dma_start3A_25 = arith.constant 0 : i32
    %dma_start3A_26 = tpu.memref_slice %arg5[%add3A, %dma_start3A_19, %dma_start3A_25] : memref<32x108x128xf32, #tpu.memory_space<hbm>> -> memref<1x1x128xf32, #tpu.memory_space<hbm>>
    %dma_start3A_27 = tpu.memref_squeeze %dma_start3A_26 : memref<1x1x128xf32, #tpu.memory_space<hbm>> -> memref<128xf32, #tpu.memory_space<hbm>>
    %dma_start3A_28 = tpu.memref_slice %arg16[%dma_start3A_21] : memref<4x!tpu.dma_semaphore, #tpu.memory_space<semaphore_mem>> -> memref<1x!tpu.dma_semaphore, #tpu.memory_space<semaphore_mem>>
    %dma_start3A_29 = tpu.memref_squeeze %dma_start3A_28 : memref<1x!tpu.dma_semaphore, #tpu.memory_space<semaphore_mem>> -> memref<!tpu.dma_semaphore, #tpu.memory_space<semaphore_mem>>
    %dma_start3A_30 = arith.constant 0 : i32
    %dma_start3A_31 = tpu.memref_slice %arg9[%dma_start3A_20, %dma_start3A_30] : memref<4x128xf32, #tpu.memory_space<vmem>> -> memref<1x128xf32, #tpu.memory_space<vmem>>
    %dma_start3A_32 = tpu.memref_squeeze %dma_start3A_31 : memref<1x128xf32, #tpu.memory_space<vmem>> -> memref<128xf32, #tpu.memory_space<vmem>>
    %dma_start3A_33 = arith.constant 0 : i32
    %dma_start3A_34 = tpu.memref_slice %arg5[%add3A, %dma_start3A_19, %dma_start3A_33] : memref<32x108x128xf32, #tpu.memory_space<hbm>> -> memref<1x1x128xf32, #tpu.memory_space<hbm>>
    %dma_start3A_35 = tpu.memref_squeeze %dma_start3A_34 : memref<1x1x128xf32, #tpu.memory_space<hbm>> -> memref<128xf32, #tpu.memory_space<hbm>>
    tpu.enqueue_dma source(%dma_start3A_35 : memref<128xf32, #tpu.memory_space<hbm>>) target(%dma_start3A_32 : memref<128xf32, #tpu.memory_space<vmem>>) target_semaphore(%dma_start3A_29 : memref<!tpu.dma_semaphore, #tpu.memory_space<semaphore_mem>>)
    %dma_start3A_36 = arith.constant 2 : i32
    %dma_start3A_37 = arith.constant 2 : i32
    %dma_start3A_38 = arith.constant 2 : i32
    %dma_start3A_39 = arith.constant 0 : i32
    %dma_start3A_40 = tpu.memref_slice %arg9[%dma_start3A_37, %dma_start3A_39] : memref<4x128xf32, #tpu.memory_space<vmem>> -> memref<1x128xf32, #tpu.memory_space<vmem>>
    %dma_start3A_41 = tpu.memref_squeeze %dma_start3A_40 : memref<1x128xf32, #tpu.memory_space<vmem>> -> memref<128xf32, #tpu.memory_space<vmem>>
    %dma_start3A_42 = arith.constant 0 : i32
    %dma_start3A_43 = tpu.memref_slice %arg5[%add3A, %dma_start3A_36, %dma_start3A_42] : memref<32x108x128xf32, #tpu.memory_space<hbm>> -> memref<1x1x128xf32, #tpu.memory_space<hbm>>
    %dma_start3A_44 = tpu.memref_squeeze %dma_start3A_43 : memref<1x1x128xf32, #tpu.memory_space<hbm>> -> memref<128xf32, #tpu.memory_space<hbm>>
    %dma_start3A_45 = tpu.memref_slice %arg16[%dma_start3A_38] : memref<4x!tpu.dma_semaphore, #tpu.memory_space<semaphore_mem>> -> memref<1x!tpu.dma_semaphore, #tpu.memory_space<semaphore_mem>>
    %dma_start3A_46 = tpu.memref_squeeze %dma_start3A_45 : memref<1x!tpu.dma_semaphore, #tpu.memory_space<semaphore_mem>> -> memref<!tpu.dma_semaphore, #tpu.memory_space<semaphore_mem>>
    %dma_start3A_47 = arith.constant 0 : i32
    %dma_start3A_48 = tpu.memref_slice %arg9[%dma_start3A_37, %dma_start3A_47] : memref<4x128xf32, #tpu.memory_space<vmem>> -> memref<1x128xf32, #tpu.memory_space<vmem>>
    %dma_start3A_49 = tpu.memref_squeeze %dma_start3A_48 : memref<1x128xf32, #tpu.memory_space<vmem>> -> memref<128xf32, #tpu.memory_space<vmem>>
    %dma_start3A_50 = arith.constant 0 : i32
    %dma_start3A_51 = tpu.memref_slice %arg5[%add3A, %dma_start3A_36, %dma_start3A_50] : memref<32x108x128xf32, #tpu.memory_space<hbm>> -> memref<1x1x128xf32, #tpu.memory_space<hbm>>
    %dma_start3A_52 = tpu.memref_squeeze %dma_start3A_51 : memref<1x1x128xf32, #tpu.memory_space<hbm>> -> memref<128xf32, #tpu.memory_space<hbm>>
    tpu.enqueue_dma source(%dma_start3A_52 : memref<128xf32, #tpu.memory_space<hbm>>) target(%dma_start3A_49 : memref<128xf32, #tpu.memory_space<vmem>>) target_semaphore(%dma_start3A_46 : memref<!tpu.dma_semaphore, #tpu.memory_space<semaphore_mem>>)
    %broadcast_in_dim3A = arith.constant 0.000000e+00 : f32
    %broadcast_in_dim3A_53 = vector.broadcast %broadcast_in_dim3A : f32 to vector<16xf32>
    %scan3A = arith.constant 0 : i32
    %scan3A_54 = arith.constant 0 : i32
    %scan3A_55 = arith.constant 128 : i32
    %scan3A_56 = arith.addi %scan3A_54, %scan3A_55 : i32
    %scan3A_57 = arith.constant 1 : i32
    scf.for %scan3A_93 = %scan3A_54 to %scan3A_56 step %scan3A_57  : i32 {
      %swap3A = arith.index_cast %scan3A_93 : i32 to index
      %swap3A_94 = arith.constant 0 : index
      %swap3A_95 = tpu.vector_load %arg10[%swap3A, %swap3A_94] {strides = array<i32>} : memref<128x128xf32, #tpu.memory_space<vmem>>, vector<1x16xf32>,
      %swap3A_96 = vector.shape_cast %swap3A_95 : vector<1x16xf32> to vector<16xf32>
      %swap3A_97 = vector.shape_cast %broadcast_in_dim3A_53 : vector<16xf32> to vector<1x16xf32>
      tpu.vector_store %arg10[%swap3A, %swap3A_94], %swap3A_97 {strides = array<i32>} : memref<128x128xf32, #tpu.memory_space<vmem>>, vector<1x16xf32>,
      %swap3A_98 = arith.index_cast %scan3A_93 : i32 to index
      %swap3A_99 = arith.constant 16 : index
      %swap3A_100 = tpu.vector_load %arg10[%swap3A_98, %swap3A_99] {strides = array<i32>} : memref<128x128xf32, #tpu.memory_space<vmem>>, vector<1x16xf32>,
      %swap3A_101 = vector.shape_cast %swap3A_100 : vector<1x16xf32> to vector<16xf32>
      %swap3A_102 = vector.shape_cast %broadcast_in_dim3A_53 : vector<16xf32> to vector<1x16xf32>
      tpu.vector_store %arg10[%swap3A_98, %swap3A_99], %swap3A_102 {strides = array<i32>} : memref<128x128xf32, #tpu.memory_space<vmem>>, vector<1x16xf32>,
      %swap3A_103 = arith.index_cast %scan3A_93 : i32 to index
      %swap3A_104 = arith.constant 32 : index
      %swap3A_105 = tpu.vector_load %arg10[%swap3A_103, %swap3A_104] {strides = array<i32>} : memref<128x128xf32, #tpu.memory_space<vmem>>, vector<1x16xf32>,
      %swap3A_106 = vector.shape_cast %swap3A_105 : vector<1x16xf32> to vector<16xf32>
      %swap3A_107 = vector.shape_cast %broadcast_in_dim3A_53 : vector<16xf32> to vector<1x16xf32>
      tpu.vector_store %arg10[%swap3A_103, %swap3A_104], %swap3A_107 {strides = array<i32>} : memref<128x128xf32, #tpu.memory_space<vmem>>, vector<1x16xf32>,
      %swap3A_108 = arith.index_cast %scan3A_93 : i32 to index
      %swap3A_109 = arith.constant 48 : index
      %swap3A_110 = tpu.vector_load %arg10[%swap3A_108, %swap3A_109] {strides = array<i32>} : memref<128x128xf32, #tpu.memory_space<vmem>>, vector<1x16xf32>,
      %swap3A_111 = vector.shape_cast %swap3A_110 : vector<1x16xf32> to vector<16xf32>
      %swap3A_112 = vector.shape_cast %broadcast_in_dim3A_53 : vector<16xf32> to vector<1x16xf32>
      tpu.vector_store %arg10[%swap3A_108, %swap3A_109], %swap3A_112 {strides = array<i32>} : memref<128x128xf32, #tpu.memory_space<vmem>>, vector<1x16xf32>,
      %swap3A_113 = arith.index_cast %scan3A_93 : i32 to index
      %swap3A_114 = arith.constant 64 : index
      %swap3A_115 = tpu.vector_load %arg10[%swap3A_113, %swap3A_114] {strides = array<i32>} : memref<128x128xf32, #tpu.memory_space<vmem>>, vector<1x16xf32>,
      %swap3A_116 = vector.shape_cast %swap3A_115 : vector<1x16xf32> to vector<16xf32>
      %swap3A_117 = vector.shape_cast %broadcast_in_dim3A_53 : vector<16xf32> to vector<1x16xf32>
      tpu.vector_store %arg10[%swap3A_113, %swap3A_114], %swap3A_117 {strides = array<i32>} : memref<128x128xf32, #tpu.memory_space<vmem>>, vector<1x16xf32>,
      %swap3A_118 = arith.index_cast %scan3A_93 : i32 to index
      %swap3A_119 = arith.constant 80 : index
      %swap3A_120 = tpu.vector_load %arg10[%swap3A_118, %swap3A_119] {strides = array<i32>} : memref<128x128xf32, #tpu.memory_space<vmem>>, vector<1x16xf32>,
      %swap3A_121 = vector.shape_cast %swap3A_120 : vector<1x16xf32> to vector<16xf32>
      %swap3A_122 = vector.shape_cast %broadcast_in_dim3A_53 : vector<16xf32> to vector<1x16xf32>
      tpu.vector_store %arg10[%swap3A_118, %swap3A_119], %swap3A_122 {strides = array<i32>} : memref<128x128xf32, #tpu.memory_space<vmem>>, vector<1x16xf32>,
      %swap3A_123 = arith.index_cast %scan3A_93 : i32 to index
      %swap3A_124 = arith.constant 96 : index
      %swap3A_125 = tpu.vector_load %arg10[%swap3A_123, %swap3A_124] {strides = array<i32>} : memref<128x128xf32, #tpu.memory_space<vmem>>, vector<1x16xf32>,
      %swap3A_126 = vector.shape_cast %swap3A_125 : vector<1x16xf32> to vector<16xf32>
      %swap3A_127 = vector.shape_cast %broadcast_in_dim3A_53 : vector<16xf32> to vector<1x16xf32>
      tpu.vector_store %arg10[%swap3A_123, %swap3A_124], %swap3A_127 {strides = array<i32>} : memref<128x128xf32, #tpu.memory_space<vmem>>, vector<1x16xf32>,
      %swap3A_128 = arith.index_cast %scan3A_93 : i32 to index
      %swap3A_129 = arith.constant 112 : index
      %swap3A_130 = tpu.vector_load %arg10[%swap3A_128, %swap3A_129] {strides = array<i32>} : memref<128x128xf32, #tpu.memory_space<vmem>>, vector<1x16xf32>,
      %swap3A_131 = vector.shape_cast %swap3A_130 : vector<1x16xf32> to vector<16xf32>
      %swap3A_132 = vector.shape_cast %broadcast_in_dim3A_53 : vector<16xf32> to vector<1x16xf32>
      tpu.vector_store %arg10[%swap3A_128, %swap3A_129], %swap3A_132 {strides = array<i32>} : memref<128x128xf32, #tpu.memory_space<vmem>>, vector<1x16xf32>,
    }
    %scan3A_58 = arith.constant 128 : i32
    %mul3A_59 = arith.constant 632 : i32
    %mul3A_60 = arith.muli %arg1, %mul3A_59 : i32
    %add3A_61 = arith.constant 0 : i32
    %add3A_62 = arith.addi %mul3A_60, %add3A_61 : i32
    "tpu.region"() ({
      %run_scoped3A = tpu.sem_alloc : memref<!tpu.dma_semaphore, #tpu.memory_space<semaphore_mem>>
      %dma_start3A_93 = arith.constant 0 : i32
      %dma_start3A_94 = tpu.memref_slice %arg11[%add3A_62, %dma_start3A_93] : memref<10112x128xf32, #tpu.memory_space<vmem_shared>> -> memref<128x128xf32, #tpu.memory_space<vmem_shared>>
      %dma_start3A_95 = arith.constant 0 : i32
      %dma_start3A_96 = tpu.memref_slice %arg11[%add3A_62, %dma_start3A_95] : memref<10112x128xf32, #tpu.memory_space<vmem_shared>> -> memref<128x128xf32, #tpu.memory_space<vmem_shared>>
      tpu.enqueue_dma source(%arg10 : memref<128x128xf32, #tpu.memory_space<vmem>>) target(%dma_start3A_96 : memref<128x128xf32, #tpu.memory_space<vmem_shared>>) target_semaphore(%run_scoped3A : memref<!tpu.dma_semaphore, #tpu.memory_space<semaphore_mem>>)
      %dma_wait3A = arith.constant 0 : i32
      %dma_wait3A_97 = tpu.memref_slice %arg11[%add3A_62, %dma_wait3A] : memref<10112x128xf32, #tpu.memory_space<vmem_shared>> -> memref<128x128xf32, #tpu.memory_space<vmem_shared>>
      %dma_wait3A_98 = arith.constant 0 : i32
      %dma_wait3A_99 = tpu.memref_slice %arg11[%add3A_62, %dma_wait3A_98] : memref<10112x128xf32, #tpu.memory_space<vmem_shared>> -> memref<128x128xf32, #tpu.memory_space<vmem_shared>>
      tpu.wait_dma2 semaphore(%run_scoped3A : memref<!tpu.dma_semaphore, #tpu.memory_space<semaphore_mem>>) src(%arg10 : memref<128x128xf32, #tpu.memory_space<vmem>>) dst(%dma_wait3A_99 : memref<128x128xf32, #tpu.memory_space<vmem_shared>>)
      tpu.yield
    }) : () -> ()
    %mul3A_63 = arith.constant 632 : i32
    %mul3A_64 = arith.muli %arg1, %mul3A_63 : i32
    %add3A_65 = arith.constant 128 : i32
    %add3A_66 = arith.addi %mul3A_64, %add3A_65 : i32
    "tpu.region"() ({
      %run_scoped3A = tpu.sem_alloc : memref<!tpu.dma_semaphore, #tpu.memory_space<semaphore_mem>>
      %dma_start3A_93 = arith.constant 0 : i32
      %dma_start3A_94 = tpu.memref_slice %arg11[%add3A_66, %dma_start3A_93] : memref<10112x128xf32, #tpu.memory_space<vmem_shared>> -> memref<128x128xf32, #tpu.memory_space<vmem_shared>>
      %dma_start3A_95 = arith.constant 0 : i32
      %dma_start3A_96 = tpu.memref_slice %arg11[%add3A_66, %dma_start3A_95] : memref<10112x128xf32, #tpu.memory_space<vmem_shared>> -> memref<128x128xf32, #tpu.memory_space<vmem_shared>>
      tpu.enqueue_dma source(%arg10 : memref<128x128xf32, #tpu.memory_space<vmem>>) target(%dma_start3A_96 : memref<128x128xf32, #tpu.memory_space<vmem_shared>>) target_semaphore(%run_scoped3A : memref<!tpu.dma_semaphore, #tpu.memory_space<semaphore_mem>>)
      %dma_wait3A = arith.constant 0 : i32
      %dma_wait3A_97 = tpu.memref_slice %arg11[%add3A_66, %dma_wait3A] : memref<10112x128xf32, #tpu.memory_space<vmem_shared>> -> memref<128x128xf32, #tpu.memory_space<vmem_shared>>
      %dma_wait3A_98 = arith.constant 0 : i32
      %dma_wait3A_99 = tpu.memref_slice %arg11[%add3A_66, %dma_wait3A_98] : memref<10112x128xf32, #tpu.memory_space<vmem_shared>> -> memref<128x128xf32, #tpu.memory_space<vmem_shared>>
      tpu.wait_dma2 semaphore(%run_scoped3A : memref<!tpu.dma_semaphore, #tpu.memory_space<semaphore_mem>>) src(%arg10 : memref<128x128xf32, #tpu.memory_space<vmem>>) dst(%dma_wait3A_99 : memref<128x128xf32, #tpu.memory_space<vmem_shared>>)
      tpu.yield
    }) : () -> ()
    %mul3A_67 = arith.constant 632 : i32
    %mul3A_68 = arith.muli %arg1, %mul3A_67 : i32
    %add3A_69 = arith.constant 256 : i32
    %add3A_70 = arith.addi %mul3A_68, %add3A_69 : i32
    "tpu.region"() ({
      %run_scoped3A = tpu.sem_alloc : memref<!tpu.dma_semaphore, #tpu.memory_space<semaphore_mem>>
      %dma_start3A_93 = arith.constant 0 : i32
      %dma_start3A_94 = tpu.memref_slice %arg11[%add3A_70, %dma_start3A_93] : memref<10112x128xf32, #tpu.memory_space<vmem_shared>> -> memref<128x128xf32, #tpu.memory_space<vmem_shared>>
      %dma_start3A_95 = arith.constant 0 : i32
      %dma_start3A_96 = tpu.memref_slice %arg11[%add3A_70, %dma_start3A_95] : memref<10112x128xf32, #tpu.memory_space<vmem_shared>> -> memref<128x128xf32, #tpu.memory_space<vmem_shared>>
      tpu.enqueue_dma source(%arg10 : memref<128x128xf32, #tpu.memory_space<vmem>>) target(%dma_start3A_96 : memref<128x128xf32, #tpu.memory_space<vmem_shared>>) target_semaphore(%run_scoped3A : memref<!tpu.dma_semaphore, #tpu.memory_space<semaphore_mem>>)
      %dma_wait3A = arith.constant 0 : i32
      %dma_wait3A_97 = tpu.memref_slice %arg11[%add3A_70, %dma_wait3A] : memref<10112x128xf32, #tpu.memory_space<vmem_shared>> -> memref<128x128xf32, #tpu.memory_space<vmem_shared>>
      %dma_wait3A_98 = arith.constant 0 : i32
      %dma_wait3A_99 = tpu.memref_slice %arg11[%add3A_70, %dma_wait3A_98] : memref<10112x128xf32, #tpu.memory_space<vmem_shared>> -> memref<128x128xf32, #tpu.memory_space<vmem_shared>>
      tpu.wait_dma2 semaphore(%run_scoped3A : memref<!tpu.dma_semaphore, #tpu.memory_space<semaphore_mem>>) src(%arg10 : memref<128x128xf32, #tpu.memory_space<vmem>>) dst(%dma_wait3A_99 : memref<128x128xf32, #tpu.memory_space<vmem_shared>>)
      tpu.yield
    }) : () -> ()
    %mul3A_71 = arith.constant 632 : i32
    %mul3A_72 = arith.muli %arg1, %mul3A_71 : i32
    %add3A_73 = arith.constant 384 : i32
    %add3A_74 = arith.addi %mul3A_72, %add3A_73 : i32
    "tpu.region"() ({
      %run_scoped3A = tpu.sem_alloc : memref<!tpu.dma_semaphore, #tpu.memory_space<semaphore_mem>>
      %dma_start3A_93 = arith.constant 0 : i32
      %dma_start3A_94 = tpu.memref_slice %arg11[%add3A_74, %dma_start3A_93] : memref<10112x128xf32, #tpu.memory_space<vmem_shared>> -> memref<128x128xf32, #tpu.memory_space<vmem_shared>>
      %dma_start3A_95 = arith.constant 0 : i32
      %dma_start3A_96 = tpu.memref_slice %arg11[%add3A_74, %dma_start3A_95] : memref<10112x128xf32, #tpu.memory_space<vmem_shared>> -> memref<128x128xf32, #tpu.memory_space<vmem_shared>>
      tpu.enqueue_dma source(%arg10 : memref<128x128xf32, #tpu.memory_space<vmem>>) target(%dma_start3A_96 : memref<128x128xf32, #tpu.memory_space<vmem_shared>>) target_semaphore(%run_scoped3A : memref<!tpu.dma_semaphore, #tpu.memory_space<semaphore_mem>>)
      %dma_wait3A = arith.constant 0 : i32
      %dma_wait3A_97 = tpu.memref_slice %arg11[%add3A_74, %dma_wait3A] : memref<10112x128xf32, #tpu.memory_space<vmem_shared>> -> memref<128x128xf32, #tpu.memory_space<vmem_shared>>
      %dma_wait3A_98 = arith.constant 0 : i32
      %dma_wait3A_99 = tpu.memref_slice %arg11[%add3A_74, %dma_wait3A_98] : memref<10112x128xf32, #tpu.memory_space<vmem_shared>> -> memref<128x128xf32, #tpu.memory_space<vmem_shared>>
      tpu.wait_dma2 semaphore(%run_scoped3A : memref<!tpu.dma_semaphore, #tpu.memory_space<semaphore_mem>>) src(%arg10 : memref<128x128xf32, #tpu.memory_space<vmem>>) dst(%dma_wait3A_99 : memref<128x128xf32, #tpu.memory_space<vmem_shared>>)
      tpu.yield
    }) : () -> ()
    %mul3A_75 = arith.constant 632 : i32
    %mul3A_76 = arith.muli %arg1, %mul3A_75 : i32
    %add3A_77 = arith.constant 512 : i32
    %add3A_78 = arith.addi %mul3A_76, %add3A_77 : i32
    "tpu.region"() ({
      %run_scoped3A = tpu.sem_alloc : memref<!tpu.dma_semaphore, #tpu.memory_space<semaphore_mem>>
      %dma_start3A_93 = arith.constant 0 : i32
      %dma_start3A_94 = arith.constant 0 : i32
      %dma_start3A_95 = tpu.memref_slice %arg10[%dma_start3A_93, %dma_start3A_94] : memref<128x128xf32, #tpu.memory_space<vmem>> -> memref<120x128xf32, #tpu.memory_space<vmem>>
      %dma_start3A_96 = arith.constant 0 : i32
      %dma_start3A_97 = tpu.memref_slice %arg11[%add3A_78, %dma_start3A_96] : memref<10112x128xf32, #tpu.memory_space<vmem_shared>> -> memref<120x128xf32, #tpu.memory_space<vmem_shared>>
      %dma_start3A_98 = arith.constant 0 : i32
      %dma_start3A_99 = tpu.memref_slice %arg11[%add3A_78, %dma_start3A_98] : memref<10112x128xf32, #tpu.memory_space<vmem_shared>> -> memref<120x128xf32, #tpu.memory_space<vmem_shared>>
      %dma_start3A_100 = arith.constant 0 : i32
      %dma_start3A_101 = arith.constant 0 : i32
      %dma_start3A_102 = tpu.memref_slice %arg10[%dma_start3A_100, %dma_start3A_101] : memref<128x128xf32, #tpu.memory_space<vmem>> -> memref<120x128xf32, #tpu.memory_space<vmem>>
      tpu.enqueue_dma source(%dma_start3A_102 : memref<120x128xf32, #tpu.memory_space<vmem>>) target(%dma_start3A_99 : memref<120x128xf32, #tpu.memory_space<vmem_shared>>) target_semaphore(%run_scoped3A : memref<!tpu.dma_semaphore, #tpu.memory_space<semaphore_mem>>)
      %dma_wait3A = arith.constant 0 : i32
      %dma_wait3A_103 = arith.constant 0 : i32
      %dma_wait3A_104 = tpu.memref_slice %arg10[%dma_wait3A, %dma_wait3A_103] : memref<128x128xf32, #tpu.memory_space<vmem>> -> memref<120x128xf32, #tpu.memory_space<vmem>>
      %dma_wait3A_105 = arith.constant 0 : i32
      %dma_wait3A_106 = tpu.memref_slice %arg11[%add3A_78, %dma_wait3A_105] : memref<10112x128xf32, #tpu.memory_space<vmem_shared>> -> memref<120x128xf32, #tpu.memory_space<vmem_shared>>
      %dma_wait3A_107 = arith.constant 0 : i32
      %dma_wait3A_108 = tpu.memref_slice %arg11[%add3A_78, %dma_wait3A_107] : memref<10112x128xf32, #tpu.memory_space<vmem_shared>> -> memref<120x128xf32, #tpu.memory_space<vmem_shared>>
      %dma_wait3A_109 = arith.constant 0 : i32
      %dma_wait3A_110 = arith.constant 0 : i32
      %dma_wait3A_111 = tpu.memref_slice %arg10[%dma_wait3A_109, %dma_wait3A_110] : memref<128x128xf32, #tpu.memory_space<vmem>> -> memref<120x128xf32, #tpu.memory_space<vmem>>
      tpu.wait_dma2 semaphore(%run_scoped3A : memref<!tpu.dma_semaphore, #tpu.memory_space<semaphore_mem>>) src(%dma_wait3A_111 : memref<120x128xf32, #tpu.memory_space<vmem>>) dst(%dma_wait3A_108 : memref<120x128xf32, #tpu.memory_space<vmem_shared>>)
      tpu.yield
    }) : () -> ()
    %barrier3A = arith.constant 0 : index
    tpu.barrier barrier_id(%barrier3A)
    %while3A = arith.constant 0 : i32
    %while3A_79 = arith.constant 0 : i32
    %while3A_80 = arith.subi %select_n3A, %while3A_79 : i32
    %while3A_81 = arith.addi %while3A_79, %while3A_80 : i32
    %while3A_82 = arith.constant 1 : i32
    %while3A_83 = arith.divsi %while3A_80, %while3A_82 : i32
    %while3A_84 = arith.muli %while3A_83, %while3A_82 : i32
    %while3A_85 = arith.addi %while3A_79, %while3A_84 : i32
    %while3A_86 = arith.constant 1 : i32
    scf.for %while3A_93 = %while3A_79 to %while3A_85 step %while3A_86  : i32 {
      %dma_start3A_94 = arith.constant 0 : i32
      %dma_start3A_95 = arith.constant 0 : i32
      %dma_start3A_96 = tpu.memref_slice %arg10[%dma_start3A_94, %dma_start3A_95] : memref<128x128xf32, #tpu.memory_space<vmem>> -> memref<32x128xf32, #tpu.memory_space<vmem>>
      %dma_start3A_97 = arith.constant 0 : i32
      %dma_start3A_98 = tpu.memref_slice %arg7[%while3A_93, %dma_start3A_97] : memref<108x128xi32, #tpu.memory_space<vmem>> -> memref<1x32xi32, #tpu.memory_space<vmem>>
      %dma_start3A_99 = tpu.memref_squeeze %dma_start3A_98 : memref<1x32xi32, #tpu.memory_space<vmem>> -> memref<32xi32, #tpu.memory_space<vmem>>
      %dma_start3A_100 = arith.constant 0 : i32
      %dma_start3A_101 = arith.constant 0 : i32
      %dma_start3A_102 = tpu.memref_slice %arg2[%dma_start3A_100, %dma_start3A_101] : memref<10000x128xf32, #tpu.memory_space<hbm>> -> memref<10000x128xf32, #tpu.memory_space<hbm>>
      tpu.enqueue_indirect_dma source(%dma_start3A_102 : memref<10000x128xf32, #tpu.memory_space<hbm>>) target(%dma_start3A_96 : memref<32x128xf32, #tpu.memory_space<vmem>>) offsets(%dma_start3A_99 : memref<32xi32, #tpu.memory_space<vmem>>) semaphore(%arg12 : memref<!tpu.dma_semaphore, #tpu.memory_space<semaphore_mem>>)
      %dma_start3A_103 = arith.constant 32 : i32
      %dma_start3A_104 = arith.constant 0 : i32
      %dma_start3A_105 = tpu.memref_slice %arg10[%dma_start3A_103, %dma_start3A_104] : memref<128x128xf32, #tpu.memory_space<vmem>> -> memref<32x128xf32, #tpu.memory_space<vmem>>
      %dma_start3A_106 = arith.constant 32 : i32
      %dma_start3A_107 = tpu.memref_slice %arg7[%while3A_93, %dma_start3A_106] : memref<108x128xi32, #tpu.memory_space<vmem>> -> memref<1x32xi32, #tpu.memory_space<vmem>>
      %dma_start3A_108 = tpu.memref_squeeze %dma_start3A_107 : memref<1x32xi32, #tpu.memory_space<vmem>> -> memref<32xi32, #tpu.memory_space<vmem>>
      %dma_start3A_109 = arith.constant 0 : i32
      %dma_start3A_110 = arith.constant 0 : i32
      %dma_start3A_111 = tpu.memref_slice %arg2[%dma_start3A_109, %dma_start3A_110] : memref<10000x128xf32, #tpu.memory_space<hbm>> -> memref<10000x128xf32, #tpu.memory_space<hbm>>
      tpu.enqueue_indirect_dma source(%dma_start3A_111 : memref<10000x128xf32, #tpu.memory_space<hbm>>) target(%dma_start3A_105 : memref<32x128xf32, #tpu.memory_space<vmem>>) offsets(%dma_start3A_108 : memref<32xi32, #tpu.memory_space<vmem>>) semaphore(%arg13 : memref<!tpu.dma_semaphore, #tpu.memory_space<semaphore_mem>>)
      %dma_start3A_112 = arith.constant 64 : i32
      %dma_start3A_113 = arith.constant 0 : i32
      %dma_start3A_114 = tpu.memref_slice %arg10[%dma_start3A_112, %dma_start3A_113] : memref<128x128xf32, #tpu.memory_space<vmem>> -> memref<32x128xf32, #tpu.memory_space<vmem>>
      %dma_start3A_115 = arith.constant 64 : i32
      %dma_start3A_116 = tpu.memref_slice %arg7[%while3A_93, %dma_start3A_115] : memref<108x128xi32, #tpu.memory_space<vmem>> -> memref<1x32xi32, #tpu.memory_space<vmem>>
      %dma_start3A_117 = tpu.memref_squeeze %dma_start3A_116 : memref<1x32xi32, #tpu.memory_space<vmem>> -> memref<32xi32, #tpu.memory_space<vmem>>
      %dma_start3A_118 = arith.constant 0 : i32
      %dma_start3A_119 = arith.constant 0 : i32
      %dma_start3A_120 = tpu.memref_slice %arg2[%dma_start3A_118, %dma_start3A_119] : memref<10000x128xf32, #tpu.memory_space<hbm>> -> memref<10000x128xf32, #tpu.memory_space<hbm>>
      tpu.enqueue_indirect_dma source(%dma_start3A_120 : memref<10000x128xf32, #tpu.memory_space<hbm>>) target(%dma_start3A_114 : memref<32x128xf32, #tpu.memory_space<vmem>>) offsets(%dma_start3A_117 : memref<32xi32, #tpu.memory_space<vmem>>) semaphore(%arg14 : memref<!tpu.dma_semaphore, #tpu.memory_space<semaphore_mem>>)
      %dma_start3A_121 = arith.constant 96 : i32
      %dma_start3A_122 = arith.constant 0 : i32
      %dma_start3A_123 = tpu.memref_slice %arg10[%dma_start3A_121, %dma_start3A_122] : memref<128x128xf32, #tpu.memory_space<vmem>> -> memref<32x128xf32, #tpu.memory_space<vmem>>
      %dma_start3A_124 = arith.constant 96 : i32
      %dma_start3A_125 = tpu.memref_slice %arg7[%while3A_93, %dma_start3A_124] : memref<108x128xi32, #tpu.memory_space<vmem>> -> memref<1x32xi32, #tpu.memory_space<vmem>>
      %dma_start3A_126 = tpu.memref_squeeze %dma_start3A_125 : memref<1x32xi32, #tpu.memory_space<vmem>> -> memref<32xi32, #tpu.memory_space<vmem>>
      %dma_start3A_127 = arith.constant 0 : i32
      %dma_start3A_128 = arith.constant 0 : i32
      %dma_start3A_129 = tpu.memref_slice %arg2[%dma_start3A_127, %dma_start3A_128] : memref<10000x128xf32, #tpu.memory_space<hbm>> -> memref<10000x128xf32, #tpu.memory_space<hbm>>
      tpu.enqueue_indirect_dma source(%dma_start3A_129 : memref<10000x128xf32, #tpu.memory_space<hbm>>) target(%dma_start3A_123 : memref<32x128xf32, #tpu.memory_space<vmem>>) offsets(%dma_start3A_126 : memref<32xi32, #tpu.memory_space<vmem>>) semaphore(%arg15 : memref<!tpu.dma_semaphore, #tpu.memory_space<semaphore_mem>>)
      %dma_wait3A = arith.constant 0 : i32
      %dma_wait3A_130 = arith.constant 0 : i32
      %dma_wait3A_131 = tpu.memref_slice %arg10[%dma_wait3A, %dma_wait3A_130] : memref<128x128xf32, #tpu.memory_space<vmem>> -> memref<32x128xf32, #tpu.memory_space<vmem>>
      %dma_wait3A_132 = arith.constant 0 : i32
      %dma_wait3A_133 = tpu.memref_slice %arg7[%while3A_93, %dma_wait3A_132] : memref<108x128xi32, #tpu.memory_space<vmem>> -> memref<1x32xi32, #tpu.memory_space<vmem>>
      %dma_wait3A_134 = tpu.memref_squeeze %dma_wait3A_133 : memref<1x32xi32, #tpu.memory_space<vmem>> -> memref<32xi32, #tpu.memory_space<vmem>>
      %dma_wait3A_135 = arith.constant 0 : i32
      %dma_wait3A_136 = arith.constant 0 : i32
      %dma_wait3A_137 = tpu.memref_slice %arg2[%dma_wait3A_135, %dma_wait3A_136] : memref<10000x128xf32, #tpu.memory_space<hbm>> -> memref<10000x128xf32, #tpu.memory_space<hbm>>
      tpu.wait_indirect_dma semaphore(%arg12 : memref<!tpu.dma_semaphore, #tpu.memory_space<semaphore_mem>>) src(%dma_wait3A_137 : memref<10000x128xf32, #tpu.memory_space<hbm>>) dst(%dma_wait3A_131 : memref<32x128xf32, #tpu.memory_space<vmem>>)
      %dma_wait3A_138 = arith.constant 32 : i32
      %dma_wait3A_139 = arith.constant 0 : i32
      %dma_wait3A_140 = tpu.memref_slice %arg10[%dma_wait3A_138, %dma_wait3A_139] : memref<128x128xf32, #tpu.memory_space<vmem>> -> memref<32x128xf32, #tpu.memory_space<vmem>>
      %dma_wait3A_141 = arith.constant 32 : i32
      %dma_wait3A_142 = tpu.memref_slice %arg7[%while3A_93, %dma_wait3A_141] : memref<108x128xi32, #tpu.memory_space<vmem>> -> memref<1x32xi32, #tpu.memory_space<vmem>>
      %dma_wait3A_143 = tpu.memref_squeeze %dma_wait3A_142 : memref<1x32xi32, #tpu.memory_space<vmem>> -> memref<32xi32, #tpu.memory_space<vmem>>
      %dma_wait3A_144 = arith.constant 0 : i32
      %dma_wait3A_145 = arith.constant 0 : i32
      %dma_wait3A_146 = tpu.memref_slice %arg2[%dma_wait3A_144, %dma_wait3A_145] : memref<10000x128xf32, #tpu.memory_space<hbm>> -> memref<10000x128xf32, #tpu.memory_space<hbm>>
      tpu.wait_indirect_dma semaphore(%arg13 : memref<!tpu.dma_semaphore, #tpu.memory_space<semaphore_mem>>) src(%dma_wait3A_146 : memref<10000x128xf32, #tpu.memory_space<hbm>>) dst(%dma_wait3A_140 : memref<32x128xf32, #tpu.memory_space<vmem>>)
      %dma_wait3A_147 = arith.constant 64 : i32
      %dma_wait3A_148 = arith.constant 0 : i32
      %dma_wait3A_149 = tpu.memref_slice %arg10[%dma_wait3A_147, %dma_wait3A_148] : memref<128x128xf32, #tpu.memory_space<vmem>> -> memref<32x128xf32, #tpu.memory_space<vmem>>
      %dma_wait3A_150 = arith.constant 64 : i32
      %dma_wait3A_151 = tpu.memref_slice %arg7[%while3A_93, %dma_wait3A_150] : memref<108x128xi32, #tpu.memory_space<vmem>> -> memref<1x32xi32, #tpu.memory_space<vmem>>
      %dma_wait3A_152 = tpu.memref_squeeze %dma_wait3A_151 : memref<1x32xi32, #tpu.memory_space<vmem>> -> memref<32xi32, #tpu.memory_space<vmem>>
      %dma_wait3A_153 = arith.constant 0 : i32
      %dma_wait3A_154 = arith.constant 0 : i32
      %dma_wait3A_155 = tpu.memref_slice %arg2[%dma_wait3A_153, %dma_wait3A_154] : memref<10000x128xf32, #tpu.memory_space<hbm>> -> memref<10000x128xf32, #tpu.memory_space<hbm>>
      tpu.wait_indirect_dma semaphore(%arg14 : memref<!tpu.dma_semaphore, #tpu.memory_space<semaphore_mem>>) src(%dma_wait3A_155 : memref<10000x128xf32, #tpu.memory_space<hbm>>) dst(%dma_wait3A_149 : memref<32x128xf32, #tpu.memory_space<vmem>>)
      %dma_wait3A_156 = arith.constant 96 : i32
      %dma_wait3A_157 = arith.constant 0 : i32
      %dma_wait3A_158 = tpu.memref_slice %arg10[%dma_wait3A_156, %dma_wait3A_157] : memref<128x128xf32, #tpu.memory_space<vmem>> -> memref<32x128xf32, #tpu.memory_space<vmem>>
      %dma_wait3A_159 = arith.constant 96 : i32
      %dma_wait3A_160 = tpu.memref_slice %arg7[%while3A_93, %dma_wait3A_159] : memref<108x128xi32, #tpu.memory_space<vmem>> -> memref<1x32xi32, #tpu.memory_space<vmem>>
      %dma_wait3A_161 = tpu.memref_squeeze %dma_wait3A_160 : memref<1x32xi32, #tpu.memory_space<vmem>> -> memref<32xi32, #tpu.memory_space<vmem>>
      %dma_wait3A_162 = arith.constant 0 : i32
      %dma_wait3A_163 = arith.constant 0 : i32
      %dma_wait3A_164 = tpu.memref_slice %arg2[%dma_wait3A_162, %dma_wait3A_163] : memref<10000x128xf32, #tpu.memory_space<hbm>> -> memref<10000x128xf32, #tpu.memory_space<hbm>>
      tpu.wait_indirect_dma semaphore(%arg15 : memref<!tpu.dma_semaphore, #tpu.memory_space<semaphore_mem>>) src(%dma_wait3A_164 : memref<10000x128xf32, #tpu.memory_space<hbm>>) dst(%dma_wait3A_158 : memref<32x128xf32, #tpu.memory_space<vmem>>)
      %rem3A = arith.constant 4 : i32
      %rem3A_165 = arith.remsi %while3A_93, %rem3A : i32
      %dma_wait3A_166 = arith.constant 0 : i32
      %dma_wait3A_167 = arith.constant 0 : i32
      %dma_wait3A_168 = tpu.memref_slice %arg9[%rem3A_165, %dma_wait3A_167] : memref<4x128xf32, #tpu.memory_space<vmem>> -> memref<1x128xf32, #tpu.memory_space<vmem>>
      %dma_wait3A_169 = tpu.memref_squeeze %dma_wait3A_168 : memref<1x128xf32, #tpu.memory_space<vmem>> -> memref<128xf32, #tpu.memory_space<vmem>>
      %dma_wait3A_170 = arith.constant 0 : i32
      %dma_wait3A_171 = tpu.memref_slice %arg5[%add3A, %dma_wait3A_166, %dma_wait3A_170] : memref<32x108x128xf32, #tpu.memory_space<hbm>> -> memref<1x1x128xf32, #tpu.memory_space<hbm>>
      %dma_wait3A_172 = tpu.memref_squeeze %dma_wait3A_171 : memref<1x1x128xf32, #tpu.memory_space<hbm>> -> memref<128xf32, #tpu.memory_space<hbm>>
      %dma_wait3A_173 = tpu.memref_slice %arg16[%rem3A_165] : memref<4x!tpu.dma_semaphore, #tpu.memory_space<semaphore_mem>> -> memref<1x!tpu.dma_semaphore, #tpu.memory_space<semaphore_mem>>
      %dma_wait3A_174 = tpu.memref_squeeze %dma_wait3A_173 : memref<1x!tpu.dma_semaphore, #tpu.memory_space<semaphore_mem>> -> memref<!tpu.dma_semaphore, #tpu.memory_space<semaphore_mem>>
      %dma_wait3A_175 = arith.constant 0 : i32
      %dma_wait3A_176 = tpu.memref_slice %arg9[%rem3A_165, %dma_wait3A_175] : memref<4x128xf32, #tpu.memory_space<vmem>> -> memref<1x128xf32, #tpu.memory_space<vmem>>
      %dma_wait3A_177 = tpu.memref_squeeze %dma_wait3A_176 : memref<1x128xf32, #tpu.memory_space<vmem>> -> memref<128xf32, #tpu.memory_space<vmem>>
      %dma_wait3A_178 = arith.constant 0 : i32
      %dma_wait3A_179 = tpu.memref_slice %arg5[%add3A, %dma_wait3A_166, %dma_wait3A_178] : memref<32x108x128xf32, #tpu.memory_space<hbm>> -> memref<1x1x128xf32, #tpu.memory_space<hbm>>
      %dma_wait3A_180 = tpu.memref_squeeze %dma_wait3A_179 : memref<1x1x128xf32, #tpu.memory_space<hbm>> -> memref<128xf32, #tpu.memory_space<hbm>>
      tpu.wait_dma2 semaphore(%dma_wait3A_174 : memref<!tpu.dma_semaphore, #tpu.memory_space<semaphore_mem>>) src(%dma_wait3A_180 : memref<128xf32, #tpu.memory_space<hbm>>) dst(%dma_wait3A_177 : memref<128xf32, #tpu.memory_space<vmem>>)
      %scan3A_181 = arith.constant 0 : i32
      %scan3A_182 = arith.constant 0 : i32
      %scan3A_183 = arith.constant 8 : i32
      %scan3A_184 = arith.addi %scan3A_182, %scan3A_183 : i32
      %scan3A_185 = arith.constant 1 : i32
      scf.for %scan3A_191 = %scan3A_182 to %scan3A_184 step %scan3A_185  : i32 {
        %mul3A_192 = arith.constant 16 : i32
        %mul3A_193 = arith.muli %scan3A_191, %mul3A_192 : i32
        %get3A = arith.index_cast %rem3A_165 : i32 to index
        %get3A_194 = arith.index_cast %mul3A_193 : i32 to index
        %get3A_195 = tpu.vector_load %arg9[%get3A, %get3A_194] {strides = array<i32>} : memref<4x128xf32, #tpu.memory_space<vmem>>, vector<1x16xf32>,
        %get3A_196 = vector.shape_cast %get3A_195 : vector<1x16xf32> to vector<16xf32>
        %mul3A_197 = arith.constant 16 : i32
        %mul3A_198 = arith.muli %scan3A_191, %mul3A_197 : i32
        %slice3A = vector.extract_strided_slice %get3A_196 {offsets = [0], sizes = [1], strides = [1]} : vector<16xf32> to vector<1xf32>
        %squeeze3A = vector.extract %slice3A[0] : f32 from vector<1xf32>
        %add3A_199 = arith.constant 0 : i32
        %add3A_200 = arith.addi %mul3A_198, %add3A_199 : i32
        %get3A_201 = arith.index_cast %add3A_200 : i32 to index
        %get3A_202 = arith.constant 0 : index
        %get3A_203 = tpu.vector_load %arg10[%get3A_201, %get3A_202] {strides = array<i32>} : memref<128x128xf32, #tpu.memory_space<vmem>>, vector<1x16xf32>,
        %get3A_204 = vector.shape_cast %get3A_203 : vector<1x16xf32> to vector<16xf32>
        %mul3A_205 = vector.broadcast %squeeze3A : f32 to vector<16xf32>
        %mul3A_206 = arith.mulf %get3A_204, %mul3A_205 : vector<16xf32>
        %add3A_207 = arith.constant 0 : i32
        %add3A_208 = arith.addi %mul3A_198, %add3A_207 : i32
        %swap3A = arith.index_cast %add3A_208 : i32 to index
        %swap3A_209 = arith.constant 0 : index
        %swap3A_210 = tpu.vector_load %arg10[%swap3A, %swap3A_209] {strides = array<i32>} : memref<128x128xf32, #tpu.memory_space<vmem>>, vector<1x16xf32>,
        %swap3A_211 = vector.shape_cast %swap3A_210 : vector<1x16xf32> to vector<16xf32>
        %swap3A_212 = vector.shape_cast %mul3A_206 : vector<16xf32> to vector<1x16xf32>
        tpu.vector_store %arg10[%swap3A, %swap3A_209], %swap3A_212 {strides = array<i32>} : memref<128x128xf32, #tpu.memory_space<vmem>>, vector<1x16xf32>,
        %add3A_213 = arith.constant 0 : i32
        %add3A_214 = arith.addi %mul3A_198, %add3A_213 : i32
        %get3A_215 = arith.index_cast %add3A_214 : i32 to index
        %get3A_216 = arith.constant 16 : index
        %get3A_217 = tpu.vector_load %arg10[%get3A_215, %get3A_216] {strides = array<i32>} : memref<128x128xf32, #tpu.memory_space<vmem>>, vector<1x16xf32>,
        %get3A_218 = vector.shape_cast %get3A_217 : vector<1x16xf32> to vector<16xf32>
        %mul3A_219 = vector.broadcast %squeeze3A : f32 to vector<16xf32>
        %mul3A_220 = arith.mulf %get3A_218, %mul3A_219 : vector<16xf32>
        %add3A_221 = arith.constant 0 : i32
        %add3A_222 = arith.addi %mul3A_198, %add3A_221 : i32
        %swap3A_223 = arith.index_cast %add3A_222 : i32 to index
        %swap3A_224 = arith.constant 16 : index
        %swap3A_225 = tpu.vector_load %arg10[%swap3A_223, %swap3A_224] {strides = array<i32>} : memref<128x128xf32, #tpu.memory_space<vmem>>, vector<1x16xf32>,
        %swap3A_226 = vector.shape_cast %swap3A_225 : vector<1x16xf32> to vector<16xf32>
        %swap3A_227 = vector.shape_cast %mul3A_220 : vector<16xf32> to vector<1x16xf32>
        tpu.vector_store %arg10[%swap3A_223, %swap3A_224], %swap3A_227 {strides = array<i32>} : memref<128x128xf32, #tpu.memory_space<vmem>>, vector<1x16xf32>,
        %add3A_228 = arith.constant 0 : i32
        %add3A_229 = arith.addi %mul3A_198, %add3A_228 : i32
        %get3A_230 = arith.index_cast %add3A_229 : i32 to index
        %get3A_231 = arith.constant 32 : index
        %get3A_232 = tpu.vector_load %arg10[%get3A_230, %get3A_231] {strides = array<i32>} : memref<128x128xf32, #tpu.memory_space<vmem>>, vector<1x16xf32>,
        %get3A_233 = vector.shape_cast %get3A_232 : vector<1x16xf32> to vector<16xf32>
        %mul3A_234 = vector.broadcast %squeeze3A : f32 to vector<16xf32>
        %mul3A_235 = arith.mulf %get3A_233, %mul3A_234 : vector<16xf32>
        %add3A_236 = arith.constant 0 : i32
        %add3A_237 = arith.addi %mul3A_198, %add3A_236 : i32
        %swap3A_238 = arith.index_cast %add3A_237 : i32 to index
        %swap3A_239 = arith.constant 32 : index
        %swap3A_240 = tpu.vector_load %arg10[%swap3A_238, %swap3A_239] {strides = array<i32>} : memref<128x128xf32, #tpu.memory_space<vmem>>, vector<1x16xf32>,
        %swap3A_241 = vector.shape_cast %swap3A_240 : vector<1x16xf32> to vector<16xf32>
        %swap3A_242 = vector.shape_cast %mul3A_235 : vector<16xf32> to vector<1x16xf32>
        tpu.vector_store %arg10[%swap3A_238, %swap3A_239], %swap3A_242 {strides = array<i32>} : memref<128x128xf32, #tpu.memory_space<vmem>>, vector<1x16xf32>,
        %add3A_243 = arith.constant 0 : i32
        %add3A_244 = arith.addi %mul3A_198, %add3A_243 : i32
        %get3A_245 = arith.index_cast %add3A_244 : i32 to index
        %get3A_246 = arith.constant 48 : index
        %get3A_247 = tpu.vector_load %arg10[%get3A_245, %get3A_246] {strides = array<i32>} : memref<128x128xf32, #tpu.memory_space<vmem>>, vector<1x16xf32>,
        %get3A_248 = vector.shape_cast %get3A_247 : vector<1x16xf32> to vector<16xf32>
        %mul3A_249 = vector.broadcast %squeeze3A : f32 to vector<16xf32>
        %mul3A_250 = arith.mulf %get3A_248, %mul3A_249 : vector<16xf32>
        %add3A_251 = arith.constant 0 : i32
        %add3A_252 = arith.addi %mul3A_198, %add3A_251 : i32
        %swap3A_253 = arith.index_cast %add3A_252 : i32 to index
        %swap3A_254 = arith.constant 48 : index
        %swap3A_255 = tpu.vector_load %arg10[%swap3A_253, %swap3A_254] {strides = array<i32>} : memref<128x128xf32, #tpu.memory_space<vmem>>, vector<1x16xf32>,
        %swap3A_256 = vector.shape_cast %swap3A_255 : vector<1x16xf32> to vector<16xf32>
        %swap3A_257 = vector.shape_cast %mul3A_250 : vector<16xf32> to vector<1x16xf32>
        tpu.vector_store %arg10[%swap3A_253, %swap3A_254], %swap3A_257 {strides = array<i32>} : memref<128x128xf32, #tpu.memory_space<vmem>>, vector<1x16xf32>,
        %add3A_258 = arith.constant 0 : i32
        %add3A_259 = arith.addi %mul3A_198, %add3A_258 : i32
        %get3A_260 = arith.index_cast %add3A_259 : i32 to index
        %get3A_261 = arith.constant 64 : index
        %get3A_262 = tpu.vector_load %arg10[%get3A_260, %get3A_261] {strides = array<i32>} : memref<128x128xf32, #tpu.memory_space<vmem>>, vector<1x16xf32>,
        %get3A_263 = vector.shape_cast %get3A_262 : vector<1x16xf32> to vector<16xf32>
        %mul3A_264 = vector.broadcast %squeeze3A : f32 to vector<16xf32>
        %mul3A_265 = arith.mulf %get3A_263, %mul3A_264 : vector<16xf32>
        %add3A_266 = arith.constant 0 : i32
        %add3A_267 = arith.addi %mul3A_198, %add3A_266 : i32
        %swap3A_268 = arith.index_cast %add3A_267 : i32 to index
        %swap3A_269 = arith.constant 64 : index
        %swap3A_270 = tpu.vector_load %arg10[%swap3A_268, %swap3A_269] {strides = array<i32>} : memref<128x128xf32, #tpu.memory_space<vmem>>, vector<1x16xf32>,
        %swap3A_271 = vector.shape_cast %swap3A_270 : vector<1x16xf32> to vector<16xf32>
        %swap3A_272 = vector.shape_cast %mul3A_265 : vector<16xf32> to vector<1x16xf32>
        tpu.vector_store %arg10[%swap3A_268, %swap3A_269], %swap3A_272 {strides = array<i32>} : memref<128x128xf32, #tpu.memory_space<vmem>>, vector<1x16xf32>,
        %add3A_273 = arith.constant 0 : i32
        %add3A_274 = arith.addi %mul3A_198, %add3A_273 : i32
        %get3A_275 = arith.index_cast %add3A_274 : i32 to index
        %get3A_276 = arith.constant 80 : index
        %get3A_277 = tpu.vector_load %arg10[%get3A_275, %get3A_276] {strides = array<i32>} : memref<128x128xf32, #tpu.memory_space<vmem>>, vector<1x16xf32>,
        %get3A_278 = vector.shape_cast %get3A_277 : vector<1x16xf32> to vector<16xf32>
        %mul3A_279 = vector.broadcast %squeeze3A : f32 to vector<16xf32>
        %mul3A_280 = arith.mulf %get3A_278, %mul3A_279 : vector<16xf32>
        %add3A_281 = arith.constant 0 : i32
        %add3A_282 = arith.addi %mul3A_198, %add3A_281 : i32
        %swap3A_283 = arith.index_cast %add3A_282 : i32 to index
        %swap3A_284 = arith.constant 80 : index
        %swap3A_285 = tpu.vector_load %arg10[%swap3A_283, %swap3A_284] {strides = array<i32>} : memref<128x128xf32, #tpu.memory_space<vmem>>, vector<1x16xf32>,
        %swap3A_286 = vector.shape_cast %swap3A_285 : vector<1x16xf32> to vector<16xf32>
        %swap3A_287 = vector.shape_cast %mul3A_280 : vector<16xf32> to vector<1x16xf32>
        tpu.vector_store %arg10[%swap3A_283, %swap3A_284], %swap3A_287 {strides = array<i32>} : memref<128x128xf32, #tpu.memory_space<vmem>>, vector<1x16xf32>,
        %add3A_288 = arith.constant 0 : i32
        %add3A_289 = arith.addi %mul3A_198, %add3A_288 : i32
        %get3A_290 = arith.index_cast %add3A_289 : i32 to index
        %get3A_291 = arith.constant 96 : index
        %get3A_292 = tpu.vector_load %arg10[%get3A_290, %get3A_291] {strides = array<i32>} : memref<128x128xf32, #tpu.memory_space<vmem>>, vector<1x16xf32>,
        %get3A_293 = vector.shape_cast %get3A_292 : vector<1x16xf32> to vector<16xf32>
        %mul3A_294 = vector.broadcast %squeeze3A : f32 to vector<16xf32>
        %mul3A_295 = arith.mulf %get3A_293, %mul3A_294 : vector<16xf32>
        %add3A_296 = arith.constant 0 : i32
        %add3A_297 = arith.addi %mul3A_198, %add3A_296 : i32
        %swap3A_298 = arith.index_cast %add3A_297 : i32 to index
        %swap3A_299 = arith.constant 96 : index
        %swap3A_300 = tpu.vector_load %arg10[%swap3A_298, %swap3A_299] {strides = array<i32>} : memref<128x128xf32, #tpu.memory_space<vmem>>, vector<1x16xf32>,
        %swap3A_301 = vector.shape_cast %swap3A_300 : vector<1x16xf32> to vector<16xf32>
        %swap3A_302 = vector.shape_cast %mul3A_295 : vector<16xf32> to vector<1x16xf32>
        tpu.vector_store %arg10[%swap3A_298, %swap3A_299], %swap3A_302 {strides = array<i32>} : memref<128x128xf32, #tpu.memory_space<vmem>>, vector<1x16xf32>,
        %add3A_303 = arith.constant 0 : i32
        %add3A_304 = arith.addi %mul3A_198, %add3A_303 : i32
        %get3A_305 = arith.index_cast %add3A_304 : i32 to index
        %get3A_306 = arith.constant 112 : index
        %get3A_307 = tpu.vector_load %arg10[%get3A_305, %get3A_306] {strides = array<i32>} : memref<128x128xf32, #tpu.memory_space<vmem>>, vector<1x16xf32>,
        %get3A_308 = vector.shape_cast %get3A_307 : vector<1x16xf32> to vector<16xf32>
        %mul3A_309 = vector.broadcast %squeeze3A : f32 to vector<16xf32>
        %mul3A_310 = arith.mulf %get3A_308, %mul3A_309 : vector<16xf32>
        %add3A_311 = arith.constant 0 : i32
        %add3A_312 = arith.addi %mul3A_198, %add3A_311 : i32
        %swap3A_313 = arith.index_cast %add3A_312 : i32 to index
        %swap3A_314 = arith.constant 112 : index
        %swap3A_315 = tpu.vector_load %arg10[%swap3A_313, %swap3A_314] {strides = array<i32>} : memref<128x128xf32, #tpu.memory_space<vmem>>, vector<1x16xf32>,
        %swap3A_316 = vector.shape_cast %swap3A_315 : vector<1x16xf32> to vector<16xf32>
        %swap3A_317 = vector.shape_cast %mul3A_310 : vector<16xf32> to vector<1x16xf32>
        tpu.vector_store %arg10[%swap3A_313, %swap3A_314], %swap3A_317 {strides = array<i32>} : memref<128x128xf32, #tpu.memory_space<vmem>>, vector<1x16xf32>,
        %slice3A_318 = vector.extract_strided_slice %get3A_196 {offsets = [1], sizes = [1], strides = [1]} : vector<16xf32> to vector<1xf32>
        %squeeze3A_319 = vector.extract %slice3A_318[0] : f32 from vector<1xf32>
        %add3A_320 = arith.constant 1 : i32
        %add3A_321 = arith.addi %mul3A_198, %add3A_320 : i32
        %get3A_322 = arith.index_cast %add3A_321 : i32 to index
        %get3A_323 = arith.constant 0 : index
        %get3A_324 = tpu.vector_load %arg10[%get3A_322, %get3A_323] {strides = array<i32>} : memref<128x128xf32, #tpu.memory_space<vmem>>, vector<1x16xf32>,
        %get3A_325 = vector.shape_cast %get3A_324 : vector<1x16xf32> to vector<16xf32>
        %mul3A_326 = vector.broadcast %squeeze3A_319 : f32 to vector<16xf32>
        %mul3A_327 = arith.mulf %get3A_325, %mul3A_326 : vector<16xf32>
        %add3A_328 = arith.constant 1 : i32
        %add3A_329 = arith.addi %mul3A_198, %add3A_328 : i32
        %swap3A_330 = arith.index_cast %add3A_329 : i32 to index
        %swap3A_331 = arith.constant 0 : index
        %swap3A_332 = tpu.vector_load %arg10[%swap3A_330, %swap3A_331] {strides = array<i32>} : memref<128x128xf32, #tpu.memory_space<vmem>>, vector<1x16xf32>,
        %swap3A_333 = vector.shape_cast %swap3A_332 : vector<1x16xf32> to vector<16xf32>
        %swap3A_334 = vector.shape_cast %mul3A_327 : vector<16xf32> to vector<1x16xf32>
        tpu.vector_store %arg10[%swap3A_330, %swap3A_331], %swap3A_334 {strides = array<i32>} : memref<128x128xf32, #tpu.memory_space<vmem>>, vector<1x16xf32>,
        %add3A_335 = arith.constant 1 : i32
        %add3A_336 = arith.addi %mul3A_198, %add3A_335 : i32
        %get3A_337 = arith.index_cast %add3A_336 : i32 to index
        %get3A_338 = arith.constant 16 : index
        %get3A_339 = tpu.vector_load %arg10[%get3A_337, %get3A_338] {strides = array<i32>} : memref<128x128xf32, #tpu.memory_space<vmem>>, vector<1x16xf32>,
        %get3A_340 = vector.shape_cast %get3A_339 : vector<1x16xf32> to vector<16xf32>
        %mul3A_341 = vector.broadcast %squeeze3A_319 : f32 to vector<16xf32>
        %mul3A_342 = arith.mulf %get3A_340, %mul3A_341 : vector<16xf32>
        %add3A_343 = arith.constant 1 : i32
        %add3A_344 = arith.addi %mul3A_198, %add3A_343 : i32
        %swap3A_345 = arith.index_cast %add3A_344 : i32 to index
        %swap3A_346 = arith.constant 16 : index
        %swap3A_347 = tpu.vector_load %arg10[%swap3A_345, %swap3A_346] {strides = array<i32>} : memref<128x128xf32, #tpu.memory_space<vmem>>, vector<1x16xf32>,
        %swap3A_348 = vector.shape_cast %swap3A_347 : vector<1x16xf32> to vector<16xf32>
        %swap3A_349 = vector.shape_cast %mul3A_342 : vector<16xf32> to vector<1x16xf32>
        tpu.vector_store %arg10[%swap3A_345, %swap3A_346], %swap3A_349 {strides = array<i32>} : memref<128x128xf32, #tpu.memory_space<vmem>>, vector<1x16xf32>,
        %add3A_350 = arith.constant 1 : i32
        %add3A_351 = arith.addi %mul3A_198, %add3A_350 : i32
        %get3A_352 = arith.index_cast %add3A_351 : i32 to index
        %get3A_353 = arith.constant 32 : index
        %get3A_354 = tpu.vector_load %arg10[%get3A_352, %get3A_353] {strides = array<i32>} : memref<128x128xf32, #tpu.memory_space<vmem>>, vector<1x16xf32>,
        %get3A_355 = vector.shape_cast %get3A_354 : vector<1x16xf32> to vector<16xf32>
        %mul3A_356 = vector.broadcast %squeeze3A_319 : f32 to vector<16xf32>
        %mul3A_357 = arith.mulf %get3A_355, %mul3A_356 : vector<16xf32>
        %add3A_358 = arith.constant 1 : i32
        %add3A_359 = arith.addi %mul3A_198, %add3A_358 : i32
        %swap3A_360 = arith.index_cast %add3A_359 : i32 to index
        %swap3A_361 = arith.constant 32 : index
        %swap3A_362 = tpu.vector_load %arg10[%swap3A_360, %swap3A_361] {strides = array<i32>} : memref<128x128xf32, #tpu.memory_space<vmem>>, vector<1x16xf32>,
        %swap3A_363 = vector.shape_cast %swap3A_362 : vector<1x16xf32> to vector<16xf32>
        %swap3A_364 = vector.shape_cast %mul3A_357 : vector<16xf32> to vector<1x16xf32>
        tpu.vector_store %arg10[%swap3A_360, %swap3A_361], %swap3A_364 {strides = array<i32>} : memref<128x128xf32, #tpu.memory_space<vmem>>, vector<1x16xf32>,
        %add3A_365 = arith.constant 1 : i32
        %add3A_366 = arith.addi %mul3A_198, %add3A_365 : i32
        %get3A_367 = arith.index_cast %add3A_366 : i32 to index
        %get3A_368 = arith.constant 48 : index
        %get3A_369 = tpu.vector_load %arg10[%get3A_367, %get3A_368] {strides = array<i32>} : memref<128x128xf32, #tpu.memory_space<vmem>>, vector<1x16xf32>,
        %get3A_370 = vector.shape_cast %get3A_369 : vector<1x16xf32> to vector<16xf32>
        %mul3A_371 = vector.broadcast %squeeze3A_319 : f32 to vector<16xf32>
        %mul3A_372 = arith.mulf %get3A_370, %mul3A_371 : vector<16xf32>
        %add3A_373 = arith.constant 1 : i32
        %add3A_374 = arith.addi %mul3A_198, %add3A_373 : i32
        %swap3A_375 = arith.index_cast %add3A_374 : i32 to index
        %swap3A_376 = arith.constant 48 : index
        %swap3A_377 = tpu.vector_load %arg10[%swap3A_375, %swap3A_376] {strides = array<i32>} : memref<128x128xf32, #tpu.memory_space<vmem>>, vector<1x16xf32>,
        %swap3A_378 = vector.shape_cast %swap3A_377 : vector<1x16xf32> to vector<16xf32>
        %swap3A_379 = vector.shape_cast %mul3A_372 : vector<16xf32> to vector<1x16xf32>
        tpu.vector_store %arg10[%swap3A_375, %swap3A_376], %swap3A_379 {strides = array<i32>} : memref<128x128xf32, #tpu.memory_space<vmem>>, vector<1x16xf32>,
        %add3A_380 = arith.constant 1 : i32
        %add3A_381 = arith.addi %mul3A_198, %add3A_380 : i32
        %get3A_382 = arith.index_cast %add3A_381 : i32 to index
        %get3A_383 = arith.constant 64 : index
        %get3A_384 = tpu.vector_load %arg10[%get3A_382, %get3A_383] {strides = array<i32>} : memref<128x128xf32, #tpu.memory_space<vmem>>, vector<1x16xf32>,
        %get3A_385 = vector.shape_cast %get3A_384 : vector<1x16xf32> to vector<16xf32>
        %mul3A_386 = vector.broadcast %squeeze3A_319 : f32 to vector<16xf32>
        %mul3A_387 = arith.mulf %get3A_385, %mul3A_386 : vector<16xf32>
        %add3A_388 = arith.constant 1 : i32
        %add3A_389 = arith.addi %mul3A_198, %add3A_388 : i32
        %swap3A_390 = arith.index_cast %add3A_389 : i32 to index
        %swap3A_391 = arith.constant 64 : index
        %swap3A_392 = tpu.vector_load %arg10[%swap3A_390, %swap3A_391] {strides = array<i32>} : memref<128x128xf32, #tpu.memory_space<vmem>>, vector<1x16xf32>,
        %swap3A_393 = vector.shape_cast %swap3A_392 : vector<1x16xf32> to vector<16xf32>
        %swap3A_394 = vector.shape_cast %mul3A_387 : vector<16xf32> to vector<1x16xf32>
        tpu.vector_store %arg10[%swap3A_390, %swap3A_391], %swap3A_394 {strides = array<i32>} : memref<128x128xf32, #tpu.memory_space<vmem>>, vector<1x16xf32>,
        %add3A_395 = arith.constant 1 : i32
        %add3A_396 = arith.addi %mul3A_198, %add3A_395 : i32
        %get3A_397 = arith.index_cast %add3A_396 : i32 to index
        %get3A_398 = arith.constant 80 : index
        %get3A_399 = tpu.vector_load %arg10[%get3A_397, %get3A_398] {strides = array<i32>} : memref<128x128xf32, #tpu.memory_space<vmem>>, vector<1x16xf32>,
        %get3A_400 = vector.shape_cast %get3A_399 : vector<1x16xf32> to vector<16xf32>
        %mul3A_401 = vector.broadcast %squeeze3A_319 : f32 to vector<16xf32>
        %mul3A_402 = arith.mulf %get3A_400, %mul3A_401 : vector<16xf32>
        %add3A_403 = arith.constant 1 : i32
        %add3A_404 = arith.addi %mul3A_198, %add3A_403 : i32
        %swap3A_405 = arith.index_cast %add3A_404 : i32 to index
        %swap3A_406 = arith.constant 80 : index
        %swap3A_407 = tpu.vector_load %arg10[%swap3A_405, %swap3A_406] {strides = array<i32>} : memref<128x128xf32, #tpu.memory_space<vmem>>, vector<1x16xf32>,
        %swap3A_408 = vector.shape_cast %swap3A_407 : vector<1x16xf32> to vector<16xf32>
        %swap3A_409 = vector.shape_cast %mul3A_402 : vector<16xf32> to vector<1x16xf32>
        tpu.vector_store %arg10[%swap3A_405, %swap3A_406], %swap3A_409 {strides = array<i32>} : memref<128x128xf32, #tpu.memory_space<vmem>>, vector<1x16xf32>,
        %add3A_410 = arith.constant 1 : i32
        %add3A_411 = arith.addi %mul3A_198, %add3A_410 : i32
        %get3A_412 = arith.index_cast %add3A_411 : i32 to index
        %get3A_413 = arith.constant 96 : index
        %get3A_414 = tpu.vector_load %arg10[%get3A_412, %get3A_413] {strides = array<i32>} : memref<128x128xf32, #tpu.memory_space<vmem>>, vector<1x16xf32>,
        %get3A_415 = vector.shape_cast %get3A_414 : vector<1x16xf32> to vector<16xf32>
        %mul3A_416 = vector.broadcast %squeeze3A_319 : f32 to vector<16xf32>
        %mul3A_417 = arith.mulf %get3A_415, %mul3A_416 : vector<16xf32>
        %add3A_418 = arith.constant 1 : i32
        %add3A_419 = arith.addi %mul3A_198, %add3A_418 : i32
        %swap3A_420 = arith.index_cast %add3A_419 : i32 to index
        %swap3A_421 = arith.constant 96 : index
        %swap3A_422 = tpu.vector_load %arg10[%swap3A_420, %swap3A_421] {strides = array<i32>} : memref<128x128xf32, #tpu.memory_space<vmem>>, vector<1x16xf32>,
        %swap3A_423 = vector.shape_cast %swap3A_422 : vector<1x16xf32> to vector<16xf32>
        %swap3A_424 = vector.shape_cast %mul3A_417 : vector<16xf32> to vector<1x16xf32>
        tpu.vector_store %arg10[%swap3A_420, %swap3A_421], %swap3A_424 {strides = array<i32>} : memref<128x128xf32, #tpu.memory_space<vmem>>, vector<1x16xf32>,
        %add3A_425 = arith.constant 1 : i32
        %add3A_426 = arith.addi %mul3A_198, %add3A_425 : i32
        %get3A_427 = arith.index_cast %add3A_426 : i32 to index
        %get3A_428 = arith.constant 112 : index
        %get3A_429 = tpu.vector_load %arg10[%get3A_427, %get3A_428] {strides = array<i32>} : memref<128x128xf32, #tpu.memory_space<vmem>>, vector<1x16xf32>,
        %get3A_430 = vector.shape_cast %get3A_429 : vector<1x16xf32> to vector<16xf32>
        %mul3A_431 = vector.broadcast %squeeze3A_319 : f32 to vector<16xf32>
        %mul3A_432 = arith.mulf %get3A_430, %mul3A_431 : vector<16xf32>
        %add3A_433 = arith.constant 1 : i32
        %add3A_434 = arith.addi %mul3A_198, %add3A_433 : i32
        %swap3A_435 = arith.index_cast %add3A_434 : i32 to index
        %swap3A_436 = arith.constant 112 : index
        %swap3A_437 = tpu.vector_load %arg10[%swap3A_435, %swap3A_436] {strides = array<i32>} : memref<128x128xf32, #tpu.memory_space<vmem>>, vector<1x16xf32>,
        %swap3A_438 = vector.shape_cast %swap3A_437 : vector<1x16xf32> to vector<16xf32>
        %swap3A_439 = vector.shape_cast %mul3A_432 : vector<16xf32> to vector<1x16xf32>
        tpu.vector_store %arg10[%swap3A_435, %swap3A_436], %swap3A_439 {strides = array<i32>} : memref<128x128xf32, #tpu.memory_space<vmem>>, vector<1x16xf32>,
        %slice3A_440 = vector.extract_strided_slice %get3A_196 {offsets = [2], sizes = [1], strides = [1]} : vector<16xf32> to vector<1xf32>
        %squeeze3A_441 = vector.extract %slice3A_440[0] : f32 from vector<1xf32>
        %add3A_442 = arith.constant 2 : i32
        %add3A_443 = arith.addi %mul3A_198, %add3A_442 : i32
        %get3A_444 = arith.index_cast %add3A_443 : i32 to index
        %get3A_445 = arith.constant 0 : index
        %get3A_446 = tpu.vector_load %arg10[%get3A_444, %get3A_445] {strides = array<i32>} : memref<128x128xf32, #tpu.memory_space<vmem>>, vector<1x16xf32>,
        %get3A_447 = vector.shape_cast %get3A_446 : vector<1x16xf32> to vector<16xf32>
        %mul3A_448 = vector.broadcast %squeeze3A_441 : f32 to vector<16xf32>
        %mul3A_449 = arith.mulf %get3A_447, %mul3A_448 : vector<16xf32>
        %add3A_450 = arith.constant 2 : i32
        %add3A_451 = arith.addi %mul3A_198, %add3A_450 : i32
        %swap3A_452 = arith.index_cast %add3A_451 : i32 to index
        %swap3A_453 = arith.constant 0 : index
        %swap3A_454 = tpu.vector_load %arg10[%swap3A_452, %swap3A_453] {strides = array<i32>} : memref<128x128xf32, #tpu.memory_space<vmem>>, vector<1x16xf32>,
        %swap3A_455 = vector.shape_cast %swap3A_454 : vector<1x16xf32> to vector<16xf32>
        %swap3A_456 = vector.shape_cast %mul3A_449 : vector<16xf32> to vector<1x16xf32>
        tpu.vector_store %arg10[%swap3A_452, %swap3A_453], %swap3A_456 {strides = array<i32>} : memref<128x128xf32, #tpu.memory_space<vmem>>, vector<1x16xf32>,
        %add3A_457 = arith.constant 2 : i32
        %add3A_458 = arith.addi %mul3A_198, %add3A_457 : i32
        %get3A_459 = arith.index_cast %add3A_458 : i32 to index
        %get3A_460 = arith.constant 16 : index
        %get3A_461 = tpu.vector_load %arg10[%get3A_459, %get3A_460] {strides = array<i32>} : memref<128x128xf32, #tpu.memory_space<vmem>>, vector<1x16xf32>,
        %get3A_462 = vector.shape_cast %get3A_461 : vector<1x16xf32> to vector<16xf32>
        %mul3A_463 = vector.broadcast %squeeze3A_441 : f32 to vector<16xf32>
        %mul3A_464 = arith.mulf %get3A_462, %mul3A_463 : vector<16xf32>
        %add3A_465 = arith.constant 2 : i32
        %add3A_466 = arith.addi %mul3A_198, %add3A_465 : i32
        %swap3A_467 = arith.index_cast %add3A_466 : i32 to index
        %swap3A_468 = arith.constant 16 : index
        %swap3A_469 = tpu.vector_load %arg10[%swap3A_467, %swap3A_468] {strides = array<i32>} : memref<128x128xf32, #tpu.memory_space<vmem>>, vector<1x16xf32>,
        %swap3A_470 = vector.shape_cast %swap3A_469 : vector<1x16xf32> to vector<16xf32>
        %swap3A_471 = vector.shape_cast %mul3A_464 : vector<16xf32> to vector<1x16xf32>
        tpu.vector_store %arg10[%swap3A_467, %swap3A_468], %swap3A_471 {strides = array<i32>} : memref<128x128xf32, #tpu.memory_space<vmem>>, vector<1x16xf32>,
        %add3A_472 = arith.constant 2 : i32
        %add3A_473 = arith.addi %mul3A_198, %add3A_472 : i32
        %get3A_474 = arith.index_cast %add3A_473 : i32 to index
        %get3A_475 = arith.constant 32 : index
        %get3A_476 = tpu.vector_load %arg10[%get3A_474, %get3A_475] {strides = array<i32>} : memref<128x128xf32, #tpu.memory_space<vmem>>, vector<1x16xf32>,
        %get3A_477 = vector.shape_cast %get3A_476 : vector<1x16xf32> to vector<16xf32>
        %mul3A_478 = vector.broadcast %squeeze3A_441 : f32 to vector<16xf32>
        %mul3A_479 = arith.mulf %get3A_477, %mul3A_478 : vector<16xf32>
        %add3A_480 = arith.constant 2 : i32
        %add3A_481 = arith.addi %mul3A_198, %add3A_480 : i32
        %swap3A_482 = arith.index_cast %add3A_481 : i32 to index
        %swap3A_483 = arith.constant 32 : index
        %swap3A_484 = tpu.vector_load %arg10[%swap3A_482, %swap3A_483] {strides = array<i32>} : memref<128x128xf32, #tpu.memory_space<vmem>>, vector<1x16xf32>,
        %swap3A_485 = vector.shape_cast %swap3A_484 : vector<1x16xf32> to vector<16xf32>
        %swap3A_486 = vector.shape_cast %mul3A_479 : vector<16xf32> to vector<1x16xf32>
        tpu.vector_store %arg10[%swap3A_482, %swap3A_483], %swap3A_486 {strides = array<i32>} : memref<128x128xf32, #tpu.memory_space<vmem>>, vector<1x16xf32>,
        %add3A_487 = arith.constant 2 : i32
        %add3A_488 = arith.addi %mul3A_198, %add3A_487 : i32
        %get3A_489 = arith.index_cast %add3A_488 : i32 to index
        %get3A_490 = arith.constant 48 : index
        %get3A_491 = tpu.vector_load %arg10[%get3A_489, %get3A_490] {strides = array<i32>} : memref<128x128xf32, #tpu.memory_space<vmem>>, vector<1x16xf32>,
        %get3A_492 = vector.shape_cast %get3A_491 : vector<1x16xf32> to vector<16xf32>
        %mul3A_493 = vector.broadcast %squeeze3A_441 : f32 to vector<16xf32>
        %mul3A_494 = arith.mulf %get3A_492, %mul3A_493 : vector<16xf32>
        %add3A_495 = arith.constant 2 : i32
        %add3A_496 = arith.addi %mul3A_198, %add3A_495 : i32
        %swap3A_497 = arith.index_cast %add3A_496 : i32 to index
        %swap3A_498 = arith.constant 48 : index
        %swap3A_499 = tpu.vector_load %arg10[%swap3A_497, %swap3A_498] {strides = array<i32>} : memref<128x128xf32, #tpu.memory_space<vmem>>, vector<1x16xf32>,
        %swap3A_500 = vector.shape_cast %swap3A_499 : vector<1x16xf32> to vector<16xf32>
        %swap3A_501 = vector.shape_cast %mul3A_494 : vector<16xf32> to vector<1x16xf32>
        tpu.vector_store %arg10[%swap3A_497, %swap3A_498], %swap3A_501 {strides = array<i32>} : memref<128x128xf32, #tpu.memory_space<vmem>>, vector<1x16xf32>,
        %add3A_502 = arith.constant 2 : i32
        %add3A_503 = arith.addi %mul3A_198, %add3A_502 : i32
        %get3A_504 = arith.index_cast %add3A_503 : i32 to index
        %get3A_505 = arith.constant 64 : index
        %get3A_506 = tpu.vector_load %arg10[%get3A_504, %get3A_505] {strides = array<i32>} : memref<128x128xf32, #tpu.memory_space<vmem>>, vector<1x16xf32>,
        %get3A_507 = vector.shape_cast %get3A_506 : vector<1x16xf32> to vector<16xf32>
        %mul3A_508 = vector.broadcast %squeeze3A_441 : f32 to vector<16xf32>
        %mul3A_509 = arith.mulf %get3A_507, %mul3A_508 : vector<16xf32>
        %add3A_510 = arith.constant 2 : i32
        %add3A_511 = arith.addi %mul3A_198, %add3A_510 : i32
        %swap3A_512 = arith.index_cast %add3A_511 : i32 to index
        %swap3A_513 = arith.constant 64 : index
        %swap3A_514 = tpu.vector_load %arg10[%swap3A_512, %swap3A_513] {strides = array<i32>} : memref<128x128xf32, #tpu.memory_space<vmem>>, vector<1x16xf32>,
        %swap3A_515 = vector.shape_cast %swap3A_514 : vector<1x16xf32> to vector<16xf32>
        %swap3A_516 = vector.shape_cast %mul3A_509 : vector<16xf32> to vector<1x16xf32>
        tpu.vector_store %arg10[%swap3A_512, %swap3A_513], %swap3A_516 {strides = array<i32>} : memref<128x128xf32, #tpu.memory_space<vmem>>, vector<1x16xf32>,
        %add3A_517 = arith.constant 2 : i32
        %add3A_518 = arith.addi %mul3A_198, %add3A_517 : i32
        %get3A_519 = arith.index_cast %add3A_518 : i32 to index
        %get3A_520 = arith.constant 80 : index
        %get3A_521 = tpu.vector_load %arg10[%get3A_519, %get3A_520] {strides = array<i32>} : memref<128x128xf32, #tpu.memory_space<vmem>>, vector<1x16xf32>,
        %get3A_522 = vector.shape_cast %get3A_521 : vector<1x16xf32> to vector<16xf32>
        %mul3A_523 = vector.broadcast %squeeze3A_441 : f32 to vector<16xf32>
        %mul3A_524 = arith.mulf %get3A_522, %mul3A_523 : vector<16xf32>
        %add3A_525 = arith.constant 2 : i32
        %add3A_526 = arith.addi %mul3A_198, %add3A_525 : i32
        %swap3A_527 = arith.index_cast %add3A_526 : i32 to index
        %swap3A_528 = arith.constant 80 : index
        %swap3A_529 = tpu.vector_load %arg10[%swap3A_527, %swap3A_528] {strides = array<i32>} : memref<128x128xf32, #tpu.memory_space<vmem>>, vector<1x16xf32>,
        %swap3A_530 = vector.shape_cast %swap3A_529 : vector<1x16xf32> to vector<16xf32>
        %swap3A_531 = vector.shape_cast %mul3A_524 : vector<16xf32> to vector<1x16xf32>
        tpu.vector_store %arg10[%swap3A_527, %swap3A_528], %swap3A_531 {strides = array<i32>} : memref<128x128xf32, #tpu.memory_space<vmem>>, vector<1x16xf32>,
        %add3A_532 = arith.constant 2 : i32
        %add3A_533 = arith.addi %mul3A_198, %add3A_532 : i32
        %get3A_534 = arith.index_cast %add3A_533 : i32 to index
        %get3A_535 = arith.constant 96 : index
        %get3A_536 = tpu.vector_load %arg10[%get3A_534, %get3A_535] {strides = array<i32>} : memref<128x128xf32, #tpu.memory_space<vmem>>, vector<1x16xf32>,
        %get3A_537 = vector.shape_cast %get3A_536 : vector<1x16xf32> to vector<16xf32>
        %mul3A_538 = vector.broadcast %squeeze3A_441 : f32 to vector<16xf32>
        %mul3A_539 = arith.mulf %get3A_537, %mul3A_538 : vector<16xf32>
        %add3A_540 = arith.constant 2 : i32
        %add3A_541 = arith.addi %mul3A_198, %add3A_540 : i32
        %swap3A_542 = arith.index_cast %add3A_541 : i32 to index
        %swap3A_543 = arith.constant 96 : index
        %swap3A_544 = tpu.vector_load %arg10[%swap3A_542, %swap3A_543] {strides = array<i32>} : memref<128x128xf32, #tpu.memory_space<vmem>>, vector<1x16xf32>,
        %swap3A_545 = vector.shape_cast %swap3A_544 : vector<1x16xf32> to vector<16xf32>
        %swap3A_546 = vector.shape_cast %mul3A_539 : vector<16xf32> to vector<1x16xf32>
        tpu.vector_store %arg10[%swap3A_542, %swap3A_543], %swap3A_546 {strides = array<i32>} : memref<128x128xf32, #tpu.memory_space<vmem>>, vector<1x16xf32>,
        %add3A_547 = arith.constant 2 : i32
        %add3A_548 = arith.addi %mul3A_198, %add3A_547 : i32
        %get3A_549 = arith.index_cast %add3A_548 : i32 to index
        %get3A_550 = arith.constant 112 : index
        %get3A_551 = tpu.vector_load %arg10[%get3A_549, %get3A_550] {strides = array<i32>} : memref<128x128xf32, #tpu.memory_space<vmem>>, vector<1x16xf32>,
        %get3A_552 = vector.shape_cast %get3A_551 : vector<1x16xf32> to vector<16xf32>
        %mul3A_553 = vector.broadcast %squeeze3A_441 : f32 to vector<16xf32>
        %mul3A_554 = arith.mulf %get3A_552, %mul3A_553 : vector<16xf32>
        %add3A_555 = arith.constant 2 : i32
        %add3A_556 = arith.addi %mul3A_198, %add3A_555 : i32
        %swap3A_557 = arith.index_cast %add3A_556 : i32 to index
        %swap3A_558 = arith.constant 112 : index
        %swap3A_559 = tpu.vector_load %arg10[%swap3A_557, %swap3A_558] {strides = array<i32>} : memref<128x128xf32, #tpu.memory_space<vmem>>, vector<1x16xf32>,
        %swap3A_560 = vector.shape_cast %swap3A_559 : vector<1x16xf32> to vector<16xf32>
        %swap3A_561 = vector.shape_cast %mul3A_554 : vector<16xf32> to vector<1x16xf32>
        tpu.vector_store %arg10[%swap3A_557, %swap3A_558], %swap3A_561 {strides = array<i32>} : memref<128x128xf32, #tpu.memory_space<vmem>>, vector<1x16xf32>,
        %slice3A_562 = vector.extract_strided_slice %get3A_196 {offsets = [3], sizes = [1], strides = [1]} : vector<16xf32> to vector<1xf32>
        %squeeze3A_563 = vector.extract %slice3A_562[0] : f32 from vector<1xf32>
        %add3A_564 = arith.constant 3 : i32
        %add3A_565 = arith.addi %mul3A_198, %add3A_564 : i32
        %get3A_566 = arith.index_cast %add3A_565 : i32 to index
        %get3A_567 = arith.constant 0 : index
        %get3A_568 = tpu.vector_load %arg10[%get3A_566, %get3A_567] {strides = array<i32>} : memref<128x128xf32, #tpu.memory_space<vmem>>, vector<1x16xf32>,
        %get3A_569 = vector.shape_cast %get3A_568 : vector<1x16xf32> to vector<16xf32>
        %mul3A_570 = vector.broadcast %squeeze3A_563 : f32 to vector<16xf32>
        %mul3A_571 = arith.mulf %get3A_569, %mul3A_570 : vector<16xf32>
        %add3A_572 = arith.constant 3 : i32
        %add3A_573 = arith.addi %mul3A_198, %add3A_572 : i32
        %swap3A_574 = arith.index_cast %add3A_573 : i32 to index
        %swap3A_575 = arith.constant 0 : index
        %swap3A_576 = tpu.vector_load %arg10[%swap3A_574, %swap3A_575] {strides = array<i32>} : memref<128x128xf32, #tpu.memory_space<vmem>>, vector<1x16xf32>,
        %swap3A_577 = vector.shape_cast %swap3A_576 : vector<1x16xf32> to vector<16xf32>
        %swap3A_578 = vector.shape_cast %mul3A_571 : vector<16xf32> to vector<1x16xf32>
        tpu.vector_store %arg10[%swap3A_574, %swap3A_575], %swap3A_578 {strides = array<i32>} : memref<128x128xf32, #tpu.memory_space<vmem>>, vector<1x16xf32>,
        %add3A_579 = arith.constant 3 : i32
        %add3A_580 = arith.addi %mul3A_198, %add3A_579 : i32
        %get3A_581 = arith.index_cast %add3A_580 : i32 to index
        %get3A_582 = arith.constant 16 : index
        %get3A_583 = tpu.vector_load %arg10[%get3A_581, %get3A_582] {strides = array<i32>} : memref<128x128xf32, #tpu.memory_space<vmem>>, vector<1x16xf32>,
        %get3A_584 = vector.shape_cast %get3A_583 : vector<1x16xf32> to vector<16xf32>
        %mul3A_585 = vector.broadcast %squeeze3A_563 : f32 to vector<16xf32>
        %mul3A_586 = arith.mulf %get3A_584, %mul3A_585 : vector<16xf32>
        %add3A_587 = arith.constant 3 : i32
        %add3A_588 = arith.addi %mul3A_198, %add3A_587 : i32
        %swap3A_589 = arith.index_cast %add3A_588 : i32 to index
        %swap3A_590 = arith.constant 16 : index
        %swap3A_591 = tpu.vector_load %arg10[%swap3A_589, %swap3A_590] {strides = array<i32>} : memref<128x128xf32, #tpu.memory_space<vmem>>, vector<1x16xf32>,
        %swap3A_592 = vector.shape_cast %swap3A_591 : vector<1x16xf32> to vector<16xf32>
        %swap3A_593 = vector.shape_cast %mul3A_586 : vector<16xf32> to vector<1x16xf32>
        tpu.vector_store %arg10[%swap3A_589, %swap3A_590], %swap3A_593 {strides = array<i32>} : memref<128x128xf32, #tpu.memory_space<vmem>>, vector<1x16xf32>,
        %add3A_594 = arith.constant 3 : i32
        %add3A_595 = arith.addi %mul3A_198, %add3A_594 : i32
        %get3A_596 = arith.index_cast %add3A_595 : i32 to index
        %get3A_597 = arith.constant 32 : index
        %get3A_598 = tpu.vector_load %arg10[%get3A_596, %get3A_597] {strides = array<i32>} : memref<128x128xf32, #tpu.memory_space<vmem>>, vector<1x16xf32>,
        %get3A_599 = vector.shape_cast %get3A_598 : vector<1x16xf32> to vector<16xf32>
        %mul3A_600 = vector.broadcast %squeeze3A_563 : f32 to vector<16xf32>
        %mul3A_601 = arith.mulf %get3A_599, %mul3A_600 : vector<16xf32>
        %add3A_602 = arith.constant 3 : i32
        %add3A_603 = arith.addi %mul3A_198, %add3A_602 : i32
        %swap3A_604 = arith.index_cast %add3A_603 : i32 to index
        %swap3A_605 = arith.constant 32 : index
        %swap3A_606 = tpu.vector_load %arg10[%swap3A_604, %swap3A_605] {strides = array<i32>} : memref<128x128xf32, #tpu.memory_space<vmem>>, vector<1x16xf32>,
        %swap3A_607 = vector.shape_cast %swap3A_606 : vector<1x16xf32> to vector<16xf32>
        %swap3A_608 = vector.shape_cast %mul3A_601 : vector<16xf32> to vector<1x16xf32>
        tpu.vector_store %arg10[%swap3A_604, %swap3A_605], %swap3A_608 {strides = array<i32>} : memref<128x128xf32, #tpu.memory_space<vmem>>, vector<1x16xf32>,
        %add3A_609 = arith.constant 3 : i32
        %add3A_610 = arith.addi %mul3A_198, %add3A_609 : i32
        %get3A_611 = arith.index_cast %add3A_610 : i32 to index
        %get3A_612 = arith.constant 48 : index
        %get3A_613 = tpu.vector_load %arg10[%get3A_611, %get3A_612] {strides = array<i32>} : memref<128x128xf32, #tpu.memory_space<vmem>>, vector<1x16xf32>,
        %get3A_614 = vector.shape_cast %get3A_613 : vector<1x16xf32> to vector<16xf32>
        %mul3A_615 = vector.broadcast %squeeze3A_563 : f32 to vector<16xf32>
        %mul3A_616 = arith.mulf %get3A_614, %mul3A_615 : vector<16xf32>
        %add3A_617 = arith.constant 3 : i32
        %add3A_618 = arith.addi %mul3A_198, %add3A_617 : i32
        %swap3A_619 = arith.index_cast %add3A_618 : i32 to index
        %swap3A_620 = arith.constant 48 : index
        %swap3A_621 = tpu.vector_load %arg10[%swap3A_619, %swap3A_620] {strides = array<i32>} : memref<128x128xf32, #tpu.memory_space<vmem>>, vector<1x16xf32>,
        %swap3A_622 = vector.shape_cast %swap3A_621 : vector<1x16xf32> to vector<16xf32>
        %swap3A_623 = vector.shape_cast %mul3A_616 : vector<16xf32> to vector<1x16xf32>
        tpu.vector_store %arg10[%swap3A_619, %swap3A_620], %swap3A_623 {strides = array<i32>} : memref<128x128xf32, #tpu.memory_space<vmem>>, vector<1x16xf32>,
        %add3A_624 = arith.constant 3 : i32
        %add3A_625 = arith.addi %mul3A_198, %add3A_624 : i32
        %get3A_626 = arith.index_cast %add3A_625 : i32 to index
        %get3A_627 = arith.constant 64 : index
        %get3A_628 = tpu.vector_load %arg10[%get3A_626, %get3A_627] {strides = array<i32>} : memref<128x128xf32, #tpu.memory_space<vmem>>, vector<1x16xf32>,
        %get3A_629 = vector.shape_cast %get3A_628 : vector<1x16xf32> to vector<16xf32>
        %mul3A_630 = vector.broadcast %squeeze3A_563 : f32 to vector<16xf32>
        %mul3A_631 = arith.mulf %get3A_629, %mul3A_630 : vector<16xf32>
        %add3A_632 = arith.constant 3 : i32
        %add3A_633 = arith.addi %mul3A_198, %add3A_632 : i32
        %swap3A_634 = arith.index_cast %add3A_633 : i32 to index
        %swap3A_635 = arith.constant 64 : index
        %swap3A_636 = tpu.vector_load %arg10[%swap3A_634, %swap3A_635] {strides = array<i32>} : memref<128x128xf32, #tpu.memory_space<vmem>>, vector<1x16xf32>,
        %swap3A_637 = vector.shape_cast %swap3A_636 : vector<1x16xf32> to vector<16xf32>
        %swap3A_638 = vector.shape_cast %mul3A_631 : vector<16xf32> to vector<1x16xf32>
        tpu.vector_store %arg10[%swap3A_634, %swap3A_635], %swap3A_638 {strides = array<i32>} : memref<128x128xf32, #tpu.memory_space<vmem>>, vector<1x16xf32>,
        %add3A_639 = arith.constant 3 : i32
        %add3A_640 = arith.addi %mul3A_198, %add3A_639 : i32
        %get3A_641 = arith.index_cast %add3A_640 : i32 to index
        %get3A_642 = arith.constant 80 : index
        %get3A_643 = tpu.vector_load %arg10[%get3A_641, %get3A_642] {strides = array<i32>} : memref<128x128xf32, #tpu.memory_space<vmem>>, vector<1x16xf32>,
        %get3A_644 = vector.shape_cast %get3A_643 : vector<1x16xf32> to vector<16xf32>
        %mul3A_645 = vector.broadcast %squeeze3A_563 : f32 to vector<16xf32>
        %mul3A_646 = arith.mulf %get3A_644, %mul3A_645 : vector<16xf32>
        %add3A_647 = arith.constant 3 : i32
        %add3A_648 = arith.addi %mul3A_198, %add3A_647 : i32
        %swap3A_649 = arith.index_cast %add3A_648 : i32 to index
        %swap3A_650 = arith.constant 80 : index
        %swap3A_651 = tpu.vector_load %arg10[%swap3A_649, %swap3A_650] {strides = array<i32>} : memref<128x128xf32, #tpu.memory_space<vmem>>, vector<1x16xf32>,
        %swap3A_652 = vector.shape_cast %swap3A_651 : vector<1x16xf32> to vector<16xf32>
        %swap3A_653 = vector.shape_cast %mul3A_646 : vector<16xf32> to vector<1x16xf32>
        tpu.vector_store %arg10[%swap3A_649, %swap3A_650], %swap3A_653 {strides = array<i32>} : memref<128x128xf32, #tpu.memory_space<vmem>>, vector<1x16xf32>,
        %add3A_654 = arith.constant 3 : i32
        %add3A_655 = arith.addi %mul3A_198, %add3A_654 : i32
        %get3A_656 = arith.index_cast %add3A_655 : i32 to index
        %get3A_657 = arith.constant 96 : index
        %get3A_658 = tpu.vector_load %arg10[%get3A_656, %get3A_657] {strides = array<i32>} : memref<128x128xf32, #tpu.memory_space<vmem>>, vector<1x16xf32>,
        %get3A_659 = vector.shape_cast %get3A_658 : vector<1x16xf32> to vector<16xf32>
        %mul3A_660 = vector.broadcast %squeeze3A_563 : f32 to vector<16xf32>
        %mul3A_661 = arith.mulf %get3A_659, %mul3A_660 : vector<16xf32>
        %add3A_662 = arith.constant 3 : i32
        %add3A_663 = arith.addi %mul3A_198, %add3A_662 : i32
        %swap3A_664 = arith.index_cast %add3A_663 : i32 to index
        %swap3A_665 = arith.constant 96 : index
        %swap3A_666 = tpu.vector_load %arg10[%swap3A_664, %swap3A_665] {strides = array<i32>} : memref<128x128xf32, #tpu.memory_space<vmem>>, vector<1x16xf32>,
        %swap3A_667 = vector.shape_cast %swap3A_666 : vector<1x16xf32> to vector<16xf32>
        %swap3A_668 = vector.shape_cast %mul3A_661 : vector<16xf32> to vector<1x16xf32>
        tpu.vector_store %arg10[%swap3A_664, %swap3A_665], %swap3A_668 {strides = array<i32>} : memref<128x128xf32, #tpu.memory_space<vmem>>, vector<1x16xf32>,
        %add3A_669 = arith.constant 3 : i32
        %add3A_670 = arith.addi %mul3A_198, %add3A_669 : i32
        %get3A_671 = arith.index_cast %add3A_670 : i32 to index
        %get3A_672 = arith.constant 112 : index
        %get3A_673 = tpu.vector_load %arg10[%get3A_671, %get3A_672] {strides = array<i32>} : memref<128x128xf32, #tpu.memory_space<vmem>>, vector<1x16xf32>,
        %get3A_674 = vector.shape_cast %get3A_673 : vector<1x16xf32> to vector<16xf32>
        %mul3A_675 = vector.broadcast %squeeze3A_563 : f32 to vector<16xf32>
        %mul3A_676 = arith.mulf %get3A_674, %mul3A_675 : vector<16xf32>
        %add3A_677 = arith.constant 3 : i32
        %add3A_678 = arith.addi %mul3A_198, %add3A_677 : i32
        %swap3A_679 = arith.index_cast %add3A_678 : i32 to index
        %swap3A_680 = arith.constant 112 : index
        %swap3A_681 = tpu.vector_load %arg10[%swap3A_679, %swap3A_680] {strides = array<i32>} : memref<128x128xf32, #tpu.memory_space<vmem>>, vector<1x16xf32>,
        %swap3A_682 = vector.shape_cast %swap3A_681 : vector<1x16xf32> to vector<16xf32>
        %swap3A_683 = vector.shape_cast %mul3A_676 : vector<16xf32> to vector<1x16xf32>
        tpu.vector_store %arg10[%swap3A_679, %swap3A_680], %swap3A_683 {strides = array<i32>} : memref<128x128xf32, #tpu.memory_space<vmem>>, vector<1x16xf32>,
        %slice3A_684 = vector.extract_strided_slice %get3A_196 {offsets = [4], sizes = [1], strides = [1]} : vector<16xf32> to vector<1xf32>
        %squeeze3A_685 = vector.extract %slice3A_684[0] : f32 from vector<1xf32>
        %add3A_686 = arith.constant 4 : i32
        %add3A_687 = arith.addi %mul3A_198, %add3A_686 : i32
        %get3A_688 = arith.index_cast %add3A_687 : i32 to index
        %get3A_689 = arith.constant 0 : index
        %get3A_690 = tpu.vector_load %arg10[%get3A_688, %get3A_689] {strides = array<i32>} : memref<128x128xf32, #tpu.memory_space<vmem>>, vector<1x16xf32>,
        %get3A_691 = vector.shape_cast %get3A_690 : vector<1x16xf32> to vector<16xf32>
        %mul3A_692 = vector.broadcast %squeeze3A_685 : f32 to vector<16xf32>
        %mul3A_693 = arith.mulf %get3A_691, %mul3A_692 : vector<16xf32>
        %add3A_694 = arith.constant 4 : i32
        %add3A_695 = arith.addi %mul3A_198, %add3A_694 : i32
        %swap3A_696 = arith.index_cast %add3A_695 : i32 to index
        %swap3A_697 = arith.constant 0 : index
        %swap3A_698 = tpu.vector_load %arg10[%swap3A_696, %swap3A_697] {strides = array<i32>} : memref<128x128xf32, #tpu.memory_space<vmem>>, vector<1x16xf32>,
        %swap3A_699 = vector.shape_cast %swap3A_698 : vector<1x16xf32> to vector<16xf32>
        %swap3A_700 = vector.shape_cast %mul3A_693 : vector<16xf32> to vector<1x16xf32>
        tpu.vector_store %arg10[%swap3A_696, %swap3A_697], %swap3A_700 {strides = array<i32>} : memref<128x128xf32, #tpu.memory_space<vmem>>, vector<1x16xf32>,
        %add3A_701 = arith.constant 4 : i32
        %add3A_702 = arith.addi %mul3A_198, %add3A_701 : i32
        %get3A_703 = arith.index_cast %add3A_702 : i32 to index
        %get3A_704 = arith.constant 16 : index
        %get3A_705 = tpu.vector_load %arg10[%get3A_703, %get3A_704] {strides = array<i32>} : memref<128x128xf32, #tpu.memory_space<vmem>>, vector<1x16xf32>,
        %get3A_706 = vector.shape_cast %get3A_705 : vector<1x16xf32> to vector<16xf32>
        %mul3A_707 = vector.broadcast %squeeze3A_685 : f32 to vector<16xf32>
        %mul3A_708 = arith.mulf %get3A_706, %mul3A_707 : vector<16xf32>
        %add3A_709 = arith.constant 4 : i32
        %add3A_710 = arith.addi %mul3A_198, %add3A_709 : i32
        %swap3A_711 = arith.index_cast %add3A_710 : i32 to index
        %swap3A_712 = arith.constant 16 : index
        %swap3A_713 = tpu.vector_load %arg10[%swap3A_711, %swap3A_712] {strides = array<i32>} : memref<128x128xf32, #tpu.memory_space<vmem>>, vector<1x16xf32>,
        %swap3A_714 = vector.shape_cast %swap3A_713 : vector<1x16xf32> to vector<16xf32>
        %swap3A_715 = vector.shape_cast %mul3A_708 : vector<16xf32> to vector<1x16xf32>
        tpu.vector_store %arg10[%swap3A_711, %swap3A_712], %swap3A_715 {strides = array<i32>} : memref<128x128xf32, #tpu.memory_space<vmem>>, vector<1x16xf32>,
        %add3A_716 = arith.constant 4 : i32
        %add3A_717 = arith.addi %mul3A_198, %add3A_716 : i32
        %get3A_718 = arith.index_cast %add3A_717 : i32 to index
        %get3A_719 = arith.constant 32 : index
        %get3A_720 = tpu.vector_load %arg10[%get3A_718, %get3A_719] {strides = array<i32>} : memref<128x128xf32, #tpu.memory_space<vmem>>, vector<1x16xf32>,
        %get3A_721 = vector.shape_cast %get3A_720 : vector<1x16xf32> to vector<16xf32>
        %mul3A_722 = vector.broadcast %squeeze3A_685 : f32 to vector<16xf32>
        %mul3A_723 = arith.mulf %get3A_721, %mul3A_722 : vector<16xf32>
        %add3A_724 = arith.constant 4 : i32
        %add3A_725 = arith.addi %mul3A_198, %add3A_724 : i32
        %swap3A_726 = arith.index_cast %add3A_725 : i32 to index
        %swap3A_727 = arith.constant 32 : index
        %swap3A_728 = tpu.vector_load %arg10[%swap3A_726, %swap3A_727] {strides = array<i32>} : memref<128x128xf32, #tpu.memory_space<vmem>>, vector<1x16xf32>,
        %swap3A_729 = vector.shape_cast %swap3A_728 : vector<1x16xf32> to vector<16xf32>
        %swap3A_730 = vector.shape_cast %mul3A_723 : vector<16xf32> to vector<1x16xf32>
        tpu.vector_store %arg10[%swap3A_726, %swap3A_727], %swap3A_730 {strides = array<i32>} : memref<128x128xf32, #tpu.memory_space<vmem>>, vector<1x16xf32>,
        %add3A_731 = arith.constant 4 : i32
        %add3A_732 = arith.addi %mul3A_198, %add3A_731 : i32
        %get3A_733 = arith.index_cast %add3A_732 : i32 to index
        %get3A_734 = arith.constant 48 : index
        %get3A_735 = tpu.vector_load %arg10[%get3A_733, %get3A_734] {strides = array<i32>} : memref<128x128xf32, #tpu.memory_space<vmem>>, vector<1x16xf32>,
        %get3A_736 = vector.shape_cast %get3A_735 : vector<1x16xf32> to vector<16xf32>
        %mul3A_737 = vector.broadcast %squeeze3A_685 : f32 to vector<16xf32>
        %mul3A_738 = arith.mulf %get3A_736, %mul3A_737 : vector<16xf32>
        %add3A_739 = arith.constant 4 : i32
        %add3A_740 = arith.addi %mul3A_198, %add3A_739 : i32
        %swap3A_741 = arith.index_cast %add3A_740 : i32 to index
        %swap3A_742 = arith.constant 48 : index
        %swap3A_743 = tpu.vector_load %arg10[%swap3A_741, %swap3A_742] {strides = array<i32>} : memref<128x128xf32, #tpu.memory_space<vmem>>, vector<1x16xf32>,
        %swap3A_744 = vector.shape_cast %swap3A_743 : vector<1x16xf32> to vector<16xf32>
        %swap3A_745 = vector.shape_cast %mul3A_738 : vector<16xf32> to vector<1x16xf32>
        tpu.vector_store %arg10[%swap3A_741, %swap3A_742], %swap3A_745 {strides = array<i32>} : memref<128x128xf32, #tpu.memory_space<vmem>>, vector<1x16xf32>,
        %add3A_746 = arith.constant 4 : i32
        %add3A_747 = arith.addi %mul3A_198, %add3A_746 : i32
        %get3A_748 = arith.index_cast %add3A_747 : i32 to index
        %get3A_749 = arith.constant 64 : index
        %get3A_750 = tpu.vector_load %arg10[%get3A_748, %get3A_749] {strides = array<i32>} : memref<128x128xf32, #tpu.memory_space<vmem>>, vector<1x16xf32>,
        %get3A_751 = vector.shape_cast %get3A_750 : vector<1x16xf32> to vector<16xf32>
        %mul3A_752 = vector.broadcast %squeeze3A_685 : f32 to vector<16xf32>
        %mul3A_753 = arith.mulf %get3A_751, %mul3A_752 : vector<16xf32>
        %add3A_754 = arith.constant 4 : i32
        %add3A_755 = arith.addi %mul3A_198, %add3A_754 : i32
        %swap3A_756 = arith.index_cast %add3A_755 : i32 to index
        %swap3A_757 = arith.constant 64 : index
        %swap3A_758 = tpu.vector_load %arg10[%swap3A_756, %swap3A_757] {strides = array<i32>} : memref<128x128xf32, #tpu.memory_space<vmem>>, vector<1x16xf32>,
        %swap3A_759 = vector.shape_cast %swap3A_758 : vector<1x16xf32> to vector<16xf32>
        %swap3A_760 = vector.shape_cast %mul3A_753 : vector<16xf32> to vector<1x16xf32>
        tpu.vector_store %arg10[%swap3A_756, %swap3A_757], %swap3A_760 {strides = array<i32>} : memref<128x128xf32, #tpu.memory_space<vmem>>, vector<1x16xf32>,
        %add3A_761 = arith.constant 4 : i32
        %add3A_762 = arith.addi %mul3A_198, %add3A_761 : i32
        %get3A_763 = arith.index_cast %add3A_762 : i32 to index
        %get3A_764 = arith.constant 80 : index
        %get3A_765 = tpu.vector_load %arg10[%get3A_763, %get3A_764] {strides = array<i32>} : memref<128x128xf32, #tpu.memory_space<vmem>>, vector<1x16xf32>,
        %get3A_766 = vector.shape_cast %get3A_765 : vector<1x16xf32> to vector<16xf32>
        %mul3A_767 = vector.broadcast %squeeze3A_685 : f32 to vector<16xf32>
        %mul3A_768 = arith.mulf %get3A_766, %mul3A_767 : vector<16xf32>
        %add3A_769 = arith.constant 4 : i32
        %add3A_770 = arith.addi %mul3A_198, %add3A_769 : i32
        %swap3A_771 = arith.index_cast %add3A_770 : i32 to index
        %swap3A_772 = arith.constant 80 : index
        %swap3A_773 = tpu.vector_load %arg10[%swap3A_771, %swap3A_772] {strides = array<i32>} : memref<128x128xf32, #tpu.memory_space<vmem>>, vector<1x16xf32>,
        %swap3A_774 = vector.shape_cast %swap3A_773 : vector<1x16xf32> to vector<16xf32>
        %swap3A_775 = vector.shape_cast %mul3A_768 : vector<16xf32> to vector<1x16xf32>
        tpu.vector_store %arg10[%swap3A_771, %swap3A_772], %swap3A_775 {strides = array<i32>} : memref<128x128xf32, #tpu.memory_space<vmem>>, vector<1x16xf32>,
        %add3A_776 = arith.constant 4 : i32
        %add3A_777 = arith.addi %mul3A_198, %add3A_776 : i32
        %get3A_778 = arith.index_cast %add3A_777 : i32 to index
        %get3A_779 = arith.constant 96 : index
        %get3A_780 = tpu.vector_load %arg10[%get3A_778, %get3A_779] {strides = array<i32>} : memref<128x128xf32, #tpu.memory_space<vmem>>, vector<1x16xf32>,
        %get3A_781 = vector.shape_cast %get3A_780 : vector<1x16xf32> to vector<16xf32>
        %mul3A_782 = vector.broadcast %squeeze3A_685 : f32 to vector<16xf32>
        %mul3A_783 = arith.mulf %get3A_781, %mul3A_782 : vector<16xf32>
        %add3A_784 = arith.constant 4 : i32
        %add3A_785 = arith.addi %mul3A_198, %add3A_784 : i32
        %swap3A_786 = arith.index_cast %add3A_785 : i32 to index
        %swap3A_787 = arith.constant 96 : index
        %swap3A_788 = tpu.vector_load %arg10[%swap3A_786, %swap3A_787] {strides = array<i32>} : memref<128x128xf32, #tpu.memory_space<vmem>>, vector<1x16xf32>,
        %swap3A_789 = vector.shape_cast %swap3A_788 : vector<1x16xf32> to vector<16xf32>
        %swap3A_790 = vector.shape_cast %mul3A_783 : vector<16xf32> to vector<1x16xf32>
        tpu.vector_store %arg10[%swap3A_786, %swap3A_787], %swap3A_790 {strides = array<i32>} : memref<128x128xf32, #tpu.memory_space<vmem>>, vector<1x16xf32>,
        %add3A_791 = arith.constant 4 : i32
        %add3A_792 = arith.addi %mul3A_198, %add3A_791 : i32
        %get3A_793 = arith.index_cast %add3A_792 : i32 to index
        %get3A_794 = arith.constant 112 : index
        %get3A_795 = tpu.vector_load %arg10[%get3A_793, %get3A_794] {strides = array<i32>} : memref<128x128xf32, #tpu.memory_space<vmem>>, vector<1x16xf32>,
        %get3A_796 = vector.shape_cast %get3A_795 : vector<1x16xf32> to vector<16xf32>
        %mul3A_797 = vector.broadcast %squeeze3A_685 : f32 to vector<16xf32>
        %mul3A_798 = arith.mulf %get3A_796, %mul3A_797 : vector<16xf32>
        %add3A_799 = arith.constant 4 : i32
        %add3A_800 = arith.addi %mul3A_198, %add3A_799 : i32
        %swap3A_801 = arith.index_cast %add3A_800 : i32 to index
        %swap3A_802 = arith.constant 112 : index
        %swap3A_803 = tpu.vector_load %arg10[%swap3A_801, %swap3A_802] {strides = array<i32>} : memref<128x128xf32, #tpu.memory_space<vmem>>, vector<1x16xf32>,
        %swap3A_804 = vector.shape_cast %swap3A_803 : vector<1x16xf32> to vector<16xf32>
        %swap3A_805 = vector.shape_cast %mul3A_798 : vector<16xf32> to vector<1x16xf32>
        tpu.vector_store %arg10[%swap3A_801, %swap3A_802], %swap3A_805 {strides = array<i32>} : memref<128x128xf32, #tpu.memory_space<vmem>>, vector<1x16xf32>,
        %slice3A_806 = vector.extract_strided_slice %get3A_196 {offsets = [5], sizes = [1], strides = [1]} : vector<16xf32> to vector<1xf32>
        %squeeze3A_807 = vector.extract %slice3A_806[0] : f32 from vector<1xf32>
        %add3A_808 = arith.constant 5 : i32
        %add3A_809 = arith.addi %mul3A_198, %add3A_808 : i32
        %get3A_810 = arith.index_cast %add3A_809 : i32 to index
        %get3A_811 = arith.constant 0 : index
        %get3A_812 = tpu.vector_load %arg10[%get3A_810, %get3A_811] {strides = array<i32>} : memref<128x128xf32, #tpu.memory_space<vmem>>, vector<1x16xf32>,
        %get3A_813 = vector.shape_cast %get3A_812 : vector<1x16xf32> to vector<16xf32>
        %mul3A_814 = vector.broadcast %squeeze3A_807 : f32 to vector<16xf32>
        %mul3A_815 = arith.mulf %get3A_813, %mul3A_814 : vector<16xf32>
        %add3A_816 = arith.constant 5 : i32
        %add3A_817 = arith.addi %mul3A_198, %add3A_816 : i32
        %swap3A_818 = arith.index_cast %add3A_817 : i32 to index
        %swap3A_819 = arith.constant 0 : index
        %swap3A_820 = tpu.vector_load %arg10[%swap3A_818, %swap3A_819] {strides = array<i32>} : memref<128x128xf32, #tpu.memory_space<vmem>>, vector<1x16xf32>,
        %swap3A_821 = vector.shape_cast %swap3A_820 : vector<1x16xf32> to vector<16xf32>
        %swap3A_822 = vector.shape_cast %mul3A_815 : vector<16xf32> to vector<1x16xf32>
        tpu.vector_store %arg10[%swap3A_818, %swap3A_819], %swap3A_822 {strides = array<i32>} : memref<128x128xf32, #tpu.memory_space<vmem>>, vector<1x16xf32>,
        %add3A_823 = arith.constant 5 : i32
        %add3A_824 = arith.addi %mul3A_198, %add3A_823 : i32
        %get3A_825 = arith.index_cast %add3A_824 : i32 to index
        %get3A_826 = arith.constant 16 : index
        %get3A_827 = tpu.vector_load %arg10[%get3A_825, %get3A_826] {strides = array<i32>} : memref<128x128xf32, #tpu.memory_space<vmem>>, vector<1x16xf32>,
        %get3A_828 = vector.shape_cast %get3A_827 : vector<1x16xf32> to vector<16xf32>
        %mul3A_829 = vector.broadcast %squeeze3A_807 : f32 to vector<16xf32>
        %mul3A_830 = arith.mulf %get3A_828, %mul3A_829 : vector<16xf32>
        %add3A_831 = arith.constant 5 : i32
        %add3A_832 = arith.addi %mul3A_198, %add3A_831 : i32
        %swap3A_833 = arith.index_cast %add3A_832 : i32 to index
        %swap3A_834 = arith.constant 16 : index
        %swap3A_835 = tpu.vector_load %arg10[%swap3A_833, %swap3A_834] {strides = array<i32>} : memref<128x128xf32, #tpu.memory_space<vmem>>, vector<1x16xf32>,
        %swap3A_836 = vector.shape_cast %swap3A_835 : vector<1x16xf32> to vector<16xf32>
        %swap3A_837 = vector.shape_cast %mul3A_830 : vector<16xf32> to vector<1x16xf32>
        tpu.vector_store %arg10[%swap3A_833, %swap3A_834], %swap3A_837 {strides = array<i32>} : memref<128x128xf32, #tpu.memory_space<vmem>>, vector<1x16xf32>,
        %add3A_838 = arith.constant 5 : i32
        %add3A_839 = arith.addi %mul3A_198, %add3A_838 : i32
        %get3A_840 = arith.index_cast %add3A_839 : i32 to index
        %get3A_841 = arith.constant 32 : index
        %get3A_842 = tpu.vector_load %arg10[%get3A_840, %get3A_841] {strides = array<i32>} : memref<128x128xf32, #tpu.memory_space<vmem>>, vector<1x16xf32>,
        %get3A_843 = vector.shape_cast %get3A_842 : vector<1x16xf32> to vector<16xf32>
        %mul3A_844 = vector.broadcast %squeeze3A_807 : f32 to vector<16xf32>
        %mul3A_845 = arith.mulf %get3A_843, %mul3A_844 : vector<16xf32>
        %add3A_846 = arith.constant 5 : i32
        %add3A_847 = arith.addi %mul3A_198, %add3A_846 : i32
        %swap3A_848 = arith.index_cast %add3A_847 : i32 to index
        %swap3A_849 = arith.constant 32 : index
        %swap3A_850 = tpu.vector_load %arg10[%swap3A_848, %swap3A_849] {strides = array<i32>} : memref<128x128xf32, #tpu.memory_space<vmem>>, vector<1x16xf32>,
        %swap3A_851 = vector.shape_cast %swap3A_850 : vector<1x16xf32> to vector<16xf32>
        %swap3A_852 = vector.shape_cast %mul3A_845 : vector<16xf32> to vector<1x16xf32>
        tpu.vector_store %arg10[%swap3A_848, %swap3A_849], %swap3A_852 {strides = array<i32>} : memref<128x128xf32, #tpu.memory_space<vmem>>, vector<1x16xf32>,
        %add3A_853 = arith.constant 5 : i32
        %add3A_854 = arith.addi %mul3A_198, %add3A_853 : i32
        %get3A_855 = arith.index_cast %add3A_854 : i32 to index
        %get3A_856 = arith.constant 48 : index
        %get3A_857 = tpu.vector_load %arg10[%get3A_855, %get3A_856] {strides = array<i32>} : memref<128x128xf32, #tpu.memory_space<vmem>>, vector<1x16xf32>,
        %get3A_858 = vector.shape_cast %get3A_857 : vector<1x16xf32> to vector<16xf32>
        %mul3A_859 = vector.broadcast %squeeze3A_807 : f32 to vector<16xf32>
        %mul3A_860 = arith.mulf %get3A_858, %mul3A_859 : vector<16xf32>
        %add3A_861 = arith.constant 5 : i32
        %add3A_862 = arith.addi %mul3A_198, %add3A_861 : i32
        %swap3A_863 = arith.index_cast %add3A_862 : i32 to index
        %swap3A_864 = arith.constant 48 : index
        %swap3A_865 = tpu.vector_load %arg10[%swap3A_863, %swap3A_864] {strides = array<i32>} : memref<128x128xf32, #tpu.memory_space<vmem>>, vector<1x16xf32>,
        %swap3A_866 = vector.shape_cast %swap3A_865 : vector<1x16xf32> to vector<16xf32>
        %swap3A_867 = vector.shape_cast %mul3A_860 : vector<16xf32> to vector<1x16xf32>
        tpu.vector_store %arg10[%swap3A_863, %swap3A_864], %swap3A_867 {strides = array<i32>} : memref<128x128xf32, #tpu.memory_space<vmem>>, vector<1x16xf32>,
        %add3A_868 = arith.constant 5 : i32
        %add3A_869 = arith.addi %mul3A_198, %add3A_868 : i32
        %get3A_870 = arith.index_cast %add3A_869 : i32 to index
        %get3A_871 = arith.constant 64 : index
        %get3A_872 = tpu.vector_load %arg10[%get3A_870, %get3A_871] {strides = array<i32>} : memref<128x128xf32, #tpu.memory_space<vmem>>, vector<1x16xf32>,
        %get3A_873 = vector.shape_cast %get3A_872 : vector<1x16xf32> to vector<16xf32>
        %mul3A_874 = vector.broadcast %squeeze3A_807 : f32 to vector<16xf32>
        %mul3A_875 = arith.mulf %get3A_873, %mul3A_874 : vector<16xf32>
        %add3A_876 = arith.constant 5 : i32
        %add3A_877 = arith.addi %mul3A_198, %add3A_876 : i32
        %swap3A_878 = arith.index_cast %add3A_877 : i32 to index
        %swap3A_879 = arith.constant 64 : index
        %swap3A_880 = tpu.vector_load %arg10[%swap3A_878, %swap3A_879] {strides = array<i32>} : memref<128x128xf32, #tpu.memory_space<vmem>>, vector<1x16xf32>,
        %swap3A_881 = vector.shape_cast %swap3A_880 : vector<1x16xf32> to vector<16xf32>
        %swap3A_882 = vector.shape_cast %mul3A_875 : vector<16xf32> to vector<1x16xf32>
        tpu.vector_store %arg10[%swap3A_878, %swap3A_879], %swap3A_882 {strides = array<i32>} : memref<128x128xf32, #tpu.memory_space<vmem>>, vector<1x16xf32>,
        %add3A_883 = arith.constant 5 : i32
        %add3A_884 = arith.addi %mul3A_198, %add3A_883 : i32
        %get3A_885 = arith.index_cast %add3A_884 : i32 to index
        %get3A_886 = arith.constant 80 : index
        %get3A_887 = tpu.vector_load %arg10[%get3A_885, %get3A_886] {strides = array<i32>} : memref<128x128xf32, #tpu.memory_space<vmem>>, vector<1x16xf32>,
        %get3A_888 = vector.shape_cast %get3A_887 : vector<1x16xf32> to vector<16xf32>
        %mul3A_889 = vector.broadcast %squeeze3A_807 : f32 to vector<16xf32>
        %mul3A_890 = arith.mulf %get3A_888, %mul3A_889 : vector<16xf32>
        %add3A_891 = arith.constant 5 : i32
        %add3A_892 = arith.addi %mul3A_198, %add3A_891 : i32
        %swap3A_893 = arith.index_cast %add3A_892 : i32 to index
        %swap3A_894 = arith.constant 80 : index
        %swap3A_895 = tpu.vector_load %arg10[%swap3A_893, %swap3A_894] {strides = array<i32>} : memref<128x128xf32, #tpu.memory_space<vmem>>, vector<1x16xf32>,
        %swap3A_896 = vector.shape_cast %swap3A_895 : vector<1x16xf32> to vector<16xf32>
        %swap3A_897 = vector.shape_cast %mul3A_890 : vector<16xf32> to vector<1x16xf32>
        tpu.vector_store %arg10[%swap3A_893, %swap3A_894], %swap3A_897 {strides = array<i32>} : memref<128x128xf32, #tpu.memory_space<vmem>>, vector<1x16xf32>,
        %add3A_898 = arith.constant 5 : i32
        %add3A_899 = arith.addi %mul3A_198, %add3A_898 : i32
        %get3A_900 = arith.index_cast %add3A_899 : i32 to index
        %get3A_901 = arith.constant 96 : index
        %get3A_902 = tpu.vector_load %arg10[%get3A_900, %get3A_901] {strides = array<i32>} : memref<128x128xf32, #tpu.memory_space<vmem>>, vector<1x16xf32>,
        %get3A_903 = vector.shape_cast %get3A_902 : vector<1x16xf32> to vector<16xf32>
        %mul3A_904 = vector.broadcast %squeeze3A_807 : f32 to vector<16xf32>
        %mul3A_905 = arith.mulf %get3A_903, %mul3A_904 : vector<16xf32>
        %add3A_906 = arith.constant 5 : i32
        %add3A_907 = arith.addi %mul3A_198, %add3A_906 : i32
        %swap3A_908 = arith.index_cast %add3A_907 : i32 to index
        %swap3A_909 = arith.constant 96 : index
        %swap3A_910 = tpu.vector_load %arg10[%swap3A_908, %swap3A_909] {strides = array<i32>} : memref<128x128xf32, #tpu.memory_space<vmem>>, vector<1x16xf32>,
        %swap3A_911 = vector.shape_cast %swap3A_910 : vector<1x16xf32> to vector<16xf32>
        %swap3A_912 = vector.shape_cast %mul3A_905 : vector<16xf32> to vector<1x16xf32>
        tpu.vector_store %arg10[%swap3A_908, %swap3A_909], %swap3A_912 {strides = array<i32>} : memref<128x128xf32, #tpu.memory_space<vmem>>, vector<1x16xf32>,
        %add3A_913 = arith.constant 5 : i32
        %add3A_914 = arith.addi %mul3A_198, %add3A_913 : i32
        %get3A_915 = arith.index_cast %add3A_914 : i32 to index
        %get3A_916 = arith.constant 112 : index
        %get3A_917 = tpu.vector_load %arg10[%get3A_915, %get3A_916] {strides = array<i32>} : memref<128x128xf32, #tpu.memory_space<vmem>>, vector<1x16xf32>,
        %get3A_918 = vector.shape_cast %get3A_917 : vector<1x16xf32> to vector<16xf32>
        %mul3A_919 = vector.broadcast %squeeze3A_807 : f32 to vector<16xf32>
        %mul3A_920 = arith.mulf %get3A_918, %mul3A_919 : vector<16xf32>
        %add3A_921 = arith.constant 5 : i32
        %add3A_922 = arith.addi %mul3A_198, %add3A_921 : i32
        %swap3A_923 = arith.index_cast %add3A_922 : i32 to index
        %swap3A_924 = arith.constant 112 : index
        %swap3A_925 = tpu.vector_load %arg10[%swap3A_923, %swap3A_924] {strides = array<i32>} : memref<128x128xf32, #tpu.memory_space<vmem>>, vector<1x16xf32>,
        %swap3A_926 = vector.shape_cast %swap3A_925 : vector<1x16xf32> to vector<16xf32>
        %swap3A_927 = vector.shape_cast %mul3A_920 : vector<16xf32> to vector<1x16xf32>
        tpu.vector_store %arg10[%swap3A_923, %swap3A_924], %swap3A_927 {strides = array<i32>} : memref<128x128xf32, #tpu.memory_space<vmem>>, vector<1x16xf32>,
        %slice3A_928 = vector.extract_strided_slice %get3A_196 {offsets = [6], sizes = [1], strides = [1]} : vector<16xf32> to vector<1xf32>
        %squeeze3A_929 = vector.extract %slice3A_928[0] : f32 from vector<1xf32>
        %add3A_930 = arith.constant 6 : i32
        %add3A_931 = arith.addi %mul3A_198, %add3A_930 : i32
        %get3A_932 = arith.index_cast %add3A_931 : i32 to index
        %get3A_933 = arith.constant 0 : index
        %get3A_934 = tpu.vector_load %arg10[%get3A_932, %get3A_933] {strides = array<i32>} : memref<128x128xf32, #tpu.memory_space<vmem>>, vector<1x16xf32>,
        %get3A_935 = vector.shape_cast %get3A_934 : vector<1x16xf32> to vector<16xf32>
        %mul3A_936 = vector.broadcast %squeeze3A_929 : f32 to vector<16xf32>
        %mul3A_937 = arith.mulf %get3A_935, %mul3A_936 : vector<16xf32>
        %add3A_938 = arith.constant 6 : i32
        %add3A_939 = arith.addi %mul3A_198, %add3A_938 : i32
        %swap3A_940 = arith.index_cast %add3A_939 : i32 to index
        %swap3A_941 = arith.constant 0 : index
        %swap3A_942 = tpu.vector_load %arg10[%swap3A_940, %swap3A_941] {strides = array<i32>} : memref<128x128xf32, #tpu.memory_space<vmem>>, vector<1x16xf32>,
        %swap3A_943 = vector.shape_cast %swap3A_942 : vector<1x16xf32> to vector<16xf32>
        %swap3A_944 = vector.shape_cast %mul3A_937 : vector<16xf32> to vector<1x16xf32>
        tpu.vector_store %arg10[%swap3A_940, %swap3A_941], %swap3A_944 {strides = array<i32>} : memref<128x128xf32, #tpu.memory_space<vmem>>, vector<1x16xf32>,
        %add3A_945 = arith.constant 6 : i32
        %add3A_946 = arith.addi %mul3A_198, %add3A_945 : i32
        %get3A_947 = arith.index_cast %add3A_946 : i32 to index
        %get3A_948 = arith.constant 16 : index
        %get3A_949 = tpu.vector_load %arg10[%get3A_947, %get3A_948] {strides = array<i32>} : memref<128x128xf32, #tpu.memory_space<vmem>>, vector<1x16xf32>,
        %get3A_950 = vector.shape_cast %get3A_949 : vector<1x16xf32> to vector<16xf32>
        %mul3A_951 = vector.broadcast %squeeze3A_929 : f32 to vector<16xf32>
        %mul3A_952 = arith.mulf %get3A_950, %mul3A_951 : vector<16xf32>
        %add3A_953 = arith.constant 6 : i32
        %add3A_954 = arith.addi %mul3A_198, %add3A_953 : i32
        %swap3A_955 = arith.index_cast %add3A_954 : i32 to index
        %swap3A_956 = arith.constant 16 : index
        %swap3A_957 = tpu.vector_load %arg10[%swap3A_955, %swap3A_956] {strides = array<i32>} : memref<128x128xf32, #tpu.memory_space<vmem>>, vector<1x16xf32>,
        %swap3A_958 = vector.shape_cast %swap3A_957 : vector<1x16xf32> to vector<16xf32>
        %swap3A_959 = vector.shape_cast %mul3A_952 : vector<16xf32> to vector<1x16xf32>
        tpu.vector_store %arg10[%swap3A_955, %swap3A_956], %swap3A_959 {strides = array<i32>} : memref<128x128xf32, #tpu.memory_space<vmem>>, vector<1x16xf32>,
        %add3A_960 = arith.constant 6 : i32
        %add3A_961 = arith.addi %mul3A_198, %add3A_960 : i32
        %get3A_962 = arith.index_cast %add3A_961 : i32 to index
        %get3A_963 = arith.constant 32 : index
        %get3A_964 = tpu.vector_load %arg10[%get3A_962, %get3A_963] {strides = array<i32>} : memref<128x128xf32, #tpu.memory_space<vmem>>, vector<1x16xf32>,
        %get3A_965 = vector.shape_cast %get3A_964 : vector<1x16xf32> to vector<16xf32>
        %mul3A_966 = vector.broadcast %squeeze3A_929 : f32 to vector<16xf32>
        %mul3A_967 = arith.mulf %get3A_965, %mul3A_966 : vector<16xf32>
        %add3A_968 = arith.constant 6 : i32
        %add3A_969 = arith.addi %mul3A_198, %add3A_968 : i32
        %swap3A_970 = arith.index_cast %add3A_969 : i32 to index
        %swap3A_971 = arith.constant 32 : index
        %swap3A_972 = tpu.vector_load %arg10[%swap3A_970, %swap3A_971] {strides = array<i32>} : memref<128x128xf32, #tpu.memory_space<vmem>>, vector<1x16xf32>,
        %swap3A_973 = vector.shape_cast %swap3A_972 : vector<1x16xf32> to vector<16xf32>
        %swap3A_974 = vector.shape_cast %mul3A_967 : vector<16xf32> to vector<1x16xf32>
        tpu.vector_store %arg10[%swap3A_970, %swap3A_971], %swap3A_974 {strides = array<i32>} : memref<128x128xf32, #tpu.memory_space<vmem>>, vector<1x16xf32>,
        %add3A_975 = arith.constant 6 : i32
        %add3A_976 = arith.addi %mul3A_198, %add3A_975 : i32
        %get3A_977 = arith.index_cast %add3A_976 : i32 to index
        %get3A_978 = arith.constant 48 : index
        %get3A_979 = tpu.vector_load %arg10[%get3A_977, %get3A_978] {strides = array<i32>} : memref<128x128xf32, #tpu.memory_space<vmem>>, vector<1x16xf32>,
        %get3A_980 = vector.shape_cast %get3A_979 : vector<1x16xf32> to vector<16xf32>
        %mul3A_981 = vector.broadcast %squeeze3A_929 : f32 to vector<16xf32>
        %mul3A_982 = arith.mulf %get3A_980, %mul3A_981 : vector<16xf32>
        %add3A_983 = arith.constant 6 : i32
        %add3A_984 = arith.addi %mul3A_198, %add3A_983 : i32
        %swap3A_985 = arith.index_cast %add3A_984 : i32 to index
        %swap3A_986 = arith.constant 48 : index
        %swap3A_987 = tpu.vector_load %arg10[%swap3A_985, %swap3A_986] {strides = array<i32>} : memref<128x128xf32, #tpu.memory_space<vmem>>, vector<1x16xf32>,
        %swap3A_988 = vector.shape_cast %swap3A_987 : vector<1x16xf32> to vector<16xf32>
        %swap3A_989 = vector.shape_cast %mul3A_982 : vector<16xf32> to vector<1x16xf32>
        tpu.vector_store %arg10[%swap3A_985, %swap3A_986], %swap3A_989 {strides = array<i32>} : memref<128x128xf32, #tpu.memory_space<vmem>>, vector<1x16xf32>,
        %add3A_990 = arith.constant 6 : i32
        %add3A_991 = arith.addi %mul3A_198, %add3A_990 : i32
        %get3A_992 = arith.index_cast %add3A_991 : i32 to index
        %get3A_993 = arith.constant 64 : index
        %get3A_994 = tpu.vector_load %arg10[%get3A_992, %get3A_993] {strides = array<i32>} : memref<128x128xf32, #tpu.memory_space<vmem>>, vector<1x16xf32>,
        %get3A_995 = vector.shape_cast %get3A_994 : vector<1x16xf32> to vector<16xf32>
        %mul3A_996 = vector.broadcast %squeeze3A_929 : f32 to vector<16xf32>
        %mul3A_997 = arith.mulf %get3A_995, %mul3A_996 : vector<16xf32>
        %add3A_998 = arith.constant 6 : i32
        %add3A_999 = arith.addi %mul3A_198, %add3A_998 : i32
        %swap3A_1000 = arith.index_cast %add3A_999 : i32 to index
        %swap3A_1001 = arith.constant 64 : index
        %swap3A_1002 = tpu.vector_load %arg10[%swap3A_1000, %swap3A_1001] {strides = array<i32>} : memref<128x128xf32, #tpu.memory_space<vmem>>, vector<1x16xf32>,
        %swap3A_1003 = vector.shape_cast %swap3A_1002 : vector<1x16xf32> to vector<16xf32>
        %swap3A_1004 = vector.shape_cast %mul3A_997 : vector<16xf32> to vector<1x16xf32>
        tpu.vector_store %arg10[%swap3A_1000, %swap3A_1001], %swap3A_1004 {strides = array<i32>} : memref<128x128xf32, #tpu.memory_space<vmem>>, vector<1x16xf32>,
        %add3A_1005 = arith.constant 6 : i32
        %add3A_1006 = arith.addi %mul3A_198, %add3A_1005 : i32
        %get3A_1007 = arith.index_cast %add3A_1006 : i32 to index
        %get3A_1008 = arith.constant 80 : index
        %get3A_1009 = tpu.vector_load %arg10[%get3A_1007, %get3A_1008] {strides = array<i32>} : memref<128x128xf32, #tpu.memory_space<vmem>>, vector<1x16xf32>,
        %get3A_1010 = vector.shape_cast %get3A_1009 : vector<1x16xf32> to vector<16xf32>
        %mul3A_1011 = vector.broadcast %squeeze3A_929 : f32 to vector<16xf32>
        %mul3A_1012 = arith.mulf %get3A_1010, %mul3A_1011 : vector<16xf32>
        %add3A_1013 = arith.constant 6 : i32
        %add3A_1014 = arith.addi %mul3A_198, %add3A_1013 : i32
        %swap3A_1015 = arith.index_cast %add3A_1014 : i32 to index
        %swap3A_1016 = arith.constant 80 : index
        %swap3A_1017 = tpu.vector_load %arg10[%swap3A_1015, %swap3A_1016] {strides = array<i32>} : memref<128x128xf32, #tpu.memory_space<vmem>>, vector<1x16xf32>,
        %swap3A_1018 = vector.shape_cast %swap3A_1017 : vector<1x16xf32> to vector<16xf32>
        %swap3A_1019 = vector.shape_cast %mul3A_1012 : vector<16xf32> to vector<1x16xf32>
        tpu.vector_store %arg10[%swap3A_1015, %swap3A_1016], %swap3A_1019 {strides = array<i32>} : memref<128x128xf32, #tpu.memory_space<vmem>>, vector<1x16xf32>,
        %add3A_1020 = arith.constant 6 : i32
        %add3A_1021 = arith.addi %mul3A_198, %add3A_1020 : i32
        %get3A_1022 = arith.index_cast %add3A_1021 : i32 to index
        %get3A_1023 = arith.constant 96 : index
        %get3A_1024 = tpu.vector_load %arg10[%get3A_1022, %get3A_1023] {strides = array<i32>} : memref<128x128xf32, #tpu.memory_space<vmem>>, vector<1x16xf32>,
        %get3A_1025 = vector.shape_cast %get3A_1024 : vector<1x16xf32> to vector<16xf32>
        %mul3A_1026 = vector.broadcast %squeeze3A_929 : f32 to vector<16xf32>
        %mul3A_1027 = arith.mulf %get3A_1025, %mul3A_1026 : vector<16xf32>
        %add3A_1028 = arith.constant 6 : i32
        %add3A_1029 = arith.addi %mul3A_198, %add3A_1028 : i32
        %swap3A_1030 = arith.index_cast %add3A_1029 : i32 to index
        %swap3A_1031 = arith.constant 96 : index
        %swap3A_1032 = tpu.vector_load %arg10[%swap3A_1030, %swap3A_1031] {strides = array<i32>} : memref<128x128xf32, #tpu.memory_space<vmem>>, vector<1x16xf32>,
        %swap3A_1033 = vector.shape_cast %swap3A_1032 : vector<1x16xf32> to vector<16xf32>
        %swap3A_1034 = vector.shape_cast %mul3A_1027 : vector<16xf32> to vector<1x16xf32>
        tpu.vector_store %arg10[%swap3A_1030, %swap3A_1031], %swap3A_1034 {strides = array<i32>} : memref<128x128xf32, #tpu.memory_space<vmem>>, vector<1x16xf32>,
        %add3A_1035 = arith.constant 6 : i32
        %add3A_1036 = arith.addi %mul3A_198, %add3A_1035 : i32
        %get3A_1037 = arith.index_cast %add3A_1036 : i32 to index
        %get3A_1038 = arith.constant 112 : index
        %get3A_1039 = tpu.vector_load %arg10[%get3A_1037, %get3A_1038] {strides = array<i32>} : memref<128x128xf32, #tpu.memory_space<vmem>>, vector<1x16xf32>,
        %get3A_1040 = vector.shape_cast %get3A_1039 : vector<1x16xf32> to vector<16xf32>
        %mul3A_1041 = vector.broadcast %squeeze3A_929 : f32 to vector<16xf32>
        %mul3A_1042 = arith.mulf %get3A_1040, %mul3A_1041 : vector<16xf32>
        %add3A_1043 = arith.constant 6 : i32
        %add3A_1044 = arith.addi %mul3A_198, %add3A_1043 : i32
        %swap3A_1045 = arith.index_cast %add3A_1044 : i32 to index
        %swap3A_1046 = arith.constant 112 : index
        %swap3A_1047 = tpu.vector_load %arg10[%swap3A_1045, %swap3A_1046] {strides = array<i32>} : memref<128x128xf32, #tpu.memory_space<vmem>>, vector<1x16xf32>,
        %swap3A_1048 = vector.shape_cast %swap3A_1047 : vector<1x16xf32> to vector<16xf32>
        %swap3A_1049 = vector.shape_cast %mul3A_1042 : vector<16xf32> to vector<1x16xf32>
        tpu.vector_store %arg10[%swap3A_1045, %swap3A_1046], %swap3A_1049 {strides = array<i32>} : memref<128x128xf32, #tpu.memory_space<vmem>>, vector<1x16xf32>,
        %slice3A_1050 = vector.extract_strided_slice %get3A_196 {offsets = [7], sizes = [1], strides = [1]} : vector<16xf32> to vector<1xf32>
        %squeeze3A_1051 = vector.extract %slice3A_1050[0] : f32 from vector<1xf32>
        %add3A_1052 = arith.constant 7 : i32
        %add3A_1053 = arith.addi %mul3A_198, %add3A_1052 : i32
        %get3A_1054 = arith.index_cast %add3A_1053 : i32 to index
        %get3A_1055 = arith.constant 0 : index
        %get3A_1056 = tpu.vector_load %arg10[%get3A_1054, %get3A_1055] {strides = array<i32>} : memref<128x128xf32, #tpu.memory_space<vmem>>, vector<1x16xf32>,
        %get3A_1057 = vector.shape_cast %get3A_1056 : vector<1x16xf32> to vector<16xf32>
        %mul3A_1058 = vector.broadcast %squeeze3A_1051 : f32 to vector<16xf32>
        %mul3A_1059 = arith.mulf %get3A_1057, %mul3A_1058 : vector<16xf32>
        %add3A_1060 = arith.constant 7 : i32
        %add3A_1061 = arith.addi %mul3A_198, %add3A_1060 : i32
        %swap3A_1062 = arith.index_cast %add3A_1061 : i32 to index
        %swap3A_1063 = arith.constant 0 : index
        %swap3A_1064 = tpu.vector_load %arg10[%swap3A_1062, %swap3A_1063] {strides = array<i32>} : memref<128x128xf32, #tpu.memory_space<vmem>>, vector<1x16xf32>,
        %swap3A_1065 = vector.shape_cast %swap3A_1064 : vector<1x16xf32> to vector<16xf32>
        %swap3A_1066 = vector.shape_cast %mul3A_1059 : vector<16xf32> to vector<1x16xf32>
        tpu.vector_store %arg10[%swap3A_1062, %swap3A_1063], %swap3A_1066 {strides = array<i32>} : memref<128x128xf32, #tpu.memory_space<vmem>>, vector<1x16xf32>,
        %add3A_1067 = arith.constant 7 : i32
        %add3A_1068 = arith.addi %mul3A_198, %add3A_1067 : i32
        %get3A_1069 = arith.index_cast %add3A_1068 : i32 to index
        %get3A_1070 = arith.constant 16 : index
        %get3A_1071 = tpu.vector_load %arg10[%get3A_1069, %get3A_1070] {strides = array<i32>} : memref<128x128xf32, #tpu.memory_space<vmem>>, vector<1x16xf32>,
        %get3A_1072 = vector.shape_cast %get3A_1071 : vector<1x16xf32> to vector<16xf32>
        %mul3A_1073 = vector.broadcast %squeeze3A_1051 : f32 to vector<16xf32>
        %mul3A_1074 = arith.mulf %get3A_1072, %mul3A_1073 : vector<16xf32>
        %add3A_1075 = arith.constant 7 : i32
        %add3A_1076 = arith.addi %mul3A_198, %add3A_1075 : i32
        %swap3A_1077 = arith.index_cast %add3A_1076 : i32 to index
        %swap3A_1078 = arith.constant 16 : index
        %swap3A_1079 = tpu.vector_load %arg10[%swap3A_1077, %swap3A_1078] {strides = array<i32>} : memref<128x128xf32, #tpu.memory_space<vmem>>, vector<1x16xf32>,
        %swap3A_1080 = vector.shape_cast %swap3A_1079 : vector<1x16xf32> to vector<16xf32>
        %swap3A_1081 = vector.shape_cast %mul3A_1074 : vector<16xf32> to vector<1x16xf32>
        tpu.vector_store %arg10[%swap3A_1077, %swap3A_1078], %swap3A_1081 {strides = array<i32>} : memref<128x128xf32, #tpu.memory_space<vmem>>, vector<1x16xf32>,
        %add3A_1082 = arith.constant 7 : i32
        %add3A_1083 = arith.addi %mul3A_198, %add3A_1082 : i32
        %get3A_1084 = arith.index_cast %add3A_1083 : i32 to index
        %get3A_1085 = arith.constant 32 : index
        %get3A_1086 = tpu.vector_load %arg10[%get3A_1084, %get3A_1085] {strides = array<i32>} : memref<128x128xf32, #tpu.memory_space<vmem>>, vector<1x16xf32>,
        %get3A_1087 = vector.shape_cast %get3A_1086 : vector<1x16xf32> to vector<16xf32>
        %mul3A_1088 = vector.broadcast %squeeze3A_1051 : f32 to vector<16xf32>
        %mul3A_1089 = arith.mulf %get3A_1087, %mul3A_1088 : vector<16xf32>
        %add3A_1090 = arith.constant 7 : i32
        %add3A_1091 = arith.addi %mul3A_198, %add3A_1090 : i32
        %swap3A_1092 = arith.index_cast %add3A_1091 : i32 to index
        %swap3A_1093 = arith.constant 32 : index
        %swap3A_1094 = tpu.vector_load %arg10[%swap3A_1092, %swap3A_1093] {strides = array<i32>} : memref<128x128xf32, #tpu.memory_space<vmem>>, vector<1x16xf32>,
        %swap3A_1095 = vector.shape_cast %swap3A_1094 : vector<1x16xf32> to vector<16xf32>
        %swap3A_1096 = vector.shape_cast %mul3A_1089 : vector<16xf32> to vector<1x16xf32>
        tpu.vector_store %arg10[%swap3A_1092, %swap3A_1093], %swap3A_1096 {strides = array<i32>} : memref<128x128xf32, #tpu.memory_space<vmem>>, vector<1x16xf32>,
        %add3A_1097 = arith.constant 7 : i32
        %add3A_1098 = arith.addi %mul3A_198, %add3A_1097 : i32
        %get3A_1099 = arith.index_cast %add3A_1098 : i32 to index
        %get3A_1100 = arith.constant 48 : index
        %get3A_1101 = tpu.vector_load %arg10[%get3A_1099, %get3A_1100] {strides = array<i32>} : memref<128x128xf32, #tpu.memory_space<vmem>>, vector<1x16xf32>,
        %get3A_1102 = vector.shape_cast %get3A_1101 : vector<1x16xf32> to vector<16xf32>
        %mul3A_1103 = vector.broadcast %squeeze3A_1051 : f32 to vector<16xf32>
        %mul3A_1104 = arith.mulf %get3A_1102, %mul3A_1103 : vector<16xf32>
        %add3A_1105 = arith.constant 7 : i32
        %add3A_1106 = arith.addi %mul3A_198, %add3A_1105 : i32
        %swap3A_1107 = arith.index_cast %add3A_1106 : i32 to index
        %swap3A_1108 = arith.constant 48 : index
        %swap3A_1109 = tpu.vector_load %arg10[%swap3A_1107, %swap3A_1108] {strides = array<i32>} : memref<128x128xf32, #tpu.memory_space<vmem>>, vector<1x16xf32>,
        %swap3A_1110 = vector.shape_cast %swap3A_1109 : vector<1x16xf32> to vector<16xf32>
        %swap3A_1111 = vector.shape_cast %mul3A_1104 : vector<16xf32> to vector<1x16xf32>
        tpu.vector_store %arg10[%swap3A_1107, %swap3A_1108], %swap3A_1111 {strides = array<i32>} : memref<128x128xf32, #tpu.memory_space<vmem>>, vector<1x16xf32>,
        %add3A_1112 = arith.constant 7 : i32
        %add3A_1113 = arith.addi %mul3A_198, %add3A_1112 : i32
        %get3A_1114 = arith.index_cast %add3A_1113 : i32 to index
        %get3A_1115 = arith.constant 64 : index
        %get3A_1116 = tpu.vector_load %arg10[%get3A_1114, %get3A_1115] {strides = array<i32>} : memref<128x128xf32, #tpu.memory_space<vmem>>, vector<1x16xf32>,
        %get3A_1117 = vector.shape_cast %get3A_1116 : vector<1x16xf32> to vector<16xf32>
        %mul3A_1118 = vector.broadcast %squeeze3A_1051 : f32 to vector<16xf32>
        %mul3A_1119 = arith.mulf %get3A_1117, %mul3A_1118 : vector<16xf32>
        %add3A_1120 = arith.constant 7 : i32
        %add3A_1121 = arith.addi %mul3A_198, %add3A_1120 : i32
        %swap3A_1122 = arith.index_cast %add3A_1121 : i32 to index
        %swap3A_1123 = arith.constant 64 : index
        %swap3A_1124 = tpu.vector_load %arg10[%swap3A_1122, %swap3A_1123] {strides = array<i32>} : memref<128x128xf32, #tpu.memory_space<vmem>>, vector<1x16xf32>,
        %swap3A_1125 = vector.shape_cast %swap3A_1124 : vector<1x16xf32> to vector<16xf32>
        %swap3A_1126 = vector.shape_cast %mul3A_1119 : vector<16xf32> to vector<1x16xf32>
        tpu.vector_store %arg10[%swap3A_1122, %swap3A_1123], %swap3A_1126 {strides = array<i32>} : memref<128x128xf32, #tpu.memory_space<vmem>>, vector<1x16xf32>,
        %add3A_1127 = arith.constant 7 : i32
        %add3A_1128 = arith.addi %mul3A_198, %add3A_1127 : i32
        %get3A_1129 = arith.index_cast %add3A_1128 : i32 to index
        %get3A_1130 = arith.constant 80 : index
        %get3A_1131 = tpu.vector_load %arg10[%get3A_1129, %get3A_1130] {strides = array<i32>} : memref<128x128xf32, #tpu.memory_space<vmem>>, vector<1x16xf32>,
        %get3A_1132 = vector.shape_cast %get3A_1131 : vector<1x16xf32> to vector<16xf32>
        %mul3A_1133 = vector.broadcast %squeeze3A_1051 : f32 to vector<16xf32>
        %mul3A_1134 = arith.mulf %get3A_1132, %mul3A_1133 : vector<16xf32>
        %add3A_1135 = arith.constant 7 : i32
        %add3A_1136 = arith.addi %mul3A_198, %add3A_1135 : i32
        %swap3A_1137 = arith.index_cast %add3A_1136 : i32 to index
        %swap3A_1138 = arith.constant 80 : index
        %swap3A_1139 = tpu.vector_load %arg10[%swap3A_1137, %swap3A_1138] {strides = array<i32>} : memref<128x128xf32, #tpu.memory_space<vmem>>, vector<1x16xf32>,
        %swap3A_1140 = vector.shape_cast %swap3A_1139 : vector<1x16xf32> to vector<16xf32>
        %swap3A_1141 = vector.shape_cast %mul3A_1134 : vector<16xf32> to vector<1x16xf32>
        tpu.vector_store %arg10[%swap3A_1137, %swap3A_1138], %swap3A_1141 {strides = array<i32>} : memref<128x128xf32, #tpu.memory_space<vmem>>, vector<1x16xf32>,
        %add3A_1142 = arith.constant 7 : i32
        %add3A_1143 = arith.addi %mul3A_198, %add3A_1142 : i32
        %get3A_1144 = arith.index_cast %add3A_1143 : i32 to index
        %get3A_1145 = arith.constant 96 : index
        %get3A_1146 = tpu.vector_load %arg10[%get3A_1144, %get3A_1145] {strides = array<i32>} : memref<128x128xf32, #tpu.memory_space<vmem>>, vector<1x16xf32>,
        %get3A_1147 = vector.shape_cast %get3A_1146 : vector<1x16xf32> to vector<16xf32>
        %mul3A_1148 = vector.broadcast %squeeze3A_1051 : f32 to vector<16xf32>
        %mul3A_1149 = arith.mulf %get3A_1147, %mul3A_1148 : vector<16xf32>
        %add3A_1150 = arith.constant 7 : i32
        %add3A_1151 = arith.addi %mul3A_198, %add3A_1150 : i32
        %swap3A_1152 = arith.index_cast %add3A_1151 : i32 to index
        %swap3A_1153 = arith.constant 96 : index
        %swap3A_1154 = tpu.vector_load %arg10[%swap3A_1152, %swap3A_1153] {strides = array<i32>} : memref<128x128xf32, #tpu.memory_space<vmem>>, vector<1x16xf32>,
        %swap3A_1155 = vector.shape_cast %swap3A_1154 : vector<1x16xf32> to vector<16xf32>
        %swap3A_1156 = vector.shape_cast %mul3A_1149 : vector<16xf32> to vector<1x16xf32>
        tpu.vector_store %arg10[%swap3A_1152, %swap3A_1153], %swap3A_1156 {strides = array<i32>} : memref<128x128xf32, #tpu.memory_space<vmem>>, vector<1x16xf32>,
        %add3A_1157 = arith.constant 7 : i32
        %add3A_1158 = arith.addi %mul3A_198, %add3A_1157 : i32
        %get3A_1159 = arith.index_cast %add3A_1158 : i32 to index
        %get3A_1160 = arith.constant 112 : index
        %get3A_1161 = tpu.vector_load %arg10[%get3A_1159, %get3A_1160] {strides = array<i32>} : memref<128x128xf32, #tpu.memory_space<vmem>>, vector<1x16xf32>,
        %get3A_1162 = vector.shape_cast %get3A_1161 : vector<1x16xf32> to vector<16xf32>
        %mul3A_1163 = vector.broadcast %squeeze3A_1051 : f32 to vector<16xf32>
        %mul3A_1164 = arith.mulf %get3A_1162, %mul3A_1163 : vector<16xf32>
        %add3A_1165 = arith.constant 7 : i32
        %add3A_1166 = arith.addi %mul3A_198, %add3A_1165 : i32
        %swap3A_1167 = arith.index_cast %add3A_1166 : i32 to index
        %swap3A_1168 = arith.constant 112 : index
        %swap3A_1169 = tpu.vector_load %arg10[%swap3A_1167, %swap3A_1168] {strides = array<i32>} : memref<128x128xf32, #tpu.memory_space<vmem>>, vector<1x16xf32>,
        %swap3A_1170 = vector.shape_cast %swap3A_1169 : vector<1x16xf32> to vector<16xf32>
        %swap3A_1171 = vector.shape_cast %mul3A_1164 : vector<16xf32> to vector<1x16xf32>
        tpu.vector_store %arg10[%swap3A_1167, %swap3A_1168], %swap3A_1171 {strides = array<i32>} : memref<128x128xf32, #tpu.memory_space<vmem>>, vector<1x16xf32>,
        %slice3A_1172 = vector.extract_strided_slice %get3A_196 {offsets = [8], sizes = [1], strides = [1]} : vector<16xf32> to vector<1xf32>
        %squeeze3A_1173 = vector.extract %slice3A_1172[0] : f32 from vector<1xf32>
        %add3A_1174 = arith.constant 8 : i32
        %add3A_1175 = arith.addi %mul3A_198, %add3A_1174 : i32
        %get3A_1176 = arith.index_cast %add3A_1175 : i32 to index
        %get3A_1177 = arith.constant 0 : index
        %get3A_1178 = tpu.vector_load %arg10[%get3A_1176, %get3A_1177] {strides = array<i32>} : memref<128x128xf32, #tpu.memory_space<vmem>>, vector<1x16xf32>,
        %get3A_1179 = vector.shape_cast %get3A_1178 : vector<1x16xf32> to vector<16xf32>
        %mul3A_1180 = vector.broadcast %squeeze3A_1173 : f32 to vector<16xf32>
        %mul3A_1181 = arith.mulf %get3A_1179, %mul3A_1180 : vector<16xf32>
        %add3A_1182 = arith.constant 8 : i32
        %add3A_1183 = arith.addi %mul3A_198, %add3A_1182 : i32
        %swap3A_1184 = arith.index_cast %add3A_1183 : i32 to index
        %swap3A_1185 = arith.constant 0 : index
        %swap3A_1186 = tpu.vector_load %arg10[%swap3A_1184, %swap3A_1185] {strides = array<i32>} : memref<128x128xf32, #tpu.memory_space<vmem>>, vector<1x16xf32>,
        %swap3A_1187 = vector.shape_cast %swap3A_1186 : vector<1x16xf32> to vector<16xf32>
        %swap3A_1188 = vector.shape_cast %mul3A_1181 : vector<16xf32> to vector<1x16xf32>
        tpu.vector_store %arg10[%swap3A_1184, %swap3A_1185], %swap3A_1188 {strides = array<i32>} : memref<128x128xf32, #tpu.memory_space<vmem>>, vector<1x16xf32>,
        %add3A_1189 = arith.constant 8 : i32
        %add3A_1190 = arith.addi %mul3A_198, %add3A_1189 : i32
        %get3A_1191 = arith.index_cast %add3A_1190 : i32 to index
        %get3A_1192 = arith.constant 16 : index
        %get3A_1193 = tpu.vector_load %arg10[%get3A_1191, %get3A_1192] {strides = array<i32>} : memref<128x128xf32, #tpu.memory_space<vmem>>, vector<1x16xf32>,
        %get3A_1194 = vector.shape_cast %get3A_1193 : vector<1x16xf32> to vector<16xf32>
        %mul3A_1195 = vector.broadcast %squeeze3A_1173 : f32 to vector<16xf32>
        %mul3A_1196 = arith.mulf %get3A_1194, %mul3A_1195 : vector<16xf32>
        %add3A_1197 = arith.constant 8 : i32
        %add3A_1198 = arith.addi %mul3A_198, %add3A_1197 : i32
        %swap3A_1199 = arith.index_cast %add3A_1198 : i32 to index
        %swap3A_1200 = arith.constant 16 : index
        %swap3A_1201 = tpu.vector_load %arg10[%swap3A_1199, %swap3A_1200] {strides = array<i32>} : memref<128x128xf32, #tpu.memory_space<vmem>>, vector<1x16xf32>,
        %swap3A_1202 = vector.shape_cast %swap3A_1201 : vector<1x16xf32> to vector<16xf32>
        %swap3A_1203 = vector.shape_cast %mul3A_1196 : vector<16xf32> to vector<1x16xf32>
        tpu.vector_store %arg10[%swap3A_1199, %swap3A_1200], %swap3A_1203 {strides = array<i32>} : memref<128x128xf32, #tpu.memory_space<vmem>>, vector<1x16xf32>,
        %add3A_1204 = arith.constant 8 : i32
        %add3A_1205 = arith.addi %mul3A_198, %add3A_1204 : i32
        %get3A_1206 = arith.index_cast %add3A_1205 : i32 to index
        %get3A_1207 = arith.constant 32 : index
        %get3A_1208 = tpu.vector_load %arg10[%get3A_1206, %get3A_1207] {strides = array<i32>} : memref<128x128xf32, #tpu.memory_space<vmem>>, vector<1x16xf32>,
        %get3A_1209 = vector.shape_cast %get3A_1208 : vector<1x16xf32> to vector<16xf32>
        %mul3A_1210 = vector.broadcast %squeeze3A_1173 : f32 to vector<16xf32>
        %mul3A_1211 = arith.mulf %get3A_1209, %mul3A_1210 : vector<16xf32>
        %add3A_1212 = arith.constant 8 : i32
        %add3A_1213 = arith.addi %mul3A_198, %add3A_1212 : i32
        %swap3A_1214 = arith.index_cast %add3A_1213 : i32 to index
        %swap3A_1215 = arith.constant 32 : index
        %swap3A_1216 = tpu.vector_load %arg10[%swap3A_1214, %swap3A_1215] {strides = array<i32>} : memref<128x128xf32, #tpu.memory_space<vmem>>, vector<1x16xf32>,
        %swap3A_1217 = vector.shape_cast %swap3A_1216 : vector<1x16xf32> to vector<16xf32>
        %swap3A_1218 = vector.shape_cast %mul3A_1211 : vector<16xf32> to vector<1x16xf32>
        tpu.vector_store %arg10[%swap3A_1214, %swap3A_1215], %swap3A_1218 {strides = array<i32>} : memref<128x128xf32, #tpu.memory_space<vmem>>, vector<1x16xf32>,
        %add3A_1219 = arith.constant 8 : i32
        %add3A_1220 = arith.addi %mul3A_198, %add3A_1219 : i32
        %get3A_1221 = arith.index_cast %add3A_1220 : i32 to index
        %get3A_1222 = arith.constant 48 : index
        %get3A_1223 = tpu.vector_load %arg10[%get3A_1221, %get3A_1222] {strides = array<i32>} : memref<128x128xf32, #tpu.memory_space<vmem>>, vector<1x16xf32>,
        %get3A_1224 = vector.shape_cast %get3A_1223 : vector<1x16xf32> to vector<16xf32>
        %mul3A_1225 = vector.broadcast %squeeze3A_1173 : f32 to vector<16xf32>
        %mul3A_1226 = arith.mulf %get3A_1224, %mul3A_1225 : vector<16xf32>
        %add3A_1227 = arith.constant 8 : i32
        %add3A_1228 = arith.addi %mul3A_198, %add3A_1227 : i32
        %swap3A_1229 = arith.index_cast %add3A_1228 : i32 to index
        %swap3A_1230 = arith.constant 48 : index
        %swap3A_1231 = tpu.vector_load %arg10[%swap3A_1229, %swap3A_1230] {strides = array<i32>} : memref<128x128xf32, #tpu.memory_space<vmem>>, vector<1x16xf32>,
        %swap3A_1232 = vector.shape_cast %swap3A_1231 : vector<1x16xf32> to vector<16xf32>
        %swap3A_1233 = vector.shape_cast %mul3A_1226 : vector<16xf32> to vector<1x16xf32>
        tpu.vector_store %arg10[%swap3A_1229, %swap3A_1230], %swap3A_1233 {strides = array<i32>} : memref<128x128xf32, #tpu.memory_space<vmem>>, vector<1x16xf32>,
        %add3A_1234 = arith.constant 8 : i32
        %add3A_1235 = arith.addi %mul3A_198, %add3A_1234 : i32
        %get3A_1236 = arith.index_cast %add3A_1235 : i32 to index
        %get3A_1237 = arith.constant 64 : index
        %get3A_1238 = tpu.vector_load %arg10[%get3A_1236, %get3A_1237] {strides = array<i32>} : memref<128x128xf32, #tpu.memory_space<vmem>>, vector<1x16xf32>,
        %get3A_1239 = vector.shape_cast %get3A_1238 : vector<1x16xf32> to vector<16xf32>
        %mul3A_1240 = vector.broadcast %squeeze3A_1173 : f32 to vector<16xf32>
        %mul3A_1241 = arith.mulf %get3A_1239, %mul3A_1240 : vector<16xf32>
        %add3A_1242 = arith.constant 8 : i32
        %add3A_1243 = arith.addi %mul3A_198, %add3A_1242 : i32
        %swap3A_1244 = arith.index_cast %add3A_1243 : i32 to index
        %swap3A_1245 = arith.constant 64 : index
        %swap3A_1246 = tpu.vector_load %arg10[%swap3A_1244, %swap3A_1245] {strides = array<i32>} : memref<128x128xf32, #tpu.memory_space<vmem>>, vector<1x16xf32>,
        %swap3A_1247 = vector.shape_cast %swap3A_1246 : vector<1x16xf32> to vector<16xf32>
        %swap3A_1248 = vector.shape_cast %mul3A_1241 : vector<16xf32> to vector<1x16xf32>
        tpu.vector_store %arg10[%swap3A_1244, %swap3A_1245], %swap3A_1248 {strides = array<i32>} : memref<128x128xf32, #tpu.memory_space<vmem>>, vector<1x16xf32>,
        %add3A_1249 = arith.constant 8 : i32
        %add3A_1250 = arith.addi %mul3A_198, %add3A_1249 : i32
        %get3A_1251 = arith.index_cast %add3A_1250 : i32 to index
        %get3A_1252 = arith.constant 80 : index
        %get3A_1253 = tpu.vector_load %arg10[%get3A_1251, %get3A_1252] {strides = array<i32>} : memref<128x128xf32, #tpu.memory_space<vmem>>, vector<1x16xf32>,
        %get3A_1254 = vector.shape_cast %get3A_1253 : vector<1x16xf32> to vector<16xf32>
        %mul3A_1255 = vector.broadcast %squeeze3A_1173 : f32 to vector<16xf32>
        %mul3A_1256 = arith.mulf %get3A_1254, %mul3A_1255 : vector<16xf32>
        %add3A_1257 = arith.constant 8 : i32
        %add3A_1258 = arith.addi %mul3A_198, %add3A_1257 : i32
        %swap3A_1259 = arith.index_cast %add3A_1258 : i32 to index
        %swap3A_1260 = arith.constant 80 : index
        %swap3A_1261 = tpu.vector_load %arg10[%swap3A_1259, %swap3A_1260] {strides = array<i32>} : memref<128x128xf32, #tpu.memory_space<vmem>>, vector<1x16xf32>,
        %swap3A_1262 = vector.shape_cast %swap3A_1261 : vector<1x16xf32> to vector<16xf32>
        %swap3A_1263 = vector.shape_cast %mul3A_1256 : vector<16xf32> to vector<1x16xf32>
        tpu.vector_store %arg10[%swap3A_1259, %swap3A_1260], %swap3A_1263 {strides = array<i32>} : memref<128x128xf32, #tpu.memory_space<vmem>>, vector<1x16xf32>,
        %add3A_1264 = arith.constant 8 : i32
        %add3A_1265 = arith.addi %mul3A_198, %add3A_1264 : i32
        %get3A_1266 = arith.index_cast %add3A_1265 : i32 to index
        %get3A_1267 = arith.constant 96 : index
        %get3A_1268 = tpu.vector_load %arg10[%get3A_1266, %get3A_1267] {strides = array<i32>} : memref<128x128xf32, #tpu.memory_space<vmem>>, vector<1x16xf32>,
        %get3A_1269 = vector.shape_cast %get3A_1268 : vector<1x16xf32> to vector<16xf32>
        %mul3A_1270 = vector.broadcast %squeeze3A_1173 : f32 to vector<16xf32>
        %mul3A_1271 = arith.mulf %get3A_1269, %mul3A_1270 : vector<16xf32>
        %add3A_1272 = arith.constant 8 : i32
        %add3A_1273 = arith.addi %mul3A_198, %add3A_1272 : i32
        %swap3A_1274 = arith.index_cast %add3A_1273 : i32 to index
        %swap3A_1275 = arith.constant 96 : index
        %swap3A_1276 = tpu.vector_load %arg10[%swap3A_1274, %swap3A_1275] {strides = array<i32>} : memref<128x128xf32, #tpu.memory_space<vmem>>, vector<1x16xf32>,
        %swap3A_1277 = vector.shape_cast %swap3A_1276 : vector<1x16xf32> to vector<16xf32>
        %swap3A_1278 = vector.shape_cast %mul3A_1271 : vector<16xf32> to vector<1x16xf32>
        tpu.vector_store %arg10[%swap3A_1274, %swap3A_1275], %swap3A_1278 {strides = array<i32>} : memref<128x128xf32, #tpu.memory_space<vmem>>, vector<1x16xf32>,
        %add3A_1279 = arith.constant 8 : i32
        %add3A_1280 = arith.addi %mul3A_198, %add3A_1279 : i32
        %get3A_1281 = arith.index_cast %add3A_1280 : i32 to index
        %get3A_1282 = arith.constant 112 : index
        %get3A_1283 = tpu.vector_load %arg10[%get3A_1281, %get3A_1282] {strides = array<i32>} : memref<128x128xf32, #tpu.memory_space<vmem>>, vector<1x16xf32>,
        %get3A_1284 = vector.shape_cast %get3A_1283 : vector<1x16xf32> to vector<16xf32>
        %mul3A_1285 = vector.broadcast %squeeze3A_1173 : f32 to vector<16xf32>
        %mul3A_1286 = arith.mulf %get3A_1284, %mul3A_1285 : vector<16xf32>
        %add3A_1287 = arith.constant 8 : i32
        %add3A_1288 = arith.addi %mul3A_198, %add3A_1287 : i32
        %swap3A_1289 = arith.index_cast %add3A_1288 : i32 to index
        %swap3A_1290 = arith.constant 112 : index
        %swap3A_1291 = tpu.vector_load %arg10[%swap3A_1289, %swap3A_1290] {strides = array<i32>} : memref<128x128xf32, #tpu.memory_space<vmem>>, vector<1x16xf32>,
        %swap3A_1292 = vector.shape_cast %swap3A_1291 : vector<1x16xf32> to vector<16xf32>
        %swap3A_1293 = vector.shape_cast %mul3A_1286 : vector<16xf32> to vector<1x16xf32>
        tpu.vector_store %arg10[%swap3A_1289, %swap3A_1290], %swap3A_1293 {strides = array<i32>} : memref<128x128xf32, #tpu.memory_space<vmem>>, vector<1x16xf32>,
        %slice3A_1294 = vector.extract_strided_slice %get3A_196 {offsets = [9], sizes = [1], strides = [1]} : vector<16xf32> to vector<1xf32>
        %squeeze3A_1295 = vector.extract %slice3A_1294[0] : f32 from vector<1xf32>
        %add3A_1296 = arith.constant 9 : i32
        %add3A_1297 = arith.addi %mul3A_198, %add3A_1296 : i32
        %get3A_1298 = arith.index_cast %add3A_1297 : i32 to index
        %get3A_1299 = arith.constant 0 : index
        %get3A_1300 = tpu.vector_load %arg10[%get3A_1298, %get3A_1299] {strides = array<i32>} : memref<128x128xf32, #tpu.memory_space<vmem>>, vector<1x16xf32>,
        %get3A_1301 = vector.shape_cast %get3A_1300 : vector<1x16xf32> to vector<16xf32>
        %mul3A_1302 = vector.broadcast %squeeze3A_1295 : f32 to vector<16xf32>
        %mul3A_1303 = arith.mulf %get3A_1301, %mul3A_1302 : vector<16xf32>
        %add3A_1304 = arith.constant 9 : i32
        %add3A_1305 = arith.addi %mul3A_198, %add3A_1304 : i32
        %swap3A_1306 = arith.index_cast %add3A_1305 : i32 to index
        %swap3A_1307 = arith.constant 0 : index
        %swap3A_1308 = tpu.vector_load %arg10[%swap3A_1306, %swap3A_1307] {strides = array<i32>} : memref<128x128xf32, #tpu.memory_space<vmem>>, vector<1x16xf32>,
        %swap3A_1309 = vector.shape_cast %swap3A_1308 : vector<1x16xf32> to vector<16xf32>
        %swap3A_1310 = vector.shape_cast %mul3A_1303 : vector<16xf32> to vector<1x16xf32>
        tpu.vector_store %arg10[%swap3A_1306, %swap3A_1307], %swap3A_1310 {strides = array<i32>} : memref<128x128xf32, #tpu.memory_space<vmem>>, vector<1x16xf32>,
        %add3A_1311 = arith.constant 9 : i32
        %add3A_1312 = arith.addi %mul3A_198, %add3A_1311 : i32
        %get3A_1313 = arith.index_cast %add3A_1312 : i32 to index
        %get3A_1314 = arith.constant 16 : index
        %get3A_1315 = tpu.vector_load %arg10[%get3A_1313, %get3A_1314] {strides = array<i32>} : memref<128x128xf32, #tpu.memory_space<vmem>>, vector<1x16xf32>,
        %get3A_1316 = vector.shape_cast %get3A_1315 : vector<1x16xf32> to vector<16xf32>
        %mul3A_1317 = vector.broadcast %squeeze3A_1295 : f32 to vector<16xf32>
        %mul3A_1318 = arith.mulf %get3A_1316, %mul3A_1317 : vector<16xf32>
        %add3A_1319 = arith.constant 9 : i32
        %add3A_1320 = arith.addi %mul3A_198, %add3A_1319 : i32
        %swap3A_1321 = arith.index_cast %add3A_1320 : i32 to index
        %swap3A_1322 = arith.constant 16 : index
        %swap3A_1323 = tpu.vector_load %arg10[%swap3A_1321, %swap3A_1322] {strides = array<i32>} : memref<128x128xf32, #tpu.memory_space<vmem>>, vector<1x16xf32>,
        %swap3A_1324 = vector.shape_cast %swap3A_1323 : vector<1x16xf32> to vector<16xf32>
        %swap3A_1325 = vector.shape_cast %mul3A_1318 : vector<16xf32> to vector<1x16xf32>
        tpu.vector_store %arg10[%swap3A_1321, %swap3A_1322], %swap3A_1325 {strides = array<i32>} : memref<128x128xf32, #tpu.memory_space<vmem>>, vector<1x16xf32>,
        %add3A_1326 = arith.constant 9 : i32
        %add3A_1327 = arith.addi %mul3A_198, %add3A_1326 : i32
        %get3A_1328 = arith.index_cast %add3A_1327 : i32 to index
        %get3A_1329 = arith.constant 32 : index
        %get3A_1330 = tpu.vector_load %arg10[%get3A_1328, %get3A_1329] {strides = array<i32>} : memref<128x128xf32, #tpu.memory_space<vmem>>, vector<1x16xf32>,
        %get3A_1331 = vector.shape_cast %get3A_1330 : vector<1x16xf32> to vector<16xf32>
        %mul3A_1332 = vector.broadcast %squeeze3A_1295 : f32 to vector<16xf32>
        %mul3A_1333 = arith.mulf %get3A_1331, %mul3A_1332 : vector<16xf32>
        %add3A_1334 = arith.constant 9 : i32
        %add3A_1335 = arith.addi %mul3A_198, %add3A_1334 : i32
        %swap3A_1336 = arith.index_cast %add3A_1335 : i32 to index
        %swap3A_1337 = arith.constant 32 : index
        %swap3A_1338 = tpu.vector_load %arg10[%swap3A_1336, %swap3A_1337] {strides = array<i32>} : memref<128x128xf32, #tpu.memory_space<vmem>>, vector<1x16xf32>,
        %swap3A_1339 = vector.shape_cast %swap3A_1338 : vector<1x16xf32> to vector<16xf32>
        %swap3A_1340 = vector.shape_cast %mul3A_1333 : vector<16xf32> to vector<1x16xf32>
        tpu.vector_store %arg10[%swap3A_1336, %swap3A_1337], %swap3A_1340 {strides = array<i32>} : memref<128x128xf32, #tpu.memory_space<vmem>>, vector<1x16xf32>,
        %add3A_1341 = arith.constant 9 : i32
        %add3A_1342 = arith.addi %mul3A_198, %add3A_1341 : i32
        %get3A_1343 = arith.index_cast %add3A_1342 : i32 to index
        %get3A_1344 = arith.constant 48 : index
        %get3A_1345 = tpu.vector_load %arg10[%get3A_1343, %get3A_1344] {strides = array<i32>} : memref<128x128xf32, #tpu.memory_space<vmem>>, vector<1x16xf32>,
        %get3A_1346 = vector.shape_cast %get3A_1345 : vector<1x16xf32> to vector<16xf32>
        %mul3A_1347 = vector.broadcast %squeeze3A_1295 : f32 to vector<16xf32>
        %mul3A_1348 = arith.mulf %get3A_1346, %mul3A_1347 : vector<16xf32>
        %add3A_1349 = arith.constant 9 : i32
        %add3A_1350 = arith.addi %mul3A_198, %add3A_1349 : i32
        %swap3A_1351 = arith.index_cast %add3A_1350 : i32 to index
        %swap3A_1352 = arith.constant 48 : index
        %swap3A_1353 = tpu.vector_load %arg10[%swap3A_1351, %swap3A_1352] {strides = array<i32>} : memref<128x128xf32, #tpu.memory_space<vmem>>, vector<1x16xf32>,
        %swap3A_1354 = vector.shape_cast %swap3A_1353 : vector<1x16xf32> to vector<16xf32>
        %swap3A_1355 = vector.shape_cast %mul3A_1348 : vector<16xf32> to vector<1x16xf32>
        tpu.vector_store %arg10[%swap3A_1351, %swap3A_1352], %swap3A_1355 {strides = array<i32>} : memref<128x128xf32, #tpu.memory_space<vmem>>, vector<1x16xf32>,
        %add3A_1356 = arith.constant 9 : i32
        %add3A_1357 = arith.addi %mul3A_198, %add3A_1356 : i32
        %get3A_1358 = arith.index_cast %add3A_1357 : i32 to index
        %get3A_1359 = arith.constant 64 : index
        %get3A_1360 = tpu.vector_load %arg10[%get3A_1358, %get3A_1359] {strides = array<i32>} : memref<128x128xf32, #tpu.memory_space<vmem>>, vector<1x16xf32>,
        %get3A_1361 = vector.shape_cast %get3A_1360 : vector<1x16xf32> to vector<16xf32>
        %mul3A_1362 = vector.broadcast %squeeze3A_1295 : f32 to vector<16xf32>
        %mul3A_1363 = arith.mulf %get3A_1361, %mul3A_1362 : vector<16xf32>
        %add3A_1364 = arith.constant 9 : i32
        %add3A_1365 = arith.addi %mul3A_198, %add3A_1364 : i32
        %swap3A_1366 = arith.index_cast %add3A_1365 : i32 to index
        %swap3A_1367 = arith.constant 64 : index
        %swap3A_1368 = tpu.vector_load %arg10[%swap3A_1366, %swap3A_1367] {strides = array<i32>} : memref<128x128xf32, #tpu.memory_space<vmem>>, vector<1x16xf32>,
        %swap3A_1369 = vector.shape_cast %swap3A_1368 : vector<1x16xf32> to vector<16xf32>
        %swap3A_1370 = vector.shape_cast %mul3A_1363 : vector<16xf32> to vector<1x16xf32>
        tpu.vector_store %arg10[%swap3A_1366, %swap3A_1367], %swap3A_1370 {strides = array<i32>} : memref<128x128xf32, #tpu.memory_space<vmem>>, vector<1x16xf32>,
        %add3A_1371 = arith.constant 9 : i32
        %add3A_1372 = arith.addi %mul3A_198, %add3A_1371 : i32
        %get3A_1373 = arith.index_cast %add3A_1372 : i32 to index
        %get3A_1374 = arith.constant 80 : index
        %get3A_1375 = tpu.vector_load %arg10[%get3A_1373, %get3A_1374] {strides = array<i32>} : memref<128x128xf32, #tpu.memory_space<vmem>>, vector<1x16xf32>,
        %get3A_1376 = vector.shape_cast %get3A_1375 : vector<1x16xf32> to vector<16xf32>
        %mul3A_1377 = vector.broadcast %squeeze3A_1295 : f32 to vector<16xf32>
        %mul3A_1378 = arith.mulf %get3A_1376, %mul3A_1377 : vector<16xf32>
        %add3A_1379 = arith.constant 9 : i32
        %add3A_1380 = arith.addi %mul3A_198, %add3A_1379 : i32
        %swap3A_1381 = arith.index_cast %add3A_1380 : i32 to index
        %swap3A_1382 = arith.constant 80 : index
        %swap3A_1383 = tpu.vector_load %arg10[%swap3A_1381, %swap3A_1382] {strides = array<i32>} : memref<128x128xf32, #tpu.memory_space<vmem>>, vector<1x16xf32>,
        %swap3A_1384 = vector.shape_cast %swap3A_1383 : vector<1x16xf32> to vector<16xf32>
        %swap3A_1385 = vector.shape_cast %mul3A_1378 : vector<16xf32> to vector<1x16xf32>
        tpu.vector_store %arg10[%swap3A_1381, %swap3A_1382], %swap3A_1385 {strides = array<i32>} : memref<128x128xf32, #tpu.memory_space<vmem>>, vector<1x16xf32>,
        %add3A_1386 = arith.constant 9 : i32
        %add3A_1387 = arith.addi %mul3A_198, %add3A_1386 : i32
        %get3A_1388 = arith.index_cast %add3A_1387 : i32 to index
        %get3A_1389 = arith.constant 96 : index
        %get3A_1390 = tpu.vector_load %arg10[%get3A_1388, %get3A_1389] {strides = array<i32>} : memref<128x128xf32, #tpu.memory_space<vmem>>, vector<1x16xf32>,
        %get3A_1391 = vector.shape_cast %get3A_1390 : vector<1x16xf32> to vector<16xf32>
        %mul3A_1392 = vector.broadcast %squeeze3A_1295 : f32 to vector<16xf32>
        %mul3A_1393 = arith.mulf %get3A_1391, %mul3A_1392 : vector<16xf32>
        %add3A_1394 = arith.constant 9 : i32
        %add3A_1395 = arith.addi %mul3A_198, %add3A_1394 : i32
        %swap3A_1396 = arith.index_cast %add3A_1395 : i32 to index
        %swap3A_1397 = arith.constant 96 : index
        %swap3A_1398 = tpu.vector_load %arg10[%swap3A_1396, %swap3A_1397] {strides = array<i32>} : memref<128x128xf32, #tpu.memory_space<vmem>>, vector<1x16xf32>,
        %swap3A_1399 = vector.shape_cast %swap3A_1398 : vector<1x16xf32> to vector<16xf32>
        %swap3A_1400 = vector.shape_cast %mul3A_1393 : vector<16xf32> to vector<1x16xf32>
        tpu.vector_store %arg10[%swap3A_1396, %swap3A_1397], %swap3A_1400 {strides = array<i32>} : memref<128x128xf32, #tpu.memory_space<vmem>>, vector<1x16xf32>,
        %add3A_1401 = arith.constant 9 : i32
        %add3A_1402 = arith.addi %mul3A_198, %add3A_1401 : i32
        %get3A_1403 = arith.index_cast %add3A_1402 : i32 to index
        %get3A_1404 = arith.constant 112 : index
        %get3A_1405 = tpu.vector_load %arg10[%get3A_1403, %get3A_1404] {strides = array<i32>} : memref<128x128xf32, #tpu.memory_space<vmem>>, vector<1x16xf32>,
        %get3A_1406 = vector.shape_cast %get3A_1405 : vector<1x16xf32> to vector<16xf32>
        %mul3A_1407 = vector.broadcast %squeeze3A_1295 : f32 to vector<16xf32>
        %mul3A_1408 = arith.mulf %get3A_1406, %mul3A_1407 : vector<16xf32>
        %add3A_1409 = arith.constant 9 : i32
        %add3A_1410 = arith.addi %mul3A_198, %add3A_1409 : i32
        %swap3A_1411 = arith.index_cast %add3A_1410 : i32 to index
        %swap3A_1412 = arith.constant 112 : index
        %swap3A_1413 = tpu.vector_load %arg10[%swap3A_1411, %swap3A_1412] {strides = array<i32>} : memref<128x128xf32, #tpu.memory_space<vmem>>, vector<1x16xf32>,
        %swap3A_1414 = vector.shape_cast %swap3A_1413 : vector<1x16xf32> to vector<16xf32>
        %swap3A_1415 = vector.shape_cast %mul3A_1408 : vector<16xf32> to vector<1x16xf32>
        tpu.vector_store %arg10[%swap3A_1411, %swap3A_1412], %swap3A_1415 {strides = array<i32>} : memref<128x128xf32, #tpu.memory_space<vmem>>, vector<1x16xf32>,
        %slice3A_1416 = vector.extract_strided_slice %get3A_196 {offsets = [10], sizes = [1], strides = [1]} : vector<16xf32> to vector<1xf32>
        %squeeze3A_1417 = vector.extract %slice3A_1416[0] : f32 from vector<1xf32>
        %add3A_1418 = arith.constant 10 : i32
        %add3A_1419 = arith.addi %mul3A_198, %add3A_1418 : i32
        %get3A_1420 = arith.index_cast %add3A_1419 : i32 to index
        %get3A_1421 = arith.constant 0 : index
        %get3A_1422 = tpu.vector_load %arg10[%get3A_1420, %get3A_1421] {strides = array<i32>} : memref<128x128xf32, #tpu.memory_space<vmem>>, vector<1x16xf32>,
        %get3A_1423 = vector.shape_cast %get3A_1422 : vector<1x16xf32> to vector<16xf32>
        %mul3A_1424 = vector.broadcast %squeeze3A_1417 : f32 to vector<16xf32>
        %mul3A_1425 = arith.mulf %get3A_1423, %mul3A_1424 : vector<16xf32>
        %add3A_1426 = arith.constant 10 : i32
        %add3A_1427 = arith.addi %mul3A_198, %add3A_1426 : i32
        %swap3A_1428 = arith.index_cast %add3A_1427 : i32 to index
        %swap3A_1429 = arith.constant 0 : index
        %swap3A_1430 = tpu.vector_load %arg10[%swap3A_1428, %swap3A_1429] {strides = array<i32>} : memref<128x128xf32, #tpu.memory_space<vmem>>, vector<1x16xf32>,
        %swap3A_1431 = vector.shape_cast %swap3A_1430 : vector<1x16xf32> to vector<16xf32>
        %swap3A_1432 = vector.shape_cast %mul3A_1425 : vector<16xf32> to vector<1x16xf32>
        tpu.vector_store %arg10[%swap3A_1428, %swap3A_1429], %swap3A_1432 {strides = array<i32>} : memref<128x128xf32, #tpu.memory_space<vmem>>, vector<1x16xf32>,
        %add3A_1433 = arith.constant 10 : i32
        %add3A_1434 = arith.addi %mul3A_198, %add3A_1433 : i32
        %get3A_1435 = arith.index_cast %add3A_1434 : i32 to index
        %get3A_1436 = arith.constant 16 : index
        %get3A_1437 = tpu.vector_load %arg10[%get3A_1435, %get3A_1436] {strides = array<i32>} : memref<128x128xf32, #tpu.memory_space<vmem>>, vector<1x16xf32>,
        %get3A_1438 = vector.shape_cast %get3A_1437 : vector<1x16xf32> to vector<16xf32>
        %mul3A_1439 = vector.broadcast %squeeze3A_1417 : f32 to vector<16xf32>
        %mul3A_1440 = arith.mulf %get3A_1438, %mul3A_1439 : vector<16xf32>
        %add3A_1441 = arith.constant 10 : i32
        %add3A_1442 = arith.addi %mul3A_198, %add3A_1441 : i32
        %swap3A_1443 = arith.index_cast %add3A_1442 : i32 to index
        %swap3A_1444 = arith.constant 16 : index
        %swap3A_1445 = tpu.vector_load %arg10[%swap3A_1443, %swap3A_1444] {strides = array<i32>} : memref<128x128xf32, #tpu.memory_space<vmem>>, vector<1x16xf32>,
        %swap3A_1446 = vector.shape_cast %swap3A_1445 : vector<1x16xf32> to vector<16xf32>
        %swap3A_1447 = vector.shape_cast %mul3A_1440 : vector<16xf32> to vector<1x16xf32>
        tpu.vector_store %arg10[%swap3A_1443, %swap3A_1444], %swap3A_1447 {strides = array<i32>} : memref<128x128xf32, #tpu.memory_space<vmem>>, vector<1x16xf32>,
        %add3A_1448 = arith.constant 10 : i32
        %add3A_1449 = arith.addi %mul3A_198, %add3A_1448 : i32
        %get3A_1450 = arith.index_cast %add3A_1449 : i32 to index
        %get3A_1451 = arith.constant 32 : index
        %get3A_1452 = tpu.vector_load %arg10[%get3A_1450, %get3A_1451] {strides = array<i32>} : memref<128x128xf32, #tpu.memory_space<vmem>>, vector<1x16xf32>,
        %get3A_1453 = vector.shape_cast %get3A_1452 : vector<1x16xf32> to vector<16xf32>
        %mul3A_1454 = vector.broadcast %squeeze3A_1417 : f32 to vector<16xf32>
        %mul3A_1455 = arith.mulf %get3A_1453, %mul3A_1454 : vector<16xf32>
        %add3A_1456 = arith.constant 10 : i32
        %add3A_1457 = arith.addi %mul3A_198, %add3A_1456 : i32
        %swap3A_1458 = arith.index_cast %add3A_1457 : i32 to index
        %swap3A_1459 = arith.constant 32 : index
        %swap3A_1460 = tpu.vector_load %arg10[%swap3A_1458, %swap3A_1459] {strides = array<i32>} : memref<128x128xf32, #tpu.memory_space<vmem>>, vector<1x16xf32>,
        %swap3A_1461 = vector.shape_cast %swap3A_1460 : vector<1x16xf32> to vector<16xf32>
        %swap3A_1462 = vector.shape_cast %mul3A_1455 : vector<16xf32> to vector<1x16xf32>
        tpu.vector_store %arg10[%swap3A_1458, %swap3A_1459], %swap3A_1462 {strides = array<i32>} : memref<128x128xf32, #tpu.memory_space<vmem>>, vector<1x16xf32>,
        %add3A_1463 = arith.constant 10 : i32
        %add3A_1464 = arith.addi %mul3A_198, %add3A_1463 : i32
        %get3A_1465 = arith.index_cast %add3A_1464 : i32 to index
        %get3A_1466 = arith.constant 48 : index
        %get3A_1467 = tpu.vector_load %arg10[%get3A_1465, %get3A_1466] {strides = array<i32>} : memref<128x128xf32, #tpu.memory_space<vmem>>, vector<1x16xf32>,
        %get3A_1468 = vector.shape_cast %get3A_1467 : vector<1x16xf32> to vector<16xf32>
        %mul3A_1469 = vector.broadcast %squeeze3A_1417 : f32 to vector<16xf32>
        %mul3A_1470 = arith.mulf %get3A_1468, %mul3A_1469 : vector<16xf32>
        %add3A_1471 = arith.constant 10 : i32
        %add3A_1472 = arith.addi %mul3A_198, %add3A_1471 : i32
        %swap3A_1473 = arith.index_cast %add3A_1472 : i32 to index
        %swap3A_1474 = arith.constant 48 : index
        %swap3A_1475 = tpu.vector_load %arg10[%swap3A_1473, %swap3A_1474] {strides = array<i32>} : memref<128x128xf32, #tpu.memory_space<vmem>>, vector<1x16xf32>,
        %swap3A_1476 = vector.shape_cast %swap3A_1475 : vector<1x16xf32> to vector<16xf32>
        %swap3A_1477 = vector.shape_cast %mul3A_1470 : vector<16xf32> to vector<1x16xf32>
        tpu.vector_store %arg10[%swap3A_1473, %swap3A_1474], %swap3A_1477 {strides = array<i32>} : memref<128x128xf32, #tpu.memory_space<vmem>>, vector<1x16xf32>,
        %add3A_1478 = arith.constant 10 : i32
        %add3A_1479 = arith.addi %mul3A_198, %add3A_1478 : i32
        %get3A_1480 = arith.index_cast %add3A_1479 : i32 to index
        %get3A_1481 = arith.constant 64 : index
        %get3A_1482 = tpu.vector_load %arg10[%get3A_1480, %get3A_1481] {strides = array<i32>} : memref<128x128xf32, #tpu.memory_space<vmem>>, vector<1x16xf32>,
        %get3A_1483 = vector.shape_cast %get3A_1482 : vector<1x16xf32> to vector<16xf32>
        %mul3A_1484 = vector.broadcast %squeeze3A_1417 : f32 to vector<16xf32>
        %mul3A_1485 = arith.mulf %get3A_1483, %mul3A_1484 : vector<16xf32>
        %add3A_1486 = arith.constant 10 : i32
        %add3A_1487 = arith.addi %mul3A_198, %add3A_1486 : i32
        %swap3A_1488 = arith.index_cast %add3A_1487 : i32 to index
        %swap3A_1489 = arith.constant 64 : index
        %swap3A_1490 = tpu.vector_load %arg10[%swap3A_1488, %swap3A_1489] {strides = array<i32>} : memref<128x128xf32, #tpu.memory_space<vmem>>, vector<1x16xf32>,
        %swap3A_1491 = vector.shape_cast %swap3A_1490 : vector<1x16xf32> to vector<16xf32>
        %swap3A_1492 = vector.shape_cast %mul3A_1485 : vector<16xf32> to vector<1x16xf32>
        tpu.vector_store %arg10[%swap3A_1488, %swap3A_1489], %swap3A_1492 {strides = array<i32>} : memref<128x128xf32, #tpu.memory_space<vmem>>, vector<1x16xf32>,
        %add3A_1493 = arith.constant 10 : i32
        %add3A_1494 = arith.addi %mul3A_198, %add3A_1493 : i32
        %get3A_1495 = arith.index_cast %add3A_1494 : i32 to index
        %get3A_1496 = arith.constant 80 : index
        %get3A_1497 = tpu.vector_load %arg10[%get3A_1495, %get3A_1496] {strides = array<i32>} : memref<128x128xf32, #tpu.memory_space<vmem>>, vector<1x16xf32>,
        %get3A_1498 = vector.shape_cast %get3A_1497 : vector<1x16xf32> to vector<16xf32>
        %mul3A_1499 = vector.broadcast %squeeze3A_1417 : f32 to vector<16xf32>
        %mul3A_1500 = arith.mulf %get3A_1498, %mul3A_1499 : vector<16xf32>
        %add3A_1501 = arith.constant 10 : i32
        %add3A_1502 = arith.addi %mul3A_198, %add3A_1501 : i32
        %swap3A_1503 = arith.index_cast %add3A_1502 : i32 to index
        %swap3A_1504 = arith.constant 80 : index
        %swap3A_1505 = tpu.vector_load %arg10[%swap3A_1503, %swap3A_1504] {strides = array<i32>} : memref<128x128xf32, #tpu.memory_space<vmem>>, vector<1x16xf32>,
        %swap3A_1506 = vector.shape_cast %swap3A_1505 : vector<1x16xf32> to vector<16xf32>
        %swap3A_1507 = vector.shape_cast %mul3A_1500 : vector<16xf32> to vector<1x16xf32>
        tpu.vector_store %arg10[%swap3A_1503, %swap3A_1504], %swap3A_1507 {strides = array<i32>} : memref<128x128xf32, #tpu.memory_space<vmem>>, vector<1x16xf32>,
        %add3A_1508 = arith.constant 10 : i32
        %add3A_1509 = arith.addi %mul3A_198, %add3A_1508 : i32
        %get3A_1510 = arith.index_cast %add3A_1509 : i32 to index
        %get3A_1511 = arith.constant 96 : index
        %get3A_1512 = tpu.vector_load %arg10[%get3A_1510, %get3A_1511] {strides = array<i32>} : memref<128x128xf32, #tpu.memory_space<vmem>>, vector<1x16xf32>,
        %get3A_1513 = vector.shape_cast %get3A_1512 : vector<1x16xf32> to vector<16xf32>
        %mul3A_1514 = vector.broadcast %squeeze3A_1417 : f32 to vector<16xf32>
        %mul3A_1515 = arith.mulf %get3A_1513, %mul3A_1514 : vector<16xf32>
        %add3A_1516 = arith.constant 10 : i32
        %add3A_1517 = arith.addi %mul3A_198, %add3A_1516 : i32
        %swap3A_1518 = arith.index_cast %add3A_1517 : i32 to index
        %swap3A_1519 = arith.constant 96 : index
        %swap3A_1520 = tpu.vector_load %arg10[%swap3A_1518, %swap3A_1519] {strides = array<i32>} : memref<128x128xf32, #tpu.memory_space<vmem>>, vector<1x16xf32>,
        %swap3A_1521 = vector.shape_cast %swap3A_1520 : vector<1x16xf32> to vector<16xf32>
        %swap3A_1522 = vector.shape_cast %mul3A_1515 : vector<16xf32> to vector<1x16xf32>
        tpu.vector_store %arg10[%swap3A_1518, %swap3A_1519], %swap3A_1522 {strides = array<i32>} : memref<128x128xf32, #tpu.memory_space<vmem>>, vector<1x16xf32>,
        %add3A_1523 = arith.constant 10 : i32
        %add3A_1524 = arith.addi %mul3A_198, %add3A_1523 : i32
        %get3A_1525 = arith.index_cast %add3A_1524 : i32 to index
        %get3A_1526 = arith.constant 112 : index
        %get3A_1527 = tpu.vector_load %arg10[%get3A_1525, %get3A_1526] {strides = array<i32>} : memref<128x128xf32, #tpu.memory_space<vmem>>, vector<1x16xf32>,
        %get3A_1528 = vector.shape_cast %get3A_1527 : vector<1x16xf32> to vector<16xf32>
        %mul3A_1529 = vector.broadcast %squeeze3A_1417 : f32 to vector<16xf32>
        %mul3A_1530 = arith.mulf %get3A_1528, %mul3A_1529 : vector<16xf32>
        %add3A_1531 = arith.constant 10 : i32
        %add3A_1532 = arith.addi %mul3A_198, %add3A_1531 : i32
        %swap3A_1533 = arith.index_cast %add3A_1532 : i32 to index
        %swap3A_1534 = arith.constant 112 : index
        %swap3A_1535 = tpu.vector_load %arg10[%swap3A_1533, %swap3A_1534] {strides = array<i32>} : memref<128x128xf32, #tpu.memory_space<vmem>>, vector<1x16xf32>,
        %swap3A_1536 = vector.shape_cast %swap3A_1535 : vector<1x16xf32> to vector<16xf32>
        %swap3A_1537 = vector.shape_cast %mul3A_1530 : vector<16xf32> to vector<1x16xf32>
        tpu.vector_store %arg10[%swap3A_1533, %swap3A_1534], %swap3A_1537 {strides = array<i32>} : memref<128x128xf32, #tpu.memory_space<vmem>>, vector<1x16xf32>,
        %slice3A_1538 = vector.extract_strided_slice %get3A_196 {offsets = [11], sizes = [1], strides = [1]} : vector<16xf32> to vector<1xf32>
        %squeeze3A_1539 = vector.extract %slice3A_1538[0] : f32 from vector<1xf32>
        %add3A_1540 = arith.constant 11 : i32
        %add3A_1541 = arith.addi %mul3A_198, %add3A_1540 : i32
        %get3A_1542 = arith.index_cast %add3A_1541 : i32 to index
        %get3A_1543 = arith.constant 0 : index
        %get3A_1544 = tpu.vector_load %arg10[%get3A_1542, %get3A_1543] {strides = array<i32>} : memref<128x128xf32, #tpu.memory_space<vmem>>, vector<1x16xf32>,
        %get3A_1545 = vector.shape_cast %get3A_1544 : vector<1x16xf32> to vector<16xf32>
        %mul3A_1546 = vector.broadcast %squeeze3A_1539 : f32 to vector<16xf32>
        %mul3A_1547 = arith.mulf %get3A_1545, %mul3A_1546 : vector<16xf32>
        %add3A_1548 = arith.constant 11 : i32
        %add3A_1549 = arith.addi %mul3A_198, %add3A_1548 : i32
        %swap3A_1550 = arith.index_cast %add3A_1549 : i32 to index
        %swap3A_1551 = arith.constant 0 : index
        %swap3A_1552 = tpu.vector_load %arg10[%swap3A_1550, %swap3A_1551] {strides = array<i32>} : memref<128x128xf32, #tpu.memory_space<vmem>>, vector<1x16xf32>,
        %swap3A_1553 = vector.shape_cast %swap3A_1552 : vector<1x16xf32> to vector<16xf32>
        %swap3A_1554 = vector.shape_cast %mul3A_1547 : vector<16xf32> to vector<1x16xf32>
        tpu.vector_store %arg10[%swap3A_1550, %swap3A_1551], %swap3A_1554 {strides = array<i32>} : memref<128x128xf32, #tpu.memory_space<vmem>>, vector<1x16xf32>,
        %add3A_1555 = arith.constant 11 : i32
        %add3A_1556 = arith.addi %mul3A_198, %add3A_1555 : i32
        %get3A_1557 = arith.index_cast %add3A_1556 : i32 to index
        %get3A_1558 = arith.constant 16 : index
        %get3A_1559 = tpu.vector_load %arg10[%get3A_1557, %get3A_1558] {strides = array<i32>} : memref<128x128xf32, #tpu.memory_space<vmem>>, vector<1x16xf32>,
        %get3A_1560 = vector.shape_cast %get3A_1559 : vector<1x16xf32> to vector<16xf32>
        %mul3A_1561 = vector.broadcast %squeeze3A_1539 : f32 to vector<16xf32>
        %mul3A_1562 = arith.mulf %get3A_1560, %mul3A_1561 : vector<16xf32>
        %add3A_1563 = arith.constant 11 : i32
        %add3A_1564 = arith.addi %mul3A_198, %add3A_1563 : i32
        %swap3A_1565 = arith.index_cast %add3A_1564 : i32 to index
        %swap3A_1566 = arith.constant 16 : index
        %swap3A_1567 = tpu.vector_load %arg10[%swap3A_1565, %swap3A_1566] {strides = array<i32>} : memref<128x128xf32, #tpu.memory_space<vmem>>, vector<1x16xf32>,
        %swap3A_1568 = vector.shape_cast %swap3A_1567 : vector<1x16xf32> to vector<16xf32>
        %swap3A_1569 = vector.shape_cast %mul3A_1562 : vector<16xf32> to vector<1x16xf32>
        tpu.vector_store %arg10[%swap3A_1565, %swap3A_1566], %swap3A_1569 {strides = array<i32>} : memref<128x128xf32, #tpu.memory_space<vmem>>, vector<1x16xf32>,
        %add3A_1570 = arith.constant 11 : i32
        %add3A_1571 = arith.addi %mul3A_198, %add3A_1570 : i32
        %get3A_1572 = arith.index_cast %add3A_1571 : i32 to index
        %get3A_1573 = arith.constant 32 : index
        %get3A_1574 = tpu.vector_load %arg10[%get3A_1572, %get3A_1573] {strides = array<i32>} : memref<128x128xf32, #tpu.memory_space<vmem>>, vector<1x16xf32>,
        %get3A_1575 = vector.shape_cast %get3A_1574 : vector<1x16xf32> to vector<16xf32>
        %mul3A_1576 = vector.broadcast %squeeze3A_1539 : f32 to vector<16xf32>
        %mul3A_1577 = arith.mulf %get3A_1575, %mul3A_1576 : vector<16xf32>
        %add3A_1578 = arith.constant 11 : i32
        %add3A_1579 = arith.addi %mul3A_198, %add3A_1578 : i32
        %swap3A_1580 = arith.index_cast %add3A_1579 : i32 to index
        %swap3A_1581 = arith.constant 32 : index
        %swap3A_1582 = tpu.vector_load %arg10[%swap3A_1580, %swap3A_1581] {strides = array<i32>} : memref<128x128xf32, #tpu.memory_space<vmem>>, vector<1x16xf32>,
        %swap3A_1583 = vector.shape_cast %swap3A_1582 : vector<1x16xf32> to vector<16xf32>
        %swap3A_1584 = vector.shape_cast %mul3A_1577 : vector<16xf32> to vector<1x16xf32>
        tpu.vector_store %arg10[%swap3A_1580, %swap3A_1581], %swap3A_1584 {strides = array<i32>} : memref<128x128xf32, #tpu.memory_space<vmem>>, vector<1x16xf32>,
        %add3A_1585 = arith.constant 11 : i32
        %add3A_1586 = arith.addi %mul3A_198, %add3A_1585 : i32
        %get3A_1587 = arith.index_cast %add3A_1586 : i32 to index
        %get3A_1588 = arith.constant 48 : index
        %get3A_1589 = tpu.vector_load %arg10[%get3A_1587, %get3A_1588] {strides = array<i32>} : memref<128x128xf32, #tpu.memory_space<vmem>>, vector<1x16xf32>,
        %get3A_1590 = vector.shape_cast %get3A_1589 : vector<1x16xf32> to vector<16xf32>
        %mul3A_1591 = vector.broadcast %squeeze3A_1539 : f32 to vector<16xf32>
        %mul3A_1592 = arith.mulf %get3A_1590, %mul3A_1591 : vector<16xf32>
        %add3A_1593 = arith.constant 11 : i32
        %add3A_1594 = arith.addi %mul3A_198, %add3A_1593 : i32
        %swap3A_1595 = arith.index_cast %add3A_1594 : i32 to index
        %swap3A_1596 = arith.constant 48 : index
        %swap3A_1597 = tpu.vector_load %arg10[%swap3A_1595, %swap3A_1596] {strides = array<i32>} : memref<128x128xf32, #tpu.memory_space<vmem>>, vector<1x16xf32>,
        %swap3A_1598 = vector.shape_cast %swap3A_1597 : vector<1x16xf32> to vector<16xf32>
        %swap3A_1599 = vector.shape_cast %mul3A_1592 : vector<16xf32> to vector<1x16xf32>
        tpu.vector_store %arg10[%swap3A_1595, %swap3A_1596], %swap3A_1599 {strides = array<i32>} : memref<128x128xf32, #tpu.memory_space<vmem>>, vector<1x16xf32>,
        %add3A_1600 = arith.constant 11 : i32
        %add3A_1601 = arith.addi %mul3A_198, %add3A_1600 : i32
        %get3A_1602 = arith.index_cast %add3A_1601 : i32 to index
        %get3A_1603 = arith.constant 64 : index
        %get3A_1604 = tpu.vector_load %arg10[%get3A_1602, %get3A_1603] {strides = array<i32>} : memref<128x128xf32, #tpu.memory_space<vmem>>, vector<1x16xf32>,
        %get3A_1605 = vector.shape_cast %get3A_1604 : vector<1x16xf32> to vector<16xf32>
        %mul3A_1606 = vector.broadcast %squeeze3A_1539 : f32 to vector<16xf32>
        %mul3A_1607 = arith.mulf %get3A_1605, %mul3A_1606 : vector<16xf32>
        %add3A_1608 = arith.constant 11 : i32
        %add3A_1609 = arith.addi %mul3A_198, %add3A_1608 : i32
        %swap3A_1610 = arith.index_cast %add3A_1609 : i32 to index
        %swap3A_1611 = arith.constant 64 : index
        %swap3A_1612 = tpu.vector_load %arg10[%swap3A_1610, %swap3A_1611] {strides = array<i32>} : memref<128x128xf32, #tpu.memory_space<vmem>>, vector<1x16xf32>,
        %swap3A_1613 = vector.shape_cast %swap3A_1612 : vector<1x16xf32> to vector<16xf32>
        %swap3A_1614 = vector.shape_cast %mul3A_1607 : vector<16xf32> to vector<1x16xf32>
        tpu.vector_store %arg10[%swap3A_1610, %swap3A_1611], %swap3A_1614 {strides = array<i32>} : memref<128x128xf32, #tpu.memory_space<vmem>>, vector<1x16xf32>,
        %add3A_1615 = arith.constant 11 : i32
        %add3A_1616 = arith.addi %mul3A_198, %add3A_1615 : i32
        %get3A_1617 = arith.index_cast %add3A_1616 : i32 to index
        %get3A_1618 = arith.constant 80 : index
        %get3A_1619 = tpu.vector_load %arg10[%get3A_1617, %get3A_1618] {strides = array<i32>} : memref<128x128xf32, #tpu.memory_space<vmem>>, vector<1x16xf32>,
        %get3A_1620 = vector.shape_cast %get3A_1619 : vector<1x16xf32> to vector<16xf32>
        %mul3A_1621 = vector.broadcast %squeeze3A_1539 : f32 to vector<16xf32>
        %mul3A_1622 = arith.mulf %get3A_1620, %mul3A_1621 : vector<16xf32>
        %add3A_1623 = arith.constant 11 : i32
        %add3A_1624 = arith.addi %mul3A_198, %add3A_1623 : i32
        %swap3A_1625 = arith.index_cast %add3A_1624 : i32 to index
        %swap3A_1626 = arith.constant 80 : index
        %swap3A_1627 = tpu.vector_load %arg10[%swap3A_1625, %swap3A_1626] {strides = array<i32>} : memref<128x128xf32, #tpu.memory_space<vmem>>, vector<1x16xf32>,
        %swap3A_1628 = vector.shape_cast %swap3A_1627 : vector<1x16xf32> to vector<16xf32>
        %swap3A_1629 = vector.shape_cast %mul3A_1622 : vector<16xf32> to vector<1x16xf32>
        tpu.vector_store %arg10[%swap3A_1625, %swap3A_1626], %swap3A_1629 {strides = array<i32>} : memref<128x128xf32, #tpu.memory_space<vmem>>, vector<1x16xf32>,
        %add3A_1630 = arith.constant 11 : i32
        %add3A_1631 = arith.addi %mul3A_198, %add3A_1630 : i32
        %get3A_1632 = arith.index_cast %add3A_1631 : i32 to index
        %get3A_1633 = arith.constant 96 : index
        %get3A_1634 = tpu.vector_load %arg10[%get3A_1632, %get3A_1633] {strides = array<i32>} : memref<128x128xf32, #tpu.memory_space<vmem>>, vector<1x16xf32>,
        %get3A_1635 = vector.shape_cast %get3A_1634 : vector<1x16xf32> to vector<16xf32>
        %mul3A_1636 = vector.broadcast %squeeze3A_1539 : f32 to vector<16xf32>
        %mul3A_1637 = arith.mulf %get3A_1635, %mul3A_1636 : vector<16xf32>
        %add3A_1638 = arith.constant 11 : i32
        %add3A_1639 = arith.addi %mul3A_198, %add3A_1638 : i32
        %swap3A_1640 = arith.index_cast %add3A_1639 : i32 to index
        %swap3A_1641 = arith.constant 96 : index
        %swap3A_1642 = tpu.vector_load %arg10[%swap3A_1640, %swap3A_1641] {strides = array<i32>} : memref<128x128xf32, #tpu.memory_space<vmem>>, vector<1x16xf32>,
        %swap3A_1643 = vector.shape_cast %swap3A_1642 : vector<1x16xf32> to vector<16xf32>
        %swap3A_1644 = vector.shape_cast %mul3A_1637 : vector<16xf32> to vector<1x16xf32>
        tpu.vector_store %arg10[%swap3A_1640, %swap3A_1641], %swap3A_1644 {strides = array<i32>} : memref<128x128xf32, #tpu.memory_space<vmem>>, vector<1x16xf32>,
        %add3A_1645 = arith.constant 11 : i32
        %add3A_1646 = arith.addi %mul3A_198, %add3A_1645 : i32
        %get3A_1647 = arith.index_cast %add3A_1646 : i32 to index
        %get3A_1648 = arith.constant 112 : index
        %get3A_1649 = tpu.vector_load %arg10[%get3A_1647, %get3A_1648] {strides = array<i32>} : memref<128x128xf32, #tpu.memory_space<vmem>>, vector<1x16xf32>,
        %get3A_1650 = vector.shape_cast %get3A_1649 : vector<1x16xf32> to vector<16xf32>
        %mul3A_1651 = vector.broadcast %squeeze3A_1539 : f32 to vector<16xf32>
        %mul3A_1652 = arith.mulf %get3A_1650, %mul3A_1651 : vector<16xf32>
        %add3A_1653 = arith.constant 11 : i32
        %add3A_1654 = arith.addi %mul3A_198, %add3A_1653 : i32
        %swap3A_1655 = arith.index_cast %add3A_1654 : i32 to index
        %swap3A_1656 = arith.constant 112 : index
        %swap3A_1657 = tpu.vector_load %arg10[%swap3A_1655, %swap3A_1656] {strides = array<i32>} : memref<128x128xf32, #tpu.memory_space<vmem>>, vector<1x16xf32>,
        %swap3A_1658 = vector.shape_cast %swap3A_1657 : vector<1x16xf32> to vector<16xf32>
        %swap3A_1659 = vector.shape_cast %mul3A_1652 : vector<16xf32> to vector<1x16xf32>
        tpu.vector_store %arg10[%swap3A_1655, %swap3A_1656], %swap3A_1659 {strides = array<i32>} : memref<128x128xf32, #tpu.memory_space<vmem>>, vector<1x16xf32>,
        %slice3A_1660 = vector.extract_strided_slice %get3A_196 {offsets = [12], sizes = [1], strides = [1]} : vector<16xf32> to vector<1xf32>
        %squeeze3A_1661 = vector.extract %slice3A_1660[0] : f32 from vector<1xf32>
        %add3A_1662 = arith.constant 12 : i32
        %add3A_1663 = arith.addi %mul3A_198, %add3A_1662 : i32
        %get3A_1664 = arith.index_cast %add3A_1663 : i32 to index
        %get3A_1665 = arith.constant 0 : index
        %get3A_1666 = tpu.vector_load %arg10[%get3A_1664, %get3A_1665] {strides = array<i32>} : memref<128x128xf32, #tpu.memory_space<vmem>>, vector<1x16xf32>,
        %get3A_1667 = vector.shape_cast %get3A_1666 : vector<1x16xf32> to vector<16xf32>
        %mul3A_1668 = vector.broadcast %squeeze3A_1661 : f32 to vector<16xf32>
        %mul3A_1669 = arith.mulf %get3A_1667, %mul3A_1668 : vector<16xf32>
        %add3A_1670 = arith.constant 12 : i32
        %add3A_1671 = arith.addi %mul3A_198, %add3A_1670 : i32
        %swap3A_1672 = arith.index_cast %add3A_1671 : i32 to index
        %swap3A_1673 = arith.constant 0 : index
        %swap3A_1674 = tpu.vector_load %arg10[%swap3A_1672, %swap3A_1673] {strides = array<i32>} : memref<128x128xf32, #tpu.memory_space<vmem>>, vector<1x16xf32>,
        %swap3A_1675 = vector.shape_cast %swap3A_1674 : vector<1x16xf32> to vector<16xf32>
        %swap3A_1676 = vector.shape_cast %mul3A_1669 : vector<16xf32> to vector<1x16xf32>
        tpu.vector_store %arg10[%swap3A_1672, %swap3A_1673], %swap3A_1676 {strides = array<i32>} : memref<128x128xf32, #tpu.memory_space<vmem>>, vector<1x16xf32>,
        %add3A_1677 = arith.constant 12 : i32
        %add3A_1678 = arith.addi %mul3A_198, %add3A_1677 : i32
        %get3A_1679 = arith.index_cast %add3A_1678 : i32 to index
        %get3A_1680 = arith.constant 16 : index
        %get3A_1681 = tpu.vector_load %arg10[%get3A_1679, %get3A_1680] {strides = array<i32>} : memref<128x128xf32, #tpu.memory_space<vmem>>, vector<1x16xf32>,
        %get3A_1682 = vector.shape_cast %get3A_1681 : vector<1x16xf32> to vector<16xf32>
        %mul3A_1683 = vector.broadcast %squeeze3A_1661 : f32 to vector<16xf32>
        %mul3A_1684 = arith.mulf %get3A_1682, %mul3A_1683 : vector<16xf32>
        %add3A_1685 = arith.constant 12 : i32
        %add3A_1686 = arith.addi %mul3A_198, %add3A_1685 : i32
        %swap3A_1687 = arith.index_cast %add3A_1686 : i32 to index
        %swap3A_1688 = arith.constant 16 : index
        %swap3A_1689 = tpu.vector_load %arg10[%swap3A_1687, %swap3A_1688] {strides = array<i32>} : memref<128x128xf32, #tpu.memory_space<vmem>>, vector<1x16xf32>,
        %swap3A_1690 = vector.shape_cast %swap3A_1689 : vector<1x16xf32> to vector<16xf32>
        %swap3A_1691 = vector.shape_cast %mul3A_1684 : vector<16xf32> to vector<1x16xf32>
        tpu.vector_store %arg10[%swap3A_1687, %swap3A_1688], %swap3A_1691 {strides = array<i32>} : memref<128x128xf32, #tpu.memory_space<vmem>>, vector<1x16xf32>,
        %add3A_1692 = arith.constant 12 : i32
        %add3A_1693 = arith.addi %mul3A_198, %add3A_1692 : i32
        %get3A_1694 = arith.index_cast %add3A_1693 : i32 to index
        %get3A_1695 = arith.constant 32 : index
        %get3A_1696 = tpu.vector_load %arg10[%get3A_1694, %get3A_1695] {strides = array<i32>} : memref<128x128xf32, #tpu.memory_space<vmem>>, vector<1x16xf32>,
        %get3A_1697 = vector.shape_cast %get3A_1696 : vector<1x16xf32> to vector<16xf32>
        %mul3A_1698 = vector.broadcast %squeeze3A_1661 : f32 to vector<16xf32>
        %mul3A_1699 = arith.mulf %get3A_1697, %mul3A_1698 : vector<16xf32>
        %add3A_1700 = arith.constant 12 : i32
        %add3A_1701 = arith.addi %mul3A_198, %add3A_1700 : i32
        %swap3A_1702 = arith.index_cast %add3A_1701 : i32 to index
        %swap3A_1703 = arith.constant 32 : index
        %swap3A_1704 = tpu.vector_load %arg10[%swap3A_1702, %swap3A_1703] {strides = array<i32>} : memref<128x128xf32, #tpu.memory_space<vmem>>, vector<1x16xf32>,
        %swap3A_1705 = vector.shape_cast %swap3A_1704 : vector<1x16xf32> to vector<16xf32>
        %swap3A_1706 = vector.shape_cast %mul3A_1699 : vector<16xf32> to vector<1x16xf32>
        tpu.vector_store %arg10[%swap3A_1702, %swap3A_1703], %swap3A_1706 {strides = array<i32>} : memref<128x128xf32, #tpu.memory_space<vmem>>, vector<1x16xf32>,
        %add3A_1707 = arith.constant 12 : i32
        %add3A_1708 = arith.addi %mul3A_198, %add3A_1707 : i32
        %get3A_1709 = arith.index_cast %add3A_1708 : i32 to index
        %get3A_1710 = arith.constant 48 : index
        %get3A_1711 = tpu.vector_load %arg10[%get3A_1709, %get3A_1710] {strides = array<i32>} : memref<128x128xf32, #tpu.memory_space<vmem>>, vector<1x16xf32>,
        %get3A_1712 = vector.shape_cast %get3A_1711 : vector<1x16xf32> to vector<16xf32>
        %mul3A_1713 = vector.broadcast %squeeze3A_1661 : f32 to vector<16xf32>
        %mul3A_1714 = arith.mulf %get3A_1712, %mul3A_1713 : vector<16xf32>
        %add3A_1715 = arith.constant 12 : i32
        %add3A_1716 = arith.addi %mul3A_198, %add3A_1715 : i32
        %swap3A_1717 = arith.index_cast %add3A_1716 : i32 to index
        %swap3A_1718 = arith.constant 48 : index
        %swap3A_1719 = tpu.vector_load %arg10[%swap3A_1717, %swap3A_1718] {strides = array<i32>} : memref<128x128xf32, #tpu.memory_space<vmem>>, vector<1x16xf32>,
        %swap3A_1720 = vector.shape_cast %swap3A_1719 : vector<1x16xf32> to vector<16xf32>
        %swap3A_1721 = vector.shape_cast %mul3A_1714 : vector<16xf32> to vector<1x16xf32>
        tpu.vector_store %arg10[%swap3A_1717, %swap3A_1718], %swap3A_1721 {strides = array<i32>} : memref<128x128xf32, #tpu.memory_space<vmem>>, vector<1x16xf32>,
        %add3A_1722 = arith.constant 12 : i32
        %add3A_1723 = arith.addi %mul3A_198, %add3A_1722 : i32
        %get3A_1724 = arith.index_cast %add3A_1723 : i32 to index
        %get3A_1725 = arith.constant 64 : index
        %get3A_1726 = tpu.vector_load %arg10[%get3A_1724, %get3A_1725] {strides = array<i32>} : memref<128x128xf32, #tpu.memory_space<vmem>>, vector<1x16xf32>,
        %get3A_1727 = vector.shape_cast %get3A_1726 : vector<1x16xf32> to vector<16xf32>
        %mul3A_1728 = vector.broadcast %squeeze3A_1661 : f32 to vector<16xf32>
        %mul3A_1729 = arith.mulf %get3A_1727, %mul3A_1728 : vector<16xf32>
        %add3A_1730 = arith.constant 12 : i32
        %add3A_1731 = arith.addi %mul3A_198, %add3A_1730 : i32
        %swap3A_1732 = arith.index_cast %add3A_1731 : i32 to index
        %swap3A_1733 = arith.constant 64 : index
        %swap3A_1734 = tpu.vector_load %arg10[%swap3A_1732, %swap3A_1733] {strides = array<i32>} : memref<128x128xf32, #tpu.memory_space<vmem>>, vector<1x16xf32>,
        %swap3A_1735 = vector.shape_cast %swap3A_1734 : vector<1x16xf32> to vector<16xf32>
        %swap3A_1736 = vector.shape_cast %mul3A_1729 : vector<16xf32> to vector<1x16xf32>
        tpu.vector_store %arg10[%swap3A_1732, %swap3A_1733], %swap3A_1736 {strides = array<i32>} : memref<128x128xf32, #tpu.memory_space<vmem>>, vector<1x16xf32>,
        %add3A_1737 = arith.constant 12 : i32
        %add3A_1738 = arith.addi %mul3A_198, %add3A_1737 : i32
        %get3A_1739 = arith.index_cast %add3A_1738 : i32 to index
        %get3A_1740 = arith.constant 80 : index
        %get3A_1741 = tpu.vector_load %arg10[%get3A_1739, %get3A_1740] {strides = array<i32>} : memref<128x128xf32, #tpu.memory_space<vmem>>, vector<1x16xf32>,
        %get3A_1742 = vector.shape_cast %get3A_1741 : vector<1x16xf32> to vector<16xf32>
        %mul3A_1743 = vector.broadcast %squeeze3A_1661 : f32 to vector<16xf32>
        %mul3A_1744 = arith.mulf %get3A_1742, %mul3A_1743 : vector<16xf32>
        %add3A_1745 = arith.constant 12 : i32
        %add3A_1746 = arith.addi %mul3A_198, %add3A_1745 : i32
        %swap3A_1747 = arith.index_cast %add3A_1746 : i32 to index
        %swap3A_1748 = arith.constant 80 : index
        %swap3A_1749 = tpu.vector_load %arg10[%swap3A_1747, %swap3A_1748] {strides = array<i32>} : memref<128x128xf32, #tpu.memory_space<vmem>>, vector<1x16xf32>,
        %swap3A_1750 = vector.shape_cast %swap3A_1749 : vector<1x16xf32> to vector<16xf32>
        %swap3A_1751 = vector.shape_cast %mul3A_1744 : vector<16xf32> to vector<1x16xf32>
        tpu.vector_store %arg10[%swap3A_1747, %swap3A_1748], %swap3A_1751 {strides = array<i32>} : memref<128x128xf32, #tpu.memory_space<vmem>>, vector<1x16xf32>,
        %add3A_1752 = arith.constant 12 : i32
        %add3A_1753 = arith.addi %mul3A_198, %add3A_1752 : i32
        %get3A_1754 = arith.index_cast %add3A_1753 : i32 to index
        %get3A_1755 = arith.constant 96 : index
        %get3A_1756 = tpu.vector_load %arg10[%get3A_1754, %get3A_1755] {strides = array<i32>} : memref<128x128xf32, #tpu.memory_space<vmem>>, vector<1x16xf32>,
        %get3A_1757 = vector.shape_cast %get3A_1756 : vector<1x16xf32> to vector<16xf32>
        %mul3A_1758 = vector.broadcast %squeeze3A_1661 : f32 to vector<16xf32>
        %mul3A_1759 = arith.mulf %get3A_1757, %mul3A_1758 : vector<16xf32>
        %add3A_1760 = arith.constant 12 : i32
        %add3A_1761 = arith.addi %mul3A_198, %add3A_1760 : i32
        %swap3A_1762 = arith.index_cast %add3A_1761 : i32 to index
        %swap3A_1763 = arith.constant 96 : index
        %swap3A_1764 = tpu.vector_load %arg10[%swap3A_1762, %swap3A_1763] {strides = array<i32>} : memref<128x128xf32, #tpu.memory_space<vmem>>, vector<1x16xf32>,
        %swap3A_1765 = vector.shape_cast %swap3A_1764 : vector<1x16xf32> to vector<16xf32>
        %swap3A_1766 = vector.shape_cast %mul3A_1759 : vector<16xf32> to vector<1x16xf32>
        tpu.vector_store %arg10[%swap3A_1762, %swap3A_1763], %swap3A_1766 {strides = array<i32>} : memref<128x128xf32, #tpu.memory_space<vmem>>, vector<1x16xf32>,
        %add3A_1767 = arith.constant 12 : i32
        %add3A_1768 = arith.addi %mul3A_198, %add3A_1767 : i32
        %get3A_1769 = arith.index_cast %add3A_1768 : i32 to index
        %get3A_1770 = arith.constant 112 : index
        %get3A_1771 = tpu.vector_load %arg10[%get3A_1769, %get3A_1770] {strides = array<i32>} : memref<128x128xf32, #tpu.memory_space<vmem>>, vector<1x16xf32>,
        %get3A_1772 = vector.shape_cast %get3A_1771 : vector<1x16xf32> to vector<16xf32>
        %mul3A_1773 = vector.broadcast %squeeze3A_1661 : f32 to vector<16xf32>
        %mul3A_1774 = arith.mulf %get3A_1772, %mul3A_1773 : vector<16xf32>
        %add3A_1775 = arith.constant 12 : i32
        %add3A_1776 = arith.addi %mul3A_198, %add3A_1775 : i32
        %swap3A_1777 = arith.index_cast %add3A_1776 : i32 to index
        %swap3A_1778 = arith.constant 112 : index
        %swap3A_1779 = tpu.vector_load %arg10[%swap3A_1777, %swap3A_1778] {strides = array<i32>} : memref<128x128xf32, #tpu.memory_space<vmem>>, vector<1x16xf32>,
        %swap3A_1780 = vector.shape_cast %swap3A_1779 : vector<1x16xf32> to vector<16xf32>
        %swap3A_1781 = vector.shape_cast %mul3A_1774 : vector<16xf32> to vector<1x16xf32>
        tpu.vector_store %arg10[%swap3A_1777, %swap3A_1778], %swap3A_1781 {strides = array<i32>} : memref<128x128xf32, #tpu.memory_space<vmem>>, vector<1x16xf32>,
        %slice3A_1782 = vector.extract_strided_slice %get3A_196 {offsets = [13], sizes = [1], strides = [1]} : vector<16xf32> to vector<1xf32>
        %squeeze3A_1783 = vector.extract %slice3A_1782[0] : f32 from vector<1xf32>
        %add3A_1784 = arith.constant 13 : i32
        %add3A_1785 = arith.addi %mul3A_198, %add3A_1784 : i32
        %get3A_1786 = arith.index_cast %add3A_1785 : i32 to index
        %get3A_1787 = arith.constant 0 : index
        %get3A_1788 = tpu.vector_load %arg10[%get3A_1786, %get3A_1787] {strides = array<i32>} : memref<128x128xf32, #tpu.memory_space<vmem>>, vector<1x16xf32>,
        %get3A_1789 = vector.shape_cast %get3A_1788 : vector<1x16xf32> to vector<16xf32>
        %mul3A_1790 = vector.broadcast %squeeze3A_1783 : f32 to vector<16xf32>
        %mul3A_1791 = arith.mulf %get3A_1789, %mul3A_1790 : vector<16xf32>
        %add3A_1792 = arith.constant 13 : i32
        %add3A_1793 = arith.addi %mul3A_198, %add3A_1792 : i32
        %swap3A_1794 = arith.index_cast %add3A_1793 : i32 to index
        %swap3A_1795 = arith.constant 0 : index
        %swap3A_1796 = tpu.vector_load %arg10[%swap3A_1794, %swap3A_1795] {strides = array<i32>} : memref<128x128xf32, #tpu.memory_space<vmem>>, vector<1x16xf32>,
        %swap3A_1797 = vector.shape_cast %swap3A_1796 : vector<1x16xf32> to vector<16xf32>
        %swap3A_1798 = vector.shape_cast %mul3A_1791 : vector<16xf32> to vector<1x16xf32>
        tpu.vector_store %arg10[%swap3A_1794, %swap3A_1795], %swap3A_1798 {strides = array<i32>} : memref<128x128xf32, #tpu.memory_space<vmem>>, vector<1x16xf32>,
        %add3A_1799 = arith.constant 13 : i32
        %add3A_1800 = arith.addi %mul3A_198, %add3A_1799 : i32
        %get3A_1801 = arith.index_cast %add3A_1800 : i32 to index
        %get3A_1802 = arith.constant 16 : index
        %get3A_1803 = tpu.vector_load %arg10[%get3A_1801, %get3A_1802] {strides = array<i32>} : memref<128x128xf32, #tpu.memory_space<vmem>>, vector<1x16xf32>,
        %get3A_1804 = vector.shape_cast %get3A_1803 : vector<1x16xf32> to vector<16xf32>
        %mul3A_1805 = vector.broadcast %squeeze3A_1783 : f32 to vector<16xf32>
        %mul3A_1806 = arith.mulf %get3A_1804, %mul3A_1805 : vector<16xf32>
        %add3A_1807 = arith.constant 13 : i32
        %add3A_1808 = arith.addi %mul3A_198, %add3A_1807 : i32
        %swap3A_1809 = arith.index_cast %add3A_1808 : i32 to index
        %swap3A_1810 = arith.constant 16 : index
        %swap3A_1811 = tpu.vector_load %arg10[%swap3A_1809, %swap3A_1810] {strides = array<i32>} : memref<128x128xf32, #tpu.memory_space<vmem>>, vector<1x16xf32>,
        %swap3A_1812 = vector.shape_cast %swap3A_1811 : vector<1x16xf32> to vector<16xf32>
        %swap3A_1813 = vector.shape_cast %mul3A_1806 : vector<16xf32> to vector<1x16xf32>
        tpu.vector_store %arg10[%swap3A_1809, %swap3A_1810], %swap3A_1813 {strides = array<i32>} : memref<128x128xf32, #tpu.memory_space<vmem>>, vector<1x16xf32>,
        %add3A_1814 = arith.constant 13 : i32
        %add3A_1815 = arith.addi %mul3A_198, %add3A_1814 : i32
        %get3A_1816 = arith.index_cast %add3A_1815 : i32 to index
        %get3A_1817 = arith.constant 32 : index
        %get3A_1818 = tpu.vector_load %arg10[%get3A_1816, %get3A_1817] {strides = array<i32>} : memref<128x128xf32, #tpu.memory_space<vmem>>, vector<1x16xf32>,
        %get3A_1819 = vector.shape_cast %get3A_1818 : vector<1x16xf32> to vector<16xf32>
        %mul3A_1820 = vector.broadcast %squeeze3A_1783 : f32 to vector<16xf32>
        %mul3A_1821 = arith.mulf %get3A_1819, %mul3A_1820 : vector<16xf32>
        %add3A_1822 = arith.constant 13 : i32
        %add3A_1823 = arith.addi %mul3A_198, %add3A_1822 : i32
        %swap3A_1824 = arith.index_cast %add3A_1823 : i32 to index
        %swap3A_1825 = arith.constant 32 : index
        %swap3A_1826 = tpu.vector_load %arg10[%swap3A_1824, %swap3A_1825] {strides = array<i32>} : memref<128x128xf32, #tpu.memory_space<vmem>>, vector<1x16xf32>,
        %swap3A_1827 = vector.shape_cast %swap3A_1826 : vector<1x16xf32> to vector<16xf32>
        %swap3A_1828 = vector.shape_cast %mul3A_1821 : vector<16xf32> to vector<1x16xf32>
        tpu.vector_store %arg10[%swap3A_1824, %swap3A_1825], %swap3A_1828 {strides = array<i32>} : memref<128x128xf32, #tpu.memory_space<vmem>>, vector<1x16xf32>,
        %add3A_1829 = arith.constant 13 : i32
        %add3A_1830 = arith.addi %mul3A_198, %add3A_1829 : i32
        %get3A_1831 = arith.index_cast %add3A_1830 : i32 to index
        %get3A_1832 = arith.constant 48 : index
        %get3A_1833 = tpu.vector_load %arg10[%get3A_1831, %get3A_1832] {strides = array<i32>} : memref<128x128xf32, #tpu.memory_space<vmem>>, vector<1x16xf32>,
        %get3A_1834 = vector.shape_cast %get3A_1833 : vector<1x16xf32> to vector<16xf32>
        %mul3A_1835 = vector.broadcast %squeeze3A_1783 : f32 to vector<16xf32>
        %mul3A_1836 = arith.mulf %get3A_1834, %mul3A_1835 : vector<16xf32>
        %add3A_1837 = arith.constant 13 : i32
        %add3A_1838 = arith.addi %mul3A_198, %add3A_1837 : i32
        %swap3A_1839 = arith.index_cast %add3A_1838 : i32 to index
        %swap3A_1840 = arith.constant 48 : index
        %swap3A_1841 = tpu.vector_load %arg10[%swap3A_1839, %swap3A_1840] {strides = array<i32>} : memref<128x128xf32, #tpu.memory_space<vmem>>, vector<1x16xf32>,
        %swap3A_1842 = vector.shape_cast %swap3A_1841 : vector<1x16xf32> to vector<16xf32>
        %swap3A_1843 = vector.shape_cast %mul3A_1836 : vector<16xf32> to vector<1x16xf32>
        tpu.vector_store %arg10[%swap3A_1839, %swap3A_1840], %swap3A_1843 {strides = array<i32>} : memref<128x128xf32, #tpu.memory_space<vmem>>, vector<1x16xf32>,
        %add3A_1844 = arith.constant 13 : i32
        %add3A_1845 = arith.addi %mul3A_198, %add3A_1844 : i32
        %get3A_1846 = arith.index_cast %add3A_1845 : i32 to index
        %get3A_1847 = arith.constant 64 : index
        %get3A_1848 = tpu.vector_load %arg10[%get3A_1846, %get3A_1847] {strides = array<i32>} : memref<128x128xf32, #tpu.memory_space<vmem>>, vector<1x16xf32>,
        %get3A_1849 = vector.shape_cast %get3A_1848 : vector<1x16xf32> to vector<16xf32>
        %mul3A_1850 = vector.broadcast %squeeze3A_1783 : f32 to vector<16xf32>
        %mul3A_1851 = arith.mulf %get3A_1849, %mul3A_1850 : vector<16xf32>
        %add3A_1852 = arith.constant 13 : i32
        %add3A_1853 = arith.addi %mul3A_198, %add3A_1852 : i32
        %swap3A_1854 = arith.index_cast %add3A_1853 : i32 to index
        %swap3A_1855 = arith.constant 64 : index
        %swap3A_1856 = tpu.vector_load %arg10[%swap3A_1854, %swap3A_1855] {strides = array<i32>} : memref<128x128xf32, #tpu.memory_space<vmem>>, vector<1x16xf32>,
        %swap3A_1857 = vector.shape_cast %swap3A_1856 : vector<1x16xf32> to vector<16xf32>
        %swap3A_1858 = vector.shape_cast %mul3A_1851 : vector<16xf32> to vector<1x16xf32>
        tpu.vector_store %arg10[%swap3A_1854, %swap3A_1855], %swap3A_1858 {strides = array<i32>} : memref<128x128xf32, #tpu.memory_space<vmem>>, vector<1x16xf32>,
        %add3A_1859 = arith.constant 13 : i32
        %add3A_1860 = arith.addi %mul3A_198, %add3A_1859 : i32
        %get3A_1861 = arith.index_cast %add3A_1860 : i32 to index
        %get3A_1862 = arith.constant 80 : index
        %get3A_1863 = tpu.vector_load %arg10[%get3A_1861, %get3A_1862] {strides = array<i32>} : memref<128x128xf32, #tpu.memory_space<vmem>>, vector<1x16xf32>,
        %get3A_1864 = vector.shape_cast %get3A_1863 : vector<1x16xf32> to vector<16xf32>
        %mul3A_1865 = vector.broadcast %squeeze3A_1783 : f32 to vector<16xf32>
        %mul3A_1866 = arith.mulf %get3A_1864, %mul3A_1865 : vector<16xf32>
        %add3A_1867 = arith.constant 13 : i32
        %add3A_1868 = arith.addi %mul3A_198, %add3A_1867 : i32
        %swap3A_1869 = arith.index_cast %add3A_1868 : i32 to index
        %swap3A_1870 = arith.constant 80 : index
        %swap3A_1871 = tpu.vector_load %arg10[%swap3A_1869, %swap3A_1870] {strides = array<i32>} : memref<128x128xf32, #tpu.memory_space<vmem>>, vector<1x16xf32>,
        %swap3A_1872 = vector.shape_cast %swap3A_1871 : vector<1x16xf32> to vector<16xf32>
        %swap3A_1873 = vector.shape_cast %mul3A_1866 : vector<16xf32> to vector<1x16xf32>
        tpu.vector_store %arg10[%swap3A_1869, %swap3A_1870], %swap3A_1873 {strides = array<i32>} : memref<128x128xf32, #tpu.memory_space<vmem>>, vector<1x16xf32>,
        %add3A_1874 = arith.constant 13 : i32
        %add3A_1875 = arith.addi %mul3A_198, %add3A_1874 : i32
        %get3A_1876 = arith.index_cast %add3A_1875 : i32 to index
        %get3A_1877 = arith.constant 96 : index
        %get3A_1878 = tpu.vector_load %arg10[%get3A_1876, %get3A_1877] {strides = array<i32>} : memref<128x128xf32, #tpu.memory_space<vmem>>, vector<1x16xf32>,
        %get3A_1879 = vector.shape_cast %get3A_1878 : vector<1x16xf32> to vector<16xf32>
        %mul3A_1880 = vector.broadcast %squeeze3A_1783 : f32 to vector<16xf32>
        %mul3A_1881 = arith.mulf %get3A_1879, %mul3A_1880 : vector<16xf32>
        %add3A_1882 = arith.constant 13 : i32
        %add3A_1883 = arith.addi %mul3A_198, %add3A_1882 : i32
        %swap3A_1884 = arith.index_cast %add3A_1883 : i32 to index
        %swap3A_1885 = arith.constant 96 : index
        %swap3A_1886 = tpu.vector_load %arg10[%swap3A_1884, %swap3A_1885] {strides = array<i32>} : memref<128x128xf32, #tpu.memory_space<vmem>>, vector<1x16xf32>,
        %swap3A_1887 = vector.shape_cast %swap3A_1886 : vector<1x16xf32> to vector<16xf32>
        %swap3A_1888 = vector.shape_cast %mul3A_1881 : vector<16xf32> to vector<1x16xf32>
        tpu.vector_store %arg10[%swap3A_1884, %swap3A_1885], %swap3A_1888 {strides = array<i32>} : memref<128x128xf32, #tpu.memory_space<vmem>>, vector<1x16xf32>,
        %add3A_1889 = arith.constant 13 : i32
        %add3A_1890 = arith.addi %mul3A_198, %add3A_1889 : i32
        %get3A_1891 = arith.index_cast %add3A_1890 : i32 to index
        %get3A_1892 = arith.constant 112 : index
        %get3A_1893 = tpu.vector_load %arg10[%get3A_1891, %get3A_1892] {strides = array<i32>} : memref<128x128xf32, #tpu.memory_space<vmem>>, vector<1x16xf32>,
        %get3A_1894 = vector.shape_cast %get3A_1893 : vector<1x16xf32> to vector<16xf32>
        %mul3A_1895 = vector.broadcast %squeeze3A_1783 : f32 to vector<16xf32>
        %mul3A_1896 = arith.mulf %get3A_1894, %mul3A_1895 : vector<16xf32>
        %add3A_1897 = arith.constant 13 : i32
        %add3A_1898 = arith.addi %mul3A_198, %add3A_1897 : i32
        %swap3A_1899 = arith.index_cast %add3A_1898 : i32 to index
        %swap3A_1900 = arith.constant 112 : index
        %swap3A_1901 = tpu.vector_load %arg10[%swap3A_1899, %swap3A_1900] {strides = array<i32>} : memref<128x128xf32, #tpu.memory_space<vmem>>, vector<1x16xf32>,
        %swap3A_1902 = vector.shape_cast %swap3A_1901 : vector<1x16xf32> to vector<16xf32>
        %swap3A_1903 = vector.shape_cast %mul3A_1896 : vector<16xf32> to vector<1x16xf32>
        tpu.vector_store %arg10[%swap3A_1899, %swap3A_1900], %swap3A_1903 {strides = array<i32>} : memref<128x128xf32, #tpu.memory_space<vmem>>, vector<1x16xf32>,
        %slice3A_1904 = vector.extract_strided_slice %get3A_196 {offsets = [14], sizes = [1], strides = [1]} : vector<16xf32> to vector<1xf32>
        %squeeze3A_1905 = vector.extract %slice3A_1904[0] : f32 from vector<1xf32>
        %add3A_1906 = arith.constant 14 : i32
        %add3A_1907 = arith.addi %mul3A_198, %add3A_1906 : i32
        %get3A_1908 = arith.index_cast %add3A_1907 : i32 to index
        %get3A_1909 = arith.constant 0 : index
        %get3A_1910 = tpu.vector_load %arg10[%get3A_1908, %get3A_1909] {strides = array<i32>} : memref<128x128xf32, #tpu.memory_space<vmem>>, vector<1x16xf32>,
        %get3A_1911 = vector.shape_cast %get3A_1910 : vector<1x16xf32> to vector<16xf32>
        %mul3A_1912 = vector.broadcast %squeeze3A_1905 : f32 to vector<16xf32>
        %mul3A_1913 = arith.mulf %get3A_1911, %mul3A_1912 : vector<16xf32>
        %add3A_1914 = arith.constant 14 : i32
        %add3A_1915 = arith.addi %mul3A_198, %add3A_1914 : i32
        %swap3A_1916 = arith.index_cast %add3A_1915 : i32 to index
        %swap3A_1917 = arith.constant 0 : index
        %swap3A_1918 = tpu.vector_load %arg10[%swap3A_1916, %swap3A_1917] {strides = array<i32>} : memref<128x128xf32, #tpu.memory_space<vmem>>, vector<1x16xf32>,
        %swap3A_1919 = vector.shape_cast %swap3A_1918 : vector<1x16xf32> to vector<16xf32>
        %swap3A_1920 = vector.shape_cast %mul3A_1913 : vector<16xf32> to vector<1x16xf32>
        tpu.vector_store %arg10[%swap3A_1916, %swap3A_1917], %swap3A_1920 {strides = array<i32>} : memref<128x128xf32, #tpu.memory_space<vmem>>, vector<1x16xf32>,
        %add3A_1921 = arith.constant 14 : i32
        %add3A_1922 = arith.addi %mul3A_198, %add3A_1921 : i32
        %get3A_1923 = arith.index_cast %add3A_1922 : i32 to index
        %get3A_1924 = arith.constant 16 : index
        %get3A_1925 = tpu.vector_load %arg10[%get3A_1923, %get3A_1924] {strides = array<i32>} : memref<128x128xf32, #tpu.memory_space<vmem>>, vector<1x16xf32>,
        %get3A_1926 = vector.shape_cast %get3A_1925 : vector<1x16xf32> to vector<16xf32>
        %mul3A_1927 = vector.broadcast %squeeze3A_1905 : f32 to vector<16xf32>
        %mul3A_1928 = arith.mulf %get3A_1926, %mul3A_1927 : vector<16xf32>
        %add3A_1929 = arith.constant 14 : i32
        %add3A_1930 = arith.addi %mul3A_198, %add3A_1929 : i32
        %swap3A_1931 = arith.index_cast %add3A_1930 : i32 to index
        %swap3A_1932 = arith.constant 16 : index
        %swap3A_1933 = tpu.vector_load %arg10[%swap3A_1931, %swap3A_1932] {strides = array<i32>} : memref<128x128xf32, #tpu.memory_space<vmem>>, vector<1x16xf32>,
        %swap3A_1934 = vector.shape_cast %swap3A_1933 : vector<1x16xf32> to vector<16xf32>
        %swap3A_1935 = vector.shape_cast %mul3A_1928 : vector<16xf32> to vector<1x16xf32>
        tpu.vector_store %arg10[%swap3A_1931, %swap3A_1932], %swap3A_1935 {strides = array<i32>} : memref<128x128xf32, #tpu.memory_space<vmem>>, vector<1x16xf32>,
        %add3A_1936 = arith.constant 14 : i32
        %add3A_1937 = arith.addi %mul3A_198, %add3A_1936 : i32
        %get3A_1938 = arith.index_cast %add3A_1937 : i32 to index
        %get3A_1939 = arith.constant 32 : index
        %get3A_1940 = tpu.vector_load %arg10[%get3A_1938, %get3A_1939] {strides = array<i32>} : memref<128x128xf32, #tpu.memory_space<vmem>>, vector<1x16xf32>,
        %get3A_1941 = vector.shape_cast %get3A_1940 : vector<1x16xf32> to vector<16xf32>
        %mul3A_1942 = vector.broadcast %squeeze3A_1905 : f32 to vector<16xf32>
        %mul3A_1943 = arith.mulf %get3A_1941, %mul3A_1942 : vector<16xf32>
        %add3A_1944 = arith.constant 14 : i32
        %add3A_1945 = arith.addi %mul3A_198, %add3A_1944 : i32
        %swap3A_1946 = arith.index_cast %add3A_1945 : i32 to index
        %swap3A_1947 = arith.constant 32 : index
        %swap3A_1948 = tpu.vector_load %arg10[%swap3A_1946, %swap3A_1947] {strides = array<i32>} : memref<128x128xf32, #tpu.memory_space<vmem>>, vector<1x16xf32>,
        %swap3A_1949 = vector.shape_cast %swap3A_1948 : vector<1x16xf32> to vector<16xf32>
        %swap3A_1950 = vector.shape_cast %mul3A_1943 : vector<16xf32> to vector<1x16xf32>
        tpu.vector_store %arg10[%swap3A_1946, %swap3A_1947], %swap3A_1950 {strides = array<i32>} : memref<128x128xf32, #tpu.memory_space<vmem>>, vector<1x16xf32>,
        %add3A_1951 = arith.constant 14 : i32
        %add3A_1952 = arith.addi %mul3A_198, %add3A_1951 : i32
        %get3A_1953 = arith.index_cast %add3A_1952 : i32 to index
        %get3A_1954 = arith.constant 48 : index
        %get3A_1955 = tpu.vector_load %arg10[%get3A_1953, %get3A_1954] {strides = array<i32>} : memref<128x128xf32, #tpu.memory_space<vmem>>, vector<1x16xf32>,
        %get3A_1956 = vector.shape_cast %get3A_1955 : vector<1x16xf32> to vector<16xf32>
        %mul3A_1957 = vector.broadcast %squeeze3A_1905 : f32 to vector<16xf32>
        %mul3A_1958 = arith.mulf %get3A_1956, %mul3A_1957 : vector<16xf32>
        %add3A_1959 = arith.constant 14 : i32
        %add3A_1960 = arith.addi %mul3A_198, %add3A_1959 : i32
        %swap3A_1961 = arith.index_cast %add3A_1960 : i32 to index
        %swap3A_1962 = arith.constant 48 : index
        %swap3A_1963 = tpu.vector_load %arg10[%swap3A_1961, %swap3A_1962] {strides = array<i32>} : memref<128x128xf32, #tpu.memory_space<vmem>>, vector<1x16xf32>,
        %swap3A_1964 = vector.shape_cast %swap3A_1963 : vector<1x16xf32> to vector<16xf32>
        %swap3A_1965 = vector.shape_cast %mul3A_1958 : vector<16xf32> to vector<1x16xf32>
        tpu.vector_store %arg10[%swap3A_1961, %swap3A_1962], %swap3A_1965 {strides = array<i32>} : memref<128x128xf32, #tpu.memory_space<vmem>>, vector<1x16xf32>,
        %add3A_1966 = arith.constant 14 : i32
        %add3A_1967 = arith.addi %mul3A_198, %add3A_1966 : i32
        %get3A_1968 = arith.index_cast %add3A_1967 : i32 to index
        %get3A_1969 = arith.constant 64 : index
        %get3A_1970 = tpu.vector_load %arg10[%get3A_1968, %get3A_1969] {strides = array<i32>} : memref<128x128xf32, #tpu.memory_space<vmem>>, vector<1x16xf32>,
        %get3A_1971 = vector.shape_cast %get3A_1970 : vector<1x16xf32> to vector<16xf32>
        %mul3A_1972 = vector.broadcast %squeeze3A_1905 : f32 to vector<16xf32>
        %mul3A_1973 = arith.mulf %get3A_1971, %mul3A_1972 : vector<16xf32>
        %add3A_1974 = arith.constant 14 : i32
        %add3A_1975 = arith.addi %mul3A_198, %add3A_1974 : i32
        %swap3A_1976 = arith.index_cast %add3A_1975 : i32 to index
        %swap3A_1977 = arith.constant 64 : index
        %swap3A_1978 = tpu.vector_load %arg10[%swap3A_1976, %swap3A_1977] {strides = array<i32>} : memref<128x128xf32, #tpu.memory_space<vmem>>, vector<1x16xf32>,
        %swap3A_1979 = vector.shape_cast %swap3A_1978 : vector<1x16xf32> to vector<16xf32>
        %swap3A_1980 = vector.shape_cast %mul3A_1973 : vector<16xf32> to vector<1x16xf32>
        tpu.vector_store %arg10[%swap3A_1976, %swap3A_1977], %swap3A_1980 {strides = array<i32>} : memref<128x128xf32, #tpu.memory_space<vmem>>, vector<1x16xf32>,
        %add3A_1981 = arith.constant 14 : i32
        %add3A_1982 = arith.addi %mul3A_198, %add3A_1981 : i32
        %get3A_1983 = arith.index_cast %add3A_1982 : i32 to index
        %get3A_1984 = arith.constant 80 : index
        %get3A_1985 = tpu.vector_load %arg10[%get3A_1983, %get3A_1984] {strides = array<i32>} : memref<128x128xf32, #tpu.memory_space<vmem>>, vector<1x16xf32>,
        %get3A_1986 = vector.shape_cast %get3A_1985 : vector<1x16xf32> to vector<16xf32>
        %mul3A_1987 = vector.broadcast %squeeze3A_1905 : f32 to vector<16xf32>
        %mul3A_1988 = arith.mulf %get3A_1986, %mul3A_1987 : vector<16xf32>
        %add3A_1989 = arith.constant 14 : i32
        %add3A_1990 = arith.addi %mul3A_198, %add3A_1989 : i32
        %swap3A_1991 = arith.index_cast %add3A_1990 : i32 to index
        %swap3A_1992 = arith.constant 80 : index
        %swap3A_1993 = tpu.vector_load %arg10[%swap3A_1991, %swap3A_1992] {strides = array<i32>} : memref<128x128xf32, #tpu.memory_space<vmem>>, vector<1x16xf32>,
        %swap3A_1994 = vector.shape_cast %swap3A_1993 : vector<1x16xf32> to vector<16xf32>
        %swap3A_1995 = vector.shape_cast %mul3A_1988 : vector<16xf32> to vector<1x16xf32>
        tpu.vector_store %arg10[%swap3A_1991, %swap3A_1992], %swap3A_1995 {strides = array<i32>} : memref<128x128xf32, #tpu.memory_space<vmem>>, vector<1x16xf32>,
        %add3A_1996 = arith.constant 14 : i32
        %add3A_1997 = arith.addi %mul3A_198, %add3A_1996 : i32
        %get3A_1998 = arith.index_cast %add3A_1997 : i32 to index
        %get3A_1999 = arith.constant 96 : index
        %get3A_2000 = tpu.vector_load %arg10[%get3A_1998, %get3A_1999] {strides = array<i32>} : memref<128x128xf32, #tpu.memory_space<vmem>>, vector<1x16xf32>,
        %get3A_2001 = vector.shape_cast %get3A_2000 : vector<1x16xf32> to vector<16xf32>
        %mul3A_2002 = vector.broadcast %squeeze3A_1905 : f32 to vector<16xf32>
        %mul3A_2003 = arith.mulf %get3A_2001, %mul3A_2002 : vector<16xf32>
        %add3A_2004 = arith.constant 14 : i32
        %add3A_2005 = arith.addi %mul3A_198, %add3A_2004 : i32
        %swap3A_2006 = arith.index_cast %add3A_2005 : i32 to index
        %swap3A_2007 = arith.constant 96 : index
        %swap3A_2008 = tpu.vector_load %arg10[%swap3A_2006, %swap3A_2007] {strides = array<i32>} : memref<128x128xf32, #tpu.memory_space<vmem>>, vector<1x16xf32>,
        %swap3A_2009 = vector.shape_cast %swap3A_2008 : vector<1x16xf32> to vector<16xf32>
        %swap3A_2010 = vector.shape_cast %mul3A_2003 : vector<16xf32> to vector<1x16xf32>
        tpu.vector_store %arg10[%swap3A_2006, %swap3A_2007], %swap3A_2010 {strides = array<i32>} : memref<128x128xf32, #tpu.memory_space<vmem>>, vector<1x16xf32>,
        %add3A_2011 = arith.constant 14 : i32
        %add3A_2012 = arith.addi %mul3A_198, %add3A_2011 : i32
        %get3A_2013 = arith.index_cast %add3A_2012 : i32 to index
        %get3A_2014 = arith.constant 112 : index
        %get3A_2015 = tpu.vector_load %arg10[%get3A_2013, %get3A_2014] {strides = array<i32>} : memref<128x128xf32, #tpu.memory_space<vmem>>, vector<1x16xf32>,
        %get3A_2016 = vector.shape_cast %get3A_2015 : vector<1x16xf32> to vector<16xf32>
        %mul3A_2017 = vector.broadcast %squeeze3A_1905 : f32 to vector<16xf32>
        %mul3A_2018 = arith.mulf %get3A_2016, %mul3A_2017 : vector<16xf32>
        %add3A_2019 = arith.constant 14 : i32
        %add3A_2020 = arith.addi %mul3A_198, %add3A_2019 : i32
        %swap3A_2021 = arith.index_cast %add3A_2020 : i32 to index
        %swap3A_2022 = arith.constant 112 : index
        %swap3A_2023 = tpu.vector_load %arg10[%swap3A_2021, %swap3A_2022] {strides = array<i32>} : memref<128x128xf32, #tpu.memory_space<vmem>>, vector<1x16xf32>,
        %swap3A_2024 = vector.shape_cast %swap3A_2023 : vector<1x16xf32> to vector<16xf32>
        %swap3A_2025 = vector.shape_cast %mul3A_2018 : vector<16xf32> to vector<1x16xf32>
        tpu.vector_store %arg10[%swap3A_2021, %swap3A_2022], %swap3A_2025 {strides = array<i32>} : memref<128x128xf32, #tpu.memory_space<vmem>>, vector<1x16xf32>,
        %slice3A_2026 = vector.extract_strided_slice %get3A_196 {offsets = [15], sizes = [1], strides = [1]} : vector<16xf32> to vector<1xf32>
        %squeeze3A_2027 = vector.extract %slice3A_2026[0] : f32 from vector<1xf32>
        %add3A_2028 = arith.constant 15 : i32
        %add3A_2029 = arith.addi %mul3A_198, %add3A_2028 : i32
        %get3A_2030 = arith.index_cast %add3A_2029 : i32 to index
        %get3A_2031 = arith.constant 0 : index
        %get3A_2032 = tpu.vector_load %arg10[%get3A_2030, %get3A_2031] {strides = array<i32>} : memref<128x128xf32, #tpu.memory_space<vmem>>, vector<1x16xf32>,
        %get3A_2033 = vector.shape_cast %get3A_2032 : vector<1x16xf32> to vector<16xf32>
        %mul3A_2034 = vector.broadcast %squeeze3A_2027 : f32 to vector<16xf32>
        %mul3A_2035 = arith.mulf %get3A_2033, %mul3A_2034 : vector<16xf32>
        %add3A_2036 = arith.constant 15 : i32
        %add3A_2037 = arith.addi %mul3A_198, %add3A_2036 : i32
        %swap3A_2038 = arith.index_cast %add3A_2037 : i32 to index
        %swap3A_2039 = arith.constant 0 : index
        %swap3A_2040 = tpu.vector_load %arg10[%swap3A_2038, %swap3A_2039] {strides = array<i32>} : memref<128x128xf32, #tpu.memory_space<vmem>>, vector<1x16xf32>,
        %swap3A_2041 = vector.shape_cast %swap3A_2040 : vector<1x16xf32> to vector<16xf32>
        %swap3A_2042 = vector.shape_cast %mul3A_2035 : vector<16xf32> to vector<1x16xf32>
        tpu.vector_store %arg10[%swap3A_2038, %swap3A_2039], %swap3A_2042 {strides = array<i32>} : memref<128x128xf32, #tpu.memory_space<vmem>>, vector<1x16xf32>,
        %add3A_2043 = arith.constant 15 : i32
        %add3A_2044 = arith.addi %mul3A_198, %add3A_2043 : i32
        %get3A_2045 = arith.index_cast %add3A_2044 : i32 to index
        %get3A_2046 = arith.constant 16 : index
        %get3A_2047 = tpu.vector_load %arg10[%get3A_2045, %get3A_2046] {strides = array<i32>} : memref<128x128xf32, #tpu.memory_space<vmem>>, vector<1x16xf32>,
        %get3A_2048 = vector.shape_cast %get3A_2047 : vector<1x16xf32> to vector<16xf32>
        %mul3A_2049 = vector.broadcast %squeeze3A_2027 : f32 to vector<16xf32>
        %mul3A_2050 = arith.mulf %get3A_2048, %mul3A_2049 : vector<16xf32>
        %add3A_2051 = arith.constant 15 : i32
        %add3A_2052 = arith.addi %mul3A_198, %add3A_2051 : i32
        %swap3A_2053 = arith.index_cast %add3A_2052 : i32 to index
        %swap3A_2054 = arith.constant 16 : index
        %swap3A_2055 = tpu.vector_load %arg10[%swap3A_2053, %swap3A_2054] {strides = array<i32>} : memref<128x128xf32, #tpu.memory_space<vmem>>, vector<1x16xf32>,
        %swap3A_2056 = vector.shape_cast %swap3A_2055 : vector<1x16xf32> to vector<16xf32>
        %swap3A_2057 = vector.shape_cast %mul3A_2050 : vector<16xf32> to vector<1x16xf32>
        tpu.vector_store %arg10[%swap3A_2053, %swap3A_2054], %swap3A_2057 {strides = array<i32>} : memref<128x128xf32, #tpu.memory_space<vmem>>, vector<1x16xf32>,
        %add3A_2058 = arith.constant 15 : i32
        %add3A_2059 = arith.addi %mul3A_198, %add3A_2058 : i32
        %get3A_2060 = arith.index_cast %add3A_2059 : i32 to index
        %get3A_2061 = arith.constant 32 : index
        %get3A_2062 = tpu.vector_load %arg10[%get3A_2060, %get3A_2061] {strides = array<i32>} : memref<128x128xf32, #tpu.memory_space<vmem>>, vector<1x16xf32>,
        %get3A_2063 = vector.shape_cast %get3A_2062 : vector<1x16xf32> to vector<16xf32>
        %mul3A_2064 = vector.broadcast %squeeze3A_2027 : f32 to vector<16xf32>
        %mul3A_2065 = arith.mulf %get3A_2063, %mul3A_2064 : vector<16xf32>
        %add3A_2066 = arith.constant 15 : i32
        %add3A_2067 = arith.addi %mul3A_198, %add3A_2066 : i32
        %swap3A_2068 = arith.index_cast %add3A_2067 : i32 to index
        %swap3A_2069 = arith.constant 32 : index
        %swap3A_2070 = tpu.vector_load %arg10[%swap3A_2068, %swap3A_2069] {strides = array<i32>} : memref<128x128xf32, #tpu.memory_space<vmem>>, vector<1x16xf32>,
        %swap3A_2071 = vector.shape_cast %swap3A_2070 : vector<1x16xf32> to vector<16xf32>
        %swap3A_2072 = vector.shape_cast %mul3A_2065 : vector<16xf32> to vector<1x16xf32>
        tpu.vector_store %arg10[%swap3A_2068, %swap3A_2069], %swap3A_2072 {strides = array<i32>} : memref<128x128xf32, #tpu.memory_space<vmem>>, vector<1x16xf32>,
        %add3A_2073 = arith.constant 15 : i32
        %add3A_2074 = arith.addi %mul3A_198, %add3A_2073 : i32
        %get3A_2075 = arith.index_cast %add3A_2074 : i32 to index
        %get3A_2076 = arith.constant 48 : index
        %get3A_2077 = tpu.vector_load %arg10[%get3A_2075, %get3A_2076] {strides = array<i32>} : memref<128x128xf32, #tpu.memory_space<vmem>>, vector<1x16xf32>,
        %get3A_2078 = vector.shape_cast %get3A_2077 : vector<1x16xf32> to vector<16xf32>
        %mul3A_2079 = vector.broadcast %squeeze3A_2027 : f32 to vector<16xf32>
        %mul3A_2080 = arith.mulf %get3A_2078, %mul3A_2079 : vector<16xf32>
        %add3A_2081 = arith.constant 15 : i32
        %add3A_2082 = arith.addi %mul3A_198, %add3A_2081 : i32
        %swap3A_2083 = arith.index_cast %add3A_2082 : i32 to index
        %swap3A_2084 = arith.constant 48 : index
        %swap3A_2085 = tpu.vector_load %arg10[%swap3A_2083, %swap3A_2084] {strides = array<i32>} : memref<128x128xf32, #tpu.memory_space<vmem>>, vector<1x16xf32>,
        %swap3A_2086 = vector.shape_cast %swap3A_2085 : vector<1x16xf32> to vector<16xf32>
        %swap3A_2087 = vector.shape_cast %mul3A_2080 : vector<16xf32> to vector<1x16xf32>
        tpu.vector_store %arg10[%swap3A_2083, %swap3A_2084], %swap3A_2087 {strides = array<i32>} : memref<128x128xf32, #tpu.memory_space<vmem>>, vector<1x16xf32>,
        %add3A_2088 = arith.constant 15 : i32
        %add3A_2089 = arith.addi %mul3A_198, %add3A_2088 : i32
        %get3A_2090 = arith.index_cast %add3A_2089 : i32 to index
        %get3A_2091 = arith.constant 64 : index
        %get3A_2092 = tpu.vector_load %arg10[%get3A_2090, %get3A_2091] {strides = array<i32>} : memref<128x128xf32, #tpu.memory_space<vmem>>, vector<1x16xf32>,
        %get3A_2093 = vector.shape_cast %get3A_2092 : vector<1x16xf32> to vector<16xf32>
        %mul3A_2094 = vector.broadcast %squeeze3A_2027 : f32 to vector<16xf32>
        %mul3A_2095 = arith.mulf %get3A_2093, %mul3A_2094 : vector<16xf32>
        %add3A_2096 = arith.constant 15 : i32
        %add3A_2097 = arith.addi %mul3A_198, %add3A_2096 : i32
        %swap3A_2098 = arith.index_cast %add3A_2097 : i32 to index
        %swap3A_2099 = arith.constant 64 : index
        %swap3A_2100 = tpu.vector_load %arg10[%swap3A_2098, %swap3A_2099] {strides = array<i32>} : memref<128x128xf32, #tpu.memory_space<vmem>>, vector<1x16xf32>,
        %swap3A_2101 = vector.shape_cast %swap3A_2100 : vector<1x16xf32> to vector<16xf32>
        %swap3A_2102 = vector.shape_cast %mul3A_2095 : vector<16xf32> to vector<1x16xf32>
        tpu.vector_store %arg10[%swap3A_2098, %swap3A_2099], %swap3A_2102 {strides = array<i32>} : memref<128x128xf32, #tpu.memory_space<vmem>>, vector<1x16xf32>,
        %add3A_2103 = arith.constant 15 : i32
        %add3A_2104 = arith.addi %mul3A_198, %add3A_2103 : i32
        %get3A_2105 = arith.index_cast %add3A_2104 : i32 to index
        %get3A_2106 = arith.constant 80 : index
        %get3A_2107 = tpu.vector_load %arg10[%get3A_2105, %get3A_2106] {strides = array<i32>} : memref<128x128xf32, #tpu.memory_space<vmem>>, vector<1x16xf32>,
        %get3A_2108 = vector.shape_cast %get3A_2107 : vector<1x16xf32> to vector<16xf32>
        %mul3A_2109 = vector.broadcast %squeeze3A_2027 : f32 to vector<16xf32>
        %mul3A_2110 = arith.mulf %get3A_2108, %mul3A_2109 : vector<16xf32>
        %add3A_2111 = arith.constant 15 : i32
        %add3A_2112 = arith.addi %mul3A_198, %add3A_2111 : i32
        %swap3A_2113 = arith.index_cast %add3A_2112 : i32 to index
        %swap3A_2114 = arith.constant 80 : index
        %swap3A_2115 = tpu.vector_load %arg10[%swap3A_2113, %swap3A_2114] {strides = array<i32>} : memref<128x128xf32, #tpu.memory_space<vmem>>, vector<1x16xf32>,
        %swap3A_2116 = vector.shape_cast %swap3A_2115 : vector<1x16xf32> to vector<16xf32>
        %swap3A_2117 = vector.shape_cast %mul3A_2110 : vector<16xf32> to vector<1x16xf32>
        tpu.vector_store %arg10[%swap3A_2113, %swap3A_2114], %swap3A_2117 {strides = array<i32>} : memref<128x128xf32, #tpu.memory_space<vmem>>, vector<1x16xf32>,
        %add3A_2118 = arith.constant 15 : i32
        %add3A_2119 = arith.addi %mul3A_198, %add3A_2118 : i32
        %get3A_2120 = arith.index_cast %add3A_2119 : i32 to index
        %get3A_2121 = arith.constant 96 : index
        %get3A_2122 = tpu.vector_load %arg10[%get3A_2120, %get3A_2121] {strides = array<i32>} : memref<128x128xf32, #tpu.memory_space<vmem>>, vector<1x16xf32>,
        %get3A_2123 = vector.shape_cast %get3A_2122 : vector<1x16xf32> to vector<16xf32>
        %mul3A_2124 = vector.broadcast %squeeze3A_2027 : f32 to vector<16xf32>
        %mul3A_2125 = arith.mulf %get3A_2123, %mul3A_2124 : vector<16xf32>
        %add3A_2126 = arith.constant 15 : i32
        %add3A_2127 = arith.addi %mul3A_198, %add3A_2126 : i32
        %swap3A_2128 = arith.index_cast %add3A_2127 : i32 to index
        %swap3A_2129 = arith.constant 96 : index
        %swap3A_2130 = tpu.vector_load %arg10[%swap3A_2128, %swap3A_2129] {strides = array<i32>} : memref<128x128xf32, #tpu.memory_space<vmem>>, vector<1x16xf32>,
        %swap3A_2131 = vector.shape_cast %swap3A_2130 : vector<1x16xf32> to vector<16xf32>
        %swap3A_2132 = vector.shape_cast %mul3A_2125 : vector<16xf32> to vector<1x16xf32>
        tpu.vector_store %arg10[%swap3A_2128, %swap3A_2129], %swap3A_2132 {strides = array<i32>} : memref<128x128xf32, #tpu.memory_space<vmem>>, vector<1x16xf32>,
        %add3A_2133 = arith.constant 15 : i32
        %add3A_2134 = arith.addi %mul3A_198, %add3A_2133 : i32
        %get3A_2135 = arith.index_cast %add3A_2134 : i32 to index
        %get3A_2136 = arith.constant 112 : index
        %get3A_2137 = tpu.vector_load %arg10[%get3A_2135, %get3A_2136] {strides = array<i32>} : memref<128x128xf32, #tpu.memory_space<vmem>>, vector<1x16xf32>,
        %get3A_2138 = vector.shape_cast %get3A_2137 : vector<1x16xf32> to vector<16xf32>
        %mul3A_2139 = vector.broadcast %squeeze3A_2027 : f32 to vector<16xf32>
        %mul3A_2140 = arith.mulf %get3A_2138, %mul3A_2139 : vector<16xf32>
        %add3A_2141 = arith.constant 15 : i32
        %add3A_2142 = arith.addi %mul3A_198, %add3A_2141 : i32
        %swap3A_2143 = arith.index_cast %add3A_2142 : i32 to index
        %swap3A_2144 = arith.constant 112 : index
        %swap3A_2145 = tpu.vector_load %arg10[%swap3A_2143, %swap3A_2144] {strides = array<i32>} : memref<128x128xf32, #tpu.memory_space<vmem>>, vector<1x16xf32>,
        %swap3A_2146 = vector.shape_cast %swap3A_2145 : vector<1x16xf32> to vector<16xf32>
        %swap3A_2147 = vector.shape_cast %mul3A_2140 : vector<16xf32> to vector<1x16xf32>
        tpu.vector_store %arg10[%swap3A_2143, %swap3A_2144], %swap3A_2147 {strides = array<i32>} : memref<128x128xf32, #tpu.memory_space<vmem>>, vector<1x16xf32>,
      }
      %scan3A_186 = arith.constant 8 : i32
      %add3A_187 = arith.constant 4 : i32
      %add3A_188 = arith.addi %while3A_93, %add3A_187 : i32
      %sub3A = arith.constant 1 : i32
      %sub3A_189 = arith.subi %add3A_188, %sub3A : i32
      %lt3A = arith.cmpi slt, %sub3A_189, %select_n3A : i32
      %convert_element_type3A = arith.extui %lt3A : i1 to i32
      %cond3A = arith.constant 0 : i32
      %cond3A_190 = arith.cmpi ne, %convert_element_type3A, %cond3A : i32
      scf.if %cond3A_190 {
        %add3A_191 = arith.constant 4 : i32
        %add3A_192 = arith.addi %while3A_93, %add3A_191 : i32
        %sub3A_193 = arith.constant 1 : i32
        %sub3A_194 = arith.subi %add3A_192, %sub3A_193 : i32
        %add3A_195 = arith.constant 4 : i32
        %add3A_196 = arith.addi %while3A_93, %add3A_195 : i32
        %sub3A_197 = arith.constant 1 : i32
        %sub3A_198 = arith.subi %add3A_196, %sub3A_197 : i32
        %rem3A_199 = arith.constant 4 : i32
        %rem3A_200 = arith.remsi %sub3A_198, %rem3A_199 : i32
        %dma_start3A_201 = arith.constant 0 : i32
        %dma_start3A_202 = tpu.memref_slice %arg9[%rem3A_200, %dma_start3A_201] : memref<4x128xf32, #tpu.memory_space<vmem>> -> memref<1x128xf32, #tpu.memory_space<vmem>>
        %dma_start3A_203 = tpu.memref_squeeze %dma_start3A_202 : memref<1x128xf32, #tpu.memory_space<vmem>> -> memref<128xf32, #tpu.memory_space<vmem>>
        %dma_start3A_204 = arith.constant 0 : i32
        %dma_start3A_205 = tpu.memref_slice %arg5[%add3A, %sub3A_194, %dma_start3A_204] : memref<32x108x128xf32, #tpu.memory_space<hbm>> -> memref<1x1x128xf32, #tpu.memory_space<hbm>>
        %dma_start3A_206 = tpu.memref_squeeze %dma_start3A_205 : memref<1x1x128xf32, #tpu.memory_space<hbm>> -> memref<128xf32, #tpu.memory_space<hbm>>
        %dma_start3A_207 = tpu.memref_slice %arg16[%rem3A_200] : memref<4x!tpu.dma_semaphore, #tpu.memory_space<semaphore_mem>> -> memref<1x!tpu.dma_semaphore, #tpu.memory_space<semaphore_mem>>
        %dma_start3A_208 = tpu.memref_squeeze %dma_start3A_207 : memref<1x!tpu.dma_semaphore, #tpu.memory_space<semaphore_mem>> -> memref<!tpu.dma_semaphore, #tpu.memory_space<semaphore_mem>>
        %dma_start3A_209 = arith.constant 0 : i32
        %dma_start3A_210 = tpu.memref_slice %arg9[%rem3A_200, %dma_start3A_209] : memref<4x128xf32, #tpu.memory_space<vmem>> -> memref<1x128xf32, #tpu.memory_space<vmem>>
        %dma_start3A_211 = tpu.memref_squeeze %dma_start3A_210 : memref<1x128xf32, #tpu.memory_space<vmem>> -> memref<128xf32, #tpu.memory_space<vmem>>
        %dma_start3A_212 = arith.constant 0 : i32
        %dma_start3A_213 = tpu.memref_slice %arg5[%add3A, %sub3A_194, %dma_start3A_212] : memref<32x108x128xf32, #tpu.memory_space<hbm>> -> memref<1x1x128xf32, #tpu.memory_space<hbm>>
        %dma_start3A_214 = tpu.memref_squeeze %dma_start3A_213 : memref<1x1x128xf32, #tpu.memory_space<hbm>> -> memref<128xf32, #tpu.memory_space<hbm>>
        tpu.enqueue_dma source(%dma_start3A_214 : memref<128xf32, #tpu.memory_space<hbm>>) target(%dma_start3A_211 : memref<128xf32, #tpu.memory_space<vmem>>) target_semaphore(%dma_start3A_208 : memref<!tpu.dma_semaphore, #tpu.memory_space<semaphore_mem>>)
      } else {
      }
      "tpu.region"() ({
        %run_scoped3A = tpu.sem_alloc : memref<!tpu.dma_semaphore, #tpu.memory_space<semaphore_mem>>
        %dma_start3A_191 = arith.constant 0 : i32
        %dma_start3A_192 = tpu.memref_slice %arg8[%while3A_93, %dma_start3A_191] : memref<108x128xi32, #tpu.memory_space<vmem>> -> memref<1x128xi32, #tpu.memory_space<vmem>>
        %dma_start3A_193 = tpu.memref_squeeze %dma_start3A_192 : memref<1x128xi32, #tpu.memory_space<vmem>> -> memref<128xi32, #tpu.memory_space<vmem>>
        %dma_start3A_194 = arith.constant 0 : i32
        %dma_start3A_195 = arith.constant 0 : i32
        %dma_start3A_196 = tpu.memref_slice %arg11[%dma_start3A_194, %dma_start3A_195] : memref<10112x128xf32, #tpu.memory_space<vmem_shared>> -> memref<10112x128xf32, #tpu.memory_space<vmem_shared>>
        tpu.enqueue_indirect_dma source(%arg10 : memref<128x128xf32, #tpu.memory_space<vmem>>) target(%dma_start3A_196 : memref<10112x128xf32, #tpu.memory_space<vmem_shared>>) offsets(%dma_start3A_193 : memref<128xi32, #tpu.memory_space<vmem>>) semaphore(%run_scoped3A : memref<!tpu.dma_semaphore, #tpu.memory_space<semaphore_mem>>) {add = true}
        %dma_wait3A_197 = arith.constant 0 : i32
        %dma_wait3A_198 = tpu.memref_slice %arg8[%while3A_93, %dma_wait3A_197] : memref<108x128xi32, #tpu.memory_space<vmem>> -> memref<1x128xi32, #tpu.memory_space<vmem>>
        %dma_wait3A_199 = tpu.memref_squeeze %dma_wait3A_198 : memref<1x128xi32, #tpu.memory_space<vmem>> -> memref<128xi32, #tpu.memory_space<vmem>>
        %dma_wait3A_200 = arith.constant 0 : i32
        %dma_wait3A_201 = arith.constant 0 : i32
        %dma_wait3A_202 = tpu.memref_slice %arg11[%dma_wait3A_200, %dma_wait3A_201] : memref<10112x128xf32, #tpu.memory_space<vmem_shared>> -> memref<10112x128xf32, #tpu.memory_space<vmem_shared>>
        tpu.wait_indirect_dma semaphore(%run_scoped3A : memref<!tpu.dma_semaphore, #tpu.memory_space<semaphore_mem>>) src(%arg10 : memref<128x128xf32, #tpu.memory_space<vmem>>) dst(%dma_wait3A_202 : memref<10112x128xf32, #tpu.memory_space<vmem_shared>>)
        tpu.yield
      }) : () -> ()
    }
    %while3A_87 = arith.constant 1 : i32
    scf.for %while3A_93 = %while3A_85 to %while3A_81 step %while3A_87  : i32 {
      %dma_start3A_94 = arith.constant 0 : i32
      %dma_start3A_95 = arith.constant 0 : i32
      %dma_start3A_96 = tpu.memref_slice %arg10[%dma_start3A_94, %dma_start3A_95] : memref<128x128xf32, #tpu.memory_space<vmem>> -> memref<32x128xf32, #tpu.memory_space<vmem>>
      %dma_start3A_97 = arith.constant 0 : i32
      %dma_start3A_98 = tpu.memref_slice %arg7[%while3A_93, %dma_start3A_97] : memref<108x128xi32, #tpu.memory_space<vmem>> -> memref<1x32xi32, #tpu.memory_space<vmem>>
      %dma_start3A_99 = tpu.memref_squeeze %dma_start3A_98 : memref<1x32xi32, #tpu.memory_space<vmem>> -> memref<32xi32, #tpu.memory_space<vmem>>
      %dma_start3A_100 = arith.constant 0 : i32
      %dma_start3A_101 = arith.constant 0 : i32
      %dma_start3A_102 = tpu.memref_slice %arg2[%dma_start3A_100, %dma_start3A_101] : memref<10000x128xf32, #tpu.memory_space<hbm>> -> memref<10000x128xf32, #tpu.memory_space<hbm>>
      tpu.enqueue_indirect_dma source(%dma_start3A_102 : memref<10000x128xf32, #tpu.memory_space<hbm>>) target(%dma_start3A_96 : memref<32x128xf32, #tpu.memory_space<vmem>>) offsets(%dma_start3A_99 : memref<32xi32, #tpu.memory_space<vmem>>) semaphore(%arg12 : memref<!tpu.dma_semaphore, #tpu.memory_space<semaphore_mem>>)
      %dma_start3A_103 = arith.constant 32 : i32
      %dma_start3A_104 = arith.constant 0 : i32
      %dma_start3A_105 = tpu.memref_slice %arg10[%dma_start3A_103, %dma_start3A_104] : memref<128x128xf32, #tpu.memory_space<vmem>> -> memref<32x128xf32, #tpu.memory_space<vmem>>
      %dma_start3A_106 = arith.constant 32 : i32
      %dma_start3A_107 = tpu.memref_slice %arg7[%while3A_93, %dma_start3A_106] : memref<108x128xi32, #tpu.memory_space<vmem>> -> memref<1x32xi32, #tpu.memory_space<vmem>>
      %dma_start3A_108 = tpu.memref_squeeze %dma_start3A_107 : memref<1x32xi32, #tpu.memory_space<vmem>> -> memref<32xi32, #tpu.memory_space<vmem>>
      %dma_start3A_109 = arith.constant 0 : i32
      %dma_start3A_110 = arith.constant 0 : i32
      %dma_start3A_111 = tpu.memref_slice %arg2[%dma_start3A_109, %dma_start3A_110] : memref<10000x128xf32, #tpu.memory_space<hbm>> -> memref<10000x128xf32, #tpu.memory_space<hbm>>
      tpu.enqueue_indirect_dma source(%dma_start3A_111 : memref<10000x128xf32, #tpu.memory_space<hbm>>) target(%dma_start3A_105 : memref<32x128xf32, #tpu.memory_space<vmem>>) offsets(%dma_start3A_108 : memref<32xi32, #tpu.memory_space<vmem>>) semaphore(%arg13 : memref<!tpu.dma_semaphore, #tpu.memory_space<semaphore_mem>>)
      %dma_start3A_112 = arith.constant 64 : i32
      %dma_start3A_113 = arith.constant 0 : i32
      %dma_start3A_114 = tpu.memref_slice %arg10[%dma_start3A_112, %dma_start3A_113] : memref<128x128xf32, #tpu.memory_space<vmem>> -> memref<32x128xf32, #tpu.memory_space<vmem>>
      %dma_start3A_115 = arith.constant 64 : i32
      %dma_start3A_116 = tpu.memref_slice %arg7[%while3A_93, %dma_start3A_115] : memref<108x128xi32, #tpu.memory_space<vmem>> -> memref<1x32xi32, #tpu.memory_space<vmem>>
      %dma_start3A_117 = tpu.memref_squeeze %dma_start3A_116 : memref<1x32xi32, #tpu.memory_space<vmem>> -> memref<32xi32, #tpu.memory_space<vmem>>
      %dma_start3A_118 = arith.constant 0 : i32
      %dma_start3A_119 = arith.constant 0 : i32
      %dma_start3A_120 = tpu.memref_slice %arg2[%dma_start3A_118, %dma_start3A_119] : memref<10000x128xf32, #tpu.memory_space<hbm>> -> memref<10000x128xf32, #tpu.memory_space<hbm>>
      tpu.enqueue_indirect_dma source(%dma_start3A_120 : memref<10000x128xf32, #tpu.memory_space<hbm>>) target(%dma_start3A_114 : memref<32x128xf32, #tpu.memory_space<vmem>>) offsets(%dma_start3A_117 : memref<32xi32, #tpu.memory_space<vmem>>) semaphore(%arg14 : memref<!tpu.dma_semaphore, #tpu.memory_space<semaphore_mem>>)
      %dma_start3A_121 = arith.constant 96 : i32
      %dma_start3A_122 = arith.constant 0 : i32
      %dma_start3A_123 = tpu.memref_slice %arg10[%dma_start3A_121, %dma_start3A_122] : memref<128x128xf32, #tpu.memory_space<vmem>> -> memref<32x128xf32, #tpu.memory_space<vmem>>
      %dma_start3A_124 = arith.constant 96 : i32
      %dma_start3A_125 = tpu.memref_slice %arg7[%while3A_93, %dma_start3A_124] : memref<108x128xi32, #tpu.memory_space<vmem>> -> memref<1x32xi32, #tpu.memory_space<vmem>>
      %dma_start3A_126 = tpu.memref_squeeze %dma_start3A_125 : memref<1x32xi32, #tpu.memory_space<vmem>> -> memref<32xi32, #tpu.memory_space<vmem>>
      %dma_start3A_127 = arith.constant 0 : i32
      %dma_start3A_128 = arith.constant 0 : i32
      %dma_start3A_129 = tpu.memref_slice %arg2[%dma_start3A_127, %dma_start3A_128] : memref<10000x128xf32, #tpu.memory_space<hbm>> -> memref<10000x128xf32, #tpu.memory_space<hbm>>
      tpu.enqueue_indirect_dma source(%dma_start3A_129 : memref<10000x128xf32, #tpu.memory_space<hbm>>) target(%dma_start3A_123 : memref<32x128xf32, #tpu.memory_space<vmem>>) offsets(%dma_start3A_126 : memref<32xi32, #tpu.memory_space<vmem>>) semaphore(%arg15 : memref<!tpu.dma_semaphore, #tpu.memory_space<semaphore_mem>>)
      %dma_wait3A = arith.constant 0 : i32
      %dma_wait3A_130 = arith.constant 0 : i32
      %dma_wait3A_131 = tpu.memref_slice %arg10[%dma_wait3A, %dma_wait3A_130] : memref<128x128xf32, #tpu.memory_space<vmem>> -> memref<32x128xf32, #tpu.memory_space<vmem>>
      %dma_wait3A_132 = arith.constant 0 : i32
      %dma_wait3A_133 = tpu.memref_slice %arg7[%while3A_93, %dma_wait3A_132] : memref<108x128xi32, #tpu.memory_space<vmem>> -> memref<1x32xi32, #tpu.memory_space<vmem>>
      %dma_wait3A_134 = tpu.memref_squeeze %dma_wait3A_133 : memref<1x32xi32, #tpu.memory_space<vmem>> -> memref<32xi32, #tpu.memory_space<vmem>>
      %dma_wait3A_135 = arith.constant 0 : i32
      %dma_wait3A_136 = arith.constant 0 : i32
      %dma_wait3A_137 = tpu.memref_slice %arg2[%dma_wait3A_135, %dma_wait3A_136] : memref<10000x128xf32, #tpu.memory_space<hbm>> -> memref<10000x128xf32, #tpu.memory_space<hbm>>
      tpu.wait_indirect_dma semaphore(%arg12 : memref<!tpu.dma_semaphore, #tpu.memory_space<semaphore_mem>>) src(%dma_wait3A_137 : memref<10000x128xf32, #tpu.memory_space<hbm>>) dst(%dma_wait3A_131 : memref<32x128xf32, #tpu.memory_space<vmem>>)
      %dma_wait3A_138 = arith.constant 32 : i32
      %dma_wait3A_139 = arith.constant 0 : i32
      %dma_wait3A_140 = tpu.memref_slice %arg10[%dma_wait3A_138, %dma_wait3A_139] : memref<128x128xf32, #tpu.memory_space<vmem>> -> memref<32x128xf32, #tpu.memory_space<vmem>>
      %dma_wait3A_141 = arith.constant 32 : i32
      %dma_wait3A_142 = tpu.memref_slice %arg7[%while3A_93, %dma_wait3A_141] : memref<108x128xi32, #tpu.memory_space<vmem>> -> memref<1x32xi32, #tpu.memory_space<vmem>>
      %dma_wait3A_143 = tpu.memref_squeeze %dma_wait3A_142 : memref<1x32xi32, #tpu.memory_space<vmem>> -> memref<32xi32, #tpu.memory_space<vmem>>
      %dma_wait3A_144 = arith.constant 0 : i32
      %dma_wait3A_145 = arith.constant 0 : i32
      %dma_wait3A_146 = tpu.memref_slice %arg2[%dma_wait3A_144, %dma_wait3A_145] : memref<10000x128xf32, #tpu.memory_space<hbm>> -> memref<10000x128xf32, #tpu.memory_space<hbm>>
      tpu.wait_indirect_dma semaphore(%arg13 : memref<!tpu.dma_semaphore, #tpu.memory_space<semaphore_mem>>) src(%dma_wait3A_146 : memref<10000x128xf32, #tpu.memory_space<hbm>>) dst(%dma_wait3A_140 : memref<32x128xf32, #tpu.memory_space<vmem>>)
      %dma_wait3A_147 = arith.constant 64 : i32
      %dma_wait3A_148 = arith.constant 0 : i32
      %dma_wait3A_149 = tpu.memref_slice %arg10[%dma_wait3A_147, %dma_wait3A_148] : memref<128x128xf32, #tpu.memory_space<vmem>> -> memref<32x128xf32, #tpu.memory_space<vmem>>
      %dma_wait3A_150 = arith.constant 64 : i32
      %dma_wait3A_151 = tpu.memref_slice %arg7[%while3A_93, %dma_wait3A_150] : memref<108x128xi32, #tpu.memory_space<vmem>> -> memref<1x32xi32, #tpu.memory_space<vmem>>
      %dma_wait3A_152 = tpu.memref_squeeze %dma_wait3A_151 : memref<1x32xi32, #tpu.memory_space<vmem>> -> memref<32xi32, #tpu.memory_space<vmem>>
      %dma_wait3A_153 = arith.constant 0 : i32
      %dma_wait3A_154 = arith.constant 0 : i32
      %dma_wait3A_155 = tpu.memref_slice %arg2[%dma_wait3A_153, %dma_wait3A_154] : memref<10000x128xf32, #tpu.memory_space<hbm>> -> memref<10000x128xf32, #tpu.memory_space<hbm>>
      tpu.wait_indirect_dma semaphore(%arg14 : memref<!tpu.dma_semaphore, #tpu.memory_space<semaphore_mem>>) src(%dma_wait3A_155 : memref<10000x128xf32, #tpu.memory_space<hbm>>) dst(%dma_wait3A_149 : memref<32x128xf32, #tpu.memory_space<vmem>>)
      %dma_wait3A_156 = arith.constant 96 : i32
      %dma_wait3A_157 = arith.constant 0 : i32
      %dma_wait3A_158 = tpu.memref_slice %arg10[%dma_wait3A_156, %dma_wait3A_157] : memref<128x128xf32, #tpu.memory_space<vmem>> -> memref<32x128xf32, #tpu.memory_space<vmem>>
      %dma_wait3A_159 = arith.constant 96 : i32
      %dma_wait3A_160 = tpu.memref_slice %arg7[%while3A_93, %dma_wait3A_159] : memref<108x128xi32, #tpu.memory_space<vmem>> -> memref<1x32xi32, #tpu.memory_space<vmem>>
      %dma_wait3A_161 = tpu.memref_squeeze %dma_wait3A_160 : memref<1x32xi32, #tpu.memory_space<vmem>> -> memref<32xi32, #tpu.memory_space<vmem>>
      %dma_wait3A_162 = arith.constant 0 : i32
      %dma_wait3A_163 = arith.constant 0 : i32
      %dma_wait3A_164 = tpu.memref_slice %arg2[%dma_wait3A_162, %dma_wait3A_163] : memref<10000x128xf32, #tpu.memory_space<hbm>> -> memref<10000x128xf32, #tpu.memory_space<hbm>>
      tpu.wait_indirect_dma semaphore(%arg15 : memref<!tpu.dma_semaphore, #tpu.memory_space<semaphore_mem>>) src(%dma_wait3A_164 : memref<10000x128xf32, #tpu.memory_space<hbm>>) dst(%dma_wait3A_158 : memref<32x128xf32, #tpu.memory_space<vmem>>)
      %rem3A = arith.constant 4 : i32
      %rem3A_165 = arith.remsi %while3A_93, %rem3A : i32
      %dma_wait3A_166 = arith.constant 0 : i32
      %dma_wait3A_167 = arith.constant 0 : i32
      %dma_wait3A_168 = tpu.memref_slice %arg9[%rem3A_165, %dma_wait3A_167] : memref<4x128xf32, #tpu.memory_space<vmem>> -> memref<1x128xf32, #tpu.memory_space<vmem>>
      %dma_wait3A_169 = tpu.memref_squeeze %dma_wait3A_168 : memref<1x128xf32, #tpu.memory_space<vmem>> -> memref<128xf32, #tpu.memory_space<vmem>>
      %dma_wait3A_170 = arith.constant 0 : i32
      %dma_wait3A_171 = tpu.memref_slice %arg5[%add3A, %dma_wait3A_166, %dma_wait3A_170] : memref<32x108x128xf32, #tpu.memory_space<hbm>> -> memref<1x1x128xf32, #tpu.memory_space<hbm>>
      %dma_wait3A_172 = tpu.memref_squeeze %dma_wait3A_171 : memref<1x1x128xf32, #tpu.memory_space<hbm>> -> memref<128xf32, #tpu.memory_space<hbm>>
      %dma_wait3A_173 = tpu.memref_slice %arg16[%rem3A_165] : memref<4x!tpu.dma_semaphore, #tpu.memory_space<semaphore_mem>> -> memref<1x!tpu.dma_semaphore, #tpu.memory_space<semaphore_mem>>
      %dma_wait3A_174 = tpu.memref_squeeze %dma_wait3A_173 : memref<1x!tpu.dma_semaphore, #tpu.memory_space<semaphore_mem>> -> memref<!tpu.dma_semaphore, #tpu.memory_space<semaphore_mem>>
      %dma_wait3A_175 = arith.constant 0 : i32
      %dma_wait3A_176 = tpu.memref_slice %arg9[%rem3A_165, %dma_wait3A_175] : memref<4x128xf32, #tpu.memory_space<vmem>> -> memref<1x128xf32, #tpu.memory_space<vmem>>
      %dma_wait3A_177 = tpu.memref_squeeze %dma_wait3A_176 : memref<1x128xf32, #tpu.memory_space<vmem>> -> memref<128xf32, #tpu.memory_space<vmem>>
      %dma_wait3A_178 = arith.constant 0 : i32
      %dma_wait3A_179 = tpu.memref_slice %arg5[%add3A, %dma_wait3A_166, %dma_wait3A_178] : memref<32x108x128xf32, #tpu.memory_space<hbm>> -> memref<1x1x128xf32, #tpu.memory_space<hbm>>
      %dma_wait3A_180 = tpu.memref_squeeze %dma_wait3A_179 : memref<1x1x128xf32, #tpu.memory_space<hbm>> -> memref<128xf32, #tpu.memory_space<hbm>>
      tpu.wait_dma2 semaphore(%dma_wait3A_174 : memref<!tpu.dma_semaphore, #tpu.memory_space<semaphore_mem>>) src(%dma_wait3A_180 : memref<128xf32, #tpu.memory_space<hbm>>) dst(%dma_wait3A_177 : memref<128xf32, #tpu.memory_space<vmem>>)
      %scan3A_181 = arith.constant 0 : i32
      %scan3A_182 = arith.constant 0 : i32
      %scan3A_183 = arith.constant 8 : i32
      %scan3A_184 = arith.addi %scan3A_182, %scan3A_183 : i32
      %scan3A_185 = arith.constant 1 : i32
      scf.for %scan3A_191 = %scan3A_182 to %scan3A_184 step %scan3A_185  : i32 {
        %mul3A_192 = arith.constant 16 : i32
        %mul3A_193 = arith.muli %scan3A_191, %mul3A_192 : i32
        %get3A = arith.index_cast %rem3A_165 : i32 to index
        %get3A_194 = arith.index_cast %mul3A_193 : i32 to index
        %get3A_195 = tpu.vector_load %arg9[%get3A, %get3A_194] {strides = array<i32>} : memref<4x128xf32, #tpu.memory_space<vmem>>, vector<1x16xf32>,
        %get3A_196 = vector.shape_cast %get3A_195 : vector<1x16xf32> to vector<16xf32>
        %mul3A_197 = arith.constant 16 : i32
        %mul3A_198 = arith.muli %scan3A_191, %mul3A_197 : i32
        %slice3A = vector.extract_strided_slice %get3A_196 {offsets = [0], sizes = [1], strides = [1]} : vector<16xf32> to vector<1xf32>
        %squeeze3A = vector.extract %slice3A[0] : f32 from vector<1xf32>
        %add3A_199 = arith.constant 0 : i32
        %add3A_200 = arith.addi %mul3A_198, %add3A_199 : i32
        %get3A_201 = arith.index_cast %add3A_200 : i32 to index
        %get3A_202 = arith.constant 0 : index
        %get3A_203 = tpu.vector_load %arg10[%get3A_201, %get3A_202] {strides = array<i32>} : memref<128x128xf32, #tpu.memory_space<vmem>>, vector<1x16xf32>,
        %get3A_204 = vector.shape_cast %get3A_203 : vector<1x16xf32> to vector<16xf32>
        %mul3A_205 = vector.broadcast %squeeze3A : f32 to vector<16xf32>
        %mul3A_206 = arith.mulf %get3A_204, %mul3A_205 : vector<16xf32>
        %add3A_207 = arith.constant 0 : i32
        %add3A_208 = arith.addi %mul3A_198, %add3A_207 : i32
        %swap3A = arith.index_cast %add3A_208 : i32 to index
        %swap3A_209 = arith.constant 0 : index
        %swap3A_210 = tpu.vector_load %arg10[%swap3A, %swap3A_209] {strides = array<i32>} : memref<128x128xf32, #tpu.memory_space<vmem>>, vector<1x16xf32>,
        %swap3A_211 = vector.shape_cast %swap3A_210 : vector<1x16xf32> to vector<16xf32>
        %swap3A_212 = vector.shape_cast %mul3A_206 : vector<16xf32> to vector<1x16xf32>
        tpu.vector_store %arg10[%swap3A, %swap3A_209], %swap3A_212 {strides = array<i32>} : memref<128x128xf32, #tpu.memory_space<vmem>>, vector<1x16xf32>,
        %add3A_213 = arith.constant 0 : i32
        %add3A_214 = arith.addi %mul3A_198, %add3A_213 : i32
        %get3A_215 = arith.index_cast %add3A_214 : i32 to index
        %get3A_216 = arith.constant 16 : index
        %get3A_217 = tpu.vector_load %arg10[%get3A_215, %get3A_216] {strides = array<i32>} : memref<128x128xf32, #tpu.memory_space<vmem>>, vector<1x16xf32>,
        %get3A_218 = vector.shape_cast %get3A_217 : vector<1x16xf32> to vector<16xf32>
        %mul3A_219 = vector.broadcast %squeeze3A : f32 to vector<16xf32>
        %mul3A_220 = arith.mulf %get3A_218, %mul3A_219 : vector<16xf32>
        %add3A_221 = arith.constant 0 : i32
        %add3A_222 = arith.addi %mul3A_198, %add3A_221 : i32
        %swap3A_223 = arith.index_cast %add3A_222 : i32 to index
        %swap3A_224 = arith.constant 16 : index
        %swap3A_225 = tpu.vector_load %arg10[%swap3A_223, %swap3A_224] {strides = array<i32>} : memref<128x128xf32, #tpu.memory_space<vmem>>, vector<1x16xf32>,
        %swap3A_226 = vector.shape_cast %swap3A_225 : vector<1x16xf32> to vector<16xf32>
        %swap3A_227 = vector.shape_cast %mul3A_220 : vector<16xf32> to vector<1x16xf32>
        tpu.vector_store %arg10[%swap3A_223, %swap3A_224], %swap3A_227 {strides = array<i32>} : memref<128x128xf32, #tpu.memory_space<vmem>>, vector<1x16xf32>,
        %add3A_228 = arith.constant 0 : i32
        %add3A_229 = arith.addi %mul3A_198, %add3A_228 : i32
        %get3A_230 = arith.index_cast %add3A_229 : i32 to index
        %get3A_231 = arith.constant 32 : index
        %get3A_232 = tpu.vector_load %arg10[%get3A_230, %get3A_231] {strides = array<i32>} : memref<128x128xf32, #tpu.memory_space<vmem>>, vector<1x16xf32>,
        %get3A_233 = vector.shape_cast %get3A_232 : vector<1x16xf32> to vector<16xf32>
        %mul3A_234 = vector.broadcast %squeeze3A : f32 to vector<16xf32>
        %mul3A_235 = arith.mulf %get3A_233, %mul3A_234 : vector<16xf32>
        %add3A_236 = arith.constant 0 : i32
        %add3A_237 = arith.addi %mul3A_198, %add3A_236 : i32
        %swap3A_238 = arith.index_cast %add3A_237 : i32 to index
        %swap3A_239 = arith.constant 32 : index
        %swap3A_240 = tpu.vector_load %arg10[%swap3A_238, %swap3A_239] {strides = array<i32>} : memref<128x128xf32, #tpu.memory_space<vmem>>, vector<1x16xf32>,
        %swap3A_241 = vector.shape_cast %swap3A_240 : vector<1x16xf32> to vector<16xf32>
        %swap3A_242 = vector.shape_cast %mul3A_235 : vector<16xf32> to vector<1x16xf32>
        tpu.vector_store %arg10[%swap3A_238, %swap3A_239], %swap3A_242 {strides = array<i32>} : memref<128x128xf32, #tpu.memory_space<vmem>>, vector<1x16xf32>,
        %add3A_243 = arith.constant 0 : i32
        %add3A_244 = arith.addi %mul3A_198, %add3A_243 : i32
        %get3A_245 = arith.index_cast %add3A_244 : i32 to index
        %get3A_246 = arith.constant 48 : index
        %get3A_247 = tpu.vector_load %arg10[%get3A_245, %get3A_246] {strides = array<i32>} : memref<128x128xf32, #tpu.memory_space<vmem>>, vector<1x16xf32>,
        %get3A_248 = vector.shape_cast %get3A_247 : vector<1x16xf32> to vector<16xf32>
        %mul3A_249 = vector.broadcast %squeeze3A : f32 to vector<16xf32>
        %mul3A_250 = arith.mulf %get3A_248, %mul3A_249 : vector<16xf32>
        %add3A_251 = arith.constant 0 : i32
        %add3A_252 = arith.addi %mul3A_198, %add3A_251 : i32
        %swap3A_253 = arith.index_cast %add3A_252 : i32 to index
        %swap3A_254 = arith.constant 48 : index
        %swap3A_255 = tpu.vector_load %arg10[%swap3A_253, %swap3A_254] {strides = array<i32>} : memref<128x128xf32, #tpu.memory_space<vmem>>, vector<1x16xf32>,
        %swap3A_256 = vector.shape_cast %swap3A_255 : vector<1x16xf32> to vector<16xf32>
        %swap3A_257 = vector.shape_cast %mul3A_250 : vector<16xf32> to vector<1x16xf32>
        tpu.vector_store %arg10[%swap3A_253, %swap3A_254], %swap3A_257 {strides = array<i32>} : memref<128x128xf32, #tpu.memory_space<vmem>>, vector<1x16xf32>,
        %add3A_258 = arith.constant 0 : i32
        %add3A_259 = arith.addi %mul3A_198, %add3A_258 : i32
        %get3A_260 = arith.index_cast %add3A_259 : i32 to index
        %get3A_261 = arith.constant 64 : index
        %get3A_262 = tpu.vector_load %arg10[%get3A_260, %get3A_261] {strides = array<i32>} : memref<128x128xf32, #tpu.memory_space<vmem>>, vector<1x16xf32>,
        %get3A_263 = vector.shape_cast %get3A_262 : vector<1x16xf32> to vector<16xf32>
        %mul3A_264 = vector.broadcast %squeeze3A : f32 to vector<16xf32>
        %mul3A_265 = arith.mulf %get3A_263, %mul3A_264 : vector<16xf32>
        %add3A_266 = arith.constant 0 : i32
        %add3A_267 = arith.addi %mul3A_198, %add3A_266 : i32
        %swap3A_268 = arith.index_cast %add3A_267 : i32 to index
        %swap3A_269 = arith.constant 64 : index
        %swap3A_270 = tpu.vector_load %arg10[%swap3A_268, %swap3A_269] {strides = array<i32>} : memref<128x128xf32, #tpu.memory_space<vmem>>, vector<1x16xf32>,
        %swap3A_271 = vector.shape_cast %swap3A_270 : vector<1x16xf32> to vector<16xf32>
        %swap3A_272 = vector.shape_cast %mul3A_265 : vector<16xf32> to vector<1x16xf32>
        tpu.vector_store %arg10[%swap3A_268, %swap3A_269], %swap3A_272 {strides = array<i32>} : memref<128x128xf32, #tpu.memory_space<vmem>>, vector<1x16xf32>,
        %add3A_273 = arith.constant 0 : i32
        %add3A_274 = arith.addi %mul3A_198, %add3A_273 : i32
        %get3A_275 = arith.index_cast %add3A_274 : i32 to index
        %get3A_276 = arith.constant 80 : index
        %get3A_277 = tpu.vector_load %arg10[%get3A_275, %get3A_276] {strides = array<i32>} : memref<128x128xf32, #tpu.memory_space<vmem>>, vector<1x16xf32>,
        %get3A_278 = vector.shape_cast %get3A_277 : vector<1x16xf32> to vector<16xf32>
        %mul3A_279 = vector.broadcast %squeeze3A : f32 to vector<16xf32>
        %mul3A_280 = arith.mulf %get3A_278, %mul3A_279 : vector<16xf32>
        %add3A_281 = arith.constant 0 : i32
        %add3A_282 = arith.addi %mul3A_198, %add3A_281 : i32
        %swap3A_283 = arith.index_cast %add3A_282 : i32 to index
        %swap3A_284 = arith.constant 80 : index
        %swap3A_285 = tpu.vector_load %arg10[%swap3A_283, %swap3A_284] {strides = array<i32>} : memref<128x128xf32, #tpu.memory_space<vmem>>, vector<1x16xf32>,
        %swap3A_286 = vector.shape_cast %swap3A_285 : vector<1x16xf32> to vector<16xf32>
        %swap3A_287 = vector.shape_cast %mul3A_280 : vector<16xf32> to vector<1x16xf32>
        tpu.vector_store %arg10[%swap3A_283, %swap3A_284], %swap3A_287 {strides = array<i32>} : memref<128x128xf32, #tpu.memory_space<vmem>>, vector<1x16xf32>,
        %add3A_288 = arith.constant 0 : i32
        %add3A_289 = arith.addi %mul3A_198, %add3A_288 : i32
        %get3A_290 = arith.index_cast %add3A_289 : i32 to index
        %get3A_291 = arith.constant 96 : index
        %get3A_292 = tpu.vector_load %arg10[%get3A_290, %get3A_291] {strides = array<i32>} : memref<128x128xf32, #tpu.memory_space<vmem>>, vector<1x16xf32>,
        %get3A_293 = vector.shape_cast %get3A_292 : vector<1x16xf32> to vector<16xf32>
        %mul3A_294 = vector.broadcast %squeeze3A : f32 to vector<16xf32>
        %mul3A_295 = arith.mulf %get3A_293, %mul3A_294 : vector<16xf32>
        %add3A_296 = arith.constant 0 : i32
        %add3A_297 = arith.addi %mul3A_198, %add3A_296 : i32
        %swap3A_298 = arith.index_cast %add3A_297 : i32 to index
        %swap3A_299 = arith.constant 96 : index
        %swap3A_300 = tpu.vector_load %arg10[%swap3A_298, %swap3A_299] {strides = array<i32>} : memref<128x128xf32, #tpu.memory_space<vmem>>, vector<1x16xf32>,
        %swap3A_301 = vector.shape_cast %swap3A_300 : vector<1x16xf32> to vector<16xf32>
        %swap3A_302 = vector.shape_cast %mul3A_295 : vector<16xf32> to vector<1x16xf32>
        tpu.vector_store %arg10[%swap3A_298, %swap3A_299], %swap3A_302 {strides = array<i32>} : memref<128x128xf32, #tpu.memory_space<vmem>>, vector<1x16xf32>,
        %add3A_303 = arith.constant 0 : i32
        %add3A_304 = arith.addi %mul3A_198, %add3A_303 : i32
        %get3A_305 = arith.index_cast %add3A_304 : i32 to index
        %get3A_306 = arith.constant 112 : index
        %get3A_307 = tpu.vector_load %arg10[%get3A_305, %get3A_306] {strides = array<i32>} : memref<128x128xf32, #tpu.memory_space<vmem>>, vector<1x16xf32>,
        %get3A_308 = vector.shape_cast %get3A_307 : vector<1x16xf32> to vector<16xf32>
        %mul3A_309 = vector.broadcast %squeeze3A : f32 to vector<16xf32>
        %mul3A_310 = arith.mulf %get3A_308, %mul3A_309 : vector<16xf32>
        %add3A_311 = arith.constant 0 : i32
        %add3A_312 = arith.addi %mul3A_198, %add3A_311 : i32
        %swap3A_313 = arith.index_cast %add3A_312 : i32 to index
        %swap3A_314 = arith.constant 112 : index
        %swap3A_315 = tpu.vector_load %arg10[%swap3A_313, %swap3A_314] {strides = array<i32>} : memref<128x128xf32, #tpu.memory_space<vmem>>, vector<1x16xf32>,
        %swap3A_316 = vector.shape_cast %swap3A_315 : vector<1x16xf32> to vector<16xf32>
        %swap3A_317 = vector.shape_cast %mul3A_310 : vector<16xf32> to vector<1x16xf32>
        tpu.vector_store %arg10[%swap3A_313, %swap3A_314], %swap3A_317 {strides = array<i32>} : memref<128x128xf32, #tpu.memory_space<vmem>>, vector<1x16xf32>,
        %slice3A_318 = vector.extract_strided_slice %get3A_196 {offsets = [1], sizes = [1], strides = [1]} : vector<16xf32> to vector<1xf32>
        %squeeze3A_319 = vector.extract %slice3A_318[0] : f32 from vector<1xf32>
        %add3A_320 = arith.constant 1 : i32
        %add3A_321 = arith.addi %mul3A_198, %add3A_320 : i32
        %get3A_322 = arith.index_cast %add3A_321 : i32 to index
        %get3A_323 = arith.constant 0 : index
        %get3A_324 = tpu.vector_load %arg10[%get3A_322, %get3A_323] {strides = array<i32>} : memref<128x128xf32, #tpu.memory_space<vmem>>, vector<1x16xf32>,
        %get3A_325 = vector.shape_cast %get3A_324 : vector<1x16xf32> to vector<16xf32>
        %mul3A_326 = vector.broadcast %squeeze3A_319 : f32 to vector<16xf32>
        %mul3A_327 = arith.mulf %get3A_325, %mul3A_326 : vector<16xf32>
        %add3A_328 = arith.constant 1 : i32
        %add3A_329 = arith.addi %mul3A_198, %add3A_328 : i32
        %swap3A_330 = arith.index_cast %add3A_329 : i32 to index
        %swap3A_331 = arith.constant 0 : index
        %swap3A_332 = tpu.vector_load %arg10[%swap3A_330, %swap3A_331] {strides = array<i32>} : memref<128x128xf32, #tpu.memory_space<vmem>>, vector<1x16xf32>,
        %swap3A_333 = vector.shape_cast %swap3A_332 : vector<1x16xf32> to vector<16xf32>
        %swap3A_334 = vector.shape_cast %mul3A_327 : vector<16xf32> to vector<1x16xf32>
        tpu.vector_store %arg10[%swap3A_330, %swap3A_331], %swap3A_334 {strides = array<i32>} : memref<128x128xf32, #tpu.memory_space<vmem>>, vector<1x16xf32>,
        %add3A_335 = arith.constant 1 : i32
        %add3A_336 = arith.addi %mul3A_198, %add3A_335 : i32
        %get3A_337 = arith.index_cast %add3A_336 : i32 to index
        %get3A_338 = arith.constant 16 : index
        %get3A_339 = tpu.vector_load %arg10[%get3A_337, %get3A_338] {strides = array<i32>} : memref<128x128xf32, #tpu.memory_space<vmem>>, vector<1x16xf32>,
        %get3A_340 = vector.shape_cast %get3A_339 : vector<1x16xf32> to vector<16xf32>
        %mul3A_341 = vector.broadcast %squeeze3A_319 : f32 to vector<16xf32>
        %mul3A_342 = arith.mulf %get3A_340, %mul3A_341 : vector<16xf32>
        %add3A_343 = arith.constant 1 : i32
        %add3A_344 = arith.addi %mul3A_198, %add3A_343 : i32
        %swap3A_345 = arith.index_cast %add3A_344 : i32 to index
        %swap3A_346 = arith.constant 16 : index
        %swap3A_347 = tpu.vector_load %arg10[%swap3A_345, %swap3A_346] {strides = array<i32>} : memref<128x128xf32, #tpu.memory_space<vmem>>, vector<1x16xf32>,
        %swap3A_348 = vector.shape_cast %swap3A_347 : vector<1x16xf32> to vector<16xf32>
        %swap3A_349 = vector.shape_cast %mul3A_342 : vector<16xf32> to vector<1x16xf32>
        tpu.vector_store %arg10[%swap3A_345, %swap3A_346], %swap3A_349 {strides = array<i32>} : memref<128x128xf32, #tpu.memory_space<vmem>>, vector<1x16xf32>,
        %add3A_350 = arith.constant 1 : i32
        %add3A_351 = arith.addi %mul3A_198, %add3A_350 : i32
        %get3A_352 = arith.index_cast %add3A_351 : i32 to index
        %get3A_353 = arith.constant 32 : index
        %get3A_354 = tpu.vector_load %arg10[%get3A_352, %get3A_353] {strides = array<i32>} : memref<128x128xf32, #tpu.memory_space<vmem>>, vector<1x16xf32>,
        %get3A_355 = vector.shape_cast %get3A_354 : vector<1x16xf32> to vector<16xf32>
        %mul3A_356 = vector.broadcast %squeeze3A_319 : f32 to vector<16xf32>
        %mul3A_357 = arith.mulf %get3A_355, %mul3A_356 : vector<16xf32>
        %add3A_358 = arith.constant 1 : i32
        %add3A_359 = arith.addi %mul3A_198, %add3A_358 : i32
        %swap3A_360 = arith.index_cast %add3A_359 : i32 to index
        %swap3A_361 = arith.constant 32 : index
        %swap3A_362 = tpu.vector_load %arg10[%swap3A_360, %swap3A_361] {strides = array<i32>} : memref<128x128xf32, #tpu.memory_space<vmem>>, vector<1x16xf32>,
        %swap3A_363 = vector.shape_cast %swap3A_362 : vector<1x16xf32> to vector<16xf32>
        %swap3A_364 = vector.shape_cast %mul3A_357 : vector<16xf32> to vector<1x16xf32>
        tpu.vector_store %arg10[%swap3A_360, %swap3A_361], %swap3A_364 {strides = array<i32>} : memref<128x128xf32, #tpu.memory_space<vmem>>, vector<1x16xf32>,
        %add3A_365 = arith.constant 1 : i32
        %add3A_366 = arith.addi %mul3A_198, %add3A_365 : i32
        %get3A_367 = arith.index_cast %add3A_366 : i32 to index
        %get3A_368 = arith.constant 48 : index
        %get3A_369 = tpu.vector_load %arg10[%get3A_367, %get3A_368] {strides = array<i32>} : memref<128x128xf32, #tpu.memory_space<vmem>>, vector<1x16xf32>,
        %get3A_370 = vector.shape_cast %get3A_369 : vector<1x16xf32> to vector<16xf32>
        %mul3A_371 = vector.broadcast %squeeze3A_319 : f32 to vector<16xf32>
        %mul3A_372 = arith.mulf %get3A_370, %mul3A_371 : vector<16xf32>
        %add3A_373 = arith.constant 1 : i32
        %add3A_374 = arith.addi %mul3A_198, %add3A_373 : i32
        %swap3A_375 = arith.index_cast %add3A_374 : i32 to index
        %swap3A_376 = arith.constant 48 : index
        %swap3A_377 = tpu.vector_load %arg10[%swap3A_375, %swap3A_376] {strides = array<i32>} : memref<128x128xf32, #tpu.memory_space<vmem>>, vector<1x16xf32>,
        %swap3A_378 = vector.shape_cast %swap3A_377 : vector<1x16xf32> to vector<16xf32>
        %swap3A_379 = vector.shape_cast %mul3A_372 : vector<16xf32> to vector<1x16xf32>
        tpu.vector_store %arg10[%swap3A_375, %swap3A_376], %swap3A_379 {strides = array<i32>} : memref<128x128xf32, #tpu.memory_space<vmem>>, vector<1x16xf32>,
        %add3A_380 = arith.constant 1 : i32
        %add3A_381 = arith.addi %mul3A_198, %add3A_380 : i32
        %get3A_382 = arith.index_cast %add3A_381 : i32 to index
        %get3A_383 = arith.constant 64 : index
        %get3A_384 = tpu.vector_load %arg10[%get3A_382, %get3A_383] {strides = array<i32>} : memref<128x128xf32, #tpu.memory_space<vmem>>, vector<1x16xf32>,
        %get3A_385 = vector.shape_cast %get3A_384 : vector<1x16xf32> to vector<16xf32>
        %mul3A_386 = vector.broadcast %squeeze3A_319 : f32 to vector<16xf32>
        %mul3A_387 = arith.mulf %get3A_385, %mul3A_386 : vector<16xf32>
        %add3A_388 = arith.constant 1 : i32
        %add3A_389 = arith.addi %mul3A_198, %add3A_388 : i32
        %swap3A_390 = arith.index_cast %add3A_389 : i32 to index
        %swap3A_391 = arith.constant 64 : index
        %swap3A_392 = tpu.vector_load %arg10[%swap3A_390, %swap3A_391] {strides = array<i32>} : memref<128x128xf32, #tpu.memory_space<vmem>>, vector<1x16xf32>,
        %swap3A_393 = vector.shape_cast %swap3A_392 : vector<1x16xf32> to vector<16xf32>
        %swap3A_394 = vector.shape_cast %mul3A_387 : vector<16xf32> to vector<1x16xf32>
        tpu.vector_store %arg10[%swap3A_390, %swap3A_391], %swap3A_394 {strides = array<i32>} : memref<128x128xf32, #tpu.memory_space<vmem>>, vector<1x16xf32>,
        %add3A_395 = arith.constant 1 : i32
        %add3A_396 = arith.addi %mul3A_198, %add3A_395 : i32
        %get3A_397 = arith.index_cast %add3A_396 : i32 to index
        %get3A_398 = arith.constant 80 : index
        %get3A_399 = tpu.vector_load %arg10[%get3A_397, %get3A_398] {strides = array<i32>} : memref<128x128xf32, #tpu.memory_space<vmem>>, vector<1x16xf32>,
        %get3A_400 = vector.shape_cast %get3A_399 : vector<1x16xf32> to vector<16xf32>
        %mul3A_401 = vector.broadcast %squeeze3A_319 : f32 to vector<16xf32>
        %mul3A_402 = arith.mulf %get3A_400, %mul3A_401 : vector<16xf32>
        %add3A_403 = arith.constant 1 : i32
        %add3A_404 = arith.addi %mul3A_198, %add3A_403 : i32
        %swap3A_405 = arith.index_cast %add3A_404 : i32 to index
        %swap3A_406 = arith.constant 80 : index
        %swap3A_407 = tpu.vector_load %arg10[%swap3A_405, %swap3A_406] {strides = array<i32>} : memref<128x128xf32, #tpu.memory_space<vmem>>, vector<1x16xf32>,
        %swap3A_408 = vector.shape_cast %swap3A_407 : vector<1x16xf32> to vector<16xf32>
        %swap3A_409 = vector.shape_cast %mul3A_402 : vector<16xf32> to vector<1x16xf32>
        tpu.vector_store %arg10[%swap3A_405, %swap3A_406], %swap3A_409 {strides = array<i32>} : memref<128x128xf32, #tpu.memory_space<vmem>>, vector<1x16xf32>,
        %add3A_410 = arith.constant 1 : i32
        %add3A_411 = arith.addi %mul3A_198, %add3A_410 : i32
        %get3A_412 = arith.index_cast %add3A_411 : i32 to index
        %get3A_413 = arith.constant 96 : index
        %get3A_414 = tpu.vector_load %arg10[%get3A_412, %get3A_413] {strides = array<i32>} : memref<128x128xf32, #tpu.memory_space<vmem>>, vector<1x16xf32>,
        %get3A_415 = vector.shape_cast %get3A_414 : vector<1x16xf32> to vector<16xf32>
        %mul3A_416 = vector.broadcast %squeeze3A_319 : f32 to vector<16xf32>
        %mul3A_417 = arith.mulf %get3A_415, %mul3A_416 : vector<16xf32>
        %add3A_418 = arith.constant 1 : i32
        %add3A_419 = arith.addi %mul3A_198, %add3A_418 : i32
        %swap3A_420 = arith.index_cast %add3A_419 : i32 to index
        %swap3A_421 = arith.constant 96 : index
        %swap3A_422 = tpu.vector_load %arg10[%swap3A_420, %swap3A_421] {strides = array<i32>} : memref<128x128xf32, #tpu.memory_space<vmem>>, vector<1x16xf32>,
        %swap3A_423 = vector.shape_cast %swap3A_422 : vector<1x16xf32> to vector<16xf32>
        %swap3A_424 = vector.shape_cast %mul3A_417 : vector<16xf32> to vector<1x16xf32>
        tpu.vector_store %arg10[%swap3A_420, %swap3A_421], %swap3A_424 {strides = array<i32>} : memref<128x128xf32, #tpu.memory_space<vmem>>, vector<1x16xf32>,
        %add3A_425 = arith.constant 1 : i32
        %add3A_426 = arith.addi %mul3A_198, %add3A_425 : i32
        %get3A_427 = arith.index_cast %add3A_426 : i32 to index
        %get3A_428 = arith.constant 112 : index
        %get3A_429 = tpu.vector_load %arg10[%get3A_427, %get3A_428] {strides = array<i32>} : memref<128x128xf32, #tpu.memory_space<vmem>>, vector<1x16xf32>,
        %get3A_430 = vector.shape_cast %get3A_429 : vector<1x16xf32> to vector<16xf32>
        %mul3A_431 = vector.broadcast %squeeze3A_319 : f32 to vector<16xf32>
        %mul3A_432 = arith.mulf %get3A_430, %mul3A_431 : vector<16xf32>
        %add3A_433 = arith.constant 1 : i32
        %add3A_434 = arith.addi %mul3A_198, %add3A_433 : i32
        %swap3A_435 = arith.index_cast %add3A_434 : i32 to index
        %swap3A_436 = arith.constant 112 : index
        %swap3A_437 = tpu.vector_load %arg10[%swap3A_435, %swap3A_436] {strides = array<i32>} : memref<128x128xf32, #tpu.memory_space<vmem>>, vector<1x16xf32>,
        %swap3A_438 = vector.shape_cast %swap3A_437 : vector<1x16xf32> to vector<16xf32>
        %swap3A_439 = vector.shape_cast %mul3A_432 : vector<16xf32> to vector<1x16xf32>
        tpu.vector_store %arg10[%swap3A_435, %swap3A_436], %swap3A_439 {strides = array<i32>} : memref<128x128xf32, #tpu.memory_space<vmem>>, vector<1x16xf32>,
        %slice3A_440 = vector.extract_strided_slice %get3A_196 {offsets = [2], sizes = [1], strides = [1]} : vector<16xf32> to vector<1xf32>
        %squeeze3A_441 = vector.extract %slice3A_440[0] : f32 from vector<1xf32>
        %add3A_442 = arith.constant 2 : i32
        %add3A_443 = arith.addi %mul3A_198, %add3A_442 : i32
        %get3A_444 = arith.index_cast %add3A_443 : i32 to index
        %get3A_445 = arith.constant 0 : index
        %get3A_446 = tpu.vector_load %arg10[%get3A_444, %get3A_445] {strides = array<i32>} : memref<128x128xf32, #tpu.memory_space<vmem>>, vector<1x16xf32>,
        %get3A_447 = vector.shape_cast %get3A_446 : vector<1x16xf32> to vector<16xf32>
        %mul3A_448 = vector.broadcast %squeeze3A_441 : f32 to vector<16xf32>
        %mul3A_449 = arith.mulf %get3A_447, %mul3A_448 : vector<16xf32>
        %add3A_450 = arith.constant 2 : i32
        %add3A_451 = arith.addi %mul3A_198, %add3A_450 : i32
        %swap3A_452 = arith.index_cast %add3A_451 : i32 to index
        %swap3A_453 = arith.constant 0 : index
        %swap3A_454 = tpu.vector_load %arg10[%swap3A_452, %swap3A_453] {strides = array<i32>} : memref<128x128xf32, #tpu.memory_space<vmem>>, vector<1x16xf32>,
        %swap3A_455 = vector.shape_cast %swap3A_454 : vector<1x16xf32> to vector<16xf32>
        %swap3A_456 = vector.shape_cast %mul3A_449 : vector<16xf32> to vector<1x16xf32>
        tpu.vector_store %arg10[%swap3A_452, %swap3A_453], %swap3A_456 {strides = array<i32>} : memref<128x128xf32, #tpu.memory_space<vmem>>, vector<1x16xf32>,
        %add3A_457 = arith.constant 2 : i32
        %add3A_458 = arith.addi %mul3A_198, %add3A_457 : i32
        %get3A_459 = arith.index_cast %add3A_458 : i32 to index
        %get3A_460 = arith.constant 16 : index
        %get3A_461 = tpu.vector_load %arg10[%get3A_459, %get3A_460] {strides = array<i32>} : memref<128x128xf32, #tpu.memory_space<vmem>>, vector<1x16xf32>,
        %get3A_462 = vector.shape_cast %get3A_461 : vector<1x16xf32> to vector<16xf32>
        %mul3A_463 = vector.broadcast %squeeze3A_441 : f32 to vector<16xf32>
        %mul3A_464 = arith.mulf %get3A_462, %mul3A_463 : vector<16xf32>
        %add3A_465 = arith.constant 2 : i32
        %add3A_466 = arith.addi %mul3A_198, %add3A_465 : i32
        %swap3A_467 = arith.index_cast %add3A_466 : i32 to index
        %swap3A_468 = arith.constant 16 : index
        %swap3A_469 = tpu.vector_load %arg10[%swap3A_467, %swap3A_468] {strides = array<i32>} : memref<128x128xf32, #tpu.memory_space<vmem>>, vector<1x16xf32>,
        %swap3A_470 = vector.shape_cast %swap3A_469 : vector<1x16xf32> to vector<16xf32>
        %swap3A_471 = vector.shape_cast %mul3A_464 : vector<16xf32> to vector<1x16xf32>
        tpu.vector_store %arg10[%swap3A_467, %swap3A_468], %swap3A_471 {strides = array<i32>} : memref<128x128xf32, #tpu.memory_space<vmem>>, vector<1x16xf32>,
        %add3A_472 = arith.constant 2 : i32
        %add3A_473 = arith.addi %mul3A_198, %add3A_472 : i32
        %get3A_474 = arith.index_cast %add3A_473 : i32 to index
        %get3A_475 = arith.constant 32 : index
        %get3A_476 = tpu.vector_load %arg10[%get3A_474, %get3A_475] {strides = array<i32>} : memref<128x128xf32, #tpu.memory_space<vmem>>, vector<1x16xf32>,
        %get3A_477 = vector.shape_cast %get3A_476 : vector<1x16xf32> to vector<16xf32>
        %mul3A_478 = vector.broadcast %squeeze3A_441 : f32 to vector<16xf32>
        %mul3A_479 = arith.mulf %get3A_477, %mul3A_478 : vector<16xf32>
        %add3A_480 = arith.constant 2 : i32
        %add3A_481 = arith.addi %mul3A_198, %add3A_480 : i32
        %swap3A_482 = arith.index_cast %add3A_481 : i32 to index
        %swap3A_483 = arith.constant 32 : index
        %swap3A_484 = tpu.vector_load %arg10[%swap3A_482, %swap3A_483] {strides = array<i32>} : memref<128x128xf32, #tpu.memory_space<vmem>>, vector<1x16xf32>,
        %swap3A_485 = vector.shape_cast %swap3A_484 : vector<1x16xf32> to vector<16xf32>
        %swap3A_486 = vector.shape_cast %mul3A_479 : vector<16xf32> to vector<1x16xf32>
        tpu.vector_store %arg10[%swap3A_482, %swap3A_483], %swap3A_486 {strides = array<i32>} : memref<128x128xf32, #tpu.memory_space<vmem>>, vector<1x16xf32>,
        %add3A_487 = arith.constant 2 : i32
        %add3A_488 = arith.addi %mul3A_198, %add3A_487 : i32
        %get3A_489 = arith.index_cast %add3A_488 : i32 to index
        %get3A_490 = arith.constant 48 : index
        %get3A_491 = tpu.vector_load %arg10[%get3A_489, %get3A_490] {strides = array<i32>} : memref<128x128xf32, #tpu.memory_space<vmem>>, vector<1x16xf32>,
        %get3A_492 = vector.shape_cast %get3A_491 : vector<1x16xf32> to vector<16xf32>
        %mul3A_493 = vector.broadcast %squeeze3A_441 : f32 to vector<16xf32>
        %mul3A_494 = arith.mulf %get3A_492, %mul3A_493 : vector<16xf32>
        %add3A_495 = arith.constant 2 : i32
        %add3A_496 = arith.addi %mul3A_198, %add3A_495 : i32
        %swap3A_497 = arith.index_cast %add3A_496 : i32 to index
        %swap3A_498 = arith.constant 48 : index
        %swap3A_499 = tpu.vector_load %arg10[%swap3A_497, %swap3A_498] {strides = array<i32>} : memref<128x128xf32, #tpu.memory_space<vmem>>, vector<1x16xf32>,
        %swap3A_500 = vector.shape_cast %swap3A_499 : vector<1x16xf32> to vector<16xf32>
        %swap3A_501 = vector.shape_cast %mul3A_494 : vector<16xf32> to vector<1x16xf32>
        tpu.vector_store %arg10[%swap3A_497, %swap3A_498], %swap3A_501 {strides = array<i32>} : memref<128x128xf32, #tpu.memory_space<vmem>>, vector<1x16xf32>,
        %add3A_502 = arith.constant 2 : i32
        %add3A_503 = arith.addi %mul3A_198, %add3A_502 : i32
        %get3A_504 = arith.index_cast %add3A_503 : i32 to index
        %get3A_505 = arith.constant 64 : index
        %get3A_506 = tpu.vector_load %arg10[%get3A_504, %get3A_505] {strides = array<i32>} : memref<128x128xf32, #tpu.memory_space<vmem>>, vector<1x16xf32>,
        %get3A_507 = vector.shape_cast %get3A_506 : vector<1x16xf32> to vector<16xf32>
        %mul3A_508 = vector.broadcast %squeeze3A_441 : f32 to vector<16xf32>
        %mul3A_509 = arith.mulf %get3A_507, %mul3A_508 : vector<16xf32>
        %add3A_510 = arith.constant 2 : i32
        %add3A_511 = arith.addi %mul3A_198, %add3A_510 : i32
        %swap3A_512 = arith.index_cast %add3A_511 : i32 to index
        %swap3A_513 = arith.constant 64 : index
        %swap3A_514 = tpu.vector_load %arg10[%swap3A_512, %swap3A_513] {strides = array<i32>} : memref<128x128xf32, #tpu.memory_space<vmem>>, vector<1x16xf32>,
        %swap3A_515 = vector.shape_cast %swap3A_514 : vector<1x16xf32> to vector<16xf32>
        %swap3A_516 = vector.shape_cast %mul3A_509 : vector<16xf32> to vector<1x16xf32>
        tpu.vector_store %arg10[%swap3A_512, %swap3A_513], %swap3A_516 {strides = array<i32>} : memref<128x128xf32, #tpu.memory_space<vmem>>, vector<1x16xf32>,
        %add3A_517 = arith.constant 2 : i32
        %add3A_518 = arith.addi %mul3A_198, %add3A_517 : i32
        %get3A_519 = arith.index_cast %add3A_518 : i32 to index
        %get3A_520 = arith.constant 80 : index
        %get3A_521 = tpu.vector_load %arg10[%get3A_519, %get3A_520] {strides = array<i32>} : memref<128x128xf32, #tpu.memory_space<vmem>>, vector<1x16xf32>,
        %get3A_522 = vector.shape_cast %get3A_521 : vector<1x16xf32> to vector<16xf32>
        %mul3A_523 = vector.broadcast %squeeze3A_441 : f32 to vector<16xf32>
        %mul3A_524 = arith.mulf %get3A_522, %mul3A_523 : vector<16xf32>
        %add3A_525 = arith.constant 2 : i32
        %add3A_526 = arith.addi %mul3A_198, %add3A_525 : i32
        %swap3A_527 = arith.index_cast %add3A_526 : i32 to index
        %swap3A_528 = arith.constant 80 : index
        %swap3A_529 = tpu.vector_load %arg10[%swap3A_527, %swap3A_528] {strides = array<i32>} : memref<128x128xf32, #tpu.memory_space<vmem>>, vector<1x16xf32>,
        %swap3A_530 = vector.shape_cast %swap3A_529 : vector<1x16xf32> to vector<16xf32>
        %swap3A_531 = vector.shape_cast %mul3A_524 : vector<16xf32> to vector<1x16xf32>
        tpu.vector_store %arg10[%swap3A_527, %swap3A_528], %swap3A_531 {strides = array<i32>} : memref<128x128xf32, #tpu.memory_space<vmem>>, vector<1x16xf32>,
        %add3A_532 = arith.constant 2 : i32
        %add3A_533 = arith.addi %mul3A_198, %add3A_532 : i32
        %get3A_534 = arith.index_cast %add3A_533 : i32 to index
        %get3A_535 = arith.constant 96 : index
        %get3A_536 = tpu.vector_load %arg10[%get3A_534, %get3A_535] {strides = array<i32>} : memref<128x128xf32, #tpu.memory_space<vmem>>, vector<1x16xf32>,
        %get3A_537 = vector.shape_cast %get3A_536 : vector<1x16xf32> to vector<16xf32>
        %mul3A_538 = vector.broadcast %squeeze3A_441 : f32 to vector<16xf32>
        %mul3A_539 = arith.mulf %get3A_537, %mul3A_538 : vector<16xf32>
        %add3A_540 = arith.constant 2 : i32
        %add3A_541 = arith.addi %mul3A_198, %add3A_540 : i32
        %swap3A_542 = arith.index_cast %add3A_541 : i32 to index
        %swap3A_543 = arith.constant 96 : index
        %swap3A_544 = tpu.vector_load %arg10[%swap3A_542, %swap3A_543] {strides = array<i32>} : memref<128x128xf32, #tpu.memory_space<vmem>>, vector<1x16xf32>,
        %swap3A_545 = vector.shape_cast %swap3A_544 : vector<1x16xf32> to vector<16xf32>
        %swap3A_546 = vector.shape_cast %mul3A_539 : vector<16xf32> to vector<1x16xf32>
        tpu.vector_store %arg10[%swap3A_542, %swap3A_543], %swap3A_546 {strides = array<i32>} : memref<128x128xf32, #tpu.memory_space<vmem>>, vector<1x16xf32>,
        %add3A_547 = arith.constant 2 : i32
        %add3A_548 = arith.addi %mul3A_198, %add3A_547 : i32
        %get3A_549 = arith.index_cast %add3A_548 : i32 to index
        %get3A_550 = arith.constant 112 : index
        %get3A_551 = tpu.vector_load %arg10[%get3A_549, %get3A_550] {strides = array<i32>} : memref<128x128xf32, #tpu.memory_space<vmem>>, vector<1x16xf32>,
        %get3A_552 = vector.shape_cast %get3A_551 : vector<1x16xf32> to vector<16xf32>
        %mul3A_553 = vector.broadcast %squeeze3A_441 : f32 to vector<16xf32>
        %mul3A_554 = arith.mulf %get3A_552, %mul3A_553 : vector<16xf32>
        %add3A_555 = arith.constant 2 : i32
        %add3A_556 = arith.addi %mul3A_198, %add3A_555 : i32
        %swap3A_557 = arith.index_cast %add3A_556 : i32 to index
        %swap3A_558 = arith.constant 112 : index
        %swap3A_559 = tpu.vector_load %arg10[%swap3A_557, %swap3A_558] {strides = array<i32>} : memref<128x128xf32, #tpu.memory_space<vmem>>, vector<1x16xf32>,
        %swap3A_560 = vector.shape_cast %swap3A_559 : vector<1x16xf32> to vector<16xf32>
        %swap3A_561 = vector.shape_cast %mul3A_554 : vector<16xf32> to vector<1x16xf32>
        tpu.vector_store %arg10[%swap3A_557, %swap3A_558], %swap3A_561 {strides = array<i32>} : memref<128x128xf32, #tpu.memory_space<vmem>>, vector<1x16xf32>,
        %slice3A_562 = vector.extract_strided_slice %get3A_196 {offsets = [3], sizes = [1], strides = [1]} : vector<16xf32> to vector<1xf32>
        %squeeze3A_563 = vector.extract %slice3A_562[0] : f32 from vector<1xf32>
        %add3A_564 = arith.constant 3 : i32
        %add3A_565 = arith.addi %mul3A_198, %add3A_564 : i32
        %get3A_566 = arith.index_cast %add3A_565 : i32 to index
        %get3A_567 = arith.constant 0 : index
        %get3A_568 = tpu.vector_load %arg10[%get3A_566, %get3A_567] {strides = array<i32>} : memref<128x128xf32, #tpu.memory_space<vmem>>, vector<1x16xf32>,
        %get3A_569 = vector.shape_cast %get3A_568 : vector<1x16xf32> to vector<16xf32>
        %mul3A_570 = vector.broadcast %squeeze3A_563 : f32 to vector<16xf32>
        %mul3A_571 = arith.mulf %get3A_569, %mul3A_570 : vector<16xf32>
        %add3A_572 = arith.constant 3 : i32
        %add3A_573 = arith.addi %mul3A_198, %add3A_572 : i32
        %swap3A_574 = arith.index_cast %add3A_573 : i32 to index
        %swap3A_575 = arith.constant 0 : index
        %swap3A_576 = tpu.vector_load %arg10[%swap3A_574, %swap3A_575] {strides = array<i32>} : memref<128x128xf32, #tpu.memory_space<vmem>>, vector<1x16xf32>,
        %swap3A_577 = vector.shape_cast %swap3A_576 : vector<1x16xf32> to vector<16xf32>
        %swap3A_578 = vector.shape_cast %mul3A_571 : vector<16xf32> to vector<1x16xf32>
        tpu.vector_store %arg10[%swap3A_574, %swap3A_575], %swap3A_578 {strides = array<i32>} : memref<128x128xf32, #tpu.memory_space<vmem>>, vector<1x16xf32>,
        %add3A_579 = arith.constant 3 : i32
        %add3A_580 = arith.addi %mul3A_198, %add3A_579 : i32
        %get3A_581 = arith.index_cast %add3A_580 : i32 to index
        %get3A_582 = arith.constant 16 : index
        %get3A_583 = tpu.vector_load %arg10[%get3A_581, %get3A_582] {strides = array<i32>} : memref<128x128xf32, #tpu.memory_space<vmem>>, vector<1x16xf32>,
        %get3A_584 = vector.shape_cast %get3A_583 : vector<1x16xf32> to vector<16xf32>
        %mul3A_585 = vector.broadcast %squeeze3A_563 : f32 to vector<16xf32>
        %mul3A_586 = arith.mulf %get3A_584, %mul3A_585 : vector<16xf32>
        %add3A_587 = arith.constant 3 : i32
        %add3A_588 = arith.addi %mul3A_198, %add3A_587 : i32
        %swap3A_589 = arith.index_cast %add3A_588 : i32 to index
        %swap3A_590 = arith.constant 16 : index
        %swap3A_591 = tpu.vector_load %arg10[%swap3A_589, %swap3A_590] {strides = array<i32>} : memref<128x128xf32, #tpu.memory_space<vmem>>, vector<1x16xf32>,
        %swap3A_592 = vector.shape_cast %swap3A_591 : vector<1x16xf32> to vector<16xf32>
        %swap3A_593 = vector.shape_cast %mul3A_586 : vector<16xf32> to vector<1x16xf32>
        tpu.vector_store %arg10[%swap3A_589, %swap3A_590], %swap3A_593 {strides = array<i32>} : memref<128x128xf32, #tpu.memory_space<vmem>>, vector<1x16xf32>,
        %add3A_594 = arith.constant 3 : i32
        %add3A_595 = arith.addi %mul3A_198, %add3A_594 : i32
        %get3A_596 = arith.index_cast %add3A_595 : i32 to index
        %get3A_597 = arith.constant 32 : index
        %get3A_598 = tpu.vector_load %arg10[%get3A_596, %get3A_597] {strides = array<i32>} : memref<128x128xf32, #tpu.memory_space<vmem>>, vector<1x16xf32>,
        %get3A_599 = vector.shape_cast %get3A_598 : vector<1x16xf32> to vector<16xf32>
        %mul3A_600 = vector.broadcast %squeeze3A_563 : f32 to vector<16xf32>
        %mul3A_601 = arith.mulf %get3A_599, %mul3A_600 : vector<16xf32>
        %add3A_602 = arith.constant 3 : i32
        %add3A_603 = arith.addi %mul3A_198, %add3A_602 : i32
        %swap3A_604 = arith.index_cast %add3A_603 : i32 to index
        %swap3A_605 = arith.constant 32 : index
        %swap3A_606 = tpu.vector_load %arg10[%swap3A_604, %swap3A_605] {strides = array<i32>} : memref<128x128xf32, #tpu.memory_space<vmem>>, vector<1x16xf32>,
        %swap3A_607 = vector.shape_cast %swap3A_606 : vector<1x16xf32> to vector<16xf32>
        %swap3A_608 = vector.shape_cast %mul3A_601 : vector<16xf32> to vector<1x16xf32>
        tpu.vector_store %arg10[%swap3A_604, %swap3A_605], %swap3A_608 {strides = array<i32>} : memref<128x128xf32, #tpu.memory_space<vmem>>, vector<1x16xf32>,
        %add3A_609 = arith.constant 3 : i32
        %add3A_610 = arith.addi %mul3A_198, %add3A_609 : i32
        %get3A_611 = arith.index_cast %add3A_610 : i32 to index
        %get3A_612 = arith.constant 48 : index
        %get3A_613 = tpu.vector_load %arg10[%get3A_611, %get3A_612] {strides = array<i32>} : memref<128x128xf32, #tpu.memory_space<vmem>>, vector<1x16xf32>,
        %get3A_614 = vector.shape_cast %get3A_613 : vector<1x16xf32> to vector<16xf32>
        %mul3A_615 = vector.broadcast %squeeze3A_563 : f32 to vector<16xf32>
        %mul3A_616 = arith.mulf %get3A_614, %mul3A_615 : vector<16xf32>
        %add3A_617 = arith.constant 3 : i32
        %add3A_618 = arith.addi %mul3A_198, %add3A_617 : i32
        %swap3A_619 = arith.index_cast %add3A_618 : i32 to index
        %swap3A_620 = arith.constant 48 : index
        %swap3A_621 = tpu.vector_load %arg10[%swap3A_619, %swap3A_620] {strides = array<i32>} : memref<128x128xf32, #tpu.memory_space<vmem>>, vector<1x16xf32>,
        %swap3A_622 = vector.shape_cast %swap3A_621 : vector<1x16xf32> to vector<16xf32>
        %swap3A_623 = vector.shape_cast %mul3A_616 : vector<16xf32> to vector<1x16xf32>
        tpu.vector_store %arg10[%swap3A_619, %swap3A_620], %swap3A_623 {strides = array<i32>} : memref<128x128xf32, #tpu.memory_space<vmem>>, vector<1x16xf32>,
        %add3A_624 = arith.constant 3 : i32
        %add3A_625 = arith.addi %mul3A_198, %add3A_624 : i32
        %get3A_626 = arith.index_cast %add3A_625 : i32 to index
        %get3A_627 = arith.constant 64 : index
        %get3A_628 = tpu.vector_load %arg10[%get3A_626, %get3A_627] {strides = array<i32>} : memref<128x128xf32, #tpu.memory_space<vmem>>, vector<1x16xf32>,
        %get3A_629 = vector.shape_cast %get3A_628 : vector<1x16xf32> to vector<16xf32>
        %mul3A_630 = vector.broadcast %squeeze3A_563 : f32 to vector<16xf32>
        %mul3A_631 = arith.mulf %get3A_629, %mul3A_630 : vector<16xf32>
        %add3A_632 = arith.constant 3 : i32
        %add3A_633 = arith.addi %mul3A_198, %add3A_632 : i32
        %swap3A_634 = arith.index_cast %add3A_633 : i32 to index
        %swap3A_635 = arith.constant 64 : index
        %swap3A_636 = tpu.vector_load %arg10[%swap3A_634, %swap3A_635] {strides = array<i32>} : memref<128x128xf32, #tpu.memory_space<vmem>>, vector<1x16xf32>,
        %swap3A_637 = vector.shape_cast %swap3A_636 : vector<1x16xf32> to vector<16xf32>
        %swap3A_638 = vector.shape_cast %mul3A_631 : vector<16xf32> to vector<1x16xf32>
        tpu.vector_store %arg10[%swap3A_634, %swap3A_635], %swap3A_638 {strides = array<i32>} : memref<128x128xf32, #tpu.memory_space<vmem>>, vector<1x16xf32>,
        %add3A_639 = arith.constant 3 : i32
        %add3A_640 = arith.addi %mul3A_198, %add3A_639 : i32
        %get3A_641 = arith.index_cast %add3A_640 : i32 to index
        %get3A_642 = arith.constant 80 : index
        %get3A_643 = tpu.vector_load %arg10[%get3A_641, %get3A_642] {strides = array<i32>} : memref<128x128xf32, #tpu.memory_space<vmem>>, vector<1x16xf32>,
        %get3A_644 = vector.shape_cast %get3A_643 : vector<1x16xf32> to vector<16xf32>
        %mul3A_645 = vector.broadcast %squeeze3A_563 : f32 to vector<16xf32>
        %mul3A_646 = arith.mulf %get3A_644, %mul3A_645 : vector<16xf32>
        %add3A_647 = arith.constant 3 : i32
        %add3A_648 = arith.addi %mul3A_198, %add3A_647 : i32
        %swap3A_649 = arith.index_cast %add3A_648 : i32 to index
        %swap3A_650 = arith.constant 80 : index
        %swap3A_651 = tpu.vector_load %arg10[%swap3A_649, %swap3A_650] {strides = array<i32>} : memref<128x128xf32, #tpu.memory_space<vmem>>, vector<1x16xf32>,
        %swap3A_652 = vector.shape_cast %swap3A_651 : vector<1x16xf32> to vector<16xf32>
        %swap3A_653 = vector.shape_cast %mul3A_646 : vector<16xf32> to vector<1x16xf32>
        tpu.vector_store %arg10[%swap3A_649, %swap3A_650], %swap3A_653 {strides = array<i32>} : memref<128x128xf32, #tpu.memory_space<vmem>>, vector<1x16xf32>,
        %add3A_654 = arith.constant 3 : i32
        %add3A_655 = arith.addi %mul3A_198, %add3A_654 : i32
        %get3A_656 = arith.index_cast %add3A_655 : i32 to index
        %get3A_657 = arith.constant 96 : index
        %get3A_658 = tpu.vector_load %arg10[%get3A_656, %get3A_657] {strides = array<i32>} : memref<128x128xf32, #tpu.memory_space<vmem>>, vector<1x16xf32>,
        %get3A_659 = vector.shape_cast %get3A_658 : vector<1x16xf32> to vector<16xf32>
        %mul3A_660 = vector.broadcast %squeeze3A_563 : f32 to vector<16xf32>
        %mul3A_661 = arith.mulf %get3A_659, %mul3A_660 : vector<16xf32>
        %add3A_662 = arith.constant 3 : i32
        %add3A_663 = arith.addi %mul3A_198, %add3A_662 : i32
        %swap3A_664 = arith.index_cast %add3A_663 : i32 to index
        %swap3A_665 = arith.constant 96 : index
        %swap3A_666 = tpu.vector_load %arg10[%swap3A_664, %swap3A_665] {strides = array<i32>} : memref<128x128xf32, #tpu.memory_space<vmem>>, vector<1x16xf32>,
        %swap3A_667 = vector.shape_cast %swap3A_666 : vector<1x16xf32> to vector<16xf32>
        %swap3A_668 = vector.shape_cast %mul3A_661 : vector<16xf32> to vector<1x16xf32>
        tpu.vector_store %arg10[%swap3A_664, %swap3A_665], %swap3A_668 {strides = array<i32>} : memref<128x128xf32, #tpu.memory_space<vmem>>, vector<1x16xf32>,
        %add3A_669 = arith.constant 3 : i32
        %add3A_670 = arith.addi %mul3A_198, %add3A_669 : i32
        %get3A_671 = arith.index_cast %add3A_670 : i32 to index
        %get3A_672 = arith.constant 112 : index
        %get3A_673 = tpu.vector_load %arg10[%get3A_671, %get3A_672] {strides = array<i32>} : memref<128x128xf32, #tpu.memory_space<vmem>>, vector<1x16xf32>,
        %get3A_674 = vector.shape_cast %get3A_673 : vector<1x16xf32> to vector<16xf32>
        %mul3A_675 = vector.broadcast %squeeze3A_563 : f32 to vector<16xf32>
        %mul3A_676 = arith.mulf %get3A_674, %mul3A_675 : vector<16xf32>
        %add3A_677 = arith.constant 3 : i32
        %add3A_678 = arith.addi %mul3A_198, %add3A_677 : i32
        %swap3A_679 = arith.index_cast %add3A_678 : i32 to index
        %swap3A_680 = arith.constant 112 : index
        %swap3A_681 = tpu.vector_load %arg10[%swap3A_679, %swap3A_680] {strides = array<i32>} : memref<128x128xf32, #tpu.memory_space<vmem>>, vector<1x16xf32>,
        %swap3A_682 = vector.shape_cast %swap3A_681 : vector<1x16xf32> to vector<16xf32>
        %swap3A_683 = vector.shape_cast %mul3A_676 : vector<16xf32> to vector<1x16xf32>
        tpu.vector_store %arg10[%swap3A_679, %swap3A_680], %swap3A_683 {strides = array<i32>} : memref<128x128xf32, #tpu.memory_space<vmem>>, vector<1x16xf32>,
        %slice3A_684 = vector.extract_strided_slice %get3A_196 {offsets = [4], sizes = [1], strides = [1]} : vector<16xf32> to vector<1xf32>
        %squeeze3A_685 = vector.extract %slice3A_684[0] : f32 from vector<1xf32>
        %add3A_686 = arith.constant 4 : i32
        %add3A_687 = arith.addi %mul3A_198, %add3A_686 : i32
        %get3A_688 = arith.index_cast %add3A_687 : i32 to index
        %get3A_689 = arith.constant 0 : index
        %get3A_690 = tpu.vector_load %arg10[%get3A_688, %get3A_689] {strides = array<i32>} : memref<128x128xf32, #tpu.memory_space<vmem>>, vector<1x16xf32>,
        %get3A_691 = vector.shape_cast %get3A_690 : vector<1x16xf32> to vector<16xf32>
        %mul3A_692 = vector.broadcast %squeeze3A_685 : f32 to vector<16xf32>
        %mul3A_693 = arith.mulf %get3A_691, %mul3A_692 : vector<16xf32>
        %add3A_694 = arith.constant 4 : i32
        %add3A_695 = arith.addi %mul3A_198, %add3A_694 : i32
        %swap3A_696 = arith.index_cast %add3A_695 : i32 to index
        %swap3A_697 = arith.constant 0 : index
        %swap3A_698 = tpu.vector_load %arg10[%swap3A_696, %swap3A_697] {strides = array<i32>} : memref<128x128xf32, #tpu.memory_space<vmem>>, vector<1x16xf32>,
        %swap3A_699 = vector.shape_cast %swap3A_698 : vector<1x16xf32> to vector<16xf32>
        %swap3A_700 = vector.shape_cast %mul3A_693 : vector<16xf32> to vector<1x16xf32>
        tpu.vector_store %arg10[%swap3A_696, %swap3A_697], %swap3A_700 {strides = array<i32>} : memref<128x128xf32, #tpu.memory_space<vmem>>, vector<1x16xf32>,
        %add3A_701 = arith.constant 4 : i32
        %add3A_702 = arith.addi %mul3A_198, %add3A_701 : i32
        %get3A_703 = arith.index_cast %add3A_702 : i32 to index
        %get3A_704 = arith.constant 16 : index
        %get3A_705 = tpu.vector_load %arg10[%get3A_703, %get3A_704] {strides = array<i32>} : memref<128x128xf32, #tpu.memory_space<vmem>>, vector<1x16xf32>,
        %get3A_706 = vector.shape_cast %get3A_705 : vector<1x16xf32> to vector<16xf32>
        %mul3A_707 = vector.broadcast %squeeze3A_685 : f32 to vector<16xf32>
        %mul3A_708 = arith.mulf %get3A_706, %mul3A_707 : vector<16xf32>
        %add3A_709 = arith.constant 4 : i32
        %add3A_710 = arith.addi %mul3A_198, %add3A_709 : i32
        %swap3A_711 = arith.index_cast %add3A_710 : i32 to index
        %swap3A_712 = arith.constant 16 : index
        %swap3A_713 = tpu.vector_load %arg10[%swap3A_711, %swap3A_712] {strides = array<i32>} : memref<128x128xf32, #tpu.memory_space<vmem>>, vector<1x16xf32>,
        %swap3A_714 = vector.shape_cast %swap3A_713 : vector<1x16xf32> to vector<16xf32>
        %swap3A_715 = vector.shape_cast %mul3A_708 : vector<16xf32> to vector<1x16xf32>
        tpu.vector_store %arg10[%swap3A_711, %swap3A_712], %swap3A_715 {strides = array<i32>} : memref<128x128xf32, #tpu.memory_space<vmem>>, vector<1x16xf32>,
        %add3A_716 = arith.constant 4 : i32
        %add3A_717 = arith.addi %mul3A_198, %add3A_716 : i32
        %get3A_718 = arith.index_cast %add3A_717 : i32 to index
        %get3A_719 = arith.constant 32 : index
        %get3A_720 = tpu.vector_load %arg10[%get3A_718, %get3A_719] {strides = array<i32>} : memref<128x128xf32, #tpu.memory_space<vmem>>, vector<1x16xf32>,
        %get3A_721 = vector.shape_cast %get3A_720 : vector<1x16xf32> to vector<16xf32>
        %mul3A_722 = vector.broadcast %squeeze3A_685 : f32 to vector<16xf32>
        %mul3A_723 = arith.mulf %get3A_721, %mul3A_722 : vector<16xf32>
        %add3A_724 = arith.constant 4 : i32
        %add3A_725 = arith.addi %mul3A_198, %add3A_724 : i32
        %swap3A_726 = arith.index_cast %add3A_725 : i32 to index
        %swap3A_727 = arith.constant 32 : index
        %swap3A_728 = tpu.vector_load %arg10[%swap3A_726, %swap3A_727] {strides = array<i32>} : memref<128x128xf32, #tpu.memory_space<vmem>>, vector<1x16xf32>,
        %swap3A_729 = vector.shape_cast %swap3A_728 : vector<1x16xf32> to vector<16xf32>
        %swap3A_730 = vector.shape_cast %mul3A_723 : vector<16xf32> to vector<1x16xf32>
        tpu.vector_store %arg10[%swap3A_726, %swap3A_727], %swap3A_730 {strides = array<i32>} : memref<128x128xf32, #tpu.memory_space<vmem>>, vector<1x16xf32>,
        %add3A_731 = arith.constant 4 : i32
        %add3A_732 = arith.addi %mul3A_198, %add3A_731 : i32
        %get3A_733 = arith.index_cast %add3A_732 : i32 to index
        %get3A_734 = arith.constant 48 : index
        %get3A_735 = tpu.vector_load %arg10[%get3A_733, %get3A_734] {strides = array<i32>} : memref<128x128xf32, #tpu.memory_space<vmem>>, vector<1x16xf32>,
        %get3A_736 = vector.shape_cast %get3A_735 : vector<1x16xf32> to vector<16xf32>
        %mul3A_737 = vector.broadcast %squeeze3A_685 : f32 to vector<16xf32>
        %mul3A_738 = arith.mulf %get3A_736, %mul3A_737 : vector<16xf32>
        %add3A_739 = arith.constant 4 : i32
        %add3A_740 = arith.addi %mul3A_198, %add3A_739 : i32
        %swap3A_741 = arith.index_cast %add3A_740 : i32 to index
        %swap3A_742 = arith.constant 48 : index
        %swap3A_743 = tpu.vector_load %arg10[%swap3A_741, %swap3A_742] {strides = array<i32>} : memref<128x128xf32, #tpu.memory_space<vmem>>, vector<1x16xf32>,
        %swap3A_744 = vector.shape_cast %swap3A_743 : vector<1x16xf32> to vector<16xf32>
        %swap3A_745 = vector.shape_cast %mul3A_738 : vector<16xf32> to vector<1x16xf32>
        tpu.vector_store %arg10[%swap3A_741, %swap3A_742], %swap3A_745 {strides = array<i32>} : memref<128x128xf32, #tpu.memory_space<vmem>>, vector<1x16xf32>,
        %add3A_746 = arith.constant 4 : i32
        %add3A_747 = arith.addi %mul3A_198, %add3A_746 : i32
        %get3A_748 = arith.index_cast %add3A_747 : i32 to index
        %get3A_749 = arith.constant 64 : index
        %get3A_750 = tpu.vector_load %arg10[%get3A_748, %get3A_749] {strides = array<i32>} : memref<128x128xf32, #tpu.memory_space<vmem>>, vector<1x16xf32>,
        %get3A_751 = vector.shape_cast %get3A_750 : vector<1x16xf32> to vector<16xf32>
        %mul3A_752 = vector.broadcast %squeeze3A_685 : f32 to vector<16xf32>
        %mul3A_753 = arith.mulf %get3A_751, %mul3A_752 : vector<16xf32>
        %add3A_754 = arith.constant 4 : i32
        %add3A_755 = arith.addi %mul3A_198, %add3A_754 : i32
        %swap3A_756 = arith.index_cast %add3A_755 : i32 to index
        %swap3A_757 = arith.constant 64 : index
        %swap3A_758 = tpu.vector_load %arg10[%swap3A_756, %swap3A_757] {strides = array<i32>} : memref<128x128xf32, #tpu.memory_space<vmem>>, vector<1x16xf32>,
        %swap3A_759 = vector.shape_cast %swap3A_758 : vector<1x16xf32> to vector<16xf32>
        %swap3A_760 = vector.shape_cast %mul3A_753 : vector<16xf32> to vector<1x16xf32>
        tpu.vector_store %arg10[%swap3A_756, %swap3A_757], %swap3A_760 {strides = array<i32>} : memref<128x128xf32, #tpu.memory_space<vmem>>, vector<1x16xf32>,
        %add3A_761 = arith.constant 4 : i32
        %add3A_762 = arith.addi %mul3A_198, %add3A_761 : i32
        %get3A_763 = arith.index_cast %add3A_762 : i32 to index
        %get3A_764 = arith.constant 80 : index
        %get3A_765 = tpu.vector_load %arg10[%get3A_763, %get3A_764] {strides = array<i32>} : memref<128x128xf32, #tpu.memory_space<vmem>>, vector<1x16xf32>,
        %get3A_766 = vector.shape_cast %get3A_765 : vector<1x16xf32> to vector<16xf32>
        %mul3A_767 = vector.broadcast %squeeze3A_685 : f32 to vector<16xf32>
        %mul3A_768 = arith.mulf %get3A_766, %mul3A_767 : vector<16xf32>
        %add3A_769 = arith.constant 4 : i32
        %add3A_770 = arith.addi %mul3A_198, %add3A_769 : i32
        %swap3A_771 = arith.index_cast %add3A_770 : i32 to index
        %swap3A_772 = arith.constant 80 : index
        %swap3A_773 = tpu.vector_load %arg10[%swap3A_771, %swap3A_772] {strides = array<i32>} : memref<128x128xf32, #tpu.memory_space<vmem>>, vector<1x16xf32>,
        %swap3A_774 = vector.shape_cast %swap3A_773 : vector<1x16xf32> to vector<16xf32>
        %swap3A_775 = vector.shape_cast %mul3A_768 : vector<16xf32> to vector<1x16xf32>
        tpu.vector_store %arg10[%swap3A_771, %swap3A_772], %swap3A_775 {strides = array<i32>} : memref<128x128xf32, #tpu.memory_space<vmem>>, vector<1x16xf32>,
        %add3A_776 = arith.constant 4 : i32
        %add3A_777 = arith.addi %mul3A_198, %add3A_776 : i32
        %get3A_778 = arith.index_cast %add3A_777 : i32 to index
        %get3A_779 = arith.constant 96 : index
        %get3A_780 = tpu.vector_load %arg10[%get3A_778, %get3A_779] {strides = array<i32>} : memref<128x128xf32, #tpu.memory_space<vmem>>, vector<1x16xf32>,
        %get3A_781 = vector.shape_cast %get3A_780 : vector<1x16xf32> to vector<16xf32>
        %mul3A_782 = vector.broadcast %squeeze3A_685 : f32 to vector<16xf32>
        %mul3A_783 = arith.mulf %get3A_781, %mul3A_782 : vector<16xf32>
        %add3A_784 = arith.constant 4 : i32
        %add3A_785 = arith.addi %mul3A_198, %add3A_784 : i32
        %swap3A_786 = arith.index_cast %add3A_785 : i32 to index
        %swap3A_787 = arith.constant 96 : index
        %swap3A_788 = tpu.vector_load %arg10[%swap3A_786, %swap3A_787] {strides = array<i32>} : memref<128x128xf32, #tpu.memory_space<vmem>>, vector<1x16xf32>,
        %swap3A_789 = vector.shape_cast %swap3A_788 : vector<1x16xf32> to vector<16xf32>
        %swap3A_790 = vector.shape_cast %mul3A_783 : vector<16xf32> to vector<1x16xf32>
        tpu.vector_store %arg10[%swap3A_786, %swap3A_787], %swap3A_790 {strides = array<i32>} : memref<128x128xf32, #tpu.memory_space<vmem>>, vector<1x16xf32>,
        %add3A_791 = arith.constant 4 : i32
        %add3A_792 = arith.addi %mul3A_198, %add3A_791 : i32
        %get3A_793 = arith.index_cast %add3A_792 : i32 to index
        %get3A_794 = arith.constant 112 : index
        %get3A_795 = tpu.vector_load %arg10[%get3A_793, %get3A_794] {strides = array<i32>} : memref<128x128xf32, #tpu.memory_space<vmem>>, vector<1x16xf32>,
        %get3A_796 = vector.shape_cast %get3A_795 : vector<1x16xf32> to vector<16xf32>
        %mul3A_797 = vector.broadcast %squeeze3A_685 : f32 to vector<16xf32>
        %mul3A_798 = arith.mulf %get3A_796, %mul3A_797 : vector<16xf32>
        %add3A_799 = arith.constant 4 : i32
        %add3A_800 = arith.addi %mul3A_198, %add3A_799 : i32
        %swap3A_801 = arith.index_cast %add3A_800 : i32 to index
        %swap3A_802 = arith.constant 112 : index
        %swap3A_803 = tpu.vector_load %arg10[%swap3A_801, %swap3A_802] {strides = array<i32>} : memref<128x128xf32, #tpu.memory_space<vmem>>, vector<1x16xf32>,
        %swap3A_804 = vector.shape_cast %swap3A_803 : vector<1x16xf32> to vector<16xf32>
        %swap3A_805 = vector.shape_cast %mul3A_798 : vector<16xf32> to vector<1x16xf32>
        tpu.vector_store %arg10[%swap3A_801, %swap3A_802], %swap3A_805 {strides = array<i32>} : memref<128x128xf32, #tpu.memory_space<vmem>>, vector<1x16xf32>,
        %slice3A_806 = vector.extract_strided_slice %get3A_196 {offsets = [5], sizes = [1], strides = [1]} : vector<16xf32> to vector<1xf32>
        %squeeze3A_807 = vector.extract %slice3A_806[0] : f32 from vector<1xf32>
        %add3A_808 = arith.constant 5 : i32
        %add3A_809 = arith.addi %mul3A_198, %add3A_808 : i32
        %get3A_810 = arith.index_cast %add3A_809 : i32 to index
        %get3A_811 = arith.constant 0 : index
        %get3A_812 = tpu.vector_load %arg10[%get3A_810, %get3A_811] {strides = array<i32>} : memref<128x128xf32, #tpu.memory_space<vmem>>, vector<1x16xf32>,
        %get3A_813 = vector.shape_cast %get3A_812 : vector<1x16xf32> to vector<16xf32>
        %mul3A_814 = vector.broadcast %squeeze3A_807 : f32 to vector<16xf32>
        %mul3A_815 = arith.mulf %get3A_813, %mul3A_814 : vector<16xf32>
        %add3A_816 = arith.constant 5 : i32
        %add3A_817 = arith.addi %mul3A_198, %add3A_816 : i32
        %swap3A_818 = arith.index_cast %add3A_817 : i32 to index
        %swap3A_819 = arith.constant 0 : index
        %swap3A_820 = tpu.vector_load %arg10[%swap3A_818, %swap3A_819] {strides = array<i32>} : memref<128x128xf32, #tpu.memory_space<vmem>>, vector<1x16xf32>,
        %swap3A_821 = vector.shape_cast %swap3A_820 : vector<1x16xf32> to vector<16xf32>
        %swap3A_822 = vector.shape_cast %mul3A_815 : vector<16xf32> to vector<1x16xf32>
        tpu.vector_store %arg10[%swap3A_818, %swap3A_819], %swap3A_822 {strides = array<i32>} : memref<128x128xf32, #tpu.memory_space<vmem>>, vector<1x16xf32>,
        %add3A_823 = arith.constant 5 : i32
        %add3A_824 = arith.addi %mul3A_198, %add3A_823 : i32
        %get3A_825 = arith.index_cast %add3A_824 : i32 to index
        %get3A_826 = arith.constant 16 : index
        %get3A_827 = tpu.vector_load %arg10[%get3A_825, %get3A_826] {strides = array<i32>} : memref<128x128xf32, #tpu.memory_space<vmem>>, vector<1x16xf32>,
        %get3A_828 = vector.shape_cast %get3A_827 : vector<1x16xf32> to vector<16xf32>
        %mul3A_829 = vector.broadcast %squeeze3A_807 : f32 to vector<16xf32>
        %mul3A_830 = arith.mulf %get3A_828, %mul3A_829 : vector<16xf32>
        %add3A_831 = arith.constant 5 : i32
        %add3A_832 = arith.addi %mul3A_198, %add3A_831 : i32
        %swap3A_833 = arith.index_cast %add3A_832 : i32 to index
        %swap3A_834 = arith.constant 16 : index
        %swap3A_835 = tpu.vector_load %arg10[%swap3A_833, %swap3A_834] {strides = array<i32>} : memref<128x128xf32, #tpu.memory_space<vmem>>, vector<1x16xf32>,
        %swap3A_836 = vector.shape_cast %swap3A_835 : vector<1x16xf32> to vector<16xf32>
        %swap3A_837 = vector.shape_cast %mul3A_830 : vector<16xf32> to vector<1x16xf32>
        tpu.vector_store %arg10[%swap3A_833, %swap3A_834], %swap3A_837 {strides = array<i32>} : memref<128x128xf32, #tpu.memory_space<vmem>>, vector<1x16xf32>,
        %add3A_838 = arith.constant 5 : i32
        %add3A_839 = arith.addi %mul3A_198, %add3A_838 : i32
        %get3A_840 = arith.index_cast %add3A_839 : i32 to index
        %get3A_841 = arith.constant 32 : index
        %get3A_842 = tpu.vector_load %arg10[%get3A_840, %get3A_841] {strides = array<i32>} : memref<128x128xf32, #tpu.memory_space<vmem>>, vector<1x16xf32>,
        %get3A_843 = vector.shape_cast %get3A_842 : vector<1x16xf32> to vector<16xf32>
        %mul3A_844 = vector.broadcast %squeeze3A_807 : f32 to vector<16xf32>
        %mul3A_845 = arith.mulf %get3A_843, %mul3A_844 : vector<16xf32>
        %add3A_846 = arith.constant 5 : i32
        %add3A_847 = arith.addi %mul3A_198, %add3A_846 : i32
        %swap3A_848 = arith.index_cast %add3A_847 : i32 to index
        %swap3A_849 = arith.constant 32 : index
        %swap3A_850 = tpu.vector_load %arg10[%swap3A_848, %swap3A_849] {strides = array<i32>} : memref<128x128xf32, #tpu.memory_space<vmem>>, vector<1x16xf32>,
        %swap3A_851 = vector.shape_cast %swap3A_850 : vector<1x16xf32> to vector<16xf32>
        %swap3A_852 = vector.shape_cast %mul3A_845 : vector<16xf32> to vector<1x16xf32>
        tpu.vector_store %arg10[%swap3A_848, %swap3A_849], %swap3A_852 {strides = array<i32>} : memref<128x128xf32, #tpu.memory_space<vmem>>, vector<1x16xf32>,
        %add3A_853 = arith.constant 5 : i32
        %add3A_854 = arith.addi %mul3A_198, %add3A_853 : i32
        %get3A_855 = arith.index_cast %add3A_854 : i32 to index
        %get3A_856 = arith.constant 48 : index
        %get3A_857 = tpu.vector_load %arg10[%get3A_855, %get3A_856] {strides = array<i32>} : memref<128x128xf32, #tpu.memory_space<vmem>>, vector<1x16xf32>,
        %get3A_858 = vector.shape_cast %get3A_857 : vector<1x16xf32> to vector<16xf32>
        %mul3A_859 = vector.broadcast %squeeze3A_807 : f32 to vector<16xf32>
        %mul3A_860 = arith.mulf %get3A_858, %mul3A_859 : vector<16xf32>
        %add3A_861 = arith.constant 5 : i32
        %add3A_862 = arith.addi %mul3A_198, %add3A_861 : i32
        %swap3A_863 = arith.index_cast %add3A_862 : i32 to index
        %swap3A_864 = arith.constant 48 : index
        %swap3A_865 = tpu.vector_load %arg10[%swap3A_863, %swap3A_864] {strides = array<i32>} : memref<128x128xf32, #tpu.memory_space<vmem>>, vector<1x16xf32>,
        %swap3A_866 = vector.shape_cast %swap3A_865 : vector<1x16xf32> to vector<16xf32>
        %swap3A_867 = vector.shape_cast %mul3A_860 : vector<16xf32> to vector<1x16xf32>
        tpu.vector_store %arg10[%swap3A_863, %swap3A_864], %swap3A_867 {strides = array<i32>} : memref<128x128xf32, #tpu.memory_space<vmem>>, vector<1x16xf32>,
        %add3A_868 = arith.constant 5 : i32
        %add3A_869 = arith.addi %mul3A_198, %add3A_868 : i32
        %get3A_870 = arith.index_cast %add3A_869 : i32 to index
        %get3A_871 = arith.constant 64 : index
        %get3A_872 = tpu.vector_load %arg10[%get3A_870, %get3A_871] {strides = array<i32>} : memref<128x128xf32, #tpu.memory_space<vmem>>, vector<1x16xf32>,
        %get3A_873 = vector.shape_cast %get3A_872 : vector<1x16xf32> to vector<16xf32>
        %mul3A_874 = vector.broadcast %squeeze3A_807 : f32 to vector<16xf32>
        %mul3A_875 = arith.mulf %get3A_873, %mul3A_874 : vector<16xf32>
        %add3A_876 = arith.constant 5 : i32
        %add3A_877 = arith.addi %mul3A_198, %add3A_876 : i32
        %swap3A_878 = arith.index_cast %add3A_877 : i32 to index
        %swap3A_879 = arith.constant 64 : index
        %swap3A_880 = tpu.vector_load %arg10[%swap3A_878, %swap3A_879] {strides = array<i32>} : memref<128x128xf32, #tpu.memory_space<vmem>>, vector<1x16xf32>,
        %swap3A_881 = vector.shape_cast %swap3A_880 : vector<1x16xf32> to vector<16xf32>
        %swap3A_882 = vector.shape_cast %mul3A_875 : vector<16xf32> to vector<1x16xf32>
        tpu.vector_store %arg10[%swap3A_878, %swap3A_879], %swap3A_882 {strides = array<i32>} : memref<128x128xf32, #tpu.memory_space<vmem>>, vector<1x16xf32>,
        %add3A_883 = arith.constant 5 : i32
        %add3A_884 = arith.addi %mul3A_198, %add3A_883 : i32
        %get3A_885 = arith.index_cast %add3A_884 : i32 to index
        %get3A_886 = arith.constant 80 : index
        %get3A_887 = tpu.vector_load %arg10[%get3A_885, %get3A_886] {strides = array<i32>} : memref<128x128xf32, #tpu.memory_space<vmem>>, vector<1x16xf32>,
        %get3A_888 = vector.shape_cast %get3A_887 : vector<1x16xf32> to vector<16xf32>
        %mul3A_889 = vector.broadcast %squeeze3A_807 : f32 to vector<16xf32>
        %mul3A_890 = arith.mulf %get3A_888, %mul3A_889 : vector<16xf32>
        %add3A_891 = arith.constant 5 : i32
        %add3A_892 = arith.addi %mul3A_198, %add3A_891 : i32
        %swap3A_893 = arith.index_cast %add3A_892 : i32 to index
        %swap3A_894 = arith.constant 80 : index
        %swap3A_895 = tpu.vector_load %arg10[%swap3A_893, %swap3A_894] {strides = array<i32>} : memref<128x128xf32, #tpu.memory_space<vmem>>, vector<1x16xf32>,
        %swap3A_896 = vector.shape_cast %swap3A_895 : vector<1x16xf32> to vector<16xf32>
        %swap3A_897 = vector.shape_cast %mul3A_890 : vector<16xf32> to vector<1x16xf32>
        tpu.vector_store %arg10[%swap3A_893, %swap3A_894], %swap3A_897 {strides = array<i32>} : memref<128x128xf32, #tpu.memory_space<vmem>>, vector<1x16xf32>,
        %add3A_898 = arith.constant 5 : i32
        %add3A_899 = arith.addi %mul3A_198, %add3A_898 : i32
        %get3A_900 = arith.index_cast %add3A_899 : i32 to index
        %get3A_901 = arith.constant 96 : index
        %get3A_902 = tpu.vector_load %arg10[%get3A_900, %get3A_901] {strides = array<i32>} : memref<128x128xf32, #tpu.memory_space<vmem>>, vector<1x16xf32>,
        %get3A_903 = vector.shape_cast %get3A_902 : vector<1x16xf32> to vector<16xf32>
        %mul3A_904 = vector.broadcast %squeeze3A_807 : f32 to vector<16xf32>
        %mul3A_905 = arith.mulf %get3A_903, %mul3A_904 : vector<16xf32>
        %add3A_906 = arith.constant 5 : i32
        %add3A_907 = arith.addi %mul3A_198, %add3A_906 : i32
        %swap3A_908 = arith.index_cast %add3A_907 : i32 to index
        %swap3A_909 = arith.constant 96 : index
        %swap3A_910 = tpu.vector_load %arg10[%swap3A_908, %swap3A_909] {strides = array<i32>} : memref<128x128xf32, #tpu.memory_space<vmem>>, vector<1x16xf32>,
        %swap3A_911 = vector.shape_cast %swap3A_910 : vector<1x16xf32> to vector<16xf32>
        %swap3A_912 = vector.shape_cast %mul3A_905 : vector<16xf32> to vector<1x16xf32>
        tpu.vector_store %arg10[%swap3A_908, %swap3A_909], %swap3A_912 {strides = array<i32>} : memref<128x128xf32, #tpu.memory_space<vmem>>, vector<1x16xf32>,
        %add3A_913 = arith.constant 5 : i32
        %add3A_914 = arith.addi %mul3A_198, %add3A_913 : i32
        %get3A_915 = arith.index_cast %add3A_914 : i32 to index
        %get3A_916 = arith.constant 112 : index
        %get3A_917 = tpu.vector_load %arg10[%get3A_915, %get3A_916] {strides = array<i32>} : memref<128x128xf32, #tpu.memory_space<vmem>>, vector<1x16xf32>,
        %get3A_918 = vector.shape_cast %get3A_917 : vector<1x16xf32> to vector<16xf32>
        %mul3A_919 = vector.broadcast %squeeze3A_807 : f32 to vector<16xf32>
        %mul3A_920 = arith.mulf %get3A_918, %mul3A_919 : vector<16xf32>
        %add3A_921 = arith.constant 5 : i32
        %add3A_922 = arith.addi %mul3A_198, %add3A_921 : i32
        %swap3A_923 = arith.index_cast %add3A_922 : i32 to index
        %swap3A_924 = arith.constant 112 : index
        %swap3A_925 = tpu.vector_load %arg10[%swap3A_923, %swap3A_924] {strides = array<i32>} : memref<128x128xf32, #tpu.memory_space<vmem>>, vector<1x16xf32>,
        %swap3A_926 = vector.shape_cast %swap3A_925 : vector<1x16xf32> to vector<16xf32>
        %swap3A_927 = vector.shape_cast %mul3A_920 : vector<16xf32> to vector<1x16xf32>
        tpu.vector_store %arg10[%swap3A_923, %swap3A_924], %swap3A_927 {strides = array<i32>} : memref<128x128xf32, #tpu.memory_space<vmem>>, vector<1x16xf32>,
        %slice3A_928 = vector.extract_strided_slice %get3A_196 {offsets = [6], sizes = [1], strides = [1]} : vector<16xf32> to vector<1xf32>
        %squeeze3A_929 = vector.extract %slice3A_928[0] : f32 from vector<1xf32>
        %add3A_930 = arith.constant 6 : i32
        %add3A_931 = arith.addi %mul3A_198, %add3A_930 : i32
        %get3A_932 = arith.index_cast %add3A_931 : i32 to index
        %get3A_933 = arith.constant 0 : index
        %get3A_934 = tpu.vector_load %arg10[%get3A_932, %get3A_933] {strides = array<i32>} : memref<128x128xf32, #tpu.memory_space<vmem>>, vector<1x16xf32>,
        %get3A_935 = vector.shape_cast %get3A_934 : vector<1x16xf32> to vector<16xf32>
        %mul3A_936 = vector.broadcast %squeeze3A_929 : f32 to vector<16xf32>
        %mul3A_937 = arith.mulf %get3A_935, %mul3A_936 : vector<16xf32>
        %add3A_938 = arith.constant 6 : i32
        %add3A_939 = arith.addi %mul3A_198, %add3A_938 : i32
        %swap3A_940 = arith.index_cast %add3A_939 : i32 to index
        %swap3A_941 = arith.constant 0 : index
        %swap3A_942 = tpu.vector_load %arg10[%swap3A_940, %swap3A_941] {strides = array<i32>} : memref<128x128xf32, #tpu.memory_space<vmem>>, vector<1x16xf32>,
        %swap3A_943 = vector.shape_cast %swap3A_942 : vector<1x16xf32> to vector<16xf32>
        %swap3A_944 = vector.shape_cast %mul3A_937 : vector<16xf32> to vector<1x16xf32>
        tpu.vector_store %arg10[%swap3A_940, %swap3A_941], %swap3A_944 {strides = array<i32>} : memref<128x128xf32, #tpu.memory_space<vmem>>, vector<1x16xf32>,
        %add3A_945 = arith.constant 6 : i32
        %add3A_946 = arith.addi %mul3A_198, %add3A_945 : i32
        %get3A_947 = arith.index_cast %add3A_946 : i32 to index
        %get3A_948 = arith.constant 16 : index
        %get3A_949 = tpu.vector_load %arg10[%get3A_947, %get3A_948] {strides = array<i32>} : memref<128x128xf32, #tpu.memory_space<vmem>>, vector<1x16xf32>,
        %get3A_950 = vector.shape_cast %get3A_949 : vector<1x16xf32> to vector<16xf32>
        %mul3A_951 = vector.broadcast %squeeze3A_929 : f32 to vector<16xf32>
        %mul3A_952 = arith.mulf %get3A_950, %mul3A_951 : vector<16xf32>
        %add3A_953 = arith.constant 6 : i32
        %add3A_954 = arith.addi %mul3A_198, %add3A_953 : i32
        %swap3A_955 = arith.index_cast %add3A_954 : i32 to index
        %swap3A_956 = arith.constant 16 : index
        %swap3A_957 = tpu.vector_load %arg10[%swap3A_955, %swap3A_956] {strides = array<i32>} : memref<128x128xf32, #tpu.memory_space<vmem>>, vector<1x16xf32>,
        %swap3A_958 = vector.shape_cast %swap3A_957 : vector<1x16xf32> to vector<16xf32>
        %swap3A_959 = vector.shape_cast %mul3A_952 : vector<16xf32> to vector<1x16xf32>
        tpu.vector_store %arg10[%swap3A_955, %swap3A_956], %swap3A_959 {strides = array<i32>} : memref<128x128xf32, #tpu.memory_space<vmem>>, vector<1x16xf32>,
        %add3A_960 = arith.constant 6 : i32
        %add3A_961 = arith.addi %mul3A_198, %add3A_960 : i32
        %get3A_962 = arith.index_cast %add3A_961 : i32 to index
        %get3A_963 = arith.constant 32 : index
        %get3A_964 = tpu.vector_load %arg10[%get3A_962, %get3A_963] {strides = array<i32>} : memref<128x128xf32, #tpu.memory_space<vmem>>, vector<1x16xf32>,
        %get3A_965 = vector.shape_cast %get3A_964 : vector<1x16xf32> to vector<16xf32>
        %mul3A_966 = vector.broadcast %squeeze3A_929 : f32 to vector<16xf32>
        %mul3A_967 = arith.mulf %get3A_965, %mul3A_966 : vector<16xf32>
        %add3A_968 = arith.constant 6 : i32
        %add3A_969 = arith.addi %mul3A_198, %add3A_968 : i32
        %swap3A_970 = arith.index_cast %add3A_969 : i32 to index
        %swap3A_971 = arith.constant 32 : index
        %swap3A_972 = tpu.vector_load %arg10[%swap3A_970, %swap3A_971] {strides = array<i32>} : memref<128x128xf32, #tpu.memory_space<vmem>>, vector<1x16xf32>,
        %swap3A_973 = vector.shape_cast %swap3A_972 : vector<1x16xf32> to vector<16xf32>
        %swap3A_974 = vector.shape_cast %mul3A_967 : vector<16xf32> to vector<1x16xf32>
        tpu.vector_store %arg10[%swap3A_970, %swap3A_971], %swap3A_974 {strides = array<i32>} : memref<128x128xf32, #tpu.memory_space<vmem>>, vector<1x16xf32>,
        %add3A_975 = arith.constant 6 : i32
        %add3A_976 = arith.addi %mul3A_198, %add3A_975 : i32
        %get3A_977 = arith.index_cast %add3A_976 : i32 to index
        %get3A_978 = arith.constant 48 : index
        %get3A_979 = tpu.vector_load %arg10[%get3A_977, %get3A_978] {strides = array<i32>} : memref<128x128xf32, #tpu.memory_space<vmem>>, vector<1x16xf32>,
        %get3A_980 = vector.shape_cast %get3A_979 : vector<1x16xf32> to vector<16xf32>
        %mul3A_981 = vector.broadcast %squeeze3A_929 : f32 to vector<16xf32>
        %mul3A_982 = arith.mulf %get3A_980, %mul3A_981 : vector<16xf32>
        %add3A_983 = arith.constant 6 : i32
        %add3A_984 = arith.addi %mul3A_198, %add3A_983 : i32
        %swap3A_985 = arith.index_cast %add3A_984 : i32 to index
        %swap3A_986 = arith.constant 48 : index
        %swap3A_987 = tpu.vector_load %arg10[%swap3A_985, %swap3A_986] {strides = array<i32>} : memref<128x128xf32, #tpu.memory_space<vmem>>, vector<1x16xf32>,
        %swap3A_988 = vector.shape_cast %swap3A_987 : vector<1x16xf32> to vector<16xf32>
        %swap3A_989 = vector.shape_cast %mul3A_982 : vector<16xf32> to vector<1x16xf32>
        tpu.vector_store %arg10[%swap3A_985, %swap3A_986], %swap3A_989 {strides = array<i32>} : memref<128x128xf32, #tpu.memory_space<vmem>>, vector<1x16xf32>,
        %add3A_990 = arith.constant 6 : i32
        %add3A_991 = arith.addi %mul3A_198, %add3A_990 : i32
        %get3A_992 = arith.index_cast %add3A_991 : i32 to index
        %get3A_993 = arith.constant 64 : index
        %get3A_994 = tpu.vector_load %arg10[%get3A_992, %get3A_993] {strides = array<i32>} : memref<128x128xf32, #tpu.memory_space<vmem>>, vector<1x16xf32>,
        %get3A_995 = vector.shape_cast %get3A_994 : vector<1x16xf32> to vector<16xf32>
        %mul3A_996 = vector.broadcast %squeeze3A_929 : f32 to vector<16xf32>
        %mul3A_997 = arith.mulf %get3A_995, %mul3A_996 : vector<16xf32>
        %add3A_998 = arith.constant 6 : i32
        %add3A_999 = arith.addi %mul3A_198, %add3A_998 : i32
        %swap3A_1000 = arith.index_cast %add3A_999 : i32 to index
        %swap3A_1001 = arith.constant 64 : index
        %swap3A_1002 = tpu.vector_load %arg10[%swap3A_1000, %swap3A_1001] {strides = array<i32>} : memref<128x128xf32, #tpu.memory_space<vmem>>, vector<1x16xf32>,
        %swap3A_1003 = vector.shape_cast %swap3A_1002 : vector<1x16xf32> to vector<16xf32>
        %swap3A_1004 = vector.shape_cast %mul3A_997 : vector<16xf32> to vector<1x16xf32>
        tpu.vector_store %arg10[%swap3A_1000, %swap3A_1001], %swap3A_1004 {strides = array<i32>} : memref<128x128xf32, #tpu.memory_space<vmem>>, vector<1x16xf32>,
        %add3A_1005 = arith.constant 6 : i32
        %add3A_1006 = arith.addi %mul3A_198, %add3A_1005 : i32
        %get3A_1007 = arith.index_cast %add3A_1006 : i32 to index
        %get3A_1008 = arith.constant 80 : index
        %get3A_1009 = tpu.vector_load %arg10[%get3A_1007, %get3A_1008] {strides = array<i32>} : memref<128x128xf32, #tpu.memory_space<vmem>>, vector<1x16xf32>,
        %get3A_1010 = vector.shape_cast %get3A_1009 : vector<1x16xf32> to vector<16xf32>
        %mul3A_1011 = vector.broadcast %squeeze3A_929 : f32 to vector<16xf32>
        %mul3A_1012 = arith.mulf %get3A_1010, %mul3A_1011 : vector<16xf32>
        %add3A_1013 = arith.constant 6 : i32
        %add3A_1014 = arith.addi %mul3A_198, %add3A_1013 : i32
        %swap3A_1015 = arith.index_cast %add3A_1014 : i32 to index
        %swap3A_1016 = arith.constant 80 : index
        %swap3A_1017 = tpu.vector_load %arg10[%swap3A_1015, %swap3A_1016] {strides = array<i32>} : memref<128x128xf32, #tpu.memory_space<vmem>>, vector<1x16xf32>,
        %swap3A_1018 = vector.shape_cast %swap3A_1017 : vector<1x16xf32> to vector<16xf32>
        %swap3A_1019 = vector.shape_cast %mul3A_1012 : vector<16xf32> to vector<1x16xf32>
        tpu.vector_store %arg10[%swap3A_1015, %swap3A_1016], %swap3A_1019 {strides = array<i32>} : memref<128x128xf32, #tpu.memory_space<vmem>>, vector<1x16xf32>,
        %add3A_1020 = arith.constant 6 : i32
        %add3A_1021 = arith.addi %mul3A_198, %add3A_1020 : i32
        %get3A_1022 = arith.index_cast %add3A_1021 : i32 to index
        %get3A_1023 = arith.constant 96 : index
        %get3A_1024 = tpu.vector_load %arg10[%get3A_1022, %get3A_1023] {strides = array<i32>} : memref<128x128xf32, #tpu.memory_space<vmem>>, vector<1x16xf32>,
        %get3A_1025 = vector.shape_cast %get3A_1024 : vector<1x16xf32> to vector<16xf32>
        %mul3A_1026 = vector.broadcast %squeeze3A_929 : f32 to vector<16xf32>
        %mul3A_1027 = arith.mulf %get3A_1025, %mul3A_1026 : vector<16xf32>
        %add3A_1028 = arith.constant 6 : i32
        %add3A_1029 = arith.addi %mul3A_198, %add3A_1028 : i32
        %swap3A_1030 = arith.index_cast %add3A_1029 : i32 to index
        %swap3A_1031 = arith.constant 96 : index
        %swap3A_1032 = tpu.vector_load %arg10[%swap3A_1030, %swap3A_1031] {strides = array<i32>} : memref<128x128xf32, #tpu.memory_space<vmem>>, vector<1x16xf32>,
        %swap3A_1033 = vector.shape_cast %swap3A_1032 : vector<1x16xf32> to vector<16xf32>
        %swap3A_1034 = vector.shape_cast %mul3A_1027 : vector<16xf32> to vector<1x16xf32>
        tpu.vector_store %arg10[%swap3A_1030, %swap3A_1031], %swap3A_1034 {strides = array<i32>} : memref<128x128xf32, #tpu.memory_space<vmem>>, vector<1x16xf32>,
        %add3A_1035 = arith.constant 6 : i32
        %add3A_1036 = arith.addi %mul3A_198, %add3A_1035 : i32
        %get3A_1037 = arith.index_cast %add3A_1036 : i32 to index
        %get3A_1038 = arith.constant 112 : index
        %get3A_1039 = tpu.vector_load %arg10[%get3A_1037, %get3A_1038] {strides = array<i32>} : memref<128x128xf32, #tpu.memory_space<vmem>>, vector<1x16xf32>,
        %get3A_1040 = vector.shape_cast %get3A_1039 : vector<1x16xf32> to vector<16xf32>
        %mul3A_1041 = vector.broadcast %squeeze3A_929 : f32 to vector<16xf32>
        %mul3A_1042 = arith.mulf %get3A_1040, %mul3A_1041 : vector<16xf32>
        %add3A_1043 = arith.constant 6 : i32
        %add3A_1044 = arith.addi %mul3A_198, %add3A_1043 : i32
        %swap3A_1045 = arith.index_cast %add3A_1044 : i32 to index
        %swap3A_1046 = arith.constant 112 : index
        %swap3A_1047 = tpu.vector_load %arg10[%swap3A_1045, %swap3A_1046] {strides = array<i32>} : memref<128x128xf32, #tpu.memory_space<vmem>>, vector<1x16xf32>,
        %swap3A_1048 = vector.shape_cast %swap3A_1047 : vector<1x16xf32> to vector<16xf32>
        %swap3A_1049 = vector.shape_cast %mul3A_1042 : vector<16xf32> to vector<1x16xf32>
        tpu.vector_store %arg10[%swap3A_1045, %swap3A_1046], %swap3A_1049 {strides = array<i32>} : memref<128x128xf32, #tpu.memory_space<vmem>>, vector<1x16xf32>,
        %slice3A_1050 = vector.extract_strided_slice %get3A_196 {offsets = [7], sizes = [1], strides = [1]} : vector<16xf32> to vector<1xf32>
        %squeeze3A_1051 = vector.extract %slice3A_1050[0] : f32 from vector<1xf32>
        %add3A_1052 = arith.constant 7 : i32
        %add3A_1053 = arith.addi %mul3A_198, %add3A_1052 : i32
        %get3A_1054 = arith.index_cast %add3A_1053 : i32 to index
        %get3A_1055 = arith.constant 0 : index
        %get3A_1056 = tpu.vector_load %arg10[%get3A_1054, %get3A_1055] {strides = array<i32>} : memref<128x128xf32, #tpu.memory_space<vmem>>, vector<1x16xf32>,
        %get3A_1057 = vector.shape_cast %get3A_1056 : vector<1x16xf32> to vector<16xf32>
        %mul3A_1058 = vector.broadcast %squeeze3A_1051 : f32 to vector<16xf32>
        %mul3A_1059 = arith.mulf %get3A_1057, %mul3A_1058 : vector<16xf32>
        %add3A_1060 = arith.constant 7 : i32
        %add3A_1061 = arith.addi %mul3A_198, %add3A_1060 : i32
        %swap3A_1062 = arith.index_cast %add3A_1061 : i32 to index
        %swap3A_1063 = arith.constant 0 : index
        %swap3A_1064 = tpu.vector_load %arg10[%swap3A_1062, %swap3A_1063] {strides = array<i32>} : memref<128x128xf32, #tpu.memory_space<vmem>>, vector<1x16xf32>,
        %swap3A_1065 = vector.shape_cast %swap3A_1064 : vector<1x16xf32> to vector<16xf32>
        %swap3A_1066 = vector.shape_cast %mul3A_1059 : vector<16xf32> to vector<1x16xf32>
        tpu.vector_store %arg10[%swap3A_1062, %swap3A_1063], %swap3A_1066 {strides = array<i32>} : memref<128x128xf32, #tpu.memory_space<vmem>>, vector<1x16xf32>,
        %add3A_1067 = arith.constant 7 : i32
        %add3A_1068 = arith.addi %mul3A_198, %add3A_1067 : i32
        %get3A_1069 = arith.index_cast %add3A_1068 : i32 to index
        %get3A_1070 = arith.constant 16 : index
        %get3A_1071 = tpu.vector_load %arg10[%get3A_1069, %get3A_1070] {strides = array<i32>} : memref<128x128xf32, #tpu.memory_space<vmem>>, vector<1x16xf32>,
        %get3A_1072 = vector.shape_cast %get3A_1071 : vector<1x16xf32> to vector<16xf32>
        %mul3A_1073 = vector.broadcast %squeeze3A_1051 : f32 to vector<16xf32>
        %mul3A_1074 = arith.mulf %get3A_1072, %mul3A_1073 : vector<16xf32>
        %add3A_1075 = arith.constant 7 : i32
        %add3A_1076 = arith.addi %mul3A_198, %add3A_1075 : i32
        %swap3A_1077 = arith.index_cast %add3A_1076 : i32 to index
        %swap3A_1078 = arith.constant 16 : index
        %swap3A_1079 = tpu.vector_load %arg10[%swap3A_1077, %swap3A_1078] {strides = array<i32>} : memref<128x128xf32, #tpu.memory_space<vmem>>, vector<1x16xf32>,
        %swap3A_1080 = vector.shape_cast %swap3A_1079 : vector<1x16xf32> to vector<16xf32>
        %swap3A_1081 = vector.shape_cast %mul3A_1074 : vector<16xf32> to vector<1x16xf32>
        tpu.vector_store %arg10[%swap3A_1077, %swap3A_1078], %swap3A_1081 {strides = array<i32>} : memref<128x128xf32, #tpu.memory_space<vmem>>, vector<1x16xf32>,
        %add3A_1082 = arith.constant 7 : i32
        %add3A_1083 = arith.addi %mul3A_198, %add3A_1082 : i32
        %get3A_1084 = arith.index_cast %add3A_1083 : i32 to index
        %get3A_1085 = arith.constant 32 : index
        %get3A_1086 = tpu.vector_load %arg10[%get3A_1084, %get3A_1085] {strides = array<i32>} : memref<128x128xf32, #tpu.memory_space<vmem>>, vector<1x16xf32>,
        %get3A_1087 = vector.shape_cast %get3A_1086 : vector<1x16xf32> to vector<16xf32>
        %mul3A_1088 = vector.broadcast %squeeze3A_1051 : f32 to vector<16xf32>
        %mul3A_1089 = arith.mulf %get3A_1087, %mul3A_1088 : vector<16xf32>
        %add3A_1090 = arith.constant 7 : i32
        %add3A_1091 = arith.addi %mul3A_198, %add3A_1090 : i32
        %swap3A_1092 = arith.index_cast %add3A_1091 : i32 to index
        %swap3A_1093 = arith.constant 32 : index
        %swap3A_1094 = tpu.vector_load %arg10[%swap3A_1092, %swap3A_1093] {strides = array<i32>} : memref<128x128xf32, #tpu.memory_space<vmem>>, vector<1x16xf32>,
        %swap3A_1095 = vector.shape_cast %swap3A_1094 : vector<1x16xf32> to vector<16xf32>
        %swap3A_1096 = vector.shape_cast %mul3A_1089 : vector<16xf32> to vector<1x16xf32>
        tpu.vector_store %arg10[%swap3A_1092, %swap3A_1093], %swap3A_1096 {strides = array<i32>} : memref<128x128xf32, #tpu.memory_space<vmem>>, vector<1x16xf32>,
        %add3A_1097 = arith.constant 7 : i32
        %add3A_1098 = arith.addi %mul3A_198, %add3A_1097 : i32
        %get3A_1099 = arith.index_cast %add3A_1098 : i32 to index
        %get3A_1100 = arith.constant 48 : index
        %get3A_1101 = tpu.vector_load %arg10[%get3A_1099, %get3A_1100] {strides = array<i32>} : memref<128x128xf32, #tpu.memory_space<vmem>>, vector<1x16xf32>,
        %get3A_1102 = vector.shape_cast %get3A_1101 : vector<1x16xf32> to vector<16xf32>
        %mul3A_1103 = vector.broadcast %squeeze3A_1051 : f32 to vector<16xf32>
        %mul3A_1104 = arith.mulf %get3A_1102, %mul3A_1103 : vector<16xf32>
        %add3A_1105 = arith.constant 7 : i32
        %add3A_1106 = arith.addi %mul3A_198, %add3A_1105 : i32
        %swap3A_1107 = arith.index_cast %add3A_1106 : i32 to index
        %swap3A_1108 = arith.constant 48 : index
        %swap3A_1109 = tpu.vector_load %arg10[%swap3A_1107, %swap3A_1108] {strides = array<i32>} : memref<128x128xf32, #tpu.memory_space<vmem>>, vector<1x16xf32>,
        %swap3A_1110 = vector.shape_cast %swap3A_1109 : vector<1x16xf32> to vector<16xf32>
        %swap3A_1111 = vector.shape_cast %mul3A_1104 : vector<16xf32> to vector<1x16xf32>
        tpu.vector_store %arg10[%swap3A_1107, %swap3A_1108], %swap3A_1111 {strides = array<i32>} : memref<128x128xf32, #tpu.memory_space<vmem>>, vector<1x16xf32>,
        %add3A_1112 = arith.constant 7 : i32
        %add3A_1113 = arith.addi %mul3A_198, %add3A_1112 : i32
        %get3A_1114 = arith.index_cast %add3A_1113 : i32 to index
        %get3A_1115 = arith.constant 64 : index
        %get3A_1116 = tpu.vector_load %arg10[%get3A_1114, %get3A_1115] {strides = array<i32>} : memref<128x128xf32, #tpu.memory_space<vmem>>, vector<1x16xf32>,
        %get3A_1117 = vector.shape_cast %get3A_1116 : vector<1x16xf32> to vector<16xf32>
        %mul3A_1118 = vector.broadcast %squeeze3A_1051 : f32 to vector<16xf32>
        %mul3A_1119 = arith.mulf %get3A_1117, %mul3A_1118 : vector<16xf32>
        %add3A_1120 = arith.constant 7 : i32
        %add3A_1121 = arith.addi %mul3A_198, %add3A_1120 : i32
        %swap3A_1122 = arith.index_cast %add3A_1121 : i32 to index
        %swap3A_1123 = arith.constant 64 : index
        %swap3A_1124 = tpu.vector_load %arg10[%swap3A_1122, %swap3A_1123] {strides = array<i32>} : memref<128x128xf32, #tpu.memory_space<vmem>>, vector<1x16xf32>,
        %swap3A_1125 = vector.shape_cast %swap3A_1124 : vector<1x16xf32> to vector<16xf32>
        %swap3A_1126 = vector.shape_cast %mul3A_1119 : vector<16xf32> to vector<1x16xf32>
        tpu.vector_store %arg10[%swap3A_1122, %swap3A_1123], %swap3A_1126 {strides = array<i32>} : memref<128x128xf32, #tpu.memory_space<vmem>>, vector<1x16xf32>,
        %add3A_1127 = arith.constant 7 : i32
        %add3A_1128 = arith.addi %mul3A_198, %add3A_1127 : i32
        %get3A_1129 = arith.index_cast %add3A_1128 : i32 to index
        %get3A_1130 = arith.constant 80 : index
        %get3A_1131 = tpu.vector_load %arg10[%get3A_1129, %get3A_1130] {strides = array<i32>} : memref<128x128xf32, #tpu.memory_space<vmem>>, vector<1x16xf32>,
        %get3A_1132 = vector.shape_cast %get3A_1131 : vector<1x16xf32> to vector<16xf32>
        %mul3A_1133 = vector.broadcast %squeeze3A_1051 : f32 to vector<16xf32>
        %mul3A_1134 = arith.mulf %get3A_1132, %mul3A_1133 : vector<16xf32>
        %add3A_1135 = arith.constant 7 : i32
        %add3A_1136 = arith.addi %mul3A_198, %add3A_1135 : i32
        %swap3A_1137 = arith.index_cast %add3A_1136 : i32 to index
        %swap3A_1138 = arith.constant 80 : index
        %swap3A_1139 = tpu.vector_load %arg10[%swap3A_1137, %swap3A_1138] {strides = array<i32>} : memref<128x128xf32, #tpu.memory_space<vmem>>, vector<1x16xf32>,
        %swap3A_1140 = vector.shape_cast %swap3A_1139 : vector<1x16xf32> to vector<16xf32>
        %swap3A_1141 = vector.shape_cast %mul3A_1134 : vector<16xf32> to vector<1x16xf32>
        tpu.vector_store %arg10[%swap3A_1137, %swap3A_1138], %swap3A_1141 {strides = array<i32>} : memref<128x128xf32, #tpu.memory_space<vmem>>, vector<1x16xf32>,
        %add3A_1142 = arith.constant 7 : i32
        %add3A_1143 = arith.addi %mul3A_198, %add3A_1142 : i32
        %get3A_1144 = arith.index_cast %add3A_1143 : i32 to index
        %get3A_1145 = arith.constant 96 : index
        %get3A_1146 = tpu.vector_load %arg10[%get3A_1144, %get3A_1145] {strides = array<i32>} : memref<128x128xf32, #tpu.memory_space<vmem>>, vector<1x16xf32>,
        %get3A_1147 = vector.shape_cast %get3A_1146 : vector<1x16xf32> to vector<16xf32>
        %mul3A_1148 = vector.broadcast %squeeze3A_1051 : f32 to vector<16xf32>
        %mul3A_1149 = arith.mulf %get3A_1147, %mul3A_1148 : vector<16xf32>
        %add3A_1150 = arith.constant 7 : i32
        %add3A_1151 = arith.addi %mul3A_198, %add3A_1150 : i32
        %swap3A_1152 = arith.index_cast %add3A_1151 : i32 to index
        %swap3A_1153 = arith.constant 96 : index
        %swap3A_1154 = tpu.vector_load %arg10[%swap3A_1152, %swap3A_1153] {strides = array<i32>} : memref<128x128xf32, #tpu.memory_space<vmem>>, vector<1x16xf32>,
        %swap3A_1155 = vector.shape_cast %swap3A_1154 : vector<1x16xf32> to vector<16xf32>
        %swap3A_1156 = vector.shape_cast %mul3A_1149 : vector<16xf32> to vector<1x16xf32>
        tpu.vector_store %arg10[%swap3A_1152, %swap3A_1153], %swap3A_1156 {strides = array<i32>} : memref<128x128xf32, #tpu.memory_space<vmem>>, vector<1x16xf32>,
        %add3A_1157 = arith.constant 7 : i32
        %add3A_1158 = arith.addi %mul3A_198, %add3A_1157 : i32
        %get3A_1159 = arith.index_cast %add3A_1158 : i32 to index
        %get3A_1160 = arith.constant 112 : index
        %get3A_1161 = tpu.vector_load %arg10[%get3A_1159, %get3A_1160] {strides = array<i32>} : memref<128x128xf32, #tpu.memory_space<vmem>>, vector<1x16xf32>,
        %get3A_1162 = vector.shape_cast %get3A_1161 : vector<1x16xf32> to vector<16xf32>
        %mul3A_1163 = vector.broadcast %squeeze3A_1051 : f32 to vector<16xf32>
        %mul3A_1164 = arith.mulf %get3A_1162, %mul3A_1163 : vector<16xf32>
        %add3A_1165 = arith.constant 7 : i32
        %add3A_1166 = arith.addi %mul3A_198, %add3A_1165 : i32
        %swap3A_1167 = arith.index_cast %add3A_1166 : i32 to index
        %swap3A_1168 = arith.constant 112 : index
        %swap3A_1169 = tpu.vector_load %arg10[%swap3A_1167, %swap3A_1168] {strides = array<i32>} : memref<128x128xf32, #tpu.memory_space<vmem>>, vector<1x16xf32>,
        %swap3A_1170 = vector.shape_cast %swap3A_1169 : vector<1x16xf32> to vector<16xf32>
        %swap3A_1171 = vector.shape_cast %mul3A_1164 : vector<16xf32> to vector<1x16xf32>
        tpu.vector_store %arg10[%swap3A_1167, %swap3A_1168], %swap3A_1171 {strides = array<i32>} : memref<128x128xf32, #tpu.memory_space<vmem>>, vector<1x16xf32>,
        %slice3A_1172 = vector.extract_strided_slice %get3A_196 {offsets = [8], sizes = [1], strides = [1]} : vector<16xf32> to vector<1xf32>
        %squeeze3A_1173 = vector.extract %slice3A_1172[0] : f32 from vector<1xf32>
        %add3A_1174 = arith.constant 8 : i32
        %add3A_1175 = arith.addi %mul3A_198, %add3A_1174 : i32
        %get3A_1176 = arith.index_cast %add3A_1175 : i32 to index
        %get3A_1177 = arith.constant 0 : index
        %get3A_1178 = tpu.vector_load %arg10[%get3A_1176, %get3A_1177] {strides = array<i32>} : memref<128x128xf32, #tpu.memory_space<vmem>>, vector<1x16xf32>,
        %get3A_1179 = vector.shape_cast %get3A_1178 : vector<1x16xf32> to vector<16xf32>
        %mul3A_1180 = vector.broadcast %squeeze3A_1173 : f32 to vector<16xf32>
        %mul3A_1181 = arith.mulf %get3A_1179, %mul3A_1180 : vector<16xf32>
        %add3A_1182 = arith.constant 8 : i32
        %add3A_1183 = arith.addi %mul3A_198, %add3A_1182 : i32
        %swap3A_1184 = arith.index_cast %add3A_1183 : i32 to index
        %swap3A_1185 = arith.constant 0 : index
        %swap3A_1186 = tpu.vector_load %arg10[%swap3A_1184, %swap3A_1185] {strides = array<i32>} : memref<128x128xf32, #tpu.memory_space<vmem>>, vector<1x16xf32>,
        %swap3A_1187 = vector.shape_cast %swap3A_1186 : vector<1x16xf32> to vector<16xf32>
        %swap3A_1188 = vector.shape_cast %mul3A_1181 : vector<16xf32> to vector<1x16xf32>
        tpu.vector_store %arg10[%swap3A_1184, %swap3A_1185], %swap3A_1188 {strides = array<i32>} : memref<128x128xf32, #tpu.memory_space<vmem>>, vector<1x16xf32>,
        %add3A_1189 = arith.constant 8 : i32
        %add3A_1190 = arith.addi %mul3A_198, %add3A_1189 : i32
        %get3A_1191 = arith.index_cast %add3A_1190 : i32 to index
        %get3A_1192 = arith.constant 16 : index
        %get3A_1193 = tpu.vector_load %arg10[%get3A_1191, %get3A_1192] {strides = array<i32>} : memref<128x128xf32, #tpu.memory_space<vmem>>, vector<1x16xf32>,
        %get3A_1194 = vector.shape_cast %get3A_1193 : vector<1x16xf32> to vector<16xf32>
        %mul3A_1195 = vector.broadcast %squeeze3A_1173 : f32 to vector<16xf32>
        %mul3A_1196 = arith.mulf %get3A_1194, %mul3A_1195 : vector<16xf32>
        %add3A_1197 = arith.constant 8 : i32
        %add3A_1198 = arith.addi %mul3A_198, %add3A_1197 : i32
        %swap3A_1199 = arith.index_cast %add3A_1198 : i32 to index
        %swap3A_1200 = arith.constant 16 : index
        %swap3A_1201 = tpu.vector_load %arg10[%swap3A_1199, %swap3A_1200] {strides = array<i32>} : memref<128x128xf32, #tpu.memory_space<vmem>>, vector<1x16xf32>,
        %swap3A_1202 = vector.shape_cast %swap3A_1201 : vector<1x16xf32> to vector<16xf32>
        %swap3A_1203 = vector.shape_cast %mul3A_1196 : vector<16xf32> to vector<1x16xf32>
        tpu.vector_store %arg10[%swap3A_1199, %swap3A_1200], %swap3A_1203 {strides = array<i32>} : memref<128x128xf32, #tpu.memory_space<vmem>>, vector<1x16xf32>,
        %add3A_1204 = arith.constant 8 : i32
        %add3A_1205 = arith.addi %mul3A_198, %add3A_1204 : i32
        %get3A_1206 = arith.index_cast %add3A_1205 : i32 to index
        %get3A_1207 = arith.constant 32 : index
        %get3A_1208 = tpu.vector_load %arg10[%get3A_1206, %get3A_1207] {strides = array<i32>} : memref<128x128xf32, #tpu.memory_space<vmem>>, vector<1x16xf32>,
        %get3A_1209 = vector.shape_cast %get3A_1208 : vector<1x16xf32> to vector<16xf32>
        %mul3A_1210 = vector.broadcast %squeeze3A_1173 : f32 to vector<16xf32>
        %mul3A_1211 = arith.mulf %get3A_1209, %mul3A_1210 : vector<16xf32>
        %add3A_1212 = arith.constant 8 : i32
        %add3A_1213 = arith.addi %mul3A_198, %add3A_1212 : i32
        %swap3A_1214 = arith.index_cast %add3A_1213 : i32 to index
        %swap3A_1215 = arith.constant 32 : index
        %swap3A_1216 = tpu.vector_load %arg10[%swap3A_1214, %swap3A_1215] {strides = array<i32>} : memref<128x128xf32, #tpu.memory_space<vmem>>, vector<1x16xf32>,
        %swap3A_1217 = vector.shape_cast %swap3A_1216 : vector<1x16xf32> to vector<16xf32>
        %swap3A_1218 = vector.shape_cast %mul3A_1211 : vector<16xf32> to vector<1x16xf32>
        tpu.vector_store %arg10[%swap3A_1214, %swap3A_1215], %swap3A_1218 {strides = array<i32>} : memref<128x128xf32, #tpu.memory_space<vmem>>, vector<1x16xf32>,
        %add3A_1219 = arith.constant 8 : i32
        %add3A_1220 = arith.addi %mul3A_198, %add3A_1219 : i32
        %get3A_1221 = arith.index_cast %add3A_1220 : i32 to index
        %get3A_1222 = arith.constant 48 : index
        %get3A_1223 = tpu.vector_load %arg10[%get3A_1221, %get3A_1222] {strides = array<i32>} : memref<128x128xf32, #tpu.memory_space<vmem>>, vector<1x16xf32>,
        %get3A_1224 = vector.shape_cast %get3A_1223 : vector<1x16xf32> to vector<16xf32>
        %mul3A_1225 = vector.broadcast %squeeze3A_1173 : f32 to vector<16xf32>
        %mul3A_1226 = arith.mulf %get3A_1224, %mul3A_1225 : vector<16xf32>
        %add3A_1227 = arith.constant 8 : i32
        %add3A_1228 = arith.addi %mul3A_198, %add3A_1227 : i32
        %swap3A_1229 = arith.index_cast %add3A_1228 : i32 to index
        %swap3A_1230 = arith.constant 48 : index
        %swap3A_1231 = tpu.vector_load %arg10[%swap3A_1229, %swap3A_1230] {strides = array<i32>} : memref<128x128xf32, #tpu.memory_space<vmem>>, vector<1x16xf32>,
        %swap3A_1232 = vector.shape_cast %swap3A_1231 : vector<1x16xf32> to vector<16xf32>
        %swap3A_1233 = vector.shape_cast %mul3A_1226 : vector<16xf32> to vector<1x16xf32>
        tpu.vector_store %arg10[%swap3A_1229, %swap3A_1230], %swap3A_1233 {strides = array<i32>} : memref<128x128xf32, #tpu.memory_space<vmem>>, vector<1x16xf32>,
        %add3A_1234 = arith.constant 8 : i32
        %add3A_1235 = arith.addi %mul3A_198, %add3A_1234 : i32
        %get3A_1236 = arith.index_cast %add3A_1235 : i32 to index
        %get3A_1237 = arith.constant 64 : index
        %get3A_1238 = tpu.vector_load %arg10[%get3A_1236, %get3A_1237] {strides = array<i32>} : memref<128x128xf32, #tpu.memory_space<vmem>>, vector<1x16xf32>,
        %get3A_1239 = vector.shape_cast %get3A_1238 : vector<1x16xf32> to vector<16xf32>
        %mul3A_1240 = vector.broadcast %squeeze3A_1173 : f32 to vector<16xf32>
        %mul3A_1241 = arith.mulf %get3A_1239, %mul3A_1240 : vector<16xf32>
        %add3A_1242 = arith.constant 8 : i32
        %add3A_1243 = arith.addi %mul3A_198, %add3A_1242 : i32
        %swap3A_1244 = arith.index_cast %add3A_1243 : i32 to index
        %swap3A_1245 = arith.constant 64 : index
        %swap3A_1246 = tpu.vector_load %arg10[%swap3A_1244, %swap3A_1245] {strides = array<i32>} : memref<128x128xf32, #tpu.memory_space<vmem>>, vector<1x16xf32>,
        %swap3A_1247 = vector.shape_cast %swap3A_1246 : vector<1x16xf32> to vector<16xf32>
        %swap3A_1248 = vector.shape_cast %mul3A_1241 : vector<16xf32> to vector<1x16xf32>
        tpu.vector_store %arg10[%swap3A_1244, %swap3A_1245], %swap3A_1248 {strides = array<i32>} : memref<128x128xf32, #tpu.memory_space<vmem>>, vector<1x16xf32>,
        %add3A_1249 = arith.constant 8 : i32
        %add3A_1250 = arith.addi %mul3A_198, %add3A_1249 : i32
        %get3A_1251 = arith.index_cast %add3A_1250 : i32 to index
        %get3A_1252 = arith.constant 80 : index
        %get3A_1253 = tpu.vector_load %arg10[%get3A_1251, %get3A_1252] {strides = array<i32>} : memref<128x128xf32, #tpu.memory_space<vmem>>, vector<1x16xf32>,
        %get3A_1254 = vector.shape_cast %get3A_1253 : vector<1x16xf32> to vector<16xf32>
        %mul3A_1255 = vector.broadcast %squeeze3A_1173 : f32 to vector<16xf32>
        %mul3A_1256 = arith.mulf %get3A_1254, %mul3A_1255 : vector<16xf32>
        %add3A_1257 = arith.constant 8 : i32
        %add3A_1258 = arith.addi %mul3A_198, %add3A_1257 : i32
        %swap3A_1259 = arith.index_cast %add3A_1258 : i32 to index
        %swap3A_1260 = arith.constant 80 : index
        %swap3A_1261 = tpu.vector_load %arg10[%swap3A_1259, %swap3A_1260] {strides = array<i32>} : memref<128x128xf32, #tpu.memory_space<vmem>>, vector<1x16xf32>,
        %swap3A_1262 = vector.shape_cast %swap3A_1261 : vector<1x16xf32> to vector<16xf32>
        %swap3A_1263 = vector.shape_cast %mul3A_1256 : vector<16xf32> to vector<1x16xf32>
        tpu.vector_store %arg10[%swap3A_1259, %swap3A_1260], %swap3A_1263 {strides = array<i32>} : memref<128x128xf32, #tpu.memory_space<vmem>>, vector<1x16xf32>,
        %add3A_1264 = arith.constant 8 : i32
        %add3A_1265 = arith.addi %mul3A_198, %add3A_1264 : i32
        %get3A_1266 = arith.index_cast %add3A_1265 : i32 to index
        %get3A_1267 = arith.constant 96 : index
        %get3A_1268 = tpu.vector_load %arg10[%get3A_1266, %get3A_1267] {strides = array<i32>} : memref<128x128xf32, #tpu.memory_space<vmem>>, vector<1x16xf32>,
        %get3A_1269 = vector.shape_cast %get3A_1268 : vector<1x16xf32> to vector<16xf32>
        %mul3A_1270 = vector.broadcast %squeeze3A_1173 : f32 to vector<16xf32>
        %mul3A_1271 = arith.mulf %get3A_1269, %mul3A_1270 : vector<16xf32>
        %add3A_1272 = arith.constant 8 : i32
        %add3A_1273 = arith.addi %mul3A_198, %add3A_1272 : i32
        %swap3A_1274 = arith.index_cast %add3A_1273 : i32 to index
        %swap3A_1275 = arith.constant 96 : index
        %swap3A_1276 = tpu.vector_load %arg10[%swap3A_1274, %swap3A_1275] {strides = array<i32>} : memref<128x128xf32, #tpu.memory_space<vmem>>, vector<1x16xf32>,
        %swap3A_1277 = vector.shape_cast %swap3A_1276 : vector<1x16xf32> to vector<16xf32>
        %swap3A_1278 = vector.shape_cast %mul3A_1271 : vector<16xf32> to vector<1x16xf32>
        tpu.vector_store %arg10[%swap3A_1274, %swap3A_1275], %swap3A_1278 {strides = array<i32>} : memref<128x128xf32, #tpu.memory_space<vmem>>, vector<1x16xf32>,
        %add3A_1279 = arith.constant 8 : i32
        %add3A_1280 = arith.addi %mul3A_198, %add3A_1279 : i32
        %get3A_1281 = arith.index_cast %add3A_1280 : i32 to index
        %get3A_1282 = arith.constant 112 : index
        %get3A_1283 = tpu.vector_load %arg10[%get3A_1281, %get3A_1282] {strides = array<i32>} : memref<128x128xf32, #tpu.memory_space<vmem>>, vector<1x16xf32>,
        %get3A_1284 = vector.shape_cast %get3A_1283 : vector<1x16xf32> to vector<16xf32>
        %mul3A_1285 = vector.broadcast %squeeze3A_1173 : f32 to vector<16xf32>
        %mul3A_1286 = arith.mulf %get3A_1284, %mul3A_1285 : vector<16xf32>
        %add3A_1287 = arith.constant 8 : i32
        %add3A_1288 = arith.addi %mul3A_198, %add3A_1287 : i32
        %swap3A_1289 = arith.index_cast %add3A_1288 : i32 to index
        %swap3A_1290 = arith.constant 112 : index
        %swap3A_1291 = tpu.vector_load %arg10[%swap3A_1289, %swap3A_1290] {strides = array<i32>} : memref<128x128xf32, #tpu.memory_space<vmem>>, vector<1x16xf32>,
        %swap3A_1292 = vector.shape_cast %swap3A_1291 : vector<1x16xf32> to vector<16xf32>
        %swap3A_1293 = vector.shape_cast %mul3A_1286 : vector<16xf32> to vector<1x16xf32>
        tpu.vector_store %arg10[%swap3A_1289, %swap3A_1290], %swap3A_1293 {strides = array<i32>} : memref<128x128xf32, #tpu.memory_space<vmem>>, vector<1x16xf32>,
        %slice3A_1294 = vector.extract_strided_slice %get3A_196 {offsets = [9], sizes = [1], strides = [1]} : vector<16xf32> to vector<1xf32>
        %squeeze3A_1295 = vector.extract %slice3A_1294[0] : f32 from vector<1xf32>
        %add3A_1296 = arith.constant 9 : i32
        %add3A_1297 = arith.addi %mul3A_198, %add3A_1296 : i32
        %get3A_1298 = arith.index_cast %add3A_1297 : i32 to index
        %get3A_1299 = arith.constant 0 : index
        %get3A_1300 = tpu.vector_load %arg10[%get3A_1298, %get3A_1299] {strides = array<i32>} : memref<128x128xf32, #tpu.memory_space<vmem>>, vector<1x16xf32>,
        %get3A_1301 = vector.shape_cast %get3A_1300 : vector<1x16xf32> to vector<16xf32>
        %mul3A_1302 = vector.broadcast %squeeze3A_1295 : f32 to vector<16xf32>
        %mul3A_1303 = arith.mulf %get3A_1301, %mul3A_1302 : vector<16xf32>
        %add3A_1304 = arith.constant 9 : i32
        %add3A_1305 = arith.addi %mul3A_198, %add3A_1304 : i32
        %swap3A_1306 = arith.index_cast %add3A_1305 : i32 to index
        %swap3A_1307 = arith.constant 0 : index
        %swap3A_1308 = tpu.vector_load %arg10[%swap3A_1306, %swap3A_1307] {strides = array<i32>} : memref<128x128xf32, #tpu.memory_space<vmem>>, vector<1x16xf32>,
        %swap3A_1309 = vector.shape_cast %swap3A_1308 : vector<1x16xf32> to vector<16xf32>
        %swap3A_1310 = vector.shape_cast %mul3A_1303 : vector<16xf32> to vector<1x16xf32>
        tpu.vector_store %arg10[%swap3A_1306, %swap3A_1307], %swap3A_1310 {strides = array<i32>} : memref<128x128xf32, #tpu.memory_space<vmem>>, vector<1x16xf32>,
        %add3A_1311 = arith.constant 9 : i32
        %add3A_1312 = arith.addi %mul3A_198, %add3A_1311 : i32
        %get3A_1313 = arith.index_cast %add3A_1312 : i32 to index
        %get3A_1314 = arith.constant 16 : index
        %get3A_1315 = tpu.vector_load %arg10[%get3A_1313, %get3A_1314] {strides = array<i32>} : memref<128x128xf32, #tpu.memory_space<vmem>>, vector<1x16xf32>,
        %get3A_1316 = vector.shape_cast %get3A_1315 : vector<1x16xf32> to vector<16xf32>
        %mul3A_1317 = vector.broadcast %squeeze3A_1295 : f32 to vector<16xf32>
        %mul3A_1318 = arith.mulf %get3A_1316, %mul3A_1317 : vector<16xf32>
        %add3A_1319 = arith.constant 9 : i32
        %add3A_1320 = arith.addi %mul3A_198, %add3A_1319 : i32
        %swap3A_1321 = arith.index_cast %add3A_1320 : i32 to index
        %swap3A_1322 = arith.constant 16 : index
        %swap3A_1323 = tpu.vector_load %arg10[%swap3A_1321, %swap3A_1322] {strides = array<i32>} : memref<128x128xf32, #tpu.memory_space<vmem>>, vector<1x16xf32>,
        %swap3A_1324 = vector.shape_cast %swap3A_1323 : vector<1x16xf32> to vector<16xf32>
        %swap3A_1325 = vector.shape_cast %mul3A_1318 : vector<16xf32> to vector<1x16xf32>
        tpu.vector_store %arg10[%swap3A_1321, %swap3A_1322], %swap3A_1325 {strides = array<i32>} : memref<128x128xf32, #tpu.memory_space<vmem>>, vector<1x16xf32>,
        %add3A_1326 = arith.constant 9 : i32
        %add3A_1327 = arith.addi %mul3A_198, %add3A_1326 : i32
        %get3A_1328 = arith.index_cast %add3A_1327 : i32 to index
        %get3A_1329 = arith.constant 32 : index
        %get3A_1330 = tpu.vector_load %arg10[%get3A_1328, %get3A_1329] {strides = array<i32>} : memref<128x128xf32, #tpu.memory_space<vmem>>, vector<1x16xf32>,
        %get3A_1331 = vector.shape_cast %get3A_1330 : vector<1x16xf32> to vector<16xf32>
        %mul3A_1332 = vector.broadcast %squeeze3A_1295 : f32 to vector<16xf32>
        %mul3A_1333 = arith.mulf %get3A_1331, %mul3A_1332 : vector<16xf32>
        %add3A_1334 = arith.constant 9 : i32
        %add3A_1335 = arith.addi %mul3A_198, %add3A_1334 : i32
        %swap3A_1336 = arith.index_cast %add3A_1335 : i32 to index
        %swap3A_1337 = arith.constant 32 : index
        %swap3A_1338 = tpu.vector_load %arg10[%swap3A_1336, %swap3A_1337] {strides = array<i32>} : memref<128x128xf32, #tpu.memory_space<vmem>>, vector<1x16xf32>,
        %swap3A_1339 = vector.shape_cast %swap3A_1338 : vector<1x16xf32> to vector<16xf32>
        %swap3A_1340 = vector.shape_cast %mul3A_1333 : vector<16xf32> to vector<1x16xf32>
        tpu.vector_store %arg10[%swap3A_1336, %swap3A_1337], %swap3A_1340 {strides = array<i32>} : memref<128x128xf32, #tpu.memory_space<vmem>>, vector<1x16xf32>,
        %add3A_1341 = arith.constant 9 : i32
        %add3A_1342 = arith.addi %mul3A_198, %add3A_1341 : i32
        %get3A_1343 = arith.index_cast %add3A_1342 : i32 to index
        %get3A_1344 = arith.constant 48 : index
        %get3A_1345 = tpu.vector_load %arg10[%get3A_1343, %get3A_1344] {strides = array<i32>} : memref<128x128xf32, #tpu.memory_space<vmem>>, vector<1x16xf32>,
        %get3A_1346 = vector.shape_cast %get3A_1345 : vector<1x16xf32> to vector<16xf32>
        %mul3A_1347 = vector.broadcast %squeeze3A_1295 : f32 to vector<16xf32>
        %mul3A_1348 = arith.mulf %get3A_1346, %mul3A_1347 : vector<16xf32>
        %add3A_1349 = arith.constant 9 : i32
        %add3A_1350 = arith.addi %mul3A_198, %add3A_1349 : i32
        %swap3A_1351 = arith.index_cast %add3A_1350 : i32 to index
        %swap3A_1352 = arith.constant 48 : index
        %swap3A_1353 = tpu.vector_load %arg10[%swap3A_1351, %swap3A_1352] {strides = array<i32>} : memref<128x128xf32, #tpu.memory_space<vmem>>, vector<1x16xf32>,
        %swap3A_1354 = vector.shape_cast %swap3A_1353 : vector<1x16xf32> to vector<16xf32>
        %swap3A_1355 = vector.shape_cast %mul3A_1348 : vector<16xf32> to vector<1x16xf32>
        tpu.vector_store %arg10[%swap3A_1351, %swap3A_1352], %swap3A_1355 {strides = array<i32>} : memref<128x128xf32, #tpu.memory_space<vmem>>, vector<1x16xf32>,
        %add3A_1356 = arith.constant 9 : i32
        %add3A_1357 = arith.addi %mul3A_198, %add3A_1356 : i32
        %get3A_1358 = arith.index_cast %add3A_1357 : i32 to index
        %get3A_1359 = arith.constant 64 : index
        %get3A_1360 = tpu.vector_load %arg10[%get3A_1358, %get3A_1359] {strides = array<i32>} : memref<128x128xf32, #tpu.memory_space<vmem>>, vector<1x16xf32>,
        %get3A_1361 = vector.shape_cast %get3A_1360 : vector<1x16xf32> to vector<16xf32>
        %mul3A_1362 = vector.broadcast %squeeze3A_1295 : f32 to vector<16xf32>
        %mul3A_1363 = arith.mulf %get3A_1361, %mul3A_1362 : vector<16xf32>
        %add3A_1364 = arith.constant 9 : i32
        %add3A_1365 = arith.addi %mul3A_198, %add3A_1364 : i32
        %swap3A_1366 = arith.index_cast %add3A_1365 : i32 to index
        %swap3A_1367 = arith.constant 64 : index
        %swap3A_1368 = tpu.vector_load %arg10[%swap3A_1366, %swap3A_1367] {strides = array<i32>} : memref<128x128xf32, #tpu.memory_space<vmem>>, vector<1x16xf32>,
        %swap3A_1369 = vector.shape_cast %swap3A_1368 : vector<1x16xf32> to vector<16xf32>
        %swap3A_1370 = vector.shape_cast %mul3A_1363 : vector<16xf32> to vector<1x16xf32>
        tpu.vector_store %arg10[%swap3A_1366, %swap3A_1367], %swap3A_1370 {strides = array<i32>} : memref<128x128xf32, #tpu.memory_space<vmem>>, vector<1x16xf32>,
        %add3A_1371 = arith.constant 9 : i32
        %add3A_1372 = arith.addi %mul3A_198, %add3A_1371 : i32
        %get3A_1373 = arith.index_cast %add3A_1372 : i32 to index
        %get3A_1374 = arith.constant 80 : index
        %get3A_1375 = tpu.vector_load %arg10[%get3A_1373, %get3A_1374] {strides = array<i32>} : memref<128x128xf32, #tpu.memory_space<vmem>>, vector<1x16xf32>,
        %get3A_1376 = vector.shape_cast %get3A_1375 : vector<1x16xf32> to vector<16xf32>
        %mul3A_1377 = vector.broadcast %squeeze3A_1295 : f32 to vector<16xf32>
        %mul3A_1378 = arith.mulf %get3A_1376, %mul3A_1377 : vector<16xf32>
        %add3A_1379 = arith.constant 9 : i32
        %add3A_1380 = arith.addi %mul3A_198, %add3A_1379 : i32
        %swap3A_1381 = arith.index_cast %add3A_1380 : i32 to index
        %swap3A_1382 = arith.constant 80 : index
        %swap3A_1383 = tpu.vector_load %arg10[%swap3A_1381, %swap3A_1382] {strides = array<i32>} : memref<128x128xf32, #tpu.memory_space<vmem>>, vector<1x16xf32>,
        %swap3A_1384 = vector.shape_cast %swap3A_1383 : vector<1x16xf32> to vector<16xf32>
        %swap3A_1385 = vector.shape_cast %mul3A_1378 : vector<16xf32> to vector<1x16xf32>
        tpu.vector_store %arg10[%swap3A_1381, %swap3A_1382], %swap3A_1385 {strides = array<i32>} : memref<128x128xf32, #tpu.memory_space<vmem>>, vector<1x16xf32>,
        %add3A_1386 = arith.constant 9 : i32
        %add3A_1387 = arith.addi %mul3A_198, %add3A_1386 : i32
        %get3A_1388 = arith.index_cast %add3A_1387 : i32 to index
        %get3A_1389 = arith.constant 96 : index
        %get3A_1390 = tpu.vector_load %arg10[%get3A_1388, %get3A_1389] {strides = array<i32>} : memref<128x128xf32, #tpu.memory_space<vmem>>, vector<1x16xf32>,
        %get3A_1391 = vector.shape_cast %get3A_1390 : vector<1x16xf32> to vector<16xf32>
        %mul3A_1392 = vector.broadcast %squeeze3A_1295 : f32 to vector<16xf32>
        %mul3A_1393 = arith.mulf %get3A_1391, %mul3A_1392 : vector<16xf32>
        %add3A_1394 = arith.constant 9 : i32
        %add3A_1395 = arith.addi %mul3A_198, %add3A_1394 : i32
        %swap3A_1396 = arith.index_cast %add3A_1395 : i32 to index
        %swap3A_1397 = arith.constant 96 : index
        %swap3A_1398 = tpu.vector_load %arg10[%swap3A_1396, %swap3A_1397] {strides = array<i32>} : memref<128x128xf32, #tpu.memory_space<vmem>>, vector<1x16xf32>,
        %swap3A_1399 = vector.shape_cast %swap3A_1398 : vector<1x16xf32> to vector<16xf32>
        %swap3A_1400 = vector.shape_cast %mul3A_1393 : vector<16xf32> to vector<1x16xf32>
        tpu.vector_store %arg10[%swap3A_1396, %swap3A_1397], %swap3A_1400 {strides = array<i32>} : memref<128x128xf32, #tpu.memory_space<vmem>>, vector<1x16xf32>,
        %add3A_1401 = arith.constant 9 : i32
        %add3A_1402 = arith.addi %mul3A_198, %add3A_1401 : i32
        %get3A_1403 = arith.index_cast %add3A_1402 : i32 to index
        %get3A_1404 = arith.constant 112 : index
        %get3A_1405 = tpu.vector_load %arg10[%get3A_1403, %get3A_1404] {strides = array<i32>} : memref<128x128xf32, #tpu.memory_space<vmem>>, vector<1x16xf32>,
        %get3A_1406 = vector.shape_cast %get3A_1405 : vector<1x16xf32> to vector<16xf32>
        %mul3A_1407 = vector.broadcast %squeeze3A_1295 : f32 to vector<16xf32>
        %mul3A_1408 = arith.mulf %get3A_1406, %mul3A_1407 : vector<16xf32>
        %add3A_1409 = arith.constant 9 : i32
        %add3A_1410 = arith.addi %mul3A_198, %add3A_1409 : i32
        %swap3A_1411 = arith.index_cast %add3A_1410 : i32 to index
        %swap3A_1412 = arith.constant 112 : index
        %swap3A_1413 = tpu.vector_load %arg10[%swap3A_1411, %swap3A_1412] {strides = array<i32>} : memref<128x128xf32, #tpu.memory_space<vmem>>, vector<1x16xf32>,
        %swap3A_1414 = vector.shape_cast %swap3A_1413 : vector<1x16xf32> to vector<16xf32>
        %swap3A_1415 = vector.shape_cast %mul3A_1408 : vector<16xf32> to vector<1x16xf32>
        tpu.vector_store %arg10[%swap3A_1411, %swap3A_1412], %swap3A_1415 {strides = array<i32>} : memref<128x128xf32, #tpu.memory_space<vmem>>, vector<1x16xf32>,
        %slice3A_1416 = vector.extract_strided_slice %get3A_196 {offsets = [10], sizes = [1], strides = [1]} : vector<16xf32> to vector<1xf32>
        %squeeze3A_1417 = vector.extract %slice3A_1416[0] : f32 from vector<1xf32>
        %add3A_1418 = arith.constant 10 : i32
        %add3A_1419 = arith.addi %mul3A_198, %add3A_1418 : i32
        %get3A_1420 = arith.index_cast %add3A_1419 : i32 to index
        %get3A_1421 = arith.constant 0 : index
        %get3A_1422 = tpu.vector_load %arg10[%get3A_1420, %get3A_1421] {strides = array<i32>} : memref<128x128xf32, #tpu.memory_space<vmem>>, vector<1x16xf32>,
        %get3A_1423 = vector.shape_cast %get3A_1422 : vector<1x16xf32> to vector<16xf32>
        %mul3A_1424 = vector.broadcast %squeeze3A_1417 : f32 to vector<16xf32>
        %mul3A_1425 = arith.mulf %get3A_1423, %mul3A_1424 : vector<16xf32>
        %add3A_1426 = arith.constant 10 : i32
        %add3A_1427 = arith.addi %mul3A_198, %add3A_1426 : i32
        %swap3A_1428 = arith.index_cast %add3A_1427 : i32 to index
        %swap3A_1429 = arith.constant 0 : index
        %swap3A_1430 = tpu.vector_load %arg10[%swap3A_1428, %swap3A_1429] {strides = array<i32>} : memref<128x128xf32, #tpu.memory_space<vmem>>, vector<1x16xf32>,
        %swap3A_1431 = vector.shape_cast %swap3A_1430 : vector<1x16xf32> to vector<16xf32>
        %swap3A_1432 = vector.shape_cast %mul3A_1425 : vector<16xf32> to vector<1x16xf32>
        tpu.vector_store %arg10[%swap3A_1428, %swap3A_1429], %swap3A_1432 {strides = array<i32>} : memref<128x128xf32, #tpu.memory_space<vmem>>, vector<1x16xf32>,
        %add3A_1433 = arith.constant 10 : i32
        %add3A_1434 = arith.addi %mul3A_198, %add3A_1433 : i32
        %get3A_1435 = arith.index_cast %add3A_1434 : i32 to index
        %get3A_1436 = arith.constant 16 : index
        %get3A_1437 = tpu.vector_load %arg10[%get3A_1435, %get3A_1436] {strides = array<i32>} : memref<128x128xf32, #tpu.memory_space<vmem>>, vector<1x16xf32>,
        %get3A_1438 = vector.shape_cast %get3A_1437 : vector<1x16xf32> to vector<16xf32>
        %mul3A_1439 = vector.broadcast %squeeze3A_1417 : f32 to vector<16xf32>
        %mul3A_1440 = arith.mulf %get3A_1438, %mul3A_1439 : vector<16xf32>
        %add3A_1441 = arith.constant 10 : i32
        %add3A_1442 = arith.addi %mul3A_198, %add3A_1441 : i32
        %swap3A_1443 = arith.index_cast %add3A_1442 : i32 to index
        %swap3A_1444 = arith.constant 16 : index
        %swap3A_1445 = tpu.vector_load %arg10[%swap3A_1443, %swap3A_1444] {strides = array<i32>} : memref<128x128xf32, #tpu.memory_space<vmem>>, vector<1x16xf32>,
        %swap3A_1446 = vector.shape_cast %swap3A_1445 : vector<1x16xf32> to vector<16xf32>
        %swap3A_1447 = vector.shape_cast %mul3A_1440 : vector<16xf32> to vector<1x16xf32>
        tpu.vector_store %arg10[%swap3A_1443, %swap3A_1444], %swap3A_1447 {strides = array<i32>} : memref<128x128xf32, #tpu.memory_space<vmem>>, vector<1x16xf32>,
        %add3A_1448 = arith.constant 10 : i32
        %add3A_1449 = arith.addi %mul3A_198, %add3A_1448 : i32
        %get3A_1450 = arith.index_cast %add3A_1449 : i32 to index
        %get3A_1451 = arith.constant 32 : index
        %get3A_1452 = tpu.vector_load %arg10[%get3A_1450, %get3A_1451] {strides = array<i32>} : memref<128x128xf32, #tpu.memory_space<vmem>>, vector<1x16xf32>,
        %get3A_1453 = vector.shape_cast %get3A_1452 : vector<1x16xf32> to vector<16xf32>
        %mul3A_1454 = vector.broadcast %squeeze3A_1417 : f32 to vector<16xf32>
        %mul3A_1455 = arith.mulf %get3A_1453, %mul3A_1454 : vector<16xf32>
        %add3A_1456 = arith.constant 10 : i32
        %add3A_1457 = arith.addi %mul3A_198, %add3A_1456 : i32
        %swap3A_1458 = arith.index_cast %add3A_1457 : i32 to index
        %swap3A_1459 = arith.constant 32 : index
        %swap3A_1460 = tpu.vector_load %arg10[%swap3A_1458, %swap3A_1459] {strides = array<i32>} : memref<128x128xf32, #tpu.memory_space<vmem>>, vector<1x16xf32>,
        %swap3A_1461 = vector.shape_cast %swap3A_1460 : vector<1x16xf32> to vector<16xf32>
        %swap3A_1462 = vector.shape_cast %mul3A_1455 : vector<16xf32> to vector<1x16xf32>
        tpu.vector_store %arg10[%swap3A_1458, %swap3A_1459], %swap3A_1462 {strides = array<i32>} : memref<128x128xf32, #tpu.memory_space<vmem>>, vector<1x16xf32>,
        %add3A_1463 = arith.constant 10 : i32
        %add3A_1464 = arith.addi %mul3A_198, %add3A_1463 : i32
        %get3A_1465 = arith.index_cast %add3A_1464 : i32 to index
        %get3A_1466 = arith.constant 48 : index
        %get3A_1467 = tpu.vector_load %arg10[%get3A_1465, %get3A_1466] {strides = array<i32>} : memref<128x128xf32, #tpu.memory_space<vmem>>, vector<1x16xf32>,
        %get3A_1468 = vector.shape_cast %get3A_1467 : vector<1x16xf32> to vector<16xf32>
        %mul3A_1469 = vector.broadcast %squeeze3A_1417 : f32 to vector<16xf32>
        %mul3A_1470 = arith.mulf %get3A_1468, %mul3A_1469 : vector<16xf32>
        %add3A_1471 = arith.constant 10 : i32
        %add3A_1472 = arith.addi %mul3A_198, %add3A_1471 : i32
        %swap3A_1473 = arith.index_cast %add3A_1472 : i32 to index
        %swap3A_1474 = arith.constant 48 : index
        %swap3A_1475 = tpu.vector_load %arg10[%swap3A_1473, %swap3A_1474] {strides = array<i32>} : memref<128x128xf32, #tpu.memory_space<vmem>>, vector<1x16xf32>,
        %swap3A_1476 = vector.shape_cast %swap3A_1475 : vector<1x16xf32> to vector<16xf32>
        %swap3A_1477 = vector.shape_cast %mul3A_1470 : vector<16xf32> to vector<1x16xf32>
        tpu.vector_store %arg10[%swap3A_1473, %swap3A_1474], %swap3A_1477 {strides = array<i32>} : memref<128x128xf32, #tpu.memory_space<vmem>>, vector<1x16xf32>,
        %add3A_1478 = arith.constant 10 : i32
        %add3A_1479 = arith.addi %mul3A_198, %add3A_1478 : i32
        %get3A_1480 = arith.index_cast %add3A_1479 : i32 to index
        %get3A_1481 = arith.constant 64 : index
        %get3A_1482 = tpu.vector_load %arg10[%get3A_1480, %get3A_1481] {strides = array<i32>} : memref<128x128xf32, #tpu.memory_space<vmem>>, vector<1x16xf32>,
        %get3A_1483 = vector.shape_cast %get3A_1482 : vector<1x16xf32> to vector<16xf32>
        %mul3A_1484 = vector.broadcast %squeeze3A_1417 : f32 to vector<16xf32>
        %mul3A_1485 = arith.mulf %get3A_1483, %mul3A_1484 : vector<16xf32>
        %add3A_1486 = arith.constant 10 : i32
        %add3A_1487 = arith.addi %mul3A_198, %add3A_1486 : i32
        %swap3A_1488 = arith.index_cast %add3A_1487 : i32 to index
        %swap3A_1489 = arith.constant 64 : index
        %swap3A_1490 = tpu.vector_load %arg10[%swap3A_1488, %swap3A_1489] {strides = array<i32>} : memref<128x128xf32, #tpu.memory_space<vmem>>, vector<1x16xf32>,
        %swap3A_1491 = vector.shape_cast %swap3A_1490 : vector<1x16xf32> to vector<16xf32>
        %swap3A_1492 = vector.shape_cast %mul3A_1485 : vector<16xf32> to vector<1x16xf32>
        tpu.vector_store %arg10[%swap3A_1488, %swap3A_1489], %swap3A_1492 {strides = array<i32>} : memref<128x128xf32, #tpu.memory_space<vmem>>, vector<1x16xf32>,
        %add3A_1493 = arith.constant 10 : i32
        %add3A_1494 = arith.addi %mul3A_198, %add3A_1493 : i32
        %get3A_1495 = arith.index_cast %add3A_1494 : i32 to index
        %get3A_1496 = arith.constant 80 : index
        %get3A_1497 = tpu.vector_load %arg10[%get3A_1495, %get3A_1496] {strides = array<i32>} : memref<128x128xf32, #tpu.memory_space<vmem>>, vector<1x16xf32>,
        %get3A_1498 = vector.shape_cast %get3A_1497 : vector<1x16xf32> to vector<16xf32>
        %mul3A_1499 = vector.broadcast %squeeze3A_1417 : f32 to vector<16xf32>
        %mul3A_1500 = arith.mulf %get3A_1498, %mul3A_1499 : vector<16xf32>
        %add3A_1501 = arith.constant 10 : i32
        %add3A_1502 = arith.addi %mul3A_198, %add3A_1501 : i32
        %swap3A_1503 = arith.index_cast %add3A_1502 : i32 to index
        %swap3A_1504 = arith.constant 80 : index
        %swap3A_1505 = tpu.vector_load %arg10[%swap3A_1503, %swap3A_1504] {strides = array<i32>} : memref<128x128xf32, #tpu.memory_space<vmem>>, vector<1x16xf32>,
        %swap3A_1506 = vector.shape_cast %swap3A_1505 : vector<1x16xf32> to vector<16xf32>
        %swap3A_1507 = vector.shape_cast %mul3A_1500 : vector<16xf32> to vector<1x16xf32>
        tpu.vector_store %arg10[%swap3A_1503, %swap3A_1504], %swap3A_1507 {strides = array<i32>} : memref<128x128xf32, #tpu.memory_space<vmem>>, vector<1x16xf32>,
        %add3A_1508 = arith.constant 10 : i32
        %add3A_1509 = arith.addi %mul3A_198, %add3A_1508 : i32
        %get3A_1510 = arith.index_cast %add3A_1509 : i32 to index
        %get3A_1511 = arith.constant 96 : index
        %get3A_1512 = tpu.vector_load %arg10[%get3A_1510, %get3A_1511] {strides = array<i32>} : memref<128x128xf32, #tpu.memory_space<vmem>>, vector<1x16xf32>,
        %get3A_1513 = vector.shape_cast %get3A_1512 : vector<1x16xf32> to vector<16xf32>
        %mul3A_1514 = vector.broadcast %squeeze3A_1417 : f32 to vector<16xf32>
        %mul3A_1515 = arith.mulf %get3A_1513, %mul3A_1514 : vector<16xf32>
        %add3A_1516 = arith.constant 10 : i32
        %add3A_1517 = arith.addi %mul3A_198, %add3A_1516 : i32
        %swap3A_1518 = arith.index_cast %add3A_1517 : i32 to index
        %swap3A_1519 = arith.constant 96 : index
        %swap3A_1520 = tpu.vector_load %arg10[%swap3A_1518, %swap3A_1519] {strides = array<i32>} : memref<128x128xf32, #tpu.memory_space<vmem>>, vector<1x16xf32>,
        %swap3A_1521 = vector.shape_cast %swap3A_1520 : vector<1x16xf32> to vector<16xf32>
        %swap3A_1522 = vector.shape_cast %mul3A_1515 : vector<16xf32> to vector<1x16xf32>
        tpu.vector_store %arg10[%swap3A_1518, %swap3A_1519], %swap3A_1522 {strides = array<i32>} : memref<128x128xf32, #tpu.memory_space<vmem>>, vector<1x16xf32>,
        %add3A_1523 = arith.constant 10 : i32
        %add3A_1524 = arith.addi %mul3A_198, %add3A_1523 : i32
        %get3A_1525 = arith.index_cast %add3A_1524 : i32 to index
        %get3A_1526 = arith.constant 112 : index
        %get3A_1527 = tpu.vector_load %arg10[%get3A_1525, %get3A_1526] {strides = array<i32>} : memref<128x128xf32, #tpu.memory_space<vmem>>, vector<1x16xf32>,
        %get3A_1528 = vector.shape_cast %get3A_1527 : vector<1x16xf32> to vector<16xf32>
        %mul3A_1529 = vector.broadcast %squeeze3A_1417 : f32 to vector<16xf32>
        %mul3A_1530 = arith.mulf %get3A_1528, %mul3A_1529 : vector<16xf32>
        %add3A_1531 = arith.constant 10 : i32
        %add3A_1532 = arith.addi %mul3A_198, %add3A_1531 : i32
        %swap3A_1533 = arith.index_cast %add3A_1532 : i32 to index
        %swap3A_1534 = arith.constant 112 : index
        %swap3A_1535 = tpu.vector_load %arg10[%swap3A_1533, %swap3A_1534] {strides = array<i32>} : memref<128x128xf32, #tpu.memory_space<vmem>>, vector<1x16xf32>,
        %swap3A_1536 = vector.shape_cast %swap3A_1535 : vector<1x16xf32> to vector<16xf32>
        %swap3A_1537 = vector.shape_cast %mul3A_1530 : vector<16xf32> to vector<1x16xf32>
        tpu.vector_store %arg10[%swap3A_1533, %swap3A_1534], %swap3A_1537 {strides = array<i32>} : memref<128x128xf32, #tpu.memory_space<vmem>>, vector<1x16xf32>,
        %slice3A_1538 = vector.extract_strided_slice %get3A_196 {offsets = [11], sizes = [1], strides = [1]} : vector<16xf32> to vector<1xf32>
        %squeeze3A_1539 = vector.extract %slice3A_1538[0] : f32 from vector<1xf32>
        %add3A_1540 = arith.constant 11 : i32
        %add3A_1541 = arith.addi %mul3A_198, %add3A_1540 : i32
        %get3A_1542 = arith.index_cast %add3A_1541 : i32 to index
        %get3A_1543 = arith.constant 0 : index
        %get3A_1544 = tpu.vector_load %arg10[%get3A_1542, %get3A_1543] {strides = array<i32>} : memref<128x128xf32, #tpu.memory_space<vmem>>, vector<1x16xf32>,
        %get3A_1545 = vector.shape_cast %get3A_1544 : vector<1x16xf32> to vector<16xf32>
        %mul3A_1546 = vector.broadcast %squeeze3A_1539 : f32 to vector<16xf32>
        %mul3A_1547 = arith.mulf %get3A_1545, %mul3A_1546 : vector<16xf32>
        %add3A_1548 = arith.constant 11 : i32
        %add3A_1549 = arith.addi %mul3A_198, %add3A_1548 : i32
        %swap3A_1550 = arith.index_cast %add3A_1549 : i32 to index
        %swap3A_1551 = arith.constant 0 : index
        %swap3A_1552 = tpu.vector_load %arg10[%swap3A_1550, %swap3A_1551] {strides = array<i32>} : memref<128x128xf32, #tpu.memory_space<vmem>>, vector<1x16xf32>,
        %swap3A_1553 = vector.shape_cast %swap3A_1552 : vector<1x16xf32> to vector<16xf32>
        %swap3A_1554 = vector.shape_cast %mul3A_1547 : vector<16xf32> to vector<1x16xf32>
        tpu.vector_store %arg10[%swap3A_1550, %swap3A_1551], %swap3A_1554 {strides = array<i32>} : memref<128x128xf32, #tpu.memory_space<vmem>>, vector<1x16xf32>,
        %add3A_1555 = arith.constant 11 : i32
        %add3A_1556 = arith.addi %mul3A_198, %add3A_1555 : i32
        %get3A_1557 = arith.index_cast %add3A_1556 : i32 to index
        %get3A_1558 = arith.constant 16 : index
        %get3A_1559 = tpu.vector_load %arg10[%get3A_1557, %get3A_1558] {strides = array<i32>} : memref<128x128xf32, #tpu.memory_space<vmem>>, vector<1x16xf32>,
        %get3A_1560 = vector.shape_cast %get3A_1559 : vector<1x16xf32> to vector<16xf32>
        %mul3A_1561 = vector.broadcast %squeeze3A_1539 : f32 to vector<16xf32>
        %mul3A_1562 = arith.mulf %get3A_1560, %mul3A_1561 : vector<16xf32>
        %add3A_1563 = arith.constant 11 : i32
        %add3A_1564 = arith.addi %mul3A_198, %add3A_1563 : i32
        %swap3A_1565 = arith.index_cast %add3A_1564 : i32 to index
        %swap3A_1566 = arith.constant 16 : index
        %swap3A_1567 = tpu.vector_load %arg10[%swap3A_1565, %swap3A_1566] {strides = array<i32>} : memref<128x128xf32, #tpu.memory_space<vmem>>, vector<1x16xf32>,
        %swap3A_1568 = vector.shape_cast %swap3A_1567 : vector<1x16xf32> to vector<16xf32>
        %swap3A_1569 = vector.shape_cast %mul3A_1562 : vector<16xf32> to vector<1x16xf32>
        tpu.vector_store %arg10[%swap3A_1565, %swap3A_1566], %swap3A_1569 {strides = array<i32>} : memref<128x128xf32, #tpu.memory_space<vmem>>, vector<1x16xf32>,
        %add3A_1570 = arith.constant 11 : i32
        %add3A_1571 = arith.addi %mul3A_198, %add3A_1570 : i32
        %get3A_1572 = arith.index_cast %add3A_1571 : i32 to index
        %get3A_1573 = arith.constant 32 : index
        %get3A_1574 = tpu.vector_load %arg10[%get3A_1572, %get3A_1573] {strides = array<i32>} : memref<128x128xf32, #tpu.memory_space<vmem>>, vector<1x16xf32>,
        %get3A_1575 = vector.shape_cast %get3A_1574 : vector<1x16xf32> to vector<16xf32>
        %mul3A_1576 = vector.broadcast %squeeze3A_1539 : f32 to vector<16xf32>
        %mul3A_1577 = arith.mulf %get3A_1575, %mul3A_1576 : vector<16xf32>
        %add3A_1578 = arith.constant 11 : i32
        %add3A_1579 = arith.addi %mul3A_198, %add3A_1578 : i32
        %swap3A_1580 = arith.index_cast %add3A_1579 : i32 to index
        %swap3A_1581 = arith.constant 32 : index
        %swap3A_1582 = tpu.vector_load %arg10[%swap3A_1580, %swap3A_1581] {strides = array<i32>} : memref<128x128xf32, #tpu.memory_space<vmem>>, vector<1x16xf32>,
        %swap3A_1583 = vector.shape_cast %swap3A_1582 : vector<1x16xf32> to vector<16xf32>
        %swap3A_1584 = vector.shape_cast %mul3A_1577 : vector<16xf32> to vector<1x16xf32>
        tpu.vector_store %arg10[%swap3A_1580, %swap3A_1581], %swap3A_1584 {strides = array<i32>} : memref<128x128xf32, #tpu.memory_space<vmem>>, vector<1x16xf32>,
        %add3A_1585 = arith.constant 11 : i32
        %add3A_1586 = arith.addi %mul3A_198, %add3A_1585 : i32
        %get3A_1587 = arith.index_cast %add3A_1586 : i32 to index
        %get3A_1588 = arith.constant 48 : index
        %get3A_1589 = tpu.vector_load %arg10[%get3A_1587, %get3A_1588] {strides = array<i32>} : memref<128x128xf32, #tpu.memory_space<vmem>>, vector<1x16xf32>,
        %get3A_1590 = vector.shape_cast %get3A_1589 : vector<1x16xf32> to vector<16xf32>
        %mul3A_1591 = vector.broadcast %squeeze3A_1539 : f32 to vector<16xf32>
        %mul3A_1592 = arith.mulf %get3A_1590, %mul3A_1591 : vector<16xf32>
        %add3A_1593 = arith.constant 11 : i32
        %add3A_1594 = arith.addi %mul3A_198, %add3A_1593 : i32
        %swap3A_1595 = arith.index_cast %add3A_1594 : i32 to index
        %swap3A_1596 = arith.constant 48 : index
        %swap3A_1597 = tpu.vector_load %arg10[%swap3A_1595, %swap3A_1596] {strides = array<i32>} : memref<128x128xf32, #tpu.memory_space<vmem>>, vector<1x16xf32>,
        %swap3A_1598 = vector.shape_cast %swap3A_1597 : vector<1x16xf32> to vector<16xf32>
        %swap3A_1599 = vector.shape_cast %mul3A_1592 : vector<16xf32> to vector<1x16xf32>
        tpu.vector_store %arg10[%swap3A_1595, %swap3A_1596], %swap3A_1599 {strides = array<i32>} : memref<128x128xf32, #tpu.memory_space<vmem>>, vector<1x16xf32>,
        %add3A_1600 = arith.constant 11 : i32
        %add3A_1601 = arith.addi %mul3A_198, %add3A_1600 : i32
        %get3A_1602 = arith.index_cast %add3A_1601 : i32 to index
        %get3A_1603 = arith.constant 64 : index
        %get3A_1604 = tpu.vector_load %arg10[%get3A_1602, %get3A_1603] {strides = array<i32>} : memref<128x128xf32, #tpu.memory_space<vmem>>, vector<1x16xf32>,
        %get3A_1605 = vector.shape_cast %get3A_1604 : vector<1x16xf32> to vector<16xf32>
        %mul3A_1606 = vector.broadcast %squeeze3A_1539 : f32 to vector<16xf32>
        %mul3A_1607 = arith.mulf %get3A_1605, %mul3A_1606 : vector<16xf32>
        %add3A_1608 = arith.constant 11 : i32
        %add3A_1609 = arith.addi %mul3A_198, %add3A_1608 : i32
        %swap3A_1610 = arith.index_cast %add3A_1609 : i32 to index
        %swap3A_1611 = arith.constant 64 : index
        %swap3A_1612 = tpu.vector_load %arg10[%swap3A_1610, %swap3A_1611] {strides = array<i32>} : memref<128x128xf32, #tpu.memory_space<vmem>>, vector<1x16xf32>,
        %swap3A_1613 = vector.shape_cast %swap3A_1612 : vector<1x16xf32> to vector<16xf32>
        %swap3A_1614 = vector.shape_cast %mul3A_1607 : vector<16xf32> to vector<1x16xf32>
        tpu.vector_store %arg10[%swap3A_1610, %swap3A_1611], %swap3A_1614 {strides = array<i32>} : memref<128x128xf32, #tpu.memory_space<vmem>>, vector<1x16xf32>,
        %add3A_1615 = arith.constant 11 : i32
        %add3A_1616 = arith.addi %mul3A_198, %add3A_1615 : i32
        %get3A_1617 = arith.index_cast %add3A_1616 : i32 to index
        %get3A_1618 = arith.constant 80 : index
        %get3A_1619 = tpu.vector_load %arg10[%get3A_1617, %get3A_1618] {strides = array<i32>} : memref<128x128xf32, #tpu.memory_space<vmem>>, vector<1x16xf32>,
        %get3A_1620 = vector.shape_cast %get3A_1619 : vector<1x16xf32> to vector<16xf32>
        %mul3A_1621 = vector.broadcast %squeeze3A_1539 : f32 to vector<16xf32>
        %mul3A_1622 = arith.mulf %get3A_1620, %mul3A_1621 : vector<16xf32>
        %add3A_1623 = arith.constant 11 : i32
        %add3A_1624 = arith.addi %mul3A_198, %add3A_1623 : i32
        %swap3A_1625 = arith.index_cast %add3A_1624 : i32 to index
        %swap3A_1626 = arith.constant 80 : index
        %swap3A_1627 = tpu.vector_load %arg10[%swap3A_1625, %swap3A_1626] {strides = array<i32>} : memref<128x128xf32, #tpu.memory_space<vmem>>, vector<1x16xf32>,
        %swap3A_1628 = vector.shape_cast %swap3A_1627 : vector<1x16xf32> to vector<16xf32>
        %swap3A_1629 = vector.shape_cast %mul3A_1622 : vector<16xf32> to vector<1x16xf32>
        tpu.vector_store %arg10[%swap3A_1625, %swap3A_1626], %swap3A_1629 {strides = array<i32>} : memref<128x128xf32, #tpu.memory_space<vmem>>, vector<1x16xf32>,
        %add3A_1630 = arith.constant 11 : i32
        %add3A_1631 = arith.addi %mul3A_198, %add3A_1630 : i32
        %get3A_1632 = arith.index_cast %add3A_1631 : i32 to index
        %get3A_1633 = arith.constant 96 : index
        %get3A_1634 = tpu.vector_load %arg10[%get3A_1632, %get3A_1633] {strides = array<i32>} : memref<128x128xf32, #tpu.memory_space<vmem>>, vector<1x16xf32>,
        %get3A_1635 = vector.shape_cast %get3A_1634 : vector<1x16xf32> to vector<16xf32>
        %mul3A_1636 = vector.broadcast %squeeze3A_1539 : f32 to vector<16xf32>
        %mul3A_1637 = arith.mulf %get3A_1635, %mul3A_1636 : vector<16xf32>
        %add3A_1638 = arith.constant 11 : i32
        %add3A_1639 = arith.addi %mul3A_198, %add3A_1638 : i32
        %swap3A_1640 = arith.index_cast %add3A_1639 : i32 to index
        %swap3A_1641 = arith.constant 96 : index
        %swap3A_1642 = tpu.vector_load %arg10[%swap3A_1640, %swap3A_1641] {strides = array<i32>} : memref<128x128xf32, #tpu.memory_space<vmem>>, vector<1x16xf32>,
        %swap3A_1643 = vector.shape_cast %swap3A_1642 : vector<1x16xf32> to vector<16xf32>
        %swap3A_1644 = vector.shape_cast %mul3A_1637 : vector<16xf32> to vector<1x16xf32>
        tpu.vector_store %arg10[%swap3A_1640, %swap3A_1641], %swap3A_1644 {strides = array<i32>} : memref<128x128xf32, #tpu.memory_space<vmem>>, vector<1x16xf32>,
        %add3A_1645 = arith.constant 11 : i32
        %add3A_1646 = arith.addi %mul3A_198, %add3A_1645 : i32
        %get3A_1647 = arith.index_cast %add3A_1646 : i32 to index
        %get3A_1648 = arith.constant 112 : index
        %get3A_1649 = tpu.vector_load %arg10[%get3A_1647, %get3A_1648] {strides = array<i32>} : memref<128x128xf32, #tpu.memory_space<vmem>>, vector<1x16xf32>,
        %get3A_1650 = vector.shape_cast %get3A_1649 : vector<1x16xf32> to vector<16xf32>
        %mul3A_1651 = vector.broadcast %squeeze3A_1539 : f32 to vector<16xf32>
        %mul3A_1652 = arith.mulf %get3A_1650, %mul3A_1651 : vector<16xf32>
        %add3A_1653 = arith.constant 11 : i32
        %add3A_1654 = arith.addi %mul3A_198, %add3A_1653 : i32
        %swap3A_1655 = arith.index_cast %add3A_1654 : i32 to index
        %swap3A_1656 = arith.constant 112 : index
        %swap3A_1657 = tpu.vector_load %arg10[%swap3A_1655, %swap3A_1656] {strides = array<i32>} : memref<128x128xf32, #tpu.memory_space<vmem>>, vector<1x16xf32>,
        %swap3A_1658 = vector.shape_cast %swap3A_1657 : vector<1x16xf32> to vector<16xf32>
        %swap3A_1659 = vector.shape_cast %mul3A_1652 : vector<16xf32> to vector<1x16xf32>
        tpu.vector_store %arg10[%swap3A_1655, %swap3A_1656], %swap3A_1659 {strides = array<i32>} : memref<128x128xf32, #tpu.memory_space<vmem>>, vector<1x16xf32>,
        %slice3A_1660 = vector.extract_strided_slice %get3A_196 {offsets = [12], sizes = [1], strides = [1]} : vector<16xf32> to vector<1xf32>
        %squeeze3A_1661 = vector.extract %slice3A_1660[0] : f32 from vector<1xf32>
        %add3A_1662 = arith.constant 12 : i32
        %add3A_1663 = arith.addi %mul3A_198, %add3A_1662 : i32
        %get3A_1664 = arith.index_cast %add3A_1663 : i32 to index
        %get3A_1665 = arith.constant 0 : index
        %get3A_1666 = tpu.vector_load %arg10[%get3A_1664, %get3A_1665] {strides = array<i32>} : memref<128x128xf32, #tpu.memory_space<vmem>>, vector<1x16xf32>,
        %get3A_1667 = vector.shape_cast %get3A_1666 : vector<1x16xf32> to vector<16xf32>
        %mul3A_1668 = vector.broadcast %squeeze3A_1661 : f32 to vector<16xf32>
        %mul3A_1669 = arith.mulf %get3A_1667, %mul3A_1668 : vector<16xf32>
        %add3A_1670 = arith.constant 12 : i32
        %add3A_1671 = arith.addi %mul3A_198, %add3A_1670 : i32
        %swap3A_1672 = arith.index_cast %add3A_1671 : i32 to index
        %swap3A_1673 = arith.constant 0 : index
        %swap3A_1674 = tpu.vector_load %arg10[%swap3A_1672, %swap3A_1673] {strides = array<i32>} : memref<128x128xf32, #tpu.memory_space<vmem>>, vector<1x16xf32>,
        %swap3A_1675 = vector.shape_cast %swap3A_1674 : vector<1x16xf32> to vector<16xf32>
        %swap3A_1676 = vector.shape_cast %mul3A_1669 : vector<16xf32> to vector<1x16xf32>
        tpu.vector_store %arg10[%swap3A_1672, %swap3A_1673], %swap3A_1676 {strides = array<i32>} : memref<128x128xf32, #tpu.memory_space<vmem>>, vector<1x16xf32>,
        %add3A_1677 = arith.constant 12 : i32
        %add3A_1678 = arith.addi %mul3A_198, %add3A_1677 : i32
        %get3A_1679 = arith.index_cast %add3A_1678 : i32 to index
        %get3A_1680 = arith.constant 16 : index
        %get3A_1681 = tpu.vector_load %arg10[%get3A_1679, %get3A_1680] {strides = array<i32>} : memref<128x128xf32, #tpu.memory_space<vmem>>, vector<1x16xf32>,
        %get3A_1682 = vector.shape_cast %get3A_1681 : vector<1x16xf32> to vector<16xf32>
        %mul3A_1683 = vector.broadcast %squeeze3A_1661 : f32 to vector<16xf32>
        %mul3A_1684 = arith.mulf %get3A_1682, %mul3A_1683 : vector<16xf32>
        %add3A_1685 = arith.constant 12 : i32
        %add3A_1686 = arith.addi %mul3A_198, %add3A_1685 : i32
        %swap3A_1687 = arith.index_cast %add3A_1686 : i32 to index
        %swap3A_1688 = arith.constant 16 : index
        %swap3A_1689 = tpu.vector_load %arg10[%swap3A_1687, %swap3A_1688] {strides = array<i32>} : memref<128x128xf32, #tpu.memory_space<vmem>>, vector<1x16xf32>,
        %swap3A_1690 = vector.shape_cast %swap3A_1689 : vector<1x16xf32> to vector<16xf32>
        %swap3A_1691 = vector.shape_cast %mul3A_1684 : vector<16xf32> to vector<1x16xf32>
        tpu.vector_store %arg10[%swap3A_1687, %swap3A_1688], %swap3A_1691 {strides = array<i32>} : memref<128x128xf32, #tpu.memory_space<vmem>>, vector<1x16xf32>,
        %add3A_1692 = arith.constant 12 : i32
        %add3A_1693 = arith.addi %mul3A_198, %add3A_1692 : i32
        %get3A_1694 = arith.index_cast %add3A_1693 : i32 to index
        %get3A_1695 = arith.constant 32 : index
        %get3A_1696 = tpu.vector_load %arg10[%get3A_1694, %get3A_1695] {strides = array<i32>} : memref<128x128xf32, #tpu.memory_space<vmem>>, vector<1x16xf32>,
        %get3A_1697 = vector.shape_cast %get3A_1696 : vector<1x16xf32> to vector<16xf32>
        %mul3A_1698 = vector.broadcast %squeeze3A_1661 : f32 to vector<16xf32>
        %mul3A_1699 = arith.mulf %get3A_1697, %mul3A_1698 : vector<16xf32>
        %add3A_1700 = arith.constant 12 : i32
        %add3A_1701 = arith.addi %mul3A_198, %add3A_1700 : i32
        %swap3A_1702 = arith.index_cast %add3A_1701 : i32 to index
        %swap3A_1703 = arith.constant 32 : index
        %swap3A_1704 = tpu.vector_load %arg10[%swap3A_1702, %swap3A_1703] {strides = array<i32>} : memref<128x128xf32, #tpu.memory_space<vmem>>, vector<1x16xf32>,
        %swap3A_1705 = vector.shape_cast %swap3A_1704 : vector<1x16xf32> to vector<16xf32>
        %swap3A_1706 = vector.shape_cast %mul3A_1699 : vector<16xf32> to vector<1x16xf32>
        tpu.vector_store %arg10[%swap3A_1702, %swap3A_1703], %swap3A_1706 {strides = array<i32>} : memref<128x128xf32, #tpu.memory_space<vmem>>, vector<1x16xf32>,
        %add3A_1707 = arith.constant 12 : i32
        %add3A_1708 = arith.addi %mul3A_198, %add3A_1707 : i32
        %get3A_1709 = arith.index_cast %add3A_1708 : i32 to index
        %get3A_1710 = arith.constant 48 : index
        %get3A_1711 = tpu.vector_load %arg10[%get3A_1709, %get3A_1710] {strides = array<i32>} : memref<128x128xf32, #tpu.memory_space<vmem>>, vector<1x16xf32>,
        %get3A_1712 = vector.shape_cast %get3A_1711 : vector<1x16xf32> to vector<16xf32>
        %mul3A_1713 = vector.broadcast %squeeze3A_1661 : f32 to vector<16xf32>
        %mul3A_1714 = arith.mulf %get3A_1712, %mul3A_1713 : vector<16xf32>
        %add3A_1715 = arith.constant 12 : i32
        %add3A_1716 = arith.addi %mul3A_198, %add3A_1715 : i32
        %swap3A_1717 = arith.index_cast %add3A_1716 : i32 to index
        %swap3A_1718 = arith.constant 48 : index
        %swap3A_1719 = tpu.vector_load %arg10[%swap3A_1717, %swap3A_1718] {strides = array<i32>} : memref<128x128xf32, #tpu.memory_space<vmem>>, vector<1x16xf32>,
        %swap3A_1720 = vector.shape_cast %swap3A_1719 : vector<1x16xf32> to vector<16xf32>
        %swap3A_1721 = vector.shape_cast %mul3A_1714 : vector<16xf32> to vector<1x16xf32>
        tpu.vector_store %arg10[%swap3A_1717, %swap3A_1718], %swap3A_1721 {strides = array<i32>} : memref<128x128xf32, #tpu.memory_space<vmem>>, vector<1x16xf32>,
        %add3A_1722 = arith.constant 12 : i32
        %add3A_1723 = arith.addi %mul3A_198, %add3A_1722 : i32
        %get3A_1724 = arith.index_cast %add3A_1723 : i32 to index
        %get3A_1725 = arith.constant 64 : index
        %get3A_1726 = tpu.vector_load %arg10[%get3A_1724, %get3A_1725] {strides = array<i32>} : memref<128x128xf32, #tpu.memory_space<vmem>>, vector<1x16xf32>,
        %get3A_1727 = vector.shape_cast %get3A_1726 : vector<1x16xf32> to vector<16xf32>
        %mul3A_1728 = vector.broadcast %squeeze3A_1661 : f32 to vector<16xf32>
        %mul3A_1729 = arith.mulf %get3A_1727, %mul3A_1728 : vector<16xf32>
        %add3A_1730 = arith.constant 12 : i32
        %add3A_1731 = arith.addi %mul3A_198, %add3A_1730 : i32
        %swap3A_1732 = arith.index_cast %add3A_1731 : i32 to index
        %swap3A_1733 = arith.constant 64 : index
        %swap3A_1734 = tpu.vector_load %arg10[%swap3A_1732, %swap3A_1733] {strides = array<i32>} : memref<128x128xf32, #tpu.memory_space<vmem>>, vector<1x16xf32>,
        %swap3A_1735 = vector.shape_cast %swap3A_1734 : vector<1x16xf32> to vector<16xf32>
        %swap3A_1736 = vector.shape_cast %mul3A_1729 : vector<16xf32> to vector<1x16xf32>
        tpu.vector_store %arg10[%swap3A_1732, %swap3A_1733], %swap3A_1736 {strides = array<i32>} : memref<128x128xf32, #tpu.memory_space<vmem>>, vector<1x16xf32>,
        %add3A_1737 = arith.constant 12 : i32
        %add3A_1738 = arith.addi %mul3A_198, %add3A_1737 : i32
        %get3A_1739 = arith.index_cast %add3A_1738 : i32 to index
        %get3A_1740 = arith.constant 80 : index
        %get3A_1741 = tpu.vector_load %arg10[%get3A_1739, %get3A_1740] {strides = array<i32>} : memref<128x128xf32, #tpu.memory_space<vmem>>, vector<1x16xf32>,
        %get3A_1742 = vector.shape_cast %get3A_1741 : vector<1x16xf32> to vector<16xf32>
        %mul3A_1743 = vector.broadcast %squeeze3A_1661 : f32 to vector<16xf32>
        %mul3A_1744 = arith.mulf %get3A_1742, %mul3A_1743 : vector<16xf32>
        %add3A_1745 = arith.constant 12 : i32
        %add3A_1746 = arith.addi %mul3A_198, %add3A_1745 : i32
        %swap3A_1747 = arith.index_cast %add3A_1746 : i32 to index
        %swap3A_1748 = arith.constant 80 : index
        %swap3A_1749 = tpu.vector_load %arg10[%swap3A_1747, %swap3A_1748] {strides = array<i32>} : memref<128x128xf32, #tpu.memory_space<vmem>>, vector<1x16xf32>,
        %swap3A_1750 = vector.shape_cast %swap3A_1749 : vector<1x16xf32> to vector<16xf32>
        %swap3A_1751 = vector.shape_cast %mul3A_1744 : vector<16xf32> to vector<1x16xf32>
        tpu.vector_store %arg10[%swap3A_1747, %swap3A_1748], %swap3A_1751 {strides = array<i32>} : memref<128x128xf32, #tpu.memory_space<vmem>>, vector<1x16xf32>,
        %add3A_1752 = arith.constant 12 : i32
        %add3A_1753 = arith.addi %mul3A_198, %add3A_1752 : i32
        %get3A_1754 = arith.index_cast %add3A_1753 : i32 to index
        %get3A_1755 = arith.constant 96 : index
        %get3A_1756 = tpu.vector_load %arg10[%get3A_1754, %get3A_1755] {strides = array<i32>} : memref<128x128xf32, #tpu.memory_space<vmem>>, vector<1x16xf32>,
        %get3A_1757 = vector.shape_cast %get3A_1756 : vector<1x16xf32> to vector<16xf32>
        %mul3A_1758 = vector.broadcast %squeeze3A_1661 : f32 to vector<16xf32>
        %mul3A_1759 = arith.mulf %get3A_1757, %mul3A_1758 : vector<16xf32>
        %add3A_1760 = arith.constant 12 : i32
        %add3A_1761 = arith.addi %mul3A_198, %add3A_1760 : i32
        %swap3A_1762 = arith.index_cast %add3A_1761 : i32 to index
        %swap3A_1763 = arith.constant 96 : index
        %swap3A_1764 = tpu.vector_load %arg10[%swap3A_1762, %swap3A_1763] {strides = array<i32>} : memref<128x128xf32, #tpu.memory_space<vmem>>, vector<1x16xf32>,
        %swap3A_1765 = vector.shape_cast %swap3A_1764 : vector<1x16xf32> to vector<16xf32>
        %swap3A_1766 = vector.shape_cast %mul3A_1759 : vector<16xf32> to vector<1x16xf32>
        tpu.vector_store %arg10[%swap3A_1762, %swap3A_1763], %swap3A_1766 {strides = array<i32>} : memref<128x128xf32, #tpu.memory_space<vmem>>, vector<1x16xf32>,
        %add3A_1767 = arith.constant 12 : i32
        %add3A_1768 = arith.addi %mul3A_198, %add3A_1767 : i32
        %get3A_1769 = arith.index_cast %add3A_1768 : i32 to index
        %get3A_1770 = arith.constant 112 : index
        %get3A_1771 = tpu.vector_load %arg10[%get3A_1769, %get3A_1770] {strides = array<i32>} : memref<128x128xf32, #tpu.memory_space<vmem>>, vector<1x16xf32>,
        %get3A_1772 = vector.shape_cast %get3A_1771 : vector<1x16xf32> to vector<16xf32>
        %mul3A_1773 = vector.broadcast %squeeze3A_1661 : f32 to vector<16xf32>
        %mul3A_1774 = arith.mulf %get3A_1772, %mul3A_1773 : vector<16xf32>
        %add3A_1775 = arith.constant 12 : i32
        %add3A_1776 = arith.addi %mul3A_198, %add3A_1775 : i32
        %swap3A_1777 = arith.index_cast %add3A_1776 : i32 to index
        %swap3A_1778 = arith.constant 112 : index
        %swap3A_1779 = tpu.vector_load %arg10[%swap3A_1777, %swap3A_1778] {strides = array<i32>} : memref<128x128xf32, #tpu.memory_space<vmem>>, vector<1x16xf32>,
        %swap3A_1780 = vector.shape_cast %swap3A_1779 : vector<1x16xf32> to vector<16xf32>
        %swap3A_1781 = vector.shape_cast %mul3A_1774 : vector<16xf32> to vector<1x16xf32>
        tpu.vector_store %arg10[%swap3A_1777, %swap3A_1778], %swap3A_1781 {strides = array<i32>} : memref<128x128xf32, #tpu.memory_space<vmem>>, vector<1x16xf32>,
        %slice3A_1782 = vector.extract_strided_slice %get3A_196 {offsets = [13], sizes = [1], strides = [1]} : vector<16xf32> to vector<1xf32>
        %squeeze3A_1783 = vector.extract %slice3A_1782[0] : f32 from vector<1xf32>
        %add3A_1784 = arith.constant 13 : i32
        %add3A_1785 = arith.addi %mul3A_198, %add3A_1784 : i32
        %get3A_1786 = arith.index_cast %add3A_1785 : i32 to index
        %get3A_1787 = arith.constant 0 : index
        %get3A_1788 = tpu.vector_load %arg10[%get3A_1786, %get3A_1787] {strides = array<i32>} : memref<128x128xf32, #tpu.memory_space<vmem>>, vector<1x16xf32>,
        %get3A_1789 = vector.shape_cast %get3A_1788 : vector<1x16xf32> to vector<16xf32>
        %mul3A_1790 = vector.broadcast %squeeze3A_1783 : f32 to vector<16xf32>
        %mul3A_1791 = arith.mulf %get3A_1789, %mul3A_1790 : vector<16xf32>
        %add3A_1792 = arith.constant 13 : i32
        %add3A_1793 = arith.addi %mul3A_198, %add3A_1792 : i32
        %swap3A_1794 = arith.index_cast %add3A_1793 : i32 to index
        %swap3A_1795 = arith.constant 0 : index
        %swap3A_1796 = tpu.vector_load %arg10[%swap3A_1794, %swap3A_1795] {strides = array<i32>} : memref<128x128xf32, #tpu.memory_space<vmem>>, vector<1x16xf32>,
        %swap3A_1797 = vector.shape_cast %swap3A_1796 : vector<1x16xf32> to vector<16xf32>
        %swap3A_1798 = vector.shape_cast %mul3A_1791 : vector<16xf32> to vector<1x16xf32>
        tpu.vector_store %arg10[%swap3A_1794, %swap3A_1795], %swap3A_1798 {strides = array<i32>} : memref<128x128xf32, #tpu.memory_space<vmem>>, vector<1x16xf32>,
        %add3A_1799 = arith.constant 13 : i32
        %add3A_1800 = arith.addi %mul3A_198, %add3A_1799 : i32
        %get3A_1801 = arith.index_cast %add3A_1800 : i32 to index
        %get3A_1802 = arith.constant 16 : index
        %get3A_1803 = tpu.vector_load %arg10[%get3A_1801, %get3A_1802] {strides = array<i32>} : memref<128x128xf32, #tpu.memory_space<vmem>>, vector<1x16xf32>,
        %get3A_1804 = vector.shape_cast %get3A_1803 : vector<1x16xf32> to vector<16xf32>
        %mul3A_1805 = vector.broadcast %squeeze3A_1783 : f32 to vector<16xf32>
        %mul3A_1806 = arith.mulf %get3A_1804, %mul3A_1805 : vector<16xf32>
        %add3A_1807 = arith.constant 13 : i32
        %add3A_1808 = arith.addi %mul3A_198, %add3A_1807 : i32
        %swap3A_1809 = arith.index_cast %add3A_1808 : i32 to index
        %swap3A_1810 = arith.constant 16 : index
        %swap3A_1811 = tpu.vector_load %arg10[%swap3A_1809, %swap3A_1810] {strides = array<i32>} : memref<128x128xf32, #tpu.memory_space<vmem>>, vector<1x16xf32>,
        %swap3A_1812 = vector.shape_cast %swap3A_1811 : vector<1x16xf32> to vector<16xf32>
        %swap3A_1813 = vector.shape_cast %mul3A_1806 : vector<16xf32> to vector<1x16xf32>
        tpu.vector_store %arg10[%swap3A_1809, %swap3A_1810], %swap3A_1813 {strides = array<i32>} : memref<128x128xf32, #tpu.memory_space<vmem>>, vector<1x16xf32>,
        %add3A_1814 = arith.constant 13 : i32
        %add3A_1815 = arith.addi %mul3A_198, %add3A_1814 : i32
        %get3A_1816 = arith.index_cast %add3A_1815 : i32 to index
        %get3A_1817 = arith.constant 32 : index
        %get3A_1818 = tpu.vector_load %arg10[%get3A_1816, %get3A_1817] {strides = array<i32>} : memref<128x128xf32, #tpu.memory_space<vmem>>, vector<1x16xf32>,
        %get3A_1819 = vector.shape_cast %get3A_1818 : vector<1x16xf32> to vector<16xf32>
        %mul3A_1820 = vector.broadcast %squeeze3A_1783 : f32 to vector<16xf32>
        %mul3A_1821 = arith.mulf %get3A_1819, %mul3A_1820 : vector<16xf32>
        %add3A_1822 = arith.constant 13 : i32
        %add3A_1823 = arith.addi %mul3A_198, %add3A_1822 : i32
        %swap3A_1824 = arith.index_cast %add3A_1823 : i32 to index
        %swap3A_1825 = arith.constant 32 : index
        %swap3A_1826 = tpu.vector_load %arg10[%swap3A_1824, %swap3A_1825] {strides = array<i32>} : memref<128x128xf32, #tpu.memory_space<vmem>>, vector<1x16xf32>,
        %swap3A_1827 = vector.shape_cast %swap3A_1826 : vector<1x16xf32> to vector<16xf32>
        %swap3A_1828 = vector.shape_cast %mul3A_1821 : vector<16xf32> to vector<1x16xf32>
        tpu.vector_store %arg10[%swap3A_1824, %swap3A_1825], %swap3A_1828 {strides = array<i32>} : memref<128x128xf32, #tpu.memory_space<vmem>>, vector<1x16xf32>,
        %add3A_1829 = arith.constant 13 : i32
        %add3A_1830 = arith.addi %mul3A_198, %add3A_1829 : i32
        %get3A_1831 = arith.index_cast %add3A_1830 : i32 to index
        %get3A_1832 = arith.constant 48 : index
        %get3A_1833 = tpu.vector_load %arg10[%get3A_1831, %get3A_1832] {strides = array<i32>} : memref<128x128xf32, #tpu.memory_space<vmem>>, vector<1x16xf32>,
        %get3A_1834 = vector.shape_cast %get3A_1833 : vector<1x16xf32> to vector<16xf32>
        %mul3A_1835 = vector.broadcast %squeeze3A_1783 : f32 to vector<16xf32>
        %mul3A_1836 = arith.mulf %get3A_1834, %mul3A_1835 : vector<16xf32>
        %add3A_1837 = arith.constant 13 : i32
        %add3A_1838 = arith.addi %mul3A_198, %add3A_1837 : i32
        %swap3A_1839 = arith.index_cast %add3A_1838 : i32 to index
        %swap3A_1840 = arith.constant 48 : index
        %swap3A_1841 = tpu.vector_load %arg10[%swap3A_1839, %swap3A_1840] {strides = array<i32>} : memref<128x128xf32, #tpu.memory_space<vmem>>, vector<1x16xf32>,
        %swap3A_1842 = vector.shape_cast %swap3A_1841 : vector<1x16xf32> to vector<16xf32>
        %swap3A_1843 = vector.shape_cast %mul3A_1836 : vector<16xf32> to vector<1x16xf32>
        tpu.vector_store %arg10[%swap3A_1839, %swap3A_1840], %swap3A_1843 {strides = array<i32>} : memref<128x128xf32, #tpu.memory_space<vmem>>, vector<1x16xf32>,
        %add3A_1844 = arith.constant 13 : i32
        %add3A_1845 = arith.addi %mul3A_198, %add3A_1844 : i32
        %get3A_1846 = arith.index_cast %add3A_1845 : i32 to index
        %get3A_1847 = arith.constant 64 : index
        %get3A_1848 = tpu.vector_load %arg10[%get3A_1846, %get3A_1847] {strides = array<i32>} : memref<128x128xf32, #tpu.memory_space<vmem>>, vector<1x16xf32>,
        %get3A_1849 = vector.shape_cast %get3A_1848 : vector<1x16xf32> to vector<16xf32>
        %mul3A_1850 = vector.broadcast %squeeze3A_1783 : f32 to vector<16xf32>
        %mul3A_1851 = arith.mulf %get3A_1849, %mul3A_1850 : vector<16xf32>
        %add3A_1852 = arith.constant 13 : i32
        %add3A_1853 = arith.addi %mul3A_198, %add3A_1852 : i32
        %swap3A_1854 = arith.index_cast %add3A_1853 : i32 to index
        %swap3A_1855 = arith.constant 64 : index
        %swap3A_1856 = tpu.vector_load %arg10[%swap3A_1854, %swap3A_1855] {strides = array<i32>} : memref<128x128xf32, #tpu.memory_space<vmem>>, vector<1x16xf32>,
        %swap3A_1857 = vector.shape_cast %swap3A_1856 : vector<1x16xf32> to vector<16xf32>
        %swap3A_1858 = vector.shape_cast %mul3A_1851 : vector<16xf32> to vector<1x16xf32>
        tpu.vector_store %arg10[%swap3A_1854, %swap3A_1855], %swap3A_1858 {strides = array<i32>} : memref<128x128xf32, #tpu.memory_space<vmem>>, vector<1x16xf32>,
        %add3A_1859 = arith.constant 13 : i32
        %add3A_1860 = arith.addi %mul3A_198, %add3A_1859 : i32
        %get3A_1861 = arith.index_cast %add3A_1860 : i32 to index
        %get3A_1862 = arith.constant 80 : index
        %get3A_1863 = tpu.vector_load %arg10[%get3A_1861, %get3A_1862] {strides = array<i32>} : memref<128x128xf32, #tpu.memory_space<vmem>>, vector<1x16xf32>,
        %get3A_1864 = vector.shape_cast %get3A_1863 : vector<1x16xf32> to vector<16xf32>
        %mul3A_1865 = vector.broadcast %squeeze3A_1783 : f32 to vector<16xf32>
        %mul3A_1866 = arith.mulf %get3A_1864, %mul3A_1865 : vector<16xf32>
        %add3A_1867 = arith.constant 13 : i32
        %add3A_1868 = arith.addi %mul3A_198, %add3A_1867 : i32
        %swap3A_1869 = arith.index_cast %add3A_1868 : i32 to index
        %swap3A_1870 = arith.constant 80 : index
        %swap3A_1871 = tpu.vector_load %arg10[%swap3A_1869, %swap3A_1870] {strides = array<i32>} : memref<128x128xf32, #tpu.memory_space<vmem>>, vector<1x16xf32>,
        %swap3A_1872 = vector.shape_cast %swap3A_1871 : vector<1x16xf32> to vector<16xf32>
        %swap3A_1873 = vector.shape_cast %mul3A_1866 : vector<16xf32> to vector<1x16xf32>
        tpu.vector_store %arg10[%swap3A_1869, %swap3A_1870], %swap3A_1873 {strides = array<i32>} : memref<128x128xf32, #tpu.memory_space<vmem>>, vector<1x16xf32>,
        %add3A_1874 = arith.constant 13 : i32
        %add3A_1875 = arith.addi %mul3A_198, %add3A_1874 : i32
        %get3A_1876 = arith.index_cast %add3A_1875 : i32 to index
        %get3A_1877 = arith.constant 96 : index
        %get3A_1878 = tpu.vector_load %arg10[%get3A_1876, %get3A_1877] {strides = array<i32>} : memref<128x128xf32, #tpu.memory_space<vmem>>, vector<1x16xf32>,
        %get3A_1879 = vector.shape_cast %get3A_1878 : vector<1x16xf32> to vector<16xf32>
        %mul3A_1880 = vector.broadcast %squeeze3A_1783 : f32 to vector<16xf32>
        %mul3A_1881 = arith.mulf %get3A_1879, %mul3A_1880 : vector<16xf32>
        %add3A_1882 = arith.constant 13 : i32
        %add3A_1883 = arith.addi %mul3A_198, %add3A_1882 : i32
        %swap3A_1884 = arith.index_cast %add3A_1883 : i32 to index
        %swap3A_1885 = arith.constant 96 : index
        %swap3A_1886 = tpu.vector_load %arg10[%swap3A_1884, %swap3A_1885] {strides = array<i32>} : memref<128x128xf32, #tpu.memory_space<vmem>>, vector<1x16xf32>,
        %swap3A_1887 = vector.shape_cast %swap3A_1886 : vector<1x16xf32> to vector<16xf32>
        %swap3A_1888 = vector.shape_cast %mul3A_1881 : vector<16xf32> to vector<1x16xf32>
        tpu.vector_store %arg10[%swap3A_1884, %swap3A_1885], %swap3A_1888 {strides = array<i32>} : memref<128x128xf32, #tpu.memory_space<vmem>>, vector<1x16xf32>,
        %add3A_1889 = arith.constant 13 : i32
        %add3A_1890 = arith.addi %mul3A_198, %add3A_1889 : i32
        %get3A_1891 = arith.index_cast %add3A_1890 : i32 to index
        %get3A_1892 = arith.constant 112 : index
        %get3A_1893 = tpu.vector_load %arg10[%get3A_1891, %get3A_1892] {strides = array<i32>} : memref<128x128xf32, #tpu.memory_space<vmem>>, vector<1x16xf32>,
        %get3A_1894 = vector.shape_cast %get3A_1893 : vector<1x16xf32> to vector<16xf32>
        %mul3A_1895 = vector.broadcast %squeeze3A_1783 : f32 to vector<16xf32>
        %mul3A_1896 = arith.mulf %get3A_1894, %mul3A_1895 : vector<16xf32>
        %add3A_1897 = arith.constant 13 : i32
        %add3A_1898 = arith.addi %mul3A_198, %add3A_1897 : i32
        %swap3A_1899 = arith.index_cast %add3A_1898 : i32 to index
        %swap3A_1900 = arith.constant 112 : index
        %swap3A_1901 = tpu.vector_load %arg10[%swap3A_1899, %swap3A_1900] {strides = array<i32>} : memref<128x128xf32, #tpu.memory_space<vmem>>, vector<1x16xf32>,
        %swap3A_1902 = vector.shape_cast %swap3A_1901 : vector<1x16xf32> to vector<16xf32>
        %swap3A_1903 = vector.shape_cast %mul3A_1896 : vector<16xf32> to vector<1x16xf32>
        tpu.vector_store %arg10[%swap3A_1899, %swap3A_1900], %swap3A_1903 {strides = array<i32>} : memref<128x128xf32, #tpu.memory_space<vmem>>, vector<1x16xf32>,
        %slice3A_1904 = vector.extract_strided_slice %get3A_196 {offsets = [14], sizes = [1], strides = [1]} : vector<16xf32> to vector<1xf32>
        %squeeze3A_1905 = vector.extract %slice3A_1904[0] : f32 from vector<1xf32>
        %add3A_1906 = arith.constant 14 : i32
        %add3A_1907 = arith.addi %mul3A_198, %add3A_1906 : i32
        %get3A_1908 = arith.index_cast %add3A_1907 : i32 to index
        %get3A_1909 = arith.constant 0 : index
        %get3A_1910 = tpu.vector_load %arg10[%get3A_1908, %get3A_1909] {strides = array<i32>} : memref<128x128xf32, #tpu.memory_space<vmem>>, vector<1x16xf32>,
        %get3A_1911 = vector.shape_cast %get3A_1910 : vector<1x16xf32> to vector<16xf32>
        %mul3A_1912 = vector.broadcast %squeeze3A_1905 : f32 to vector<16xf32>
        %mul3A_1913 = arith.mulf %get3A_1911, %mul3A_1912 : vector<16xf32>
        %add3A_1914 = arith.constant 14 : i32
        %add3A_1915 = arith.addi %mul3A_198, %add3A_1914 : i32
        %swap3A_1916 = arith.index_cast %add3A_1915 : i32 to index
        %swap3A_1917 = arith.constant 0 : index
        %swap3A_1918 = tpu.vector_load %arg10[%swap3A_1916, %swap3A_1917] {strides = array<i32>} : memref<128x128xf32, #tpu.memory_space<vmem>>, vector<1x16xf32>,
        %swap3A_1919 = vector.shape_cast %swap3A_1918 : vector<1x16xf32> to vector<16xf32>
        %swap3A_1920 = vector.shape_cast %mul3A_1913 : vector<16xf32> to vector<1x16xf32>
        tpu.vector_store %arg10[%swap3A_1916, %swap3A_1917], %swap3A_1920 {strides = array<i32>} : memref<128x128xf32, #tpu.memory_space<vmem>>, vector<1x16xf32>,
        %add3A_1921 = arith.constant 14 : i32
        %add3A_1922 = arith.addi %mul3A_198, %add3A_1921 : i32
        %get3A_1923 = arith.index_cast %add3A_1922 : i32 to index
        %get3A_1924 = arith.constant 16 : index
        %get3A_1925 = tpu.vector_load %arg10[%get3A_1923, %get3A_1924] {strides = array<i32>} : memref<128x128xf32, #tpu.memory_space<vmem>>, vector<1x16xf32>,
        %get3A_1926 = vector.shape_cast %get3A_1925 : vector<1x16xf32> to vector<16xf32>
        %mul3A_1927 = vector.broadcast %squeeze3A_1905 : f32 to vector<16xf32>
        %mul3A_1928 = arith.mulf %get3A_1926, %mul3A_1927 : vector<16xf32>
        %add3A_1929 = arith.constant 14 : i32
        %add3A_1930 = arith.addi %mul3A_198, %add3A_1929 : i32
        %swap3A_1931 = arith.index_cast %add3A_1930 : i32 to index
        %swap3A_1932 = arith.constant 16 : index
        %swap3A_1933 = tpu.vector_load %arg10[%swap3A_1931, %swap3A_1932] {strides = array<i32>} : memref<128x128xf32, #tpu.memory_space<vmem>>, vector<1x16xf32>,
        %swap3A_1934 = vector.shape_cast %swap3A_1933 : vector<1x16xf32> to vector<16xf32>
        %swap3A_1935 = vector.shape_cast %mul3A_1928 : vector<16xf32> to vector<1x16xf32>
        tpu.vector_store %arg10[%swap3A_1931, %swap3A_1932], %swap3A_1935 {strides = array<i32>} : memref<128x128xf32, #tpu.memory_space<vmem>>, vector<1x16xf32>,
        %add3A_1936 = arith.constant 14 : i32
        %add3A_1937 = arith.addi %mul3A_198, %add3A_1936 : i32
        %get3A_1938 = arith.index_cast %add3A_1937 : i32 to index
        %get3A_1939 = arith.constant 32 : index
        %get3A_1940 = tpu.vector_load %arg10[%get3A_1938, %get3A_1939] {strides = array<i32>} : memref<128x128xf32, #tpu.memory_space<vmem>>, vector<1x16xf32>,
        %get3A_1941 = vector.shape_cast %get3A_1940 : vector<1x16xf32> to vector<16xf32>
        %mul3A_1942 = vector.broadcast %squeeze3A_1905 : f32 to vector<16xf32>
        %mul3A_1943 = arith.mulf %get3A_1941, %mul3A_1942 : vector<16xf32>
        %add3A_1944 = arith.constant 14 : i32
        %add3A_1945 = arith.addi %mul3A_198, %add3A_1944 : i32
        %swap3A_1946 = arith.index_cast %add3A_1945 : i32 to index
        %swap3A_1947 = arith.constant 32 : index
        %swap3A_1948 = tpu.vector_load %arg10[%swap3A_1946, %swap3A_1947] {strides = array<i32>} : memref<128x128xf32, #tpu.memory_space<vmem>>, vector<1x16xf32>,
        %swap3A_1949 = vector.shape_cast %swap3A_1948 : vector<1x16xf32> to vector<16xf32>
        %swap3A_1950 = vector.shape_cast %mul3A_1943 : vector<16xf32> to vector<1x16xf32>
        tpu.vector_store %arg10[%swap3A_1946, %swap3A_1947], %swap3A_1950 {strides = array<i32>} : memref<128x128xf32, #tpu.memory_space<vmem>>, vector<1x16xf32>,
        %add3A_1951 = arith.constant 14 : i32
        %add3A_1952 = arith.addi %mul3A_198, %add3A_1951 : i32
        %get3A_1953 = arith.index_cast %add3A_1952 : i32 to index
        %get3A_1954 = arith.constant 48 : index
        %get3A_1955 = tpu.vector_load %arg10[%get3A_1953, %get3A_1954] {strides = array<i32>} : memref<128x128xf32, #tpu.memory_space<vmem>>, vector<1x16xf32>,
        %get3A_1956 = vector.shape_cast %get3A_1955 : vector<1x16xf32> to vector<16xf32>
        %mul3A_1957 = vector.broadcast %squeeze3A_1905 : f32 to vector<16xf32>
        %mul3A_1958 = arith.mulf %get3A_1956, %mul3A_1957 : vector<16xf32>
        %add3A_1959 = arith.constant 14 : i32
        %add3A_1960 = arith.addi %mul3A_198, %add3A_1959 : i32
        %swap3A_1961 = arith.index_cast %add3A_1960 : i32 to index
        %swap3A_1962 = arith.constant 48 : index
        %swap3A_1963 = tpu.vector_load %arg10[%swap3A_1961, %swap3A_1962] {strides = array<i32>} : memref<128x128xf32, #tpu.memory_space<vmem>>, vector<1x16xf32>,
        %swap3A_1964 = vector.shape_cast %swap3A_1963 : vector<1x16xf32> to vector<16xf32>
        %swap3A_1965 = vector.shape_cast %mul3A_1958 : vector<16xf32> to vector<1x16xf32>
        tpu.vector_store %arg10[%swap3A_1961, %swap3A_1962], %swap3A_1965 {strides = array<i32>} : memref<128x128xf32, #tpu.memory_space<vmem>>, vector<1x16xf32>,
        %add3A_1966 = arith.constant 14 : i32
        %add3A_1967 = arith.addi %mul3A_198, %add3A_1966 : i32
        %get3A_1968 = arith.index_cast %add3A_1967 : i32 to index
        %get3A_1969 = arith.constant 64 : index
        %get3A_1970 = tpu.vector_load %arg10[%get3A_1968, %get3A_1969] {strides = array<i32>} : memref<128x128xf32, #tpu.memory_space<vmem>>, vector<1x16xf32>,
        %get3A_1971 = vector.shape_cast %get3A_1970 : vector<1x16xf32> to vector<16xf32>
        %mul3A_1972 = vector.broadcast %squeeze3A_1905 : f32 to vector<16xf32>
        %mul3A_1973 = arith.mulf %get3A_1971, %mul3A_1972 : vector<16xf32>
        %add3A_1974 = arith.constant 14 : i32
        %add3A_1975 = arith.addi %mul3A_198, %add3A_1974 : i32
        %swap3A_1976 = arith.index_cast %add3A_1975 : i32 to index
        %swap3A_1977 = arith.constant 64 : index
        %swap3A_1978 = tpu.vector_load %arg10[%swap3A_1976, %swap3A_1977] {strides = array<i32>} : memref<128x128xf32, #tpu.memory_space<vmem>>, vector<1x16xf32>,
        %swap3A_1979 = vector.shape_cast %swap3A_1978 : vector<1x16xf32> to vector<16xf32>
        %swap3A_1980 = vector.shape_cast %mul3A_1973 : vector<16xf32> to vector<1x16xf32>
        tpu.vector_store %arg10[%swap3A_1976, %swap3A_1977], %swap3A_1980 {strides = array<i32>} : memref<128x128xf32, #tpu.memory_space<vmem>>, vector<1x16xf32>,
        %add3A_1981 = arith.constant 14 : i32
        %add3A_1982 = arith.addi %mul3A_198, %add3A_1981 : i32
        %get3A_1983 = arith.index_cast %add3A_1982 : i32 to index
        %get3A_1984 = arith.constant 80 : index
        %get3A_1985 = tpu.vector_load %arg10[%get3A_1983, %get3A_1984] {strides = array<i32>} : memref<128x128xf32, #tpu.memory_space<vmem>>, vector<1x16xf32>,
        %get3A_1986 = vector.shape_cast %get3A_1985 : vector<1x16xf32> to vector<16xf32>
        %mul3A_1987 = vector.broadcast %squeeze3A_1905 : f32 to vector<16xf32>
        %mul3A_1988 = arith.mulf %get3A_1986, %mul3A_1987 : vector<16xf32>
        %add3A_1989 = arith.constant 14 : i32
        %add3A_1990 = arith.addi %mul3A_198, %add3A_1989 : i32
        %swap3A_1991 = arith.index_cast %add3A_1990 : i32 to index
        %swap3A_1992 = arith.constant 80 : index
        %swap3A_1993 = tpu.vector_load %arg10[%swap3A_1991, %swap3A_1992] {strides = array<i32>} : memref<128x128xf32, #tpu.memory_space<vmem>>, vector<1x16xf32>,
        %swap3A_1994 = vector.shape_cast %swap3A_1993 : vector<1x16xf32> to vector<16xf32>
        %swap3A_1995 = vector.shape_cast %mul3A_1988 : vector<16xf32> to vector<1x16xf32>
        tpu.vector_store %arg10[%swap3A_1991, %swap3A_1992], %swap3A_1995 {strides = array<i32>} : memref<128x128xf32, #tpu.memory_space<vmem>>, vector<1x16xf32>,
        %add3A_1996 = arith.constant 14 : i32
        %add3A_1997 = arith.addi %mul3A_198, %add3A_1996 : i32
        %get3A_1998 = arith.index_cast %add3A_1997 : i32 to index
        %get3A_1999 = arith.constant 96 : index
        %get3A_2000 = tpu.vector_load %arg10[%get3A_1998, %get3A_1999] {strides = array<i32>} : memref<128x128xf32, #tpu.memory_space<vmem>>, vector<1x16xf32>,
        %get3A_2001 = vector.shape_cast %get3A_2000 : vector<1x16xf32> to vector<16xf32>
        %mul3A_2002 = vector.broadcast %squeeze3A_1905 : f32 to vector<16xf32>
        %mul3A_2003 = arith.mulf %get3A_2001, %mul3A_2002 : vector<16xf32>
        %add3A_2004 = arith.constant 14 : i32
        %add3A_2005 = arith.addi %mul3A_198, %add3A_2004 : i32
        %swap3A_2006 = arith.index_cast %add3A_2005 : i32 to index
        %swap3A_2007 = arith.constant 96 : index
        %swap3A_2008 = tpu.vector_load %arg10[%swap3A_2006, %swap3A_2007] {strides = array<i32>} : memref<128x128xf32, #tpu.memory_space<vmem>>, vector<1x16xf32>,
        %swap3A_2009 = vector.shape_cast %swap3A_2008 : vector<1x16xf32> to vector<16xf32>
        %swap3A_2010 = vector.shape_cast %mul3A_2003 : vector<16xf32> to vector<1x16xf32>
        tpu.vector_store %arg10[%swap3A_2006, %swap3A_2007], %swap3A_2010 {strides = array<i32>} : memref<128x128xf32, #tpu.memory_space<vmem>>, vector<1x16xf32>,
        %add3A_2011 = arith.constant 14 : i32
        %add3A_2012 = arith.addi %mul3A_198, %add3A_2011 : i32
        %get3A_2013 = arith.index_cast %add3A_2012 : i32 to index
        %get3A_2014 = arith.constant 112 : index
        %get3A_2015 = tpu.vector_load %arg10[%get3A_2013, %get3A_2014] {strides = array<i32>} : memref<128x128xf32, #tpu.memory_space<vmem>>, vector<1x16xf32>,
        %get3A_2016 = vector.shape_cast %get3A_2015 : vector<1x16xf32> to vector<16xf32>
        %mul3A_2017 = vector.broadcast %squeeze3A_1905 : f32 to vector<16xf32>
        %mul3A_2018 = arith.mulf %get3A_2016, %mul3A_2017 : vector<16xf32>
        %add3A_2019 = arith.constant 14 : i32
        %add3A_2020 = arith.addi %mul3A_198, %add3A_2019 : i32
        %swap3A_2021 = arith.index_cast %add3A_2020 : i32 to index
        %swap3A_2022 = arith.constant 112 : index
        %swap3A_2023 = tpu.vector_load %arg10[%swap3A_2021, %swap3A_2022] {strides = array<i32>} : memref<128x128xf32, #tpu.memory_space<vmem>>, vector<1x16xf32>,
        %swap3A_2024 = vector.shape_cast %swap3A_2023 : vector<1x16xf32> to vector<16xf32>
        %swap3A_2025 = vector.shape_cast %mul3A_2018 : vector<16xf32> to vector<1x16xf32>
        tpu.vector_store %arg10[%swap3A_2021, %swap3A_2022], %swap3A_2025 {strides = array<i32>} : memref<128x128xf32, #tpu.memory_space<vmem>>, vector<1x16xf32>,
        %slice3A_2026 = vector.extract_strided_slice %get3A_196 {offsets = [15], sizes = [1], strides = [1]} : vector<16xf32> to vector<1xf32>
        %squeeze3A_2027 = vector.extract %slice3A_2026[0] : f32 from vector<1xf32>
        %add3A_2028 = arith.constant 15 : i32
        %add3A_2029 = arith.addi %mul3A_198, %add3A_2028 : i32
        %get3A_2030 = arith.index_cast %add3A_2029 : i32 to index
        %get3A_2031 = arith.constant 0 : index
        %get3A_2032 = tpu.vector_load %arg10[%get3A_2030, %get3A_2031] {strides = array<i32>} : memref<128x128xf32, #tpu.memory_space<vmem>>, vector<1x16xf32>,
        %get3A_2033 = vector.shape_cast %get3A_2032 : vector<1x16xf32> to vector<16xf32>
        %mul3A_2034 = vector.broadcast %squeeze3A_2027 : f32 to vector<16xf32>
        %mul3A_2035 = arith.mulf %get3A_2033, %mul3A_2034 : vector<16xf32>
        %add3A_2036 = arith.constant 15 : i32
        %add3A_2037 = arith.addi %mul3A_198, %add3A_2036 : i32
        %swap3A_2038 = arith.index_cast %add3A_2037 : i32 to index
        %swap3A_2039 = arith.constant 0 : index
        %swap3A_2040 = tpu.vector_load %arg10[%swap3A_2038, %swap3A_2039] {strides = array<i32>} : memref<128x128xf32, #tpu.memory_space<vmem>>, vector<1x16xf32>,
        %swap3A_2041 = vector.shape_cast %swap3A_2040 : vector<1x16xf32> to vector<16xf32>
        %swap3A_2042 = vector.shape_cast %mul3A_2035 : vector<16xf32> to vector<1x16xf32>
        tpu.vector_store %arg10[%swap3A_2038, %swap3A_2039], %swap3A_2042 {strides = array<i32>} : memref<128x128xf32, #tpu.memory_space<vmem>>, vector<1x16xf32>,
        %add3A_2043 = arith.constant 15 : i32
        %add3A_2044 = arith.addi %mul3A_198, %add3A_2043 : i32
        %get3A_2045 = arith.index_cast %add3A_2044 : i32 to index
        %get3A_2046 = arith.constant 16 : index
        %get3A_2047 = tpu.vector_load %arg10[%get3A_2045, %get3A_2046] {strides = array<i32>} : memref<128x128xf32, #tpu.memory_space<vmem>>, vector<1x16xf32>,
        %get3A_2048 = vector.shape_cast %get3A_2047 : vector<1x16xf32> to vector<16xf32>
        %mul3A_2049 = vector.broadcast %squeeze3A_2027 : f32 to vector<16xf32>
        %mul3A_2050 = arith.mulf %get3A_2048, %mul3A_2049 : vector<16xf32>
        %add3A_2051 = arith.constant 15 : i32
        %add3A_2052 = arith.addi %mul3A_198, %add3A_2051 : i32
        %swap3A_2053 = arith.index_cast %add3A_2052 : i32 to index
        %swap3A_2054 = arith.constant 16 : index
        %swap3A_2055 = tpu.vector_load %arg10[%swap3A_2053, %swap3A_2054] {strides = array<i32>} : memref<128x128xf32, #tpu.memory_space<vmem>>, vector<1x16xf32>,
        %swap3A_2056 = vector.shape_cast %swap3A_2055 : vector<1x16xf32> to vector<16xf32>
        %swap3A_2057 = vector.shape_cast %mul3A_2050 : vector<16xf32> to vector<1x16xf32>
        tpu.vector_store %arg10[%swap3A_2053, %swap3A_2054], %swap3A_2057 {strides = array<i32>} : memref<128x128xf32, #tpu.memory_space<vmem>>, vector<1x16xf32>,
        %add3A_2058 = arith.constant 15 : i32
        %add3A_2059 = arith.addi %mul3A_198, %add3A_2058 : i32
        %get3A_2060 = arith.index_cast %add3A_2059 : i32 to index
        %get3A_2061 = arith.constant 32 : index
        %get3A_2062 = tpu.vector_load %arg10[%get3A_2060, %get3A_2061] {strides = array<i32>} : memref<128x128xf32, #tpu.memory_space<vmem>>, vector<1x16xf32>,
        %get3A_2063 = vector.shape_cast %get3A_2062 : vector<1x16xf32> to vector<16xf32>
        %mul3A_2064 = vector.broadcast %squeeze3A_2027 : f32 to vector<16xf32>
        %mul3A_2065 = arith.mulf %get3A_2063, %mul3A_2064 : vector<16xf32>
        %add3A_2066 = arith.constant 15 : i32
        %add3A_2067 = arith.addi %mul3A_198, %add3A_2066 : i32
        %swap3A_2068 = arith.index_cast %add3A_2067 : i32 to index
        %swap3A_2069 = arith.constant 32 : index
        %swap3A_2070 = tpu.vector_load %arg10[%swap3A_2068, %swap3A_2069] {strides = array<i32>} : memref<128x128xf32, #tpu.memory_space<vmem>>, vector<1x16xf32>,
        %swap3A_2071 = vector.shape_cast %swap3A_2070 : vector<1x16xf32> to vector<16xf32>
        %swap3A_2072 = vector.shape_cast %mul3A_2065 : vector<16xf32> to vector<1x16xf32>
        tpu.vector_store %arg10[%swap3A_2068, %swap3A_2069], %swap3A_2072 {strides = array<i32>} : memref<128x128xf32, #tpu.memory_space<vmem>>, vector<1x16xf32>,
        %add3A_2073 = arith.constant 15 : i32
        %add3A_2074 = arith.addi %mul3A_198, %add3A_2073 : i32
        %get3A_2075 = arith.index_cast %add3A_2074 : i32 to index
        %get3A_2076 = arith.constant 48 : index
        %get3A_2077 = tpu.vector_load %arg10[%get3A_2075, %get3A_2076] {strides = array<i32>} : memref<128x128xf32, #tpu.memory_space<vmem>>, vector<1x16xf32>,
        %get3A_2078 = vector.shape_cast %get3A_2077 : vector<1x16xf32> to vector<16xf32>
        %mul3A_2079 = vector.broadcast %squeeze3A_2027 : f32 to vector<16xf32>
        %mul3A_2080 = arith.mulf %get3A_2078, %mul3A_2079 : vector<16xf32>
        %add3A_2081 = arith.constant 15 : i32
        %add3A_2082 = arith.addi %mul3A_198, %add3A_2081 : i32
        %swap3A_2083 = arith.index_cast %add3A_2082 : i32 to index
        %swap3A_2084 = arith.constant 48 : index
        %swap3A_2085 = tpu.vector_load %arg10[%swap3A_2083, %swap3A_2084] {strides = array<i32>} : memref<128x128xf32, #tpu.memory_space<vmem>>, vector<1x16xf32>,
        %swap3A_2086 = vector.shape_cast %swap3A_2085 : vector<1x16xf32> to vector<16xf32>
        %swap3A_2087 = vector.shape_cast %mul3A_2080 : vector<16xf32> to vector<1x16xf32>
        tpu.vector_store %arg10[%swap3A_2083, %swap3A_2084], %swap3A_2087 {strides = array<i32>} : memref<128x128xf32, #tpu.memory_space<vmem>>, vector<1x16xf32>,
        %add3A_2088 = arith.constant 15 : i32
        %add3A_2089 = arith.addi %mul3A_198, %add3A_2088 : i32
        %get3A_2090 = arith.index_cast %add3A_2089 : i32 to index
        %get3A_2091 = arith.constant 64 : index
        %get3A_2092 = tpu.vector_load %arg10[%get3A_2090, %get3A_2091] {strides = array<i32>} : memref<128x128xf32, #tpu.memory_space<vmem>>, vector<1x16xf32>,
        %get3A_2093 = vector.shape_cast %get3A_2092 : vector<1x16xf32> to vector<16xf32>
        %mul3A_2094 = vector.broadcast %squeeze3A_2027 : f32 to vector<16xf32>
        %mul3A_2095 = arith.mulf %get3A_2093, %mul3A_2094 : vector<16xf32>
        %add3A_2096 = arith.constant 15 : i32
        %add3A_2097 = arith.addi %mul3A_198, %add3A_2096 : i32
        %swap3A_2098 = arith.index_cast %add3A_2097 : i32 to index
        %swap3A_2099 = arith.constant 64 : index
        %swap3A_2100 = tpu.vector_load %arg10[%swap3A_2098, %swap3A_2099] {strides = array<i32>} : memref<128x128xf32, #tpu.memory_space<vmem>>, vector<1x16xf32>,
        %swap3A_2101 = vector.shape_cast %swap3A_2100 : vector<1x16xf32> to vector<16xf32>
        %swap3A_2102 = vector.shape_cast %mul3A_2095 : vector<16xf32> to vector<1x16xf32>
        tpu.vector_store %arg10[%swap3A_2098, %swap3A_2099], %swap3A_2102 {strides = array<i32>} : memref<128x128xf32, #tpu.memory_space<vmem>>, vector<1x16xf32>,
        %add3A_2103 = arith.constant 15 : i32
        %add3A_2104 = arith.addi %mul3A_198, %add3A_2103 : i32
        %get3A_2105 = arith.index_cast %add3A_2104 : i32 to index
        %get3A_2106 = arith.constant 80 : index
        %get3A_2107 = tpu.vector_load %arg10[%get3A_2105, %get3A_2106] {strides = array<i32>} : memref<128x128xf32, #tpu.memory_space<vmem>>, vector<1x16xf32>,
        %get3A_2108 = vector.shape_cast %get3A_2107 : vector<1x16xf32> to vector<16xf32>
        %mul3A_2109 = vector.broadcast %squeeze3A_2027 : f32 to vector<16xf32>
        %mul3A_2110 = arith.mulf %get3A_2108, %mul3A_2109 : vector<16xf32>
        %add3A_2111 = arith.constant 15 : i32
        %add3A_2112 = arith.addi %mul3A_198, %add3A_2111 : i32
        %swap3A_2113 = arith.index_cast %add3A_2112 : i32 to index
        %swap3A_2114 = arith.constant 80 : index
        %swap3A_2115 = tpu.vector_load %arg10[%swap3A_2113, %swap3A_2114] {strides = array<i32>} : memref<128x128xf32, #tpu.memory_space<vmem>>, vector<1x16xf32>,
        %swap3A_2116 = vector.shape_cast %swap3A_2115 : vector<1x16xf32> to vector<16xf32>
        %swap3A_2117 = vector.shape_cast %mul3A_2110 : vector<16xf32> to vector<1x16xf32>
        tpu.vector_store %arg10[%swap3A_2113, %swap3A_2114], %swap3A_2117 {strides = array<i32>} : memref<128x128xf32, #tpu.memory_space<vmem>>, vector<1x16xf32>,
        %add3A_2118 = arith.constant 15 : i32
        %add3A_2119 = arith.addi %mul3A_198, %add3A_2118 : i32
        %get3A_2120 = arith.index_cast %add3A_2119 : i32 to index
        %get3A_2121 = arith.constant 96 : index
        %get3A_2122 = tpu.vector_load %arg10[%get3A_2120, %get3A_2121] {strides = array<i32>} : memref<128x128xf32, #tpu.memory_space<vmem>>, vector<1x16xf32>,
        %get3A_2123 = vector.shape_cast %get3A_2122 : vector<1x16xf32> to vector<16xf32>
        %mul3A_2124 = vector.broadcast %squeeze3A_2027 : f32 to vector<16xf32>
        %mul3A_2125 = arith.mulf %get3A_2123, %mul3A_2124 : vector<16xf32>
        %add3A_2126 = arith.constant 15 : i32
        %add3A_2127 = arith.addi %mul3A_198, %add3A_2126 : i32
        %swap3A_2128 = arith.index_cast %add3A_2127 : i32 to index
        %swap3A_2129 = arith.constant 96 : index
        %swap3A_2130 = tpu.vector_load %arg10[%swap3A_2128, %swap3A_2129] {strides = array<i32>} : memref<128x128xf32, #tpu.memory_space<vmem>>, vector<1x16xf32>,
        %swap3A_2131 = vector.shape_cast %swap3A_2130 : vector<1x16xf32> to vector<16xf32>
        %swap3A_2132 = vector.shape_cast %mul3A_2125 : vector<16xf32> to vector<1x16xf32>
        tpu.vector_store %arg10[%swap3A_2128, %swap3A_2129], %swap3A_2132 {strides = array<i32>} : memref<128x128xf32, #tpu.memory_space<vmem>>, vector<1x16xf32>,
        %add3A_2133 = arith.constant 15 : i32
        %add3A_2134 = arith.addi %mul3A_198, %add3A_2133 : i32
        %get3A_2135 = arith.index_cast %add3A_2134 : i32 to index
        %get3A_2136 = arith.constant 112 : index
        %get3A_2137 = tpu.vector_load %arg10[%get3A_2135, %get3A_2136] {strides = array<i32>} : memref<128x128xf32, #tpu.memory_space<vmem>>, vector<1x16xf32>,
        %get3A_2138 = vector.shape_cast %get3A_2137 : vector<1x16xf32> to vector<16xf32>
        %mul3A_2139 = vector.broadcast %squeeze3A_2027 : f32 to vector<16xf32>
        %mul3A_2140 = arith.mulf %get3A_2138, %mul3A_2139 : vector<16xf32>
        %add3A_2141 = arith.constant 15 : i32
        %add3A_2142 = arith.addi %mul3A_198, %add3A_2141 : i32
        %swap3A_2143 = arith.index_cast %add3A_2142 : i32 to index
        %swap3A_2144 = arith.constant 112 : index
        %swap3A_2145 = tpu.vector_load %arg10[%swap3A_2143, %swap3A_2144] {strides = array<i32>} : memref<128x128xf32, #tpu.memory_space<vmem>>, vector<1x16xf32>,
        %swap3A_2146 = vector.shape_cast %swap3A_2145 : vector<1x16xf32> to vector<16xf32>
        %swap3A_2147 = vector.shape_cast %mul3A_2140 : vector<16xf32> to vector<1x16xf32>
        tpu.vector_store %arg10[%swap3A_2143, %swap3A_2144], %swap3A_2147 {strides = array<i32>} : memref<128x128xf32, #tpu.memory_space<vmem>>, vector<1x16xf32>,
      }
      %scan3A_186 = arith.constant 8 : i32
      %add3A_187 = arith.constant 4 : i32
      %add3A_188 = arith.addi %while3A_93, %add3A_187 : i32
      %sub3A = arith.constant 1 : i32
      %sub3A_189 = arith.subi %add3A_188, %sub3A : i32
      %lt3A = arith.cmpi slt, %sub3A_189, %select_n3A : i32
      %convert_element_type3A = arith.extui %lt3A : i1 to i32
      %cond3A = arith.constant 0 : i32
      %cond3A_190 = arith.cmpi ne, %convert_element_type3A, %cond3A : i32
      scf.if %cond3A_190 {
        %add3A_191 = arith.constant 4 : i32
        %add3A_192 = arith.addi %while3A_93, %add3A_191 : i32
        %sub3A_193 = arith.constant 1 : i32
        %sub3A_194 = arith.subi %add3A_192, %sub3A_193 : i32
        %add3A_195 = arith.constant 4 : i32
        %add3A_196 = arith.addi %while3A_93, %add3A_195 : i32
        %sub3A_197 = arith.constant 1 : i32
        %sub3A_198 = arith.subi %add3A_196, %sub3A_197 : i32
        %rem3A_199 = arith.constant 4 : i32
        %rem3A_200 = arith.remsi %sub3A_198, %rem3A_199 : i32
        %dma_start3A_201 = arith.constant 0 : i32
        %dma_start3A_202 = tpu.memref_slice %arg9[%rem3A_200, %dma_start3A_201] : memref<4x128xf32, #tpu.memory_space<vmem>> -> memref<1x128xf32, #tpu.memory_space<vmem>>
        %dma_start3A_203 = tpu.memref_squeeze %dma_start3A_202 : memref<1x128xf32, #tpu.memory_space<vmem>> -> memref<128xf32, #tpu.memory_space<vmem>>
        %dma_start3A_204 = arith.constant 0 : i32
        %dma_start3A_205 = tpu.memref_slice %arg5[%add3A, %sub3A_194, %dma_start3A_204] : memref<32x108x128xf32, #tpu.memory_space<hbm>> -> memref<1x1x128xf32, #tpu.memory_space<hbm>>
        %dma_start3A_206 = tpu.memref_squeeze %dma_start3A_205 : memref<1x1x128xf32, #tpu.memory_space<hbm>> -> memref<128xf32, #tpu.memory_space<hbm>>
        %dma_start3A_207 = tpu.memref_slice %arg16[%rem3A_200] : memref<4x!tpu.dma_semaphore, #tpu.memory_space<semaphore_mem>> -> memref<1x!tpu.dma_semaphore, #tpu.memory_space<semaphore_mem>>
        %dma_start3A_208 = tpu.memref_squeeze %dma_start3A_207 : memref<1x!tpu.dma_semaphore, #tpu.memory_space<semaphore_mem>> -> memref<!tpu.dma_semaphore, #tpu.memory_space<semaphore_mem>>
        %dma_start3A_209 = arith.constant 0 : i32
        %dma_start3A_210 = tpu.memref_slice %arg9[%rem3A_200, %dma_start3A_209] : memref<4x128xf32, #tpu.memory_space<vmem>> -> memref<1x128xf32, #tpu.memory_space<vmem>>
        %dma_start3A_211 = tpu.memref_squeeze %dma_start3A_210 : memref<1x128xf32, #tpu.memory_space<vmem>> -> memref<128xf32, #tpu.memory_space<vmem>>
        %dma_start3A_212 = arith.constant 0 : i32
        %dma_start3A_213 = tpu.memref_slice %arg5[%add3A, %sub3A_194, %dma_start3A_212] : memref<32x108x128xf32, #tpu.memory_space<hbm>> -> memref<1x1x128xf32, #tpu.memory_space<hbm>>
        %dma_start3A_214 = tpu.memref_squeeze %dma_start3A_213 : memref<1x1x128xf32, #tpu.memory_space<hbm>> -> memref<128xf32, #tpu.memory_space<hbm>>
        tpu.enqueue_dma source(%dma_start3A_214 : memref<128xf32, #tpu.memory_space<hbm>>) target(%dma_start3A_211 : memref<128xf32, #tpu.memory_space<vmem>>) target_semaphore(%dma_start3A_208 : memref<!tpu.dma_semaphore, #tpu.memory_space<semaphore_mem>>)
      } else {
      }
      "tpu.region"() ({
        %run_scoped3A = tpu.sem_alloc : memref<!tpu.dma_semaphore, #tpu.memory_space<semaphore_mem>>
        %dma_start3A_191 = arith.constant 0 : i32
        %dma_start3A_192 = tpu.memref_slice %arg8[%while3A_93, %dma_start3A_191] : memref<108x128xi32, #tpu.memory_space<vmem>> -> memref<1x128xi32, #tpu.memory_space<vmem>>
        %dma_start3A_193 = tpu.memref_squeeze %dma_start3A_192 : memref<1x128xi32, #tpu.memory_space<vmem>> -> memref<128xi32, #tpu.memory_space<vmem>>
        %dma_start3A_194 = arith.constant 0 : i32
        %dma_start3A_195 = arith.constant 0 : i32
        %dma_start3A_196 = tpu.memref_slice %arg11[%dma_start3A_194, %dma_start3A_195] : memref<10112x128xf32, #tpu.memory_space<vmem_shared>> -> memref<10112x128xf32, #tpu.memory_space<vmem_shared>>
        tpu.enqueue_indirect_dma source(%arg10 : memref<128x128xf32, #tpu.memory_space<vmem>>) target(%dma_start3A_196 : memref<10112x128xf32, #tpu.memory_space<vmem_shared>>) offsets(%dma_start3A_193 : memref<128xi32, #tpu.memory_space<vmem>>) semaphore(%run_scoped3A : memref<!tpu.dma_semaphore, #tpu.memory_space<semaphore_mem>>) {add = true}
        %dma_wait3A_197 = arith.constant 0 : i32
        %dma_wait3A_198 = tpu.memref_slice %arg8[%while3A_93, %dma_wait3A_197] : memref<108x128xi32, #tpu.memory_space<vmem>> -> memref<1x128xi32, #tpu.memory_space<vmem>>
        %dma_wait3A_199 = tpu.memref_squeeze %dma_wait3A_198 : memref<1x128xi32, #tpu.memory_space<vmem>> -> memref<128xi32, #tpu.memory_space<vmem>>
        %dma_wait3A_200 = arith.constant 0 : i32
        %dma_wait3A_201 = arith.constant 0 : i32
        %dma_wait3A_202 = tpu.memref_slice %arg11[%dma_wait3A_200, %dma_wait3A_201] : memref<10112x128xf32, #tpu.memory_space<vmem_shared>> -> memref<10112x128xf32, #tpu.memory_space<vmem_shared>>
        tpu.wait_indirect_dma semaphore(%run_scoped3A : memref<!tpu.dma_semaphore, #tpu.memory_space<semaphore_mem>>) src(%arg10 : memref<128x128xf32, #tpu.memory_space<vmem>>) dst(%dma_wait3A_202 : memref<10112x128xf32, #tpu.memory_space<vmem_shared>>)
        tpu.yield
      }) : () -> ()
    }
    %barrier3A_88 = arith.constant 0 : index
    tpu.barrier barrier_id(%barrier3A_88)
    %mul3A_89 = arith.constant 632 : i32
    %mul3A_90 = arith.muli %arg1, %mul3A_89 : i32
    %mul3A_91 = arith.constant 632 : i32
    %mul3A_92 = arith.muli %arg1, %mul3A_91 : i32
    "tpu.region"() ({
      %run_scoped3A = tpu.sem_alloc : memref<!tpu.dma_semaphore, #tpu.memory_space<semaphore_mem>>
      %dma_start3A_93 = arith.constant 0 : i32
      %dma_start3A_94 = tpu.memref_slice %arg6[%arg0, %mul3A_92, %dma_start3A_93] : memref<2x10112x128xf32, #tpu.memory_space<hbm>> -> memref<1x632x128xf32, #tpu.memory_space<hbm>>
      %dma_start3A_95 = tpu.memref_squeeze %dma_start3A_94 : memref<1x632x128xf32, #tpu.memory_space<hbm>> -> memref<632x128xf32, #tpu.memory_space<hbm>>
      %dma_start3A_96 = arith.constant 0 : i32
      %dma_start3A_97 = tpu.memref_slice %arg11[%mul3A_90, %dma_start3A_96] : memref<10112x128xf32, #tpu.memory_space<vmem_shared>> -> memref<632x128xf32, #tpu.memory_space<vmem_shared>>
      tpu.enqueue_dma source(%dma_start3A_97 : memref<632x128xf32, #tpu.memory_space<vmem_shared>>) target(%dma_start3A_95 : memref<632x128xf32, #tpu.memory_space<hbm>>) target_semaphore(%run_scoped3A : memref<!tpu.dma_semaphore, #tpu.memory_space<semaphore_mem>>)
      %dma_wait3A = arith.constant 0 : i32
      %dma_wait3A_98 = tpu.memref_slice %arg6[%arg0, %mul3A_92, %dma_wait3A] : memref<2x10112x128xf32, #tpu.memory_space<hbm>> -> memref<1x632x128xf32, #tpu.memory_space<hbm>>
      %dma_wait3A_99 = tpu.memref_squeeze %dma_wait3A_98 : memref<1x632x128xf32, #tpu.memory_space<hbm>> -> memref<632x128xf32, #tpu.memory_space<hbm>>
      %dma_wait3A_100 = arith.constant 0 : i32
      %dma_wait3A_101 = tpu.memref_slice %arg11[%mul3A_90, %dma_wait3A_100] : memref<10112x128xf32, #tpu.memory_space<vmem_shared>> -> memref<632x128xf32, #tpu.memory_space<vmem_shared>>
      tpu.wait_dma2 semaphore(%run_scoped3A : memref<!tpu.dma_semaphore, #tpu.memory_space<semaphore_mem>>) src(%dma_wait3A_101 : memref<632x128xf32, #tpu.memory_space<vmem_shared>>) dst(%dma_wait3A_99 : memref<632x128xf32, #tpu.memory_space<hbm>>)
      tpu.yield
    }) : () -> ()
    return
  }
}

module attributes {stable_mosaic.version = 14 : i64} {
  func.func @_mm_body(%arg0: i32, %arg1: memref<1000x128xf32, #tpu.memory_space<vmem>>, %arg2: memref<128x128xf32, #tpu.memory_space<vmem>>, %arg3: memref<1000x128xf32, #tpu.memory_space<vmem>>) attributes {dimension_semantics = [#tpu.dimension_semantics<arbitrary>], iteration_bounds = array<i64: 10>, scalar_prefetch = 0 : i64, scratch_operands = 0 : i64, tpu.core_type = #tpu.core_type<tc>, window_params = [{transform_indices = @transform_0, window_bounds = array<i64: 1000, 128>}, {pipeline_mode = #tpu.pipeline_mode<synchronous>, transform_indices = @transform_1, window_bounds = array<i64: 128, 128>}, {transform_indices = @transform_2, window_bounds = array<i64: 1000, 128>}]} {
    %get3A = arith.constant 0 : index
    %get3A_0 = arith.constant 0 : index
    %get3A_1 = vector.load %arg1[%get3A, %get3A_0] : memref<1000x128xf32, #tpu.memory_space<vmem>>, vector<1000x128xf32>
    %get3A_2 = arith.constant 0 : index
    %get3A_3 = arith.constant 0 : index
    %get3A_4 = vector.load %arg2[%get3A_2, %get3A_3] : memref<128x128xf32, #tpu.memory_space<vmem>>, vector<128x128xf32>
    %dot_general3A = arith.constant dense<0.000000e+00> : vector<1000x128xf32>
    %dot_general3A_5 = tpu.matmul %get3A_1, %get3A_4, %dot_general3A {dimension_numbers = #tpu.dot_dimension_numbers<[1], [0], [0], [1], [0, 0, 1, 1], [], []>, transpose_lhs_hint = false} : vector<1000x128xf32>, vector<128x128xf32>, vector<1000x128xf32> -> vector<1000x128xf32>
    %swap3A = arith.constant 0 : index
    %swap3A_6 = arith.constant 0 : index
    %swap3A_7 = vector.load %arg3[%swap3A, %swap3A_6] : memref<1000x128xf32, #tpu.memory_space<vmem>>, vector<1000x128xf32>
    tpu.vector_store %arg3[%swap3A, %swap3A_6], %dot_general3A_5 {strides = array<i32>} : memref<1000x128xf32, #tpu.memory_space<vmem>>, vector<1000x128xf32>,
    return
  }
  func.func @transform_0(%arg0: i32) -> (i32, i32) {
    %c0_i32 = arith.constant 0 : i32
    %c0_i32_0 = arith.constant 0 : i32
    return %arg0, %c0_i32 : i32, i32
  }
  func.func @transform_1(%arg0: i32) -> (i32, i32) {
    %c0_i32 = arith.constant 0 : i32
    %c0_i32_0 = arith.constant 0 : i32
    %c0_i32_1 = arith.constant 0 : i32
    return %c0_i32, %c0_i32_0 : i32, i32
  }
  func.func @transform_2(%arg0: i32) -> (i32, i32) {
    %c0_i32 = arith.constant 0 : i32
    %c0_i32_0 = arith.constant 0 : i32
    return %arg0, %c0_i32 : i32, i32
  }
}

module attributes {stable_mosaic.version = 14 : i64} {
  func.func @_epilogue_body(%arg0: i32, %arg1: memref<1000x128xf32, #tpu.memory_space<vmem>>, %arg2: memref<1000x128xf32, #tpu.memory_space<vmem>>, %arg3: memref<1x128xf32, #tpu.memory_space<vmem>>, %arg4: memref<128x128xf32, #tpu.memory_space<vmem>>, %arg5: memref<1x128xf32, #tpu.memory_space<vmem>>, %arg6: memref<1000x128xf32, #tpu.memory_space<vmem>>) attributes {dimension_semantics = [#tpu.dimension_semantics<arbitrary>], iteration_bounds = array<i64: 10>, scalar_prefetch = 0 : i64, scratch_operands = 0 : i64, tpu.core_type = #tpu.core_type<tc>, window_params = [{transform_indices = @transform_0, window_bounds = array<i64: 1000, 128>}, {transform_indices = @transform_1, window_bounds = array<i64: 1000, 128>}, {pipeline_mode = #tpu.pipeline_mode<synchronous>, transform_indices = @transform_2, window_bounds = array<i64: 1, 128>}, {pipeline_mode = #tpu.pipeline_mode<synchronous>, transform_indices = @transform_3, window_bounds = array<i64: 128, 128>}, {pipeline_mode = #tpu.pipeline_mode<synchronous>, transform_indices = @transform_4, window_bounds = array<i64: 1, 128>}, {transform_indices = @transform_5, window_bounds = array<i64: 1000, 128>}]} {
    %get3A = arith.constant 0 : index
    %get3A_0 = arith.constant 0 : index
    %get3A_1 = vector.load %arg1[%get3A, %get3A_0] : memref<1000x128xf32, #tpu.memory_space<vmem>>, vector<1000x128xf32>
    %get3A_2 = arith.constant 0 : index
    %get3A_3 = arith.constant 0 : index
    %get3A_4 = vector.load %arg2[%get3A_2, %get3A_3] : memref<1000x128xf32, #tpu.memory_space<vmem>>, vector<1000x128xf32>
    %add3A = arith.addf %get3A_1, %get3A_4 : vector<1000x128xf32>
    %get3A_5 = arith.constant 0 : index
    %get3A_6 = arith.constant 0 : index
    %get3A_7 = vector.load %arg3[%get3A_5, %get3A_6] : memref<1x128xf32, #tpu.memory_space<vmem>>, vector<1x128xf32>
    %add3A_8 = vector.broadcast %get3A_7 : vector<1x128xf32> to vector<1000x128xf32>
    %add3A_9 = arith.addf %add3A, %add3A_8 : vector<1000x128xf32>
    %max3A = arith.constant 0.000000e+00 : f32
    %max3A_10 = vector.broadcast %max3A : f32 to vector<1000x128xf32>
    %max3A_11 = arith.maximumf %add3A_9, %max3A_10 : vector<1000x128xf32>
    %get3A_12 = arith.constant 0 : index
    %get3A_13 = arith.constant 0 : index
    %get3A_14 = vector.load %arg4[%get3A_12, %get3A_13] : memref<128x128xf32, #tpu.memory_space<vmem>>, vector<128x128xf32>
    %dot_general3A = arith.constant dense<0.000000e+00> : vector<1000x128xf32>
    %dot_general3A_15 = tpu.matmul %max3A_11, %get3A_14, %dot_general3A {dimension_numbers = #tpu.dot_dimension_numbers<[1], [0], [0], [1], [0, 0, 1, 1], [], []>, transpose_lhs_hint = false} : vector<1000x128xf32>, vector<128x128xf32>, vector<1000x128xf32> -> vector<1000x128xf32>
    %get3A_16 = arith.constant 0 : index
    %get3A_17 = arith.constant 0 : index
    %get3A_18 = vector.load %arg5[%get3A_16, %get3A_17] : memref<1x128xf32, #tpu.memory_space<vmem>>, vector<1x128xf32>
    %add3A_19 = vector.broadcast %get3A_18 : vector<1x128xf32> to vector<1000x128xf32>
    %add3A_20 = arith.addf %dot_general3A_15, %add3A_19 : vector<1000x128xf32>
    %mul3A = arith.mulf %add3A_20, %add3A_20 : vector<1000x128xf32>
    %reduce_sum3A = arith.constant dense<0.000000e+00> : vector<1000xf32>
    %reduce_sum3A_21 = vector.multi_reduction <add>, %mul3A, %reduce_sum3A [1] : vector<1000x128xf32> to vector<1000xf32>
    %broadcast_in_dim3A = vector.shape_cast %reduce_sum3A_21 : vector<1000xf32> to vector<1000x1xf32>
    %sqrt3A = math.sqrt %broadcast_in_dim3A : vector<1000x1xf32>
    %div3A = vector.broadcast %sqrt3A : vector<1000x1xf32> to vector<1000x128xf32>
    %div3A_22 = arith.divf %add3A_20, %div3A : vector<1000x128xf32>
    %swap3A = arith.constant 0 : index
    %swap3A_23 = arith.constant 0 : index
    %swap3A_24 = vector.load %arg6[%swap3A, %swap3A_23] : memref<1000x128xf32, #tpu.memory_space<vmem>>, vector<1000x128xf32>
    tpu.vector_store %arg6[%swap3A, %swap3A_23], %div3A_22 {strides = array<i32>} : memref<1000x128xf32, #tpu.memory_space<vmem>>, vector<1000x128xf32>,
    return
  }
  func.func @transform_0(%arg0: i32) -> (i32, i32) {
    %c0_i32 = arith.constant 0 : i32
    %c0_i32_0 = arith.constant 0 : i32
    return %arg0, %c0_i32 : i32, i32
  }
  func.func @transform_1(%arg0: i32) -> (i32, i32) {
    %c0_i32 = arith.constant 0 : i32
    %c0_i32_0 = arith.constant 0 : i32
    return %arg0, %c0_i32 : i32, i32
  }
  func.func @transform_2(%arg0: i32) -> (i32, i32) {
    %c0_i32 = arith.constant 0 : i32
    %c0_i32_0 = arith.constant 0 : i32
    %c0_i32_1 = arith.constant 0 : i32
    return %c0_i32, %c0_i32_0 : i32, i32
  }
  func.func @transform_3(%arg0: i32) -> (i32, i32) {
    %c0_i32 = arith.constant 0 : i32
    %c0_i32_0 = arith.constant 0 : i32
    %c0_i32_1 = arith.constant 0 : i32
    return %c0_i32, %c0_i32_0 : i32, i32
  }
  func.func @transform_4(%arg0: i32) -> (i32, i32) {
    %c0_i32 = arith.constant 0 : i32
    %c0_i32_0 = arith.constant 0 : i32
    %c0_i32_1 = arith.constant 0 : i32
    return %c0_i32, %c0_i32_0 : i32, i32
  }
  func.func @transform_5(%arg0: i32) -> (i32, i32) {
    %c0_i32 = arith.constant 0 : i32
    %c0_i32_0 = arith.constant 0 : i32
    return %arg0, %c0_i32 : i32, i32
  }
}

</mosaic_0001>

<sc_bundles>
// kernel: kernel.5.cloned.1.call-start
scs
__scs_entry_jumppad:
0x0: {  	(pc) =	sbr.rel $0x88, $3  }
0x1: {  	(tag) =	ssettag $0x0;
	lr =	simm.s32 $0x1  }
0x2: {  	[smem:$0x3F9A] =	sst lr;
	_ =	strace $0xD0000000  }
0x3: {  	_ = 	snop  }
0x4: {  	_ = 	snop  }
0x5: {  	_ = 	snop  }
0x6: {  	_ = 	snop  }
0x7: {  	_ = 	snop  }
__scs_overlays_trampoline_lowered:
0x8: {  	[smem:$0x3FA9] =	sst s0  }
0x9: {  	[smem:$0x3FAA] =	sst s1  }
0xa: {  	[smem:$0x3FAB] =	sst s2  }
0xb: {  	[smem:$0x3FAC] =	sst s3  }
0xc: {  	[smem:$0x3FAD] =	sst s4  }
0xd: {  	[smem:$0x3FAE] =	sst s5  }
0xe: {  	[smem:$0x3FAF] =	sst s6  }
0xf: {  	[smem:$0x3FB0] =	sst s7  }
0x10: {  	[smem:$0x3FB1] =	sst s8  }
0x11: {  	[smem:$0x3FB2] =	sst s9;
	s0 =	simm.s32 @!p0 $0x0  }
0x12: {  	s1 =	sld [smem:$0x3F98];
	s0 =	simm.s32 @p0 $0x1  }
0x13: {  	[smem:$0x3FB3] =	sst s0;
	s0 =	simm.s32 @!p1 $0x0  }
0x14: {  	s2 =	sld [smem:$0x3F97];
	s0 =	simm.s32 @p1 $0x1  }
0x15: {  	[smem:$0x3FB4] =	sst s0;
	s0 =	simm.s32 @!p2 $0x0  }
0x16: {  	s3 =	sld [smem:$0x3FDB];
	s0 =	simm.s32 @p2 $0x1  }
0x17: {  	s4 =	simm.s32 $0x1BF5;
	[smem:$0x3FB6] =	sst s0  }
0x18: {  	s0 =	sld [smem:$0x3F99];
	_ =	swait.ge [sflag:s4], $0x0  }
0x19: {  	s7 =	sld [smem:$0x3F9A]  }
0x1a: {  	s8 =	sadd.s32 $0xFFFFE003, lr  }
0x1b: {  	s9 =	sadd.s32 $0xFFFFFEF7, lr;
	s5 =	simm.s32 $0xFFFFFFFF;
	p2 =	slt.u32 s8, $0xFFFFF086  }
0x1c: {  	p1 =	slt.u32 s9, $0xF7A;
	s5 =	simm.s32 @!p2 $0x0  }
0x1d: {  	s5 =	simm.s32 @p1 $0x1;
	p0 =	seq.s32 s7, s2  }
0x1e: {  	s7 =	smul.u32 @!p0 $0xF7A, s2;
	p2 =	seq.s32 @!p0 s5, $0x0  }
0x1f: {  	s9 =	smul.u32 $0xF7A, s1;
	s8 =	simm.s32 @!p0 $0x1BF5;
	p2 =	por !p2, p0  }
0x20: {  	[sflag:s8] =	ssyncset.s32 @!p0 $0xFFFFF086;
	s6 =	sadd.s32 @!p0 s3, s7;
	s7 =	simm.s32 @!p0 $0x108  }
0x21: {  	s3 =	sadd.s32 s3, s9;
	s6 =	sadd.s32 @!p0 $0x88, s6;
	s7 =	simm.s32 @p2 $0x1082  }
0x22: {  	[simem:s7], [sflag:s8] =	dma.local @!p0 [hbm:s6], $0xF7A  }
0x23: {  	s9 =	sor.u32 $0xD0000000, s2;
	s6 =	simm.s32 $0x108;
	_ =	swait.ge @!p0 [sflag:s8], $0x0  }
0x24: {  	s3 =	sadd.s32 $0x88, s3;
	s6 =	simm.s32 @!p1 $0x1082;
	[sflag:s4] =	ssyncset.s32 $0xFFFFF086  }
0x25: {  	[simem:s6], [sflag:s4] =	dma.local [hbm:s3], $0xF7A  }
0x26: {  	[smem:$0x3F9A] =	sst s1;
	(tag) =	ssettag s2;
	_ =	strace s9  }
0x27: {  	s1 =	sld [smem:$0x3FAA]  }
0x28: {  	s2 =	sld [smem:$0x3FAB]  }
0x29: {  	s4 =	sld [smem:$0x3FAD]  }
0x2a: {  	p0 =	seq.s32 s5, $0x0;
	s5 =	sld [smem:$0x3FAE]  }
0x2b: {  	s6 =	sld [smem:$0x3FAF]  }
0x2c: {  	s7 =	sld [smem:$0x3FB0]  }
0x2d: {  	s3 =	simm.s32 $0x108;
	s8 =	sld [smem:$0x3FB1]  }
0x2e: {  	s3 =	simm.s32 @!p0 $0x1082;
	s9 =	sld [smem:$0x3FB2]  }
0x2f: {  	lr =	sadd.s32 s0, s3;
	s0 =	sld [smem:$0x3FA9]  }
0x30: {  	s3 =	sld [smem:$0x3FAC]  }
0x31: {  	[smem:$0x3FB5] =	sst s10  }
0x32: {  	s10 =	sld [smem:$0x3FB3];
	_ =	sdelay $0x3  }
0x33: {  	p0 =	seq.s32 s10, $0x1;
	s10 =	sld [smem:$0x3FB5];
	_ =	sdelay $0x3  }
0x34: {  	[smem:$0x3FB5] =	sst s10  }
0x35: {  	s10 =	sld [smem:$0x3FB4];
	_ =	sdelay $0x3  }
0x36: {  	p1 =	seq.s32 s10, $0x1;
	s10 =	sld [smem:$0x3FB5];
	_ =	sdelay $0x3  }
0x37: {  	[smem:$0x3FB5] =	sst s10  }
0x38: {  	s10 =	sld [smem:$0x3FB6]  }
0x39: {  	_ = 	snop;
	(pc) =	sbr.ind lr, $3  }
0x3a: {  	_ = 	snop  }
0x3b: {  	_ = 	snop  }
0x3c: {  	p2 =	seq.s32 s10, $0x1;
	s10 =	sld [smem:$0x3FB5]  }
0x3d: {  	_ =	shalt  }
0x3e: {  	_ =	shalt  }
0x3f: {  	_ =	shalt  }
0x40: {  	_ =	shalt  }
0x41: {  	_ =	shalt  }
0x42: {  	_ =	shalt  }
0x43: {  	_ =	shalt  }
0x44: {  	_ =	shalt  }
0x45: {  	_ =	shalt  }
0x46: {  	_ =	shalt  }
0x47: {  	_ =	shalt  }
0x48: {  	_ =	shalt  }
0x49: {  	_ =	shalt  }
0x4a: {  	_ =	shalt  }
0x4b: {  	_ =	shalt  }
0x4c: {  	_ =	shalt  }
0x4d: {  	_ =	shalt  }
0x4e: {  	_ =	shalt  }
0x4f: {  	_ =	shalt  }
0x50: {  	_ =	shalt  }
0x51: {  	_ =	shalt  }
0x52: {  	_ =	shalt  }
0x53: {  	_ =	shalt  }
0x54: {  	_ =	shalt  }
0x55: {  	_ =	shalt  }
0x56: {  	_ =	shalt  }
0x57: {  	_ =	shalt  }
0x58: {  	_ =	shalt  }
0x59: {  	_ =	shalt  }
0x5a: {  	_ =	shalt  }
0x5b: {  	_ =	shalt  }
0x5c: {  	_ =	shalt  }
0x5d: {  	_ =	shalt  }
0x5e: {  	_ =	shalt  }
0x5f: {  	_ =	shalt  }
0x60: {  	_ =	shalt  }
0x61: {  	_ =	shalt  }
0x62: {  	_ =	shalt  }
0x63: {  	_ =	shalt  }
0x64: {  	_ =	shalt  }
0x65: {  	_ =	shalt  }
0x66: {  	_ =	shalt  }
0x67: {  	_ =	shalt  }
0x68: {  	_ =	shalt  }
0x69: {  	_ =	shalt  }
0x6a: {  	_ =	shalt  }
0x6b: {  	_ =	shalt  }
0x6c: {  	_ =	shalt  }
0x6d: {  	_ =	shalt  }
0x6e: {  	_ =	shalt  }
0x6f: {  	_ =	shalt  }
0x70: {  	_ =	shalt  }
0x71: {  	_ =	shalt  }
0x72: {  	_ =	shalt  }
0x73: {  	_ =	shalt  }
0x74: {  	_ =	shalt  }
0x75: {  	_ =	shalt  }
0x76: {  	_ =	shalt  }
0x77: {  	_ =	shalt  }
0x78: {  	_ =	shalt  }
0x79: {  	_ =	shalt  }
0x7a: {  	_ =	shalt  }
0x7b: {  	_ =	shalt  }
0x7c: {  	_ =	shalt  }
0x7d: {  	_ =	shalt  }
0x7e: {  	_ =	shalt  }
0x7f: {  	_ =	shalt  }
0x80: {  	_ =	shalt  }
0x81: {  	_ =	shalt  }
0x82: {  	_ =	shalt  }
0x83: {  	_ =	shalt  }
0x84: {  	_ =	shalt  }
0x85: {  	_ =	shalt  }
0x86: {  	_ =	shalt  }
0x87: {  	_ =	shalt  }
.Lfunc_end0:
.L_simem_size_0:
called_computation_lowered:
.L_overlay_start_0:
0x88: {  	s2 =	sld [smem:$0x3FD9]  }
0x89: {  	s3 =	sld [smem:$0x3FFE];
	_ =	sdelay $0x1  }
0x8a: {  	s1 =	srdreg.scid  }
0x8b: {  	s0 =	sand.u32 $0x1, s1  }
0x8c: {  	s17 =	sshll.u32 s0, $0xA;
	s2 =	sadd.s32 s3, s2  }
0x8d: {  	s2 =	sadd.s32 s2, s17  }
0x8e: {  	[smem:$0x3FC1] =	sst s2  }
0x8f: {  	_ = 	snop  }
0x90: {  	s2 =	sld [smem:$0x3FD0];
	(tm) =	ssettm $0x1  }
0x91: {  	s18 =	sld [smem:$0x3FFB];
	_ =	sdelay $0x3  }
0x92: {  	_ =	strace s18  }
0x93: {  	s3 =	sld [smem:$0x3FFC];
	_ =	sdelay $0x3  }
0x94: {  	_ =	strace s3  }
0x95: {  	s3 =	sld [smem:$0x3FFD];
	_ =	sdelay $0x3  }
0x96: {  	_ =	strace s3  }
0x97: {  	_ =	strace $0x8FFFFFFF  }
0x98: {  	s19 =	sld [smem:$0x3FDB];
	_ =	sdelay $0x1  }
0x99: {  	s4 =	simm.s32 $_scs_section_size  }
0x9a: {  	s5 =	simm.s32 $_size__tile_overlayer_lowered;
	s6 =	simm.s32 $_tile_overlayer_lowered  }
0x9b: {  	s22 =	simm.s32 $0x1BFF;
	s21 =	sshll.u32 s6, $0x1;
	s3 =	sadd.s32 s4, s19  }
0x9c: {  	s7 =	simm.s32 $0x0;
	s20 =	sshll.u32 s5, $0x1;
	s5 =	sadd.s32 s21, s3  }
0x9d: {  	[timem:s7], [sflag:s22] =	dma.local [hbm:s5], s20  }
0x9e: {  	_ =	swait.ge [sflag:s22], s20  }
0x9f: {  	s4 =	ssub.s32 $0x0, s20;
	[sflag:s22] =	ssyncset.done $0x0  }
0xa0: {  	[sflag:s22] =	ssyncadd.s32 s4;
	_ =	sdelay $0x1  }
0xa1: {  	s23 =	simm.s32 $0x1B8B  }
0xa2: {  	_ =	swait.ge [sflag:s23], $0x1  }
0xa3: {  	[sflag:s23] =	ssyncset.done $0x0  }
0xa4: {  	s25 =	simm.s32 $0x1B8E;
	s24 =	sld [smem:$0x3FFE];
	[sflag:s23] =	ssyncadd.s32 $0xFFFFFFFF  }
0xa5: {  	s26 =	simm.s32 $execute0_lowered;
	[smem:$0x3FD2] =	sst s25  }
0xa6: {  	s5 =	sshll.u32 s26, $0x1;
	_ =	strace $0x80000046;
	[dreg:$0x1] =	wrdreg $0xFFFFFFFF  }
0xa7: {  	s28 =	simm.s32 $_size_execute0_lowered;
	s3 =	sadd.s32 s3, s5;
	[dreg:$0x0] =	wrdreg $0x0  }
0xa8: {  	s5 =	sshll.u32 s28, $0x1;
	[dreg:$0x2] =	wrdreg s3  }
0xa9: {  	[dreg:$0x3] =	wrdreg s5  }
0xaa: {  	[dreg:$0x4] =	wrdreg $0xC0  }
0xab: {  	_ =	task [dreg:s7], $0x5FFFF  }
0xac: {  	[dreg:$0x1] =	wrdreg $0xFFFFFFFF  }
0xad: {  	[dreg:$0x0] =	wrdreg $0x60  }
0xae: {  	[dreg:$0x2] =	wrdreg s2  }
0xaf: {  	[dreg:$0x3] =	wrdreg s24  }
0xb0: {  	[dreg:$0x4] =	wrdreg $0xB2000  }
0xb1: {  	[dreg:$0x5] =	wrdreg $0x9  }
0xb2: {  	_ =	task.clear_ibuf [dreg:s7], $0x6FFFF;
	_ =	strace $0x90000046  }
0xb3: {  	s29 =	simm.s32 $0x9;
	_ =	strace $0x80000048  }
0xb4: {  	_ =	swait.ge [sflag:s29], $0x1  }
0xb5: {  	[sflag:s29] =	ssyncadd.s32 $0xFFFFFFFF  }
0xb6: {  	_ =	strace $0x90000048  }
0xb7: {  	_ =	sfence  }
0xb8: {  	s30 =	sld [smem:$0x0];
	_ =	sdelay $0x2  }
0xb9: {  	s31 =	sshll.u32 s1, $0xD;
	s1 =	sshrl.u32 s1, $0x2  }
0xba: {  	s3 =	sand.u32 $0x4000, s31;
	s1 =	sadd.s32 s1, s30  }
0xbb: {  	s0 =	sor.u32 s3, s0;
	s1 =	sshll.u32 s1, $0x11  }
0xbc: {  	s0 =	sor.u32 s1, s0  }
0xbd: {  	s0 =	sadd.s32 $0x8F2B, s0  }
0xbe: {  	[sflag:s0] =	ssyncadd.remote.s32 $0x1  }
0xbf: {  	_ =	sfence.sel $0xFFFF  }
0xc0: {  	[dreg:$0x0] =	wrdreg $0xFFFFFFFF;
	(pc) =	sbr.abs _section_cstart, $3  }
0xc1: {  	[dreg:$0x1] =	wrdreg $0xFFFFFFFF  }
0xc2: {  	_ =	task.clear_ibuf [dreg:s7], $0x2FFFF;
	_ =	strace $0x9FFFFFFF  }
0xc3: {  	(tm) =	ssettm $0x7FFFFFFF  }
tec
execute0_lowered:
.L_overlay_start_1:
0x0: {  	(tag) =	ssettag $0x1  }
0x1: {  	s2 =	rddreg [dreg:$0x0]  }
0x2: {  	s0 =	srdreg.scid;
	s7 =	rddreg [dreg:$0x1]  }
0x3: {  	s11 =	stileid.u32;
	s4 =	rddreg [dreg:$0x2];
	s5 =	simm.s32 $0x0  }
0x4: {  	s28 =	simm.s32 $0x8200;
	s29 =	simm.s32 $0x9200;
	s30 =	simm.s32 $0xA200  }
0x5: {  	s31 =	simm.s32 $0x1;
	s0 =	sand.u32 $0x1, s0;
	s6 =	smul.u32 $0x13C00, s11  }
0x6: {  	[smem:$0x7FF] =	sst s5;
	s1 =	sshll.u32 s0, $0x4;
	s20 =	smul.u32 $0x13C000, s0  }
0x7: {  	_ =	strace $0x80000047;
	s10 =	ssub.s32 $0x2, s0;
	p0 =	seq.s32 s0, $0x0  }
0x8: {  	s1 =	sor.u32 s11, s1;
	s21 =	sshrl.u32 s10, $0x1;
	s11 =	smul.u32 $0x4F000, s11  }
0x9: {  	s3 =	smul.u32 $0x3800, s1;
	s1 =	sadd.s32 s6, s20;
	s6 =	sadd.s32 $0xE00, s7  }
0xa: {  	s12 =	ssub.s32 s10, s21;
	s20 =	simm.s32 $0x9;
	s21 =	simm.s32 $0x3  }
0xb: {  	s1 =	sshrl.u32 s1, $0x3;
	s23 =	sshrl.u32 s11, $0x2;
	s19 =	smax.u32 s12, $0x1  }
0xc: {  	s8 =	sshrl.u32 s3, $0x3;
	s1 =	sadd.s32 s1, s7;
	s11 =	sadd.s32 s23, s4  }
0xd: {  	s23 =	simm.s32 $0x80;
	s9 =	sadd.s32 s8, s7;
	s7 =	simm.s32 $0x6C  }
0xe: {  	s10 =	sadd.s32 s6, s8;
	s26 =	sadd.s32 $0x4000, s11;
	s15 =	sadd.s32 $0x8000, s11  }
0xf: {  	s16 =	sadd.s32 $0xC000, s11;
	s22 =	sadd.s32 $0x1CE00, s9;
	[dreg:$0x8] =	wrdreg s26  }
0x10: {  	s17 =	sadd.s32 $0x10000, s11;
	s9 =	sadd.s32 $0xEE00, s9;
	[dreg:$0x4] =	wrdreg s22  }
0x11: {  	s18 =	sadd.s32 $0x2AE00, s1;
	s24 =	sadd.s32 $0x10, s10;
	[dreg:$0x5] =	wrdreg s9  }
0x12: {  	s1 =	simm.s32 $0x2;
	s25 =	sadd.s32 $0x20, s10;
	[dreg:$0x6] =	wrdreg s24  }
0x13: {  	s7 =	simm.s32 @!p0 $0x32;
	s26 =	simm.s32 $0x20;
	[dreg:$0x7] =	wrdreg s25  }
0x14: {  	v0 =	vimm.f32 $0.0e+00;
	s25 =	simm.s32 $0x7200;
	s22 =	simm.s32 $0x4;
	s24 =	simm.s32 $0x0  }
.LBB2_1:
0x15: {  	s0 =	rddreg [dreg:$0x4]  }
0x16: {  	[tilespmem:s5], [sflag:$0x9] =	stream.linear.gather [hbm4b:s0+s5], $0x3600, $0x38;
	[tilespmem:$0x1EE00] =	vst v63  }
0x17: {  	_ =	swait.ge [sflag:s20], $0x3600  }
0x18: {  	[sflag:s20] =	ssyncset.done $0x0  }
0x19: {  	s8 =	simm.s32 $0x3800;
	s14 =	rddreg [dreg:$0x5];
	[sflag:s20] =	ssyncadd.s32 $0xFFFFCA00  }
0x1a: {  	[tilespmem:s8], [sflag:$0x9] =	stream.linear.gather [hbm4b:s14+s5], $0x3600, $0x38;
	[tilespmem:$0x1EE00] =	vst v63  }
0x1b: {  	_ =	swait.ge [sflag:s20], $0x3600  }
0x1c: {  	[sflag:s20] =	ssyncset.done $0x0  }
0x1d: {  	s8 =	simm.s32 $0x7000;
	[sflag:s20] =	ssyncadd.s32 $0xFFFFCA00  }
0x1e: {  	[tilespmem:s8], [sflag:$0x5] =	stream.linear.gather [hbm4b:s10+s5], $0x80, $0x38;
	[tilespmem:$0x1EE00] =	vst v63  }
0x1f: {  	s12 =	simm.s32 $0x7080;
	s0 =	simm.s32 $0x0;
	s9 =	rddreg [dreg:$0x6]  }
0x20: {  	[tilespmem:s12], [sflag:$0x6] =	stream.linear.gather [hbm4b:s9+s5], $0x80, $0x38;
	[tilespmem:$0x1EE00] =	vst v63  }
0x21: {  	s14 =	simm.s32 $0x7100;
	s13 =	rddreg [dreg:$0x7];
	s8 =	simm.s32 $0x200  }
0x22: {  	[tilespmem:s14], [sflag:$0x7] =	stream.linear.gather [hbm4b:s13+s5], $0x80, $0x38;
	[tilespmem:$0x1EE00] =	vst v63  }
.LBB2_2:
0x23: {  	p0 =	sne.s32 s8, $0xFE00;
	[tilespmem:s0+$0x7270] =	vst v0  }
0x24: {  	[tilespmem:s0+$0x7200] =	vst v0  }
0x25: {  	[tilespmem:s0+$0x7210] =	vst v0  }
.Ltmp0:
0x26: {  	[tilespmem:s0+$0x7220] =	vst v0;
	(pc) =	sbr.rel @p0 .LBB2_2-.Ltmp0, $4  }
0x27: {  	[tilespmem:s0+$0x7230] =	vst v0  }
0x28: {  	[tilespmem:s0+$0x7240] =	vst v0  }
0x29: {  	[tilespmem:s0+$0x7250] =	vst v0  }
0x2a: {  	[tilespmem:s0+$0x7260] =	vst v0;
	s0 =	sshra.s32 s8, $0x2;
	s8 =	sadd.s32 $0x200, s8  }
0x2b: {  	[tilespmem:s0+$0x7270] =	vst v0  }
0x2c: {  	[tilespmem:s0+$0x7200] =	vst v0  }
0x2d: {  	[tilespmem:s0+$0x7210] =	vst v0  }
0x2e: {  	[tilespmem:s0+$0x7220] =	vst v0  }
0x2f: {  	[tilespmem:s0+$0x7230] =	vst v0  }
0x30: {  	[tilespmem:s0+$0x7240] =	vst v0  }
0x31: {  	[tilespmem:s0+$0x7250] =	vst v0  }
0x32: {  	[tilespmem:s0+$0x7260] =	vst v0  }
0x33: {  	[spmem:s11] =	stream.linear.scatter [tilespmem:s25], [sflag:$0x9], $0x4000, $0x38;
	[tilespmem:$0x1EE00] =	vst v63  }
0x34: {  	_ =	swait.ge [sflag:s20], $0x4000  }
0x35: {  	[sflag:s20] =	ssyncset.done $0x0  }
0x36: {  	s14 =	rddreg [dreg:$0x8];
	[sflag:s20] =	ssyncadd.s32 $0xFFFFC000  }
0x37: {  	[spmem:s14] =	stream.linear.scatter [tilespmem:s25], [sflag:$0x9], $0x4000, $0x38;
	[tilespmem:$0x1EE00] =	vst v63  }
0x38: {  	_ =	swait.ge [sflag:s20], $0x4000  }
0x39: {  	[sflag:s20] =	ssyncset.done $0x0  }
0x3a: {  	[sflag:s20] =	ssyncadd.s32 $0xFFFFC000  }
0x3b: {  	[spmem:s15] =	stream.linear.scatter [tilespmem:s25], [sflag:$0x9], $0x4000, $0x38;
	[tilespmem:$0x1EE00] =	vst v63  }
0x3c: {  	_ =	swait.ge [sflag:s20], $0x4000  }
0x3d: {  	[sflag:s20] =	ssyncset.done $0x0  }
0x3e: {  	[sflag:s20] =	ssyncadd.s32 $0xFFFFC000  }
0x3f: {  	[spmem:s16] =	stream.linear.scatter [tilespmem:s25], [sflag:$0x9], $0x4000, $0x38;
	[tilespmem:$0x1EE00] =	vst v63  }
0x40: {  	_ =	swait.ge [sflag:s20], $0x4000  }
0x41: {  	[sflag:s20] =	ssyncset.done $0x0  }
0x42: {  	[sflag:s20] =	ssyncadd.s32 $0xFFFFC000  }
0x43: {  	[spmem:s17] =	stream.linear.scatter [tilespmem:s25], [sflag:$0x9], $0x3C00, $0x38;
	[tilespmem:$0x1EE00] =	vst v63  }
0x44: {  	_ =	swait.ge [sflag:s20], $0x3C00  }
0x45: {  	[sflag:s20] =	ssyncset.done $0x0  }
0x46: {  	[sflag:s20] =	ssyncadd.s32 $0xFFFFC400  }
0x47: {  	s0 =	simm.s32 $0x0;
	[bflag:$0x0] =	sbarrier.arrive $0xFFFF  }
.LBB2_4:
0x48: {  	s8 =	sshll.u32 s0, $0x7  }
0x49: {  	[tilespmem:s25], [sflag:$0x1] =	stream.indirect.gather [hbm4b:s2+s26], $0x80, s8, s26, $0xb8;
	[tilespmem:$0x1EE00] =	vst v63  }
0x4a: {  	s9 =	sor.u32 $0x20, s8  }
0x4b: {  	[tilespmem:s28], [sflag:$0x2] =	stream.indirect.gather [hbm4b:s2+s26], $0x80, s9, s26, $0xb8;
	[tilespmem:$0x1EE00] =	vst v63  }
0x4c: {  	s14 =	sor.u32 $0x40, s8  }
0x4d: {  	[tilespmem:s29], [sflag:$0x3] =	stream.indirect.gather [hbm4b:s2+s26], $0x80, s14, s26, $0xb8;
	[tilespmem:$0x1EE00] =	vst v63  }
0x4e: {  	s12 =	sor.u32 $0x60, s8  }
0x4f: {  	[tilespmem:s30], [sflag:$0x4] =	stream.indirect.gather [hbm4b:s2+s26], $0x80, s12, s26, $0xb8;
	[tilespmem:$0x1EE00] =	vst v63  }
0x50: {  	_ =	swait.ge [sflag:s31], $0x1000  }
0x51: {  	[sflag:s31] =	ssyncset.done $0x0  }
0x52: {  	[sflag:s31] =	ssyncadd.s32 $0xFFFFF000  }
0x53: {  	_ =	swait.ge [sflag:s1], $0x1000  }
0x54: {  	[sflag:s1] =	ssyncset.done $0x0  }
0x55: {  	[sflag:s1] =	ssyncadd.s32 $0xFFFFF000  }
0x56: {  	_ =	swait.ge [sflag:s21], $0x1000  }
0x57: {  	s13 =	sand.u32 $0x3, s0;
	[sflag:s21] =	ssyncset.done $0x0  }
0x58: {  	s12 =	sshll.u32 s13, $0x7;
	[sflag:s21] =	ssyncadd.s32 $0xFFFFF000  }
0x59: {  	s12 =	sor.u32 $0x7000, s12;
	_ =	swait.ge [sflag:s22], $0x1000  }
0x5a: {  	v1 =	vmov s12;
	[sflag:s22] =	ssyncset.done $0x0  }
0x5b: {  	s9 =	sadd.s32 $0x5, s13;
	[sflag:s22] =	ssyncadd.s32 $0xFFFFF000  }
0x5c: {  	_ =	swait.ge [sflag:s9], $0x80  }
0x5d: {  	s14 =	simm.s32 $0x0;
	[sflag:s9] =	ssyncset.done $0x0  }
0x5e: {  	s13 =	sand.u32 $0x3FFFFFF0, s14;
	s14 =	simm.s32 $0x0;
	[sflag:s9] =	ssyncadd.s32 $0xFFFFFF80  }
0x5f: {  	s9 =	sand.u32 $0x3FFFF800, s14;
	v2 =	vld.idx.msk [tilespmem:v1+s13+$0x0 ss:$0x1], $0xffff  }
0x60: {  	v8 =	vld [tilespmem:s9+$0x72C0]  }
0x61: {  	v4 =	vld [tilespmem:s9+$0x7220]  }
0x62: {  	v5 =	vld [tilespmem:s9+$0x7230]  }
0x63: {  	v11 =	vld [tilespmem:s9+$0x7260]  }
0x64: {  	v12 =	vld [tilespmem:s9+$0x7270];
	v3 =	vbroadcast v2, $0x0  }
0x65: {  	v13 =	vld [tilespmem:s9+$0x7280]  }
0x66: {  	v14 =	vld [tilespmem:s9+$0x7290];
	v4 =	vmul.f32 v4, v3  }
0x67: {  	v15 =	vld [tilespmem:s9+$0x72A0];
	v5 =	vmul.f32 v5, v3  }
0x68: {  	v10 =	vld [tilespmem:s9+$0x72B0];
	v21 =	vbroadcast v2, $0x1;
	v20 =	vmul.f32 v11, v3;
	[tilespmem:s9+$0x7220] =	vst v4  }
0x69: {  	v9 =	vld [tilespmem:s9+$0x72D0];
	v12 =	vmul.f32 v12, v3;
	[tilespmem:s9+$0x7230] =	vst v5  }
0x6a: {  	v7 =	vld [tilespmem:s9+$0x7770];
	v13 =	vmul.f32 v13, v21;
	[tilespmem:s9+$0x7260] =	vst v20  }
0x6b: {  	v23 =	vld [tilespmem:s9+$0x72F0];
	v14 =	vmul.f32 v14, v21;
	[tilespmem:s9+$0x7270] =	vst v12  }
0x6c: {  	v24 =	vld [tilespmem:s9+$0x7300];
	v15 =	vmul.f32 v15, v21;
	[tilespmem:s9+$0x7280] =	vst v13  }
0x6d: {  	v25 =	vld [tilespmem:s9+$0x7310];
	v10 =	vmul.f32 v10, v21;
	[tilespmem:s9+$0x7290] =	vst v14  }
0x6e: {  	v22 =	vld [tilespmem:s9+$0x72E0];
	v8 =	vmul.f32 v8, v21;
	[tilespmem:s9+$0x72A0] =	vst v15  }
0x6f: {  	v26 =	vld [tilespmem:s9+$0x7320];
	v16 =	vbroadcast v2, $0x2;
	v9 =	vmul.f32 v9, v21;
	[tilespmem:s9+$0x72B0] =	vst v10  }
0x70: {  	v27 =	vld [tilespmem:s9+$0x7330];
	v11 =	vmul.f32 v23, v21;
	[tilespmem:s9+$0x72C0] =	vst v8  }
0x71: {  	v28 =	vld [tilespmem:s9+$0x7340];
	v6 =	vbroadcast v2, $0xA;
	v30 =	vmul.f32 v24, v16;
	[tilespmem:s9+$0x72D0] =	vst v9  }
0x72: {  	v29 =	vld [tilespmem:s9+$0x7350];
	v32 =	vmul.f32 v25, v16;
	[tilespmem:s9+$0x72F0] =	vst v11  }
0x73: {  	v31 =	vld [tilespmem:s9+$0x7360];
	v4 =	vmul.f32 v7, v6;
	[tilespmem:s9+$0x7300] =	vst v30  }
0x74: {  	v33 =	vld [tilespmem:s9+$0x7370];
	v12 =	vmul.f32 v22, v21;
	[tilespmem:s9+$0x7310] =	vst v32  }
0x75: {  	v34 =	vld [tilespmem:s9+$0x7380];
	v10 =	vmul.f32 v26, v16;
	[tilespmem:s9+$0x7770] =	vst v4  }
0x76: {  	v35 =	vld [tilespmem:s9+$0x7390];
	v8 =	vmul.f32 v27, v16;
	[tilespmem:s9+$0x72E0] =	vst v12  }
0x77: {  	v36 =	vld [tilespmem:s9+$0x73A0];
	v9 =	vmul.f32 v28, v16;
	[tilespmem:s9+$0x7320] =	vst v10  }
0x78: {  	v37 =	vld [tilespmem:s9+$0x73B0];
	v39 =	vbroadcast v2, $0x3;
	v11 =	vmul.f32 v31, v16;
	[tilespmem:s9+$0x7330] =	vst v8  }
0x79: {  	v38 =	vld [tilespmem:s9+$0x73C0];
	v13 =	vmul.f32 v33, v16;
	[tilespmem:s9+$0x7340] =	vst v9  }
0x7a: {  	v40 =	vld [tilespmem:s9+$0x73D0];
	v14 =	vmul.f32 v34, v39;
	[tilespmem:s9+$0x7360] =	vst v11  }
0x7b: {  	v41 =	vld [tilespmem:s9+$0x73E0];
	v12 =	vmul.f32 v29, v16;
	[tilespmem:s9+$0x7370] =	vst v13  }
0x7c: {  	v42 =	vld [tilespmem:s9+$0x73F0];
	v10 =	vmul.f32 v35, v39;
	[tilespmem:s9+$0x7380] =	vst v14  }
0x7d: {  	v43 =	vld [tilespmem:s9+$0x7400];
	v8 =	vmul.f32 v36, v39;
	[tilespmem:s9+$0x7350] =	vst v12  }
0x7e: {  	v44 =	vld [tilespmem:s9+$0x7410];
	v9 =	vmul.f32 v37, v39;
	[tilespmem:s9+$0x7390] =	vst v10  }
0x7f: {  	v45 =	vld [tilespmem:s9+$0x7420];
	v11 =	vmul.f32 v40, v39;
	[tilespmem:s9+$0x73A0] =	vst v8  }
0x80: {  	v46 =	vld [tilespmem:s9+$0x7430];
	v13 =	vmul.f32 v41, v39;
	[tilespmem:s9+$0x73B0] =	vst v9  }
0x81: {  	v47 =	vld [tilespmem:s9+$0x7440];
	v48 =	vbroadcast v2, $0x4;
	v14 =	vmul.f32 v42, v39;
	[tilespmem:s9+$0x73D0] =	vst v11  }
0x82: {  	v49 =	vld [tilespmem:s9+$0x7450];
	v12 =	vmul.f32 v38, v39;
	[tilespmem:s9+$0x73E0] =	vst v13  }
0x83: {  	v50 =	vld [tilespmem:s9+$0x7460];
	v10 =	vmul.f32 v43, v48;
	[tilespmem:s9+$0x73F0] =	vst v14  }
0x84: {  	v51 =	vld [tilespmem:s9+$0x7470];
	v8 =	vmul.f32 v44, v48;
	[tilespmem:s9+$0x73C0] =	vst v12  }
0x85: {  	v52 =	vld [tilespmem:s9+$0x7480];
	v9 =	vmul.f32 v45, v48;
	[tilespmem:s9+$0x7400] =	vst v10  }
0x86: {  	v53 =	vld [tilespmem:s9+$0x7490];
	v11 =	vmul.f32 v47, v48;
	[tilespmem:s9+$0x7410] =	vst v8  }
0x87: {  	v54 =	vld [tilespmem:s9+$0x74A0];
	v13 =	vmul.f32 v49, v48;
	[tilespmem:s9+$0x7420] =	vst v9  }
0x88: {  	v55 =	vld [tilespmem:s9+$0x74B0];
	v14 =	vmul.f32 v50, v48;
	[tilespmem:s9+$0x7440] =	vst v11  }
0x89: {  	v56 =	vld [tilespmem:s9+$0x74C0];
	v57 =	vbroadcast v2, $0x5;
	v12 =	vmul.f32 v46, v48;
	[tilespmem:s9+$0x7450] =	vst v13  }
0x8a: {  	v58 =	vld [tilespmem:s9+$0x74D0];
	v10 =	vmul.f32 v51, v48;
	[tilespmem:s9+$0x7460] =	vst v14  }
0x8b: {  	v59 =	vld [tilespmem:s9+$0x74E0];
	v8 =	vmul.f32 v52, v57;
	[tilespmem:s9+$0x7430] =	vst v12  }
0x8c: {  	v60 =	vld [tilespmem:s9+$0x74F0];
	v9 =	vmul.f32 v53, v57;
	[tilespmem:s9+$0x7470] =	vst v10  }
0x8d: {  	v61 =	vld [tilespmem:s9+$0x7500];
	v11 =	vmul.f32 v55, v57;
	[tilespmem:s9+$0x7480] =	vst v8  }
0x8e: {  	v62 =	vld [tilespmem:s9+$0x7510];
	v13 =	vmul.f32 v56, v57;
	[tilespmem:s9+$0x7490] =	vst v9  }
0x8f: {  	v63 =	vld [tilespmem:s9+$0x7520];
	v14 =	vmul.f32 v58, v57;
	[tilespmem:s9+$0x74B0] =	vst v11  }
0x90: {  	v20 =	vld [tilespmem:s9+$0x7530];
	v12 =	vmul.f32 v54, v57;
	[tilespmem:s9+$0x74C0] =	vst v13  }
0x91: {  	v21 =	vld [tilespmem:s9+$0x7540];
	v22 =	vbroadcast v2, $0x6;
	v10 =	vmul.f32 v59, v57;
	[tilespmem:s9+$0x74D0] =	vst v14  }
0x92: {  	v23 =	vld [tilespmem:s9+$0x7550];
	v8 =	vmul.f32 v60, v57;
	[tilespmem:s9+$0x74A0] =	vst v12  }
0x93: {  	v24 =	vld [tilespmem:s9+$0x7560];
	v9 =	vmul.f32 v61, v22;
	[tilespmem:s9+$0x74E0] =	vst v10  }
0x94: {  	v25 =	vld [tilespmem:s9+$0x7570];
	v11 =	vmul.f32 v63, v22;
	[tilespmem:s9+$0x74F0] =	vst v8  }
0x95: {  	v5 =	vld [tilespmem:s9+$0x7780];
	v13 =	vmul.f32 v20, v22;
	[tilespmem:s9+$0x7500] =	vst v9  }
0x96: {  	v27 =	vld [tilespmem:s9+$0x7590];
	v14 =	vmul.f32 v21, v22;
	[tilespmem:s9+$0x7520] =	vst v11  }
0x97: {  	v28 =	vld [tilespmem:s9+$0x75A0];
	v12 =	vmul.f32 v62, v22;
	[tilespmem:s9+$0x7530] =	vst v13  }
0x98: {  	v29 =	vld [tilespmem:s9+$0x75B0];
	v10 =	vmul.f32 v23, v22;
	[tilespmem:s9+$0x7540] =	vst v14  }
0x99: {  	v31 =	vbroadcast v2, $0x7;
	v53 =	vld [tilespmem:s9+$0x7700];
	v8 =	vmul.f32 v24, v22;
	[tilespmem:s9+$0x7510] =	vst v12  }
0x9a: {  	v58 =	vld [tilespmem:s9+$0x7750];
	v9 =	vmul.f32 v25, v22;
	[tilespmem:s9+$0x7550] =	vst v10  }
0x9b: {  	v26 =	vld [tilespmem:s9+$0x7580];
	v11 =	vmul.f32 v27, v31;
	[tilespmem:s9+$0x7560] =	vst v8  }
0x9c: {  	v30 =	vld [tilespmem:s9+$0x75C0];
	v13 =	vmul.f32 v28, v31;
	[tilespmem:s9+$0x7570] =	vst v9  }
0x9d: {  	v32 =	vld [tilespmem:s9+$0x75D0];
	v14 =	vmul.f32 v29, v31;
	[tilespmem:s9+$0x7590] =	vst v11  }
0x9e: {  	v33 =	vld [tilespmem:s9+$0x75E0];
	v59 =	vmul.f32 v53, v6;
	[tilespmem:s9+$0x75A0] =	vst v13  }
0x9f: {  	v35 =	vld [tilespmem:s9+$0x7600];
	v21 =	vmul.f32 v58, v6;
	[tilespmem:s9+$0x75B0] =	vst v14  }
0xa0: {  	v36 =	vld [tilespmem:s9+$0x7610];
	v12 =	vmul.f32 v26, v31;
	[tilespmem:s9+$0x7700] =	vst v59  }
0xa1: {  	v37 =	vld [tilespmem:s9+$0x7620];
	v10 =	vmul.f32 v30, v31;
	[tilespmem:s9+$0x7750] =	vst v21  }
0xa2: {  	v7 =	vld [tilespmem:s9+$0x7790];
	v40 =	vbroadcast v2, $0x8;
	v8 =	vmul.f32 v32, v31;
	[tilespmem:s9+$0x7580] =	vst v12  }
0xa3: {  	v34 =	vld [tilespmem:s9+$0x75F0];
	v9 =	vmul.f32 v33, v31;
	[tilespmem:s9+$0x75C0] =	vst v10  }
0xa4: {  	v57 =	vld [tilespmem:s9+$0x7740];
	v11 =	vmul.f32 v35, v40;
	[tilespmem:s9+$0x75D0] =	vst v8  }
0xa5: {  	v61 =	vld [tilespmem:s9+$0x7200];
	v24 =	vbroadcast v2, $0xB;
	v13 =	vmul.f32 v36, v40;
	[tilespmem:s9+$0x75E0] =	vst v9  }
0xa6: {  	v4 =	vld [tilespmem:s9+$0x79D0];
	v14 =	vmul.f32 v37, v40;
	[tilespmem:s9+$0x7600] =	vst v11  }
0xa7: {  	v38 =	vld [tilespmem:s9+$0x7630];
	v5 =	vmul.f32 v5, v24;
	[tilespmem:s9+$0x7610] =	vst v13  }
0xa8: {  	v39 =	vld [tilespmem:s9+$0x7640];
	v7 =	vmul.f32 v7, v24;
	[tilespmem:s9+$0x7620] =	vst v14  }
0xa9: {  	v41 =	vld [tilespmem:s9+$0x7650];
	v19 =	vmul.f32 v57, v6;
	[tilespmem:s9+$0x7780] =	vst v5  }
0xaa: {  	v43 =	vld [tilespmem:s9+$0x7670];
	v25 =	vmul.f32 v3, v61;
	[tilespmem:s9+$0x7790] =	vst v7  }
0xab: {  	v44 =	vld [tilespmem:s9+$0x7680];
	v12 =	vmul.f32 v34, v31;
	[tilespmem:s9+$0x7740] =	vst v19  }
0xac: {  	v45 =	vld [tilespmem:s9+$0x7690];
	v10 =	vmul.f32 v38, v40;
	[tilespmem:s9+$0x7200] =	vst v25  }
0xad: {  	v27 =	vld [tilespmem:s9+$0x77D0];
	v8 =	vmul.f32 v39, v40;
	[tilespmem:s9+$0x75F0] =	vst v12  }
0xae: {  	v49 =	vbroadcast v2, $0x9;
	v29 =	vld [tilespmem:s9+$0x77F0];
	v9 =	vmul.f32 v41, v40;
	[tilespmem:s9+$0x7630] =	vst v10  }
0xaf: {  	v42 =	vld [tilespmem:s9+$0x7660];
	v11 =	vmul.f32 v43, v40;
	[tilespmem:s9+$0x7640] =	vst v8  }
0xb0: {  	v46 =	vld [tilespmem:s9+$0x76A0];
	v13 =	vmul.f32 v44, v49;
	[tilespmem:s9+$0x7650] =	vst v9  }
0xb1: {  	v47 =	vld [tilespmem:s9+$0x76B0];
	v14 =	vmul.f32 v45, v49;
	[tilespmem:s9+$0x7670] =	vst v11  }
0xb2: {  	v48 =	vld [tilespmem:s9+$0x76C0];
	v32 =	vmul.f32 v27, v24;
	[tilespmem:s9+$0x7680] =	vst v13  }
0xb3: {  	v51 =	vld [tilespmem:s9+$0x76E0];
	v7 =	vmul.f32 v29, v24;
	[tilespmem:s9+$0x7690] =	vst v14  }
0xb4: {  	v52 =	vld [tilespmem:s9+$0x76F0];
	v12 =	vmul.f32 v42, v40;
	[tilespmem:s9+$0x77D0] =	vst v32  }
0xb5: {  	v10 =	vmul.f32 v46, v49;
	[tilespmem:s9+$0x77F0] =	vst v7  }
0xb6: {  	v28 =	vld [tilespmem:s9+$0x77E0];
	v8 =	vmul.f32 v47, v49;
	[tilespmem:s9+$0x7660] =	vst v12  }
0xb7: {  	v30 =	vld [tilespmem:s9+$0x7800];
	v9 =	vmul.f32 v48, v49;
	[tilespmem:s9+$0x76A0] =	vst v10  }
0xb8: {  	v50 =	vld [tilespmem:s9+$0x76D0];
	v5 =	vbroadcast v2, $0xF;
	v11 =	vmul.f32 v51, v49;
	[tilespmem:s9+$0x76B0] =	vst v8  }
0xb9: {  	v54 =	vld [tilespmem:s9+$0x7710];
	v13 =	vmul.f32 v52, v49;
	[tilespmem:s9+$0x76C0] =	vst v9  }
0xba: {  	v55 =	vld [tilespmem:s9+$0x7720];
	v35 =	vbroadcast v2, $0xC;
	v4 =	vmul.f32 v4, v5;
	[tilespmem:s9+$0x76E0] =	vst v11  }
0xbb: {  	v56 =	vld [tilespmem:s9+$0x7730];
	v40 =	vmul.f32 v28, v24;
	[tilespmem:s9+$0x76F0] =	vst v13  }
0xbc: {  	v60 =	vld [tilespmem:s9+$0x7760];
	v16 =	vmul.f32 v30, v35;
	[tilespmem:s9+$0x79D0] =	vst v4  }
0xbd: {  	v62 =	vld [tilespmem:s9+$0x7210];
	v12 =	vmul.f32 v50, v49;
	[tilespmem:s9+$0x77E0] =	vst v40  }
0xbe: {  	v63 =	vld [tilespmem:s9+$0x7240];
	v10 =	vmul.f32 v54, v6;
	[tilespmem:s9+$0x7800] =	vst v16  }
0xbf: {  	v20 =	vld [tilespmem:s9+$0x7250];
	v8 =	vmul.f32 v55, v6;
	[tilespmem:s9+$0x76D0] =	vst v12  }
0xc0: {  	v33 =	vld [tilespmem:s9+$0x7830];
	v9 =	vmul.f32 v56, v6;
	[tilespmem:s9+$0x7710] =	vst v10  }
0xc1: {  	v61 =	vld [tilespmem:s9+$0x79F0];
	v6 =	vmul.f32 v60, v6;
	[tilespmem:s9+$0x7720] =	vst v8  }
0xc2: {  	v38 =	vld [tilespmem:s9+$0x7870];
	v13 =	vmul.f32 v62, v3;
	[tilespmem:s9+$0x7730] =	vst v9  }
0xc3: {  	v22 =	vld [tilespmem:s9+$0x77A0];
	v4 =	vmul.f32 v63, v3;
	[tilespmem:s9+$0x7760] =	vst v6  }
0xc4: {  	v23 =	vld [tilespmem:s9+$0x77B0];
	v3 =	vmul.f32 v20, v3;
	[tilespmem:s9+$0x7210] =	vst v13  }
0xc5: {  	v26 =	vld [tilespmem:s9+$0x77C0];
	v62 =	vmul.f32 v33, v35;
	[tilespmem:s9+$0x7240] =	vst v4  }
0xc6: {  	v31 =	vld [tilespmem:s9+$0x7810];
	v63 =	vmul.f32 v61, v5;
	[tilespmem:s9+$0x7250] =	vst v3  }
0xc7: {  	v34 =	vld [tilespmem:s9+$0x7840];
	v16 =	vmul.f32 v38, v35;
	[tilespmem:s9+$0x7830] =	vst v62  }
0xc8: {  	v41 =	vld [tilespmem:s9+$0x78A0];
	v8 =	vmul.f32 v22, v24;
	[tilespmem:s9+$0x79F0] =	vst v63  }
0xc9: {  	v46 =	vld [tilespmem:s9+$0x78E0];
	v9 =	vmul.f32 v23, v24;
	[tilespmem:s9+$0x7870] =	vst v16  }
0xca: {  	v6 =	vmul.f32 v26, v24;
	v3 =	vld [tilespmem:s9+$0x7890];
	[tilespmem:s9+$0x77A0] =	vst v8  }
0xcb: {  	v36 =	vld [tilespmem:s9+$0x7850];
	v44 =	vbroadcast v2, $0xD;
	v10 =	vmul.f32 v31, v35;
	[tilespmem:s9+$0x77B0] =	vst v9  }
0xcc: {  	v37 =	vld [tilespmem:s9+$0x7860];
	v13 =	vmul.f32 v34, v35;
	[tilespmem:s9+$0x77C0] =	vst v6  }
0xcd: {  	v39 =	vld [tilespmem:s9+$0x7880];
	v12 =	vmul.f32 v41, v44;
	[tilespmem:s9+$0x7810] =	vst v10  }
0xce: {  	v42 =	vld [tilespmem:s9+$0x78B0];
	v51 =	vmul.f32 v46, v44;
	[tilespmem:s9+$0x7840] =	vst v13  }
0xcf: {  	v48 =	vld [tilespmem:s9+$0x7910];
	[tilespmem:s9+$0x78A0] =	vst v12;
	v3 =	vmul.f32 v3, v44  }
0xd0: {  	v49 =	vld [tilespmem:s9+$0x7920];
	v9 =	vmul.f32 v36, v35;
	[tilespmem:s9+$0x78E0] =	vst v51  }
0xd1: {  	v6 =	vmul.f32 v37, v35;
	[tilespmem:s9+$0x7890] =	vst v3;
	v3 =	vld [tilespmem:s9+$0x7900]  }
0xd2: {  	v2 =	vbroadcast v2, $0xE;
	v50 =	vld [tilespmem:s9+$0x7930];
	v10 =	vmul.f32 v39, v44;
	[tilespmem:s9+$0x7850] =	vst v9  }
0xd3: {  	v45 =	vld [tilespmem:s9+$0x78D0];
	v13 =	vmul.f32 v42, v44;
	[tilespmem:s9+$0x7860] =	vst v6  }
0xd4: {  	v47 =	vld [tilespmem:s9+$0x78F0];
	v12 =	vmul.f32 v48, v2;
	[tilespmem:s9+$0x7880] =	vst v10  }
0xd5: {  	v43 =	vld [tilespmem:s9+$0x78C0];
	v11 =	vmul.f32 v49, v2;
	[tilespmem:s9+$0x78B0] =	vst v13  }
0xd6: {  	v55 =	vld [tilespmem:s9+$0x7980];
	[tilespmem:s9+$0x7910] =	vst v12;
	v3 =	vmul.f32 v3, v2  }
0xd7: {  	v57 =	vld [tilespmem:s9+$0x79A0];
	v7 =	vmul.f32 v50, v2;
	[tilespmem:s9+$0x7920] =	vst v11  }
0xd8: {  	v6 =	vmul.f32 v45, v44;
	[tilespmem:s9+$0x7900] =	vst v3;
	v3 =	vld [tilespmem:s9+$0x7970]  }
0xd9: {  	v52 =	vld [tilespmem:s9+$0x7940];
	v10 =	vmul.f32 v47, v44;
	[tilespmem:s9+$0x7930] =	vst v7  }
0xda: {  	v56 =	vld [tilespmem:s9+$0x7990];
	v9 =	vmul.f32 v43, v44;
	[tilespmem:s9+$0x78D0] =	vst v6  }
0xdb: {  	v54 =	vld [tilespmem:s9+$0x7960];
	v12 =	vmul.f32 v55, v5;
	[tilespmem:s9+$0x78F0] =	vst v10  }
0xdc: {  	v58 =	vld [tilespmem:s9+$0x79B0];
	v7 =	vmul.f32 v57, v5;
	[tilespmem:s9+$0x78C0] =	vst v9  }
0xdd: {  	v53 =	vld [tilespmem:s9+$0x7950];
	[tilespmem:s9+$0x7980] =	vst v12;
	v3 =	vmul.f32 v3, v2  }
0xde: {  	v59 =	vld [tilespmem:s9+$0x79C0];
	v6 =	vmul.f32 v52, v2;
	[tilespmem:s9+$0x79A0] =	vst v7  }
0xdf: {  	v60 =	vld [tilespmem:s9+$0x79E0];
	[tilespmem:s9+$0x7970] =	vst v3;
	v3 =	vmul.f32 v56, v5  }
0xe0: {  	v10 =	vmul.f32 v54, v2;
	[tilespmem:s9+$0x7940] =	vst v6  }
0xe1: {  	v4 =	vld [tilespmem:s9+$0x7820];
	[tilespmem:s9+$0x7990] =	vst v3;
	v3 =	vmul.f32 v58, v5  }
0xe2: {  	[tilespmem:s9+$0x7960] =	vst v10;
	v2 =	vmul.f32 v53, v2  }
0xe3: {  	[tilespmem:s9+$0x79B0] =	vst v3;
	v3 =	vmul.f32 v59, v5  }
0xe4: {  	[tilespmem:s9+$0x7950] =	vst v2;
	v5 =	vmul.f32 v60, v5  }
0xe5: {  	[tilespmem:s9+$0x79C0] =	vst v3  }
0xe6: {  	s12 =	simm.s32 $0x1;
	v3 =	vmul.f32 v4, v35;
	[tilespmem:s9+$0x79E0] =	vst v5  }
.LBB2_5:
0xe7: {  	s13 =	sshll.u32 s12, $0x4  }
0xe8: {  	p0 =	sne.s32 s12, $0x7;
	[tilespmem:s9+$0x7820] =	vst v3;
	s9 =	smov.u32 s12;
	s12 =	sadd.s32 $0x1, s12  }
0xe9: {  	s13 =	sand.u32 $0x3FFFFFF0, s13  }
0xea: {  	v2 =	vld.idx.msk [tilespmem:v1+s13+$0x0 ss:$0x1], $0xffff  }
0xeb: {  	s9 =	sshll.u32 s9, $0xB  }
0xec: {  	s9 =	sand.u32 $0x3FFFF800, s9  }
0xed: {  	v9 =	vld [tilespmem:s9+$0x72C0]  }
0xee: {  	v10 =	vld [tilespmem:s9+$0x72D0]  }
0xef: {  	v11 =	vld [tilespmem:s9+$0x72B0]  }
0xf0: {  	v3 =	vbroadcast v2, $0x0;
	v8 =	vbroadcast v2, $0x4;
	v4 =	vld [tilespmem:s9+$0x7220]  }
0xf1: {  	v6 =	vld [tilespmem:s9+$0x7230]  }
0xf2: {  	v7 =	vld [tilespmem:s9+$0x7770]  }
0xf3: {  	v12 =	vld [tilespmem:s9+$0x7260]  }
0xf4: {  	v13 =	vld [tilespmem:s9+$0x7270]  }
0xf5: {  	v5 =	vbroadcast v2, $0xA;
	v4 =	vmul.f32 v4, v3;
	v14 =	vld [tilespmem:s9+$0x7280]  }
0xf6: {  	v6 =	vmul.f32 v6, v3;
	v15 =	vld [tilespmem:s9+$0x7290]  }
0xf7: {  	[tilespmem:s9+$0x7220] =	vst v4;
	v16 =	vld [tilespmem:s9+$0x72A0];
	v4 =	vmul.f32 v7, v5  }
0xf8: {  	[tilespmem:s9+$0x7230] =	vst v6;
	v7 =	vmul.f32 v12, v3;
	v12 =	vbroadcast v2, $0x1;
	v6 =	vld [tilespmem:s9+$0x7780]  }
0xf9: {  	v13 =	vmul.f32 v13, v3;
	[tilespmem:s9+$0x7770] =	vst v4;
	v4 =	vld [tilespmem:s9+$0x79D0]  }
0xfa: {  	[tilespmem:s9+$0x7260] =	vst v7;
	v14 =	vmul.f32 v14, v12;
	v7 =	vld [tilespmem:s9+$0x7790]  }
0xfb: {  	[tilespmem:s9+$0x7270] =	vst v13;
	v13 =	vmul.f32 v15, v12;
	v15 =	vld [tilespmem:s9+$0x72E0]  }
0xfc: {  	[tilespmem:s9+$0x7280] =	vst v14;
	v14 =	vmul.f32 v16, v12;
	v16 =	vld [tilespmem:s9+$0x72F0]  }
0xfd: {  	v11 =	vmul.f32 v11, v12;
	[tilespmem:s9+$0x7290] =	vst v13;
	v13 =	vld [tilespmem:s9+$0x7300]  }
0xfe: {  	v9 =	vmul.f32 v9, v12;
	[tilespmem:s9+$0x72A0] =	vst v14;
	v14 =	vld [tilespmem:s9+$0x7310]  }
0xff: {  	v10 =	vmul.f32 v10, v12;
	[tilespmem:s9+$0x72B0] =	vst v11;
	v11 =	vld [tilespmem:s9+$0x7320]  }
0x100: {  	[tilespmem:s9+$0x72C0] =	vst v9;
	v9 =	vmul.f32 v15, v12;
	v15 =	vbroadcast v2, $0x2;
	v17 =	vld [tilespmem:s9+$0x7330]  }
0x101: {  	[tilespmem:s9+$0x72D0] =	vst v10;
	v10 =	vmul.f32 v16, v12;
	v12 =	vld [tilespmem:s9+$0x7340]  }
0x102: {  	[tilespmem:s9+$0x72E0] =	vst v9;
	v9 =	vmul.f32 v13, v15;
	v13 =	vld [tilespmem:s9+$0x7350]  }
0x103: {  	[tilespmem:s9+$0x72F0] =	vst v10;
	v10 =	vmul.f32 v14, v15;
	v14 =	vld [tilespmem:s9+$0x7360]  }
0x104: {  	[tilespmem:s9+$0x7300] =	vst v9;
	v9 =	vmul.f32 v11, v15;
	v11 =	vld [tilespmem:s9+$0x7370]  }
0x105: {  	[tilespmem:s9+$0x7310] =	vst v10;
	v10 =	vmul.f32 v17, v15;
	v16 =	vld [tilespmem:s9+$0x7380]  }
0x106: {  	[tilespmem:s9+$0x7320] =	vst v9;
	v9 =	vmul.f32 v12, v15;
	v12 =	vld [tilespmem:s9+$0x7390]  }
0x107: {  	[tilespmem:s9+$0x7330] =	vst v10;
	v10 =	vmul.f32 v13, v15;
	v13 =	vld [tilespmem:s9+$0x73A0]  }
0x108: {  	[tilespmem:s9+$0x7340] =	vst v9;
	v9 =	vmul.f32 v14, v15;
	v14 =	vbroadcast v2, $0x3;
	v17 =	vld [tilespmem:s9+$0x73B0]  }
0x109: {  	[tilespmem:s9+$0x7350] =	vst v10;
	v10 =	vmul.f32 v11, v15;
	v11 =	vld [tilespmem:s9+$0x73C0]  }
0x10a: {  	[tilespmem:s9+$0x7360] =	vst v9;
	v9 =	vmul.f32 v16, v14;
	v15 =	vld [tilespmem:s9+$0x73D0]  }
0x10b: {  	[tilespmem:s9+$0x7370] =	vst v10;
	v10 =	vmul.f32 v12, v14;
	v12 =	vld [tilespmem:s9+$0x73E0]  }
0x10c: {  	[tilespmem:s9+$0x7380] =	vst v9;
	v9 =	vmul.f32 v13, v14;
	v13 =	vld [tilespmem:s9+$0x73F0]  }
0x10d: {  	[tilespmem:s9+$0x7390] =	vst v10;
	v10 =	vmul.f32 v17, v14;
	v16 =	vld [tilespmem:s9+$0x7400]  }
0x10e: {  	[tilespmem:s9+$0x73A0] =	vst v9;
	v9 =	vmul.f32 v11, v14;
	v11 =	vld [tilespmem:s9+$0x7410]  }
0x10f: {  	[tilespmem:s9+$0x73B0] =	vst v10;
	v10 =	vmul.f32 v15, v14;
	v15 =	vld [tilespmem:s9+$0x7420]  }
0x110: {  	[tilespmem:s9+$0x73C0] =	vst v9;
	v9 =	vmul.f32 v12, v14;
	v12 =	vld [tilespmem:s9+$0x7430]  }
0x111: {  	[tilespmem:s9+$0x73D0] =	vst v10;
	v10 =	vmul.f32 v13, v14;
	v13 =	vld [tilespmem:s9+$0x7440]  }
0x112: {  	[tilespmem:s9+$0x73E0] =	vst v9;
	v9 =	vmul.f32 v16, v8;
	v14 =	vld [tilespmem:s9+$0x7450]  }
0x113: {  	[tilespmem:s9+$0x73F0] =	vst v10;
	v10 =	vmul.f32 v11, v8;
	v11 =	vld [tilespmem:s9+$0x7460]  }
0x114: {  	[tilespmem:s9+$0x7400] =	vst v9;
	v9 =	vmul.f32 v15, v8;
	v15 =	vld [tilespmem:s9+$0x7470]  }
0x115: {  	[tilespmem:s9+$0x7410] =	vst v10;
	v10 =	vmul.f32 v12, v8;
	v12 =	vld [tilespmem:s9+$0x7480]  }
0x116: {  	[tilespmem:s9+$0x7420] =	vst v9;
	v9 =	vmul.f32 v13, v8;
	v13 =	vld [tilespmem:s9+$0x7490]  }
0x117: {  	[tilespmem:s9+$0x7430] =	vst v10;
	v10 =	vmul.f32 v14, v8;
	v14 =	vld [tilespmem:s9+$0x74A0]  }
0x118: {  	[tilespmem:s9+$0x7440] =	vst v9;
	v9 =	vmul.f32 v11, v8;
	v11 =	vbroadcast v2, $0x5;
	v16 =	vld [tilespmem:s9+$0x74B0]  }
0x119: {  	[tilespmem:s9+$0x7450] =	vst v10;
	v8 =	vmul.f32 v15, v8;
	v10 =	vld [tilespmem:s9+$0x74C0]  }
0x11a: {  	[tilespmem:s9+$0x7460] =	vst v9;
	v9 =	vmul.f32 v12, v11;
	v12 =	vld [tilespmem:s9+$0x74D0]  }
0x11b: {  	[tilespmem:s9+$0x7470] =	vst v8;
	v8 =	vmul.f32 v13, v11;
	v13 =	vld [tilespmem:s9+$0x74E0]  }
0x11c: {  	[tilespmem:s9+$0x7480] =	vst v9;
	v9 =	vmul.f32 v14, v11;
	v14 =	vld [tilespmem:s9+$0x74F0]  }
0x11d: {  	[tilespmem:s9+$0x7490] =	vst v8;
	v8 =	vmul.f32 v16, v11;
	v15 =	vld [tilespmem:s9+$0x7500]  }
0x11e: {  	[tilespmem:s9+$0x74A0] =	vst v9;
	v9 =	vmul.f32 v10, v11;
	v10 =	vld [tilespmem:s9+$0x7510]  }
0x11f: {  	[tilespmem:s9+$0x74B0] =	vst v8;
	v8 =	vmul.f32 v12, v11;
	v12 =	vld [tilespmem:s9+$0x7520]  }
0x120: {  	[tilespmem:s9+$0x74C0] =	vst v9;
	v9 =	vmul.f32 v13, v11;
	v13 =	vbroadcast v2, $0x6;
	v16 =	vld [tilespmem:s9+$0x7530]  }
0x121: {  	[tilespmem:s9+$0x74D0] =	vst v8;
	v8 =	vmul.f32 v14, v11;
	v11 =	vld [tilespmem:s9+$0x7540]  }
0x122: {  	[tilespmem:s9+$0x74E0] =	vst v9;
	v9 =	vmul.f32 v15, v13;
	v14 =	vld [tilespmem:s9+$0x7550]  }
0x123: {  	[tilespmem:s9+$0x74F0] =	vst v8;
	v8 =	vmul.f32 v10, v13;
	v10 =	vld [tilespmem:s9+$0x7560]  }
0x124: {  	[tilespmem:s9+$0x7500] =	vst v9;
	v9 =	vmul.f32 v12, v13;
	v12 =	vld [tilespmem:s9+$0x7570]  }
0x125: {  	[tilespmem:s9+$0x7510] =	vst v8;
	v8 =	vmul.f32 v16, v13;
	v15 =	vld [tilespmem:s9+$0x7580]  }
0x126: {  	[tilespmem:s9+$0x7520] =	vst v9;
	v9 =	vmul.f32 v11, v13;
	v11 =	vld [tilespmem:s9+$0x7590]  }
0x127: {  	[tilespmem:s9+$0x7530] =	vst v8;
	v8 =	vmul.f32 v14, v13;
	v14 =	vld [tilespmem:s9+$0x75A0]  }
0x128: {  	[tilespmem:s9+$0x7540] =	vst v9;
	v9 =	vmul.f32 v10, v13;
	v10 =	vbroadcast v2, $0x7;
	v16 =	vld [tilespmem:s9+$0x75B0]  }
0x129: {  	[tilespmem:s9+$0x7550] =	vst v8;
	v8 =	vmul.f32 v12, v13;
	v12 =	vld [tilespmem:s9+$0x75C0]  }
0x12a: {  	[tilespmem:s9+$0x7560] =	vst v9;
	v9 =	vmul.f32 v15, v10;
	v13 =	vld [tilespmem:s9+$0x75D0]  }
0x12b: {  	[tilespmem:s9+$0x7570] =	vst v8;
	v8 =	vmul.f32 v11, v10;
	v11 =	vld [tilespmem:s9+$0x75E0]  }
0x12c: {  	[tilespmem:s9+$0x7580] =	vst v9;
	v9 =	vmul.f32 v14, v10;
	v14 =	vld [tilespmem:s9+$0x75F0]  }
0x12d: {  	[tilespmem:s9+$0x7590] =	vst v8;
	v8 =	vmul.f32 v16, v10;
	v15 =	vld [tilespmem:s9+$0x7600]  }
0x12e: {  	[tilespmem:s9+$0x75A0] =	vst v9;
	v9 =	vmul.f32 v12, v10;
	v12 =	vld [tilespmem:s9+$0x7610]  }
0x12f: {  	[tilespmem:s9+$0x75B0] =	vst v8;
	v8 =	vmul.f32 v13, v10;
	v13 =	vld [tilespmem:s9+$0x7620]  }
0x130: {  	[tilespmem:s9+$0x75C0] =	vst v9;
	v9 =	vmul.f32 v11, v10;
	v11 =	vbroadcast v2, $0x8;
	v16 =	vld [tilespmem:s9+$0x7630]  }
0x131: {  	[tilespmem:s9+$0x75D0] =	vst v8;
	v8 =	vmul.f32 v14, v10;
	v10 =	vld [tilespmem:s9+$0x7640]  }
0x132: {  	[tilespmem:s9+$0x75E0] =	vst v9;
	v9 =	vmul.f32 v15, v11;
	v14 =	vld [tilespmem:s9+$0x7650]  }
0x133: {  	[tilespmem:s9+$0x75F0] =	vst v8;
	v8 =	vmul.f32 v12, v11;
	v12 =	vld [tilespmem:s9+$0x7660]  }
0x134: {  	[tilespmem:s9+$0x7600] =	vst v9;
	v9 =	vmul.f32 v13, v11;
	v13 =	vld [tilespmem:s9+$0x7670]  }
0x135: {  	[tilespmem:s9+$0x7610] =	vst v8;
	v8 =	vmul.f32 v16, v11;
	v15 =	vld [tilespmem:s9+$0x7680]  }
0x136: {  	[tilespmem:s9+$0x7620] =	vst v9;
	v9 =	vmul.f32 v10, v11;
	v10 =	vld [tilespmem:s9+$0x7690]  }
0x137: {  	[tilespmem:s9+$0x7630] =	vst v8;
	v8 =	vmul.f32 v14, v11;
	v14 =	vld [tilespmem:s9+$0x76A0]  }
0x138: {  	[tilespmem:s9+$0x7640] =	vst v9;
	v9 =	vmul.f32 v12, v11;
	v12 =	vbroadcast v2, $0x9;
	v16 =	vld [tilespmem:s9+$0x76B0]  }
0x139: {  	[tilespmem:s9+$0x7650] =	vst v8;
	v8 =	vmul.f32 v13, v11;
	v11 =	vld [tilespmem:s9+$0x76C0]  }
0x13a: {  	[tilespmem:s9+$0x7660] =	vst v9;
	v9 =	vmul.f32 v15, v12;
	v13 =	vld [tilespmem:s9+$0x76D0]  }
0x13b: {  	[tilespmem:s9+$0x7670] =	vst v8;
	v8 =	vmul.f32 v10, v12;
	v10 =	vld [tilespmem:s9+$0x76E0]  }
0x13c: {  	[tilespmem:s9+$0x7680] =	vst v9;
	v9 =	vmul.f32 v14, v12;
	v14 =	vld [tilespmem:s9+$0x76F0]  }
0x13d: {  	[tilespmem:s9+$0x7690] =	vst v8;
	v8 =	vmul.f32 v16, v12;
	v15 =	vld [tilespmem:s9+$0x7700]  }
0x13e: {  	[tilespmem:s9+$0x76A0] =	vst v9;
	v9 =	vmul.f32 v11, v12;
	v11 =	vld [tilespmem:s9+$0x7710]  }
0x13f: {  	[tilespmem:s9+$0x76B0] =	vst v8;
	v8 =	vmul.f32 v13, v12;
	v13 =	vld [tilespmem:s9+$0x7720]  }
0x140: {  	[tilespmem:s9+$0x76C0] =	vst v9;
	v9 =	vmul.f32 v10, v12;
	v10 =	vld [tilespmem:s9+$0x7730]  }
0x141: {  	[tilespmem:s9+$0x76D0] =	vst v8;
	v8 =	vmul.f32 v14, v12;
	v12 =	vld [tilespmem:s9+$0x7740]  }
0x142: {  	[tilespmem:s9+$0x76E0] =	vst v9;
	v9 =	vmul.f32 v15, v5;
	v14 =	vld [tilespmem:s9+$0x7750]  }
0x143: {  	[tilespmem:s9+$0x76F0] =	vst v8;
	v8 =	vmul.f32 v11, v5;
	v11 =	vld [tilespmem:s9+$0x7760]  }
0x144: {  	v15 =	vld [tilespmem:s9+$0x7200];
	[tilespmem:s9+$0x7700] =	vst v9;
	v9 =	vmul.f32 v13, v5  }
0x145: {  	v13 =	vld [tilespmem:s9+$0x7210];
	[tilespmem:s9+$0x7710] =	vst v8;
	v8 =	vmul.f32 v10, v5  }
0x146: {  	v10 =	vld [tilespmem:s9+$0x7240];
	[tilespmem:s9+$0x7720] =	vst v9;
	v9 =	vmul.f32 v12, v5  }
0x147: {  	v12 =	vld [tilespmem:s9+$0x7250];
	[tilespmem:s9+$0x7730] =	vst v8;
	v8 =	vmul.f32 v14, v5  }
0x148: {  	[tilespmem:s9+$0x7740] =	vst v9;
	v9 =	vmul.f32 v11, v5;
	v11 =	vbroadcast v2, $0xB;
	v14 =	vld [tilespmem:s9+$0x77A0]  }
0x149: {  	v5 =	vbroadcast v2, $0xF;
	v15 =	vmul.f32 v3, v15;
	[tilespmem:s9+$0x7750] =	vst v8;
	v8 =	vld [tilespmem:s9+$0x77B0]  }
0x14a: {  	v13 =	vmul.f32 v13, v3;
	[tilespmem:s9+$0x7760] =	vst v9;
	v6 =	vmul.f32 v6, v11;
	v9 =	vld [tilespmem:s9+$0x77C0]  }
0x14b: {  	v7 =	vmul.f32 v7, v11;
	[tilespmem:s9+$0x7200] =	vst v15;
	v10 =	vmul.f32 v10, v3;
	v15 =	vld [tilespmem:s9+$0x77D0]  }
0x14c: {  	v4 =	vmul.f32 v4, v5;
	v12 =	vmul.f32 v12, v3;
	[tilespmem:s9+$0x7780] =	vst v6;
	v3 =	vld [tilespmem:s9+$0x77E0]  }
0x14d: {  	[tilespmem:s9+$0x7790] =	vst v7;
	v6 =	vmul.f32 v14, v11;
	v7 =	vld [tilespmem:s9+$0x77F0]  }
0x14e: {  	v8 =	vmul.f32 v8, v11;
	v14 =	vld [tilespmem:s9+$0x7800];
	[tilespmem:s9+$0x79D0] =	vst v4  }
0x14f: {  	[tilespmem:s9+$0x7210] =	vst v13;
	v4 =	vmul.f32 v9, v11;
	v9 =	vld [tilespmem:s9+$0x7810]  }
0x150: {  	[tilespmem:s9+$0x7240] =	vst v10;
	v10 =	vmul.f32 v15, v11;
	v13 =	vld [tilespmem:s9+$0x7820]  }
0x151: {  	v15 =	vbroadcast v2, $0xC;
	[tilespmem:s9+$0x77A0] =	vst v6;
	v6 =	vmul.f32 v3, v11;
	v16 =	vld [tilespmem:s9+$0x7830]  }
0x152: {  	[tilespmem:s9+$0x77D0] =	vst v10;
	v7 =	vmul.f32 v7, v11;
	v10 =	vld [tilespmem:s9+$0x7840]  }
0x153: {  	[tilespmem:s9+$0x77B0] =	vst v8;
	v3 =	vmul.f32 v14, v15;
	v8 =	vld [tilespmem:s9+$0x7850]  }
0x154: {  	[tilespmem:s9+$0x77C0] =	vst v4;
	v4 =	vmul.f32 v9, v15;
	v9 =	vld [tilespmem:s9+$0x7860]  }
0x155: {  	[tilespmem:s9+$0x7800] =	vst v3;
	v3 =	vmul.f32 v13, v15;
	v11 =	vld [tilespmem:s9+$0x7870]  }
0x156: {  	[tilespmem:s9+$0x7810] =	vst v4;
	v4 =	vld [tilespmem:s9+$0x7880]  }
0x157: {  	[tilespmem:s9+$0x7250] =	vst v12;
	v10 =	vmul.f32 v10, v15;
	v12 =	vld [tilespmem:s9+$0x7890]  }
0x158: {  	[tilespmem:s9+$0x77E0] =	vst v6;
	v6 =	vmul.f32 v8, v15;
	v8 =	vld [tilespmem:s9+$0x78A0]  }
0x159: {  	[tilespmem:s9+$0x7840] =	vst v10;
	v9 =	vmul.f32 v9, v15;
	v10 =	vbroadcast v2, $0xD;
	v13 =	vld [tilespmem:s9+$0x78B0]  }
0x15a: {  	[tilespmem:s9+$0x7850] =	vst v6;
	v6 =	vmul.f32 v11, v15;
	v11 =	vld [tilespmem:s9+$0x78C0]  }
0x15b: {  	[tilespmem:s9+$0x7860] =	vst v9;
	v4 =	vmul.f32 v4, v10;
	v9 =	vld [tilespmem:s9+$0x78D0]  }
0x15c: {  	[tilespmem:s9+$0x7870] =	vst v6;
	v6 =	vmul.f32 v12, v10;
	v12 =	vld [tilespmem:s9+$0x78E0]  }
0x15d: {  	[tilespmem:s9+$0x7880] =	vst v4;
	v4 =	vmul.f32 v8, v10;
	v8 =	vld [tilespmem:s9+$0x78F0]  }
0x15e: {  	[tilespmem:s9+$0x7890] =	vst v6;
	v6 =	vmul.f32 v13, v10;
	v13 =	vld [tilespmem:s9+$0x7900]  }
0x15f: {  	[tilespmem:s9+$0x78A0] =	vst v4;
	v4 =	vmul.f32 v11, v10;
	v11 =	vld [tilespmem:s9+$0x7910]  }
0x160: {  	[tilespmem:s9+$0x78B0] =	vst v6;
	v6 =	vmul.f32 v9, v10;
	v9 =	vld [tilespmem:s9+$0x7920]  }
0x161: {  	v2 =	vbroadcast v2, $0xE;
	[tilespmem:s9+$0x77F0] =	vst v7;
	v7 =	vmul.f32 v12, v10;
	v12 =	vld [tilespmem:s9+$0x7930]  }
0x162: {  	[tilespmem:s9+$0x78D0] =	vst v6;
	v6 =	vmul.f32 v8, v10;
	v8 =	vld [tilespmem:s9+$0x7940]  }
0x163: {  	[tilespmem:s9+$0x78E0] =	vst v7;
	v7 =	vmul.f32 v13, v2;
	v10 =	vld [tilespmem:s9+$0x7950]  }
0x164: {  	[tilespmem:s9+$0x78F0] =	vst v6;
	v6 =	vmul.f32 v11, v2;
	v11 =	vld [tilespmem:s9+$0x7960]  }
0x165: {  	[tilespmem:s9+$0x7900] =	vst v7;
	v7 =	vmul.f32 v9, v2;
	v9 =	vld [tilespmem:s9+$0x7970]  }
0x166: {  	[tilespmem:s9+$0x7910] =	vst v6;
	v6 =	vmul.f32 v12, v2;
	v12 =	vld [tilespmem:s9+$0x7980]  }
0x167: {  	[tilespmem:s9+$0x7920] =	vst v7;
	v7 =	vmul.f32 v8, v2;
	v8 =	vld [tilespmem:s9+$0x7990]  }
0x168: {  	[tilespmem:s9+$0x7930] =	vst v6;
	v6 =	vmul.f32 v10, v2;
	v10 =	vld [tilespmem:s9+$0x79A0]  }
0x169: {  	[tilespmem:s9+$0x7940] =	vst v7;
	v7 =	vmul.f32 v11, v2;
	v11 =	vld [tilespmem:s9+$0x79B0]  }
0x16a: {  	[tilespmem:s9+$0x78C0] =	vst v4;
	v2 =	vmul.f32 v9, v2;
	v4 =	vld [tilespmem:s9+$0x79C0]  }
0x16b: {  	[tilespmem:s9+$0x7960] =	vst v7;
	v7 =	vmul.f32 v12, v5;
	v9 =	vld [tilespmem:s9+$0x79E0]  }
0x16c: {  	[tilespmem:s9+$0x7970] =	vst v2;
	v2 =	vmul.f32 v8, v5;
	v8 =	vld [tilespmem:s9+$0x79F0]  }
0x16d: {  	[tilespmem:s9+$0x7980] =	vst v7;
	v7 =	vmul.f32 v10, v5  }
0x16e: {  	[tilespmem:s9+$0x7990] =	vst v2;
	v2 =	vmul.f32 v11, v5  }
0x16f: {  	v10 =	vmul.f32 v16, v15;
	[tilespmem:s9+$0x79A0] =	vst v7  }
0x170: {  	[tilespmem:s9+$0x79B0] =	vst v2;
	v2 =	vmul.f32 v4, v5  }
.Ltmp1:
0x171: {  	[tilespmem:s9+$0x7830] =	vst v10;
	v4 =	vmul.f32 v8, v5;
	(pc) =	sbr.rel @p0 .LBB2_5-.Ltmp1, $4  }
0x172: {  	[tilespmem:s9+$0x79C0] =	vst v2  }
0x173: {  	v2 =	vmul.f32 v9, v5;
	[tilespmem:s9+$0x79F0] =	vst v4  }
0x174: {  	[tilespmem:s9+$0x7950] =	vst v6  }
0x175: {  	[tilespmem:s9+$0x79E0] =	vst v2  }
0x176: {  	s12 =	sadd.s32 $0x3, s0  }
0x177: {  	p0 =	sge.u32 s12, s7  }
0x178: {  	s13 =	sshll.u32 @!p0 s12, $0x7  }
0x179: {  	s14 =	sand.u32 @!p0 $0x7FFFFC00, s13  }
0x17a: {  	s13 =	sand.u32 @!p0 $0x380, s13;
	s14 =	sadd.s32 @!p0 s3, s14  }
0x17b: {  	s0 =	sadd.s32 $0x1, s0;
	s12 =	sand.u32 @!p0 $0x3, s12;
	s13 =	sor.u32 @!p0 s13, s14  }
0x17c: {  	[tilespmem:s9+$0x7820] =	vst v3;
	s9 =	sadd.s32 @!p0 $0x5, s12;
	s14 =	sshll.u32 @!p0 s12, $0x7;
	s13 =	sshrl.u32 @!p0 s13, $0x3  }
0x17d: {  	s14 =	sor.u32 @!p0 $0x7000, s14;
	s12 =	sadd.s32 @!p0 s6, s13;
	s13 =	simm.s32 @!p0 $0x0  }
0x17e: {  	[tilespmem:s14], [sflag:s9] =	stream.linear.gather @!p0 [hbm4b:s12+s13], $0x80, $0x38;
	[tilespmem:$0x1EE00] =	vst v63  }
0x17f: {  	p0 =	sne.s32 s0, s7  }
.Ltmp2:
0x180: {  	s8 =	sadd.s32 $0x3800, s8;
	(pc) =	sbr.rel @p0 .LBB2_4-.Ltmp2, $4  }
0x181: {  	[spmem:s4] =	stream.indirect.scatter.add.f32 [tilespmem:s25], [sflag:$0x9], $0x80, s8, s23, $0xb8;
	[tilespmem:$0x1EE00] =	vst v63  }
0x182: {  	_ =	swait.ge [sflag:s20], $0x4000  }
0x183: {  	[sflag:s20] =	ssyncset.done $0x0  }
0x184: {  	[sflag:s20] =	ssyncadd.s32 $0xFFFFC000  }
0x185: {  	s0 =	stileid.u32;
	s24 =	sadd.s32 $0x1, s24  }
0x186: {  	[bflag:$0x0] =	sbarrier.arrive $0xFFFF;
	s0 =	sshll.u32 s0, $0x6;
	p0 =	sne.s32 s24, s19  }
.Ltmp3:
0x187: {  	s8 =	sshrl.u32 s11, $0x3;
	s0 =	sor.u32 $0x1C09, s0;
	(pc) =	sbr.rel @p0 .LBB2_1-.Ltmp3, $4  }
0x188: {  	[hbm:s18], [sflag:s0] =	dma.local [spmem:s8], $0x2780  }
0x189: {  	_ =	swait.ge [sflag:s20], $0x2780  }
0x18a: {  	[sflag:s20] =	ssyncset.done $0x0  }
0x18b: {  	[sflag:s20] =	ssyncadd.s32 $0xFFFFD880  }
0x18c: {  	_ =	sfence.sel $0x180000  }
0x18d: {  	[bflag:$0x0] =	sbarrier.arrive $0xFFFF  }
0x18e: {  	_ =	strace $0x90000047  }
0x18f: {  	s0 =	stileid.u32;
	[bflag:$0x2] =	sbarrier.arrive $0xFFFF  }
0x190: {  	p0 =	sne.s32 s0, $0x0;
	s0 =	rddreg [dreg:$0x3]  }
0x191: {  	s0 =	sadd.s32 @!p0 $0x100000, s0  }
0x192: {  	[sflag:s0] =	ssyncadd.tile.s32 @!p0 $0x1;
	_ =	shalt  }
.Lfunc_end2:
_tile_overlayer_lowered:
.L_overlay_start_2:
0x193: {  	(tag) =	ssettag $0x2  }
0x194: {  	s0 =	rddreg [dreg:$0x0];
	s2 =	stileid.u32  }
0x195: {  	s1 =	rddreg [dreg:$0x1];
	p0 =	sne.s32 s2, $0x0  }
0x196: {  	s3 =	rddreg [dreg:$0x2];
	[bflag:$0x3] =	sbarrier.arrive $0xFFFF;
	s2 =	simm.s32 @!p0 $0x1C09  }
0x197: {  	[timem:s3], [sflag:s2] =	dma.local @!p0 [hbm:s0], s1  }
0x198: {  	s0 =	simm.s32 @!p0 $0x9  }
0x199: {  	_ =	swait.ge @!p0 [sflag:s0], s1  }
0x19a: {  	s1 =	ssub.s32 @!p0 $0x0, s1;
	[sflag:s0] =	ssyncset.done @!p0 $0x0  }
0x19b: {  	[sflag:s0] =	ssyncadd.s32 @!p0 s1  }
0x19c: {  	[bflag:$0x3] =	sbarrier.arrive $0xFFFF  }
0x19d: {  	_ =	shalt  }

</sc_bundles>
